<compile_context>
chip_gen: v7x
topology: tpu7x:2x2x1
jax: 0.10.2.dev20260603
libtpu: 0.0.44.dev20260713+nightly
codegen_flags: <defaults>
</compile_context>

<pallas_src>
import jax
import jax.numpy as jnp
from jax import lax
from jax.experimental import pallas as pl
from jax.experimental.pallas import tpu as pltpu
import jax.experimental.pallas.tpu_sc as plsc

NR = 320000
D = 128
S = 10000
NC = 2
NS = 16
NW = NC * NS
RPT = NR // NW
B = 80
NB = RPT // B
SP = 10240
CH = SP // NS
TRASH = S + 200


def _sc_body(x_hbm, ids_hbm, sums_hbm, counts_hbm,
             ids_v, xbuf0, xbuf1, ones_v, zcnt_v, eid_v, ebuf, cbuf, idxb_v,
             sem0, sem1, acc_sh, cnt_sh):
    c = lax.axis_index("c")
    s = lax.axis_index("s")
    w = c * NS + s

    zeros16 = jnp.zeros((16,), jnp.float32)
    for k in range(B // 16):
        ones_v[pl.ds(k * 16, 16)] = jnp.ones((16,), jnp.float32)

    def zrow(i, carry):
        for k in range(D // 16):
            xbuf0[i, pl.ds(k * 16, 16)] = zeros16
        return carry

    lax.fori_loop(0, B, zrow, 0)

    def zc(i, carry):
        zcnt_v[pl.ds(i * 16, 16)] = zeros16
        return carry

    lax.fori_loop(0, CH // 16, zc, 0)

    for k in range(CH // B):
        pltpu.sync_copy(xbuf0, acc_sh.at[pl.ds(s * CH + k * B, B), :])
    pltpu.sync_copy(zcnt_v, cnt_sh.at[pl.ds(s * CH, CH)])
    plsc.subcore_barrier()

    pltpu.sync_copy(ids_hbm.at[w], ids_v)
    last_id = ids_v[NB - 1, pl.ds(B - 16, 16)][15]
    first_id = ids_v[0, pl.ds(0, 16)][0]
    p0 = S + 8 * s
    p1 = p0 + 1

    base = w * RPT

    def dma(j, buf, sem):
        row = base + j * B
        return pltpu.make_async_copy(x_hbm.at[pl.ds(row, B), :], buf, sem)

    def route(j):
        for k in range(B // 16):
            v = ids_v[j, pl.ds(k * 16, 16)]
            idxb_v[pl.ds(k * 16, 16)] = jnp.where(
                v == first_id, p0, jnp.where(v == last_id, p1, v))

    def scat(buf):
        pltpu.sync_copy(buf, acc_sh.at[idxb_v], add=True)
        pltpu.sync_copy(ones_v, cnt_sh.at[idxb_v], add=True)

    dma(0, xbuf0, sem0).start()
    dma(1, xbuf1, sem1).start()

    def pair(g, carry):
        j0 = 2 * g
        j1 = 2 * g + 1
        dma(j0, xbuf0, sem0).wait()
        route(j0)
        scat(xbuf0)
        dma(j0 + 2, xbuf0, sem0).start()
        dma(j1, xbuf1, sem1).wait()
        route(j1)
        scat(xbuf1)
        dma(jnp.minimum(j1 + 2, NB - 1), xbuf1, sem1).start()
        return carry

    lax.fori_loop(0, (NB - 1) // 2, pair, 0)

    dma(NB - 1, xbuf0, sem0).wait()
    route(NB - 1)
    scat(xbuf0)
    dma(NB - 1, xbuf1, sem1).wait()
    plsc.subcore_barrier()

    k16 = lax.broadcasted_iota(jnp.int32, (16,), 0)

    @pl.when(s == 0)
    def _():
        for t in range(NS):
            w2 = c * NS + t
            pltpu.sync_copy(ids_hbm.at[w2, 0, pl.ds(0, 16)], eid_v)
            f = eid_v[...][0]
            pltpu.sync_copy(ids_hbm.at[w2, NB - 1, pl.ds(B - 16, 16)], eid_v)
            l = eid_v[...][15]
            idx = jnp.where(k16 == 0, f, jnp.where(k16 == 1, l, TRASH))
            pltpu.sync_copy(acc_sh.at[pl.ds(S + 8 * t, 16), :], ebuf)
            pltpu.sync_copy(ebuf, acc_sh.at[idx], add=True)
            pltpu.sync_copy(cnt_sh.at[pl.ds(S + 8 * t, 16)], cbuf)
            pltpu.sync_copy(cbuf, cnt_sh.at[idx], add=True)

    plsc.subcore_barrier()

    for k in range(CH // B):
        r0 = s * CH + k * B
        pltpu.sync_copy(acc_sh.at[pl.ds(r0, B), :], xbuf1)
        pltpu.sync_copy(xbuf1, sums_hbm.at[c, pl.ds(r0, B), :])
    pltpu.sync_copy(cnt_sh.at[pl.ds(s * CH, CH)], zcnt_v)
    pltpu.sync_copy(zcnt_v, counts_hbm.at[pl.ds(c * SP + s * CH, CH)])


def _sc_segment_sum(x, ids3):
    f = pl.kernel(
        _sc_body,
        out_type=(jax.ShapeDtypeStruct((NC, SP, D), jnp.float32),
                  jax.ShapeDtypeStruct((NC * SP,), jnp.float32)),
        mesh=plsc.VectorSubcoreMesh(core_axis_name="c", subcore_axis_name="s"),
        scratch_types=(
            pltpu.VMEM((NB, B), jnp.int32),
            pltpu.VMEM((B, D), jnp.float32),
            pltpu.VMEM((B, D), jnp.float32),
            pltpu.VMEM((B,), jnp.float32),
            pltpu.VMEM((CH,), jnp.float32),
            pltpu.VMEM((16,), jnp.int32),
            pltpu.VMEM((16, D), jnp.float32),
            pltpu.VMEM((16,), jnp.float32),
            pltpu.VMEM((B,), jnp.int32),
            pltpu.SemaphoreType.DMA,
            pltpu.SemaphoreType.DMA,
            pltpu.VMEM_SHARED((SP, D), jnp.float32),
            pltpu.VMEM_SHARED((NS * CH,), jnp.float32),
        ),
    )
    return f(x, ids3)


def _finish_body(sums_ref, counts_ref, out_ref):
    sm = sums_ref[0, :S] + sums_ref[1, :S]
    ct = counts_ref[0] + counts_ref[1]
    nodes = sm / jnp.maximum(ct, 1.0)
    isn = jnp.isnan(nodes)
    n_ok = jnp.sum(jnp.where(isn, 0.0, 1.0))
    mean_val = jnp.sum(jnp.where(isn, 0.0, nodes)) / n_ok
    out_ref[...] = jnp.where(isn, mean_val, nodes)


def kernel(x, segment_ids):
    ids3 = segment_ids.astype(jnp.int32).reshape(NW, NB, B)
    sums_p, counts_p = _sc_segment_sum(x, ids3)
    counts3 = counts_p.reshape(NC, SP)[:, :S].reshape(NC, S, 1)
    return pl.pallas_call(
        _finish_body,
        out_shape=jax.ShapeDtypeStruct((S, D), jnp.float32),
    )(sums_p, counts3)

# --- scband reference (transcript-rebuilt; emitter-appended) ---
"""Pipeline reference for scband-pixel-aggregation-network-60833916780679 (READ-ONLY COPY).

The authoritative reference and input builder live on the scoring server;
editing this copy changes nothing except your own understanding.
"""

import jax, jax.numpy as jnp
import numpy as np

NUM_ROWS = 320000
D_FEAT = 128
NUM_SEGMENTS = 10000


def setup_inputs(seed: int = 0) -> dict:
    key = jax.random.key(seed)
    k1, k2 = jax.random.split(key)
    x = jax.random.normal(k1, (NUM_ROWS, D_FEAT), dtype=jnp.float32)
    segment_ids = jnp.sort(jax.random.randint(k2, (NUM_ROWS,), 0, NUM_SEGMENTS)).astype(jnp.int64)
    return {"x": x, "segment_ids": segment_ids}


def reference(x, segment_ids):
    # Core kernel of PixelAggregationNetwork.forward: per-segment mean of pixel
    # features (nodes = stack([pixel_features[seg==i].mean(0) ...])), implemented
    # as a segment reduction, followed by the NaN-repair from combine_features.
    sums = jax.ops.segment_sum(x, segment_ids, num_segments=NUM_SEGMENTS)
    ones = jnp.ones((x.shape[0],), dtype=x.dtype)
    counts = jax.ops.segment_sum(ones, segment_ids, num_segments=NUM_SEGMENTS)
    nodes = sums / jnp.maximum(counts, 1.0)[:, None]
    mean_value = jnp.nanmean(nodes)
    nodes = jnp.where(jnp.isnan(nodes), mean_value, nodes)
    return nodes

if __name__ == "__main__":
    import jax
    _d = setup_inputs()
    print(jax.jit(kernel)(*tuple(_d.values())))

</pallas_src>

<mosaic_0001>
#map = affine_map<(d0, d1) -> (0, 0)>
#map1 = affine_map<(d0, d1) -> (0, 0, 0)>
#map2 = affine_map<(d0, d1) -> (0)>
module attributes {stable_mosaic.version = 14 : i64} {
  func.func @_sc_body(%arg0: i32, %arg1: i32, %arg2: memref<320000x128xf32, #tpu.memory_space<hbm>>, %arg3: memref<32x125x80xi32, #tpu.memory_space<hbm>>, %arg4: memref<2x10240x128xf32, #tpu.memory_space<hbm>>, %arg5: memref<20480xf32, #tpu.memory_space<hbm>>, %arg6: memref<125x80xi32, #tpu.memory_space<vmem>>, %arg7: memref<80x128xf32, #tpu.memory_space<vmem>>, %arg8: memref<80x128xf32, #tpu.memory_space<vmem>>, %arg9: memref<80xf32, #tpu.memory_space<vmem>>, %arg10: memref<640xf32, #tpu.memory_space<vmem>>, %arg11: memref<16xi32, #tpu.memory_space<vmem>>, %arg12: memref<16x128xf32, #tpu.memory_space<vmem>>, %arg13: memref<16xf32, #tpu.memory_space<vmem>>, %arg14: memref<80xi32, #tpu.memory_space<vmem>>, %arg15: memref<!tpu.dma_semaphore, #tpu.memory_space<semaphore_mem>>, %arg16: memref<!tpu.dma_semaphore, #tpu.memory_space<semaphore_mem>>, %arg17: memref<10240x128xf32, #tpu.memory_space<vmem_shared>>, %arg18: memref<10240xf32, #tpu.memory_space<vmem_shared>>) attributes {dimension_semantics = [#tpu.dimension_semantics<core_parallel>, #tpu.dimension_semantics<subcore_parallel>], iteration_bounds = array<i64: 2, 16>, scalar_prefetch = 0 : i64, scratch_operands = 13 : i64, tpu.core_type = #tpu.core_type<sc_vector_subcore>, window_params = [{transform_indices = #map}, {transform_indices = #map1}, {transform_indices = #map1}, {transform_indices = #map2}]} {
    %mul3A = arith.constant 16 : i32
    %mul3A_0 = arith.muli %arg0, %mul3A : i32
    %add3A = arith.addi %mul3A_0, %arg1 : i32
    %broadcast_in_dim3A = arith.constant 0.000000e+00 : f32
    %broadcast_in_dim3A_1 = vector.broadcast %broadcast_in_dim3A : f32 to vector<16xf32>
    %broadcast_in_dim3A_2 = arith.constant 1.000000e+00 : f32
    %broadcast_in_dim3A_3 = vector.broadcast %broadcast_in_dim3A_2 : f32 to vector<16xf32>
    %swap3A = arith.constant 0 : index
    %swap3A_4 = tpu.vector_load %arg9[%swap3A] {strides = array<i32>} : memref<80xf32, #tpu.memory_space<vmem>>, vector<16xf32>,
    %swap3A_5 = vector.shape_cast %swap3A_4 : vector<16xf32> to vector<16xf32>
    %swap3A_6 = vector.shape_cast %broadcast_in_dim3A_3 : vector<16xf32> to vector<16xf32>
    tpu.vector_store %arg9[%swap3A], %swap3A_6 {strides = array<i32>} : memref<80xf32, #tpu.memory_space<vmem>>, vector<16xf32>,
    %broadcast_in_dim3A_7 = arith.constant 1.000000e+00 : f32
    %broadcast_in_dim3A_8 = vector.broadcast %broadcast_in_dim3A_7 : f32 to vector<16xf32>
    %swap3A_9 = arith.constant 16 : index
    %swap3A_10 = tpu.vector_load %arg9[%swap3A_9] {strides = array<i32>} : memref<80xf32, #tpu.memory_space<vmem>>, vector<16xf32>,
    %swap3A_11 = vector.shape_cast %swap3A_10 : vector<16xf32> to vector<16xf32>
    %swap3A_12 = vector.shape_cast %broadcast_in_dim3A_8 : vector<16xf32> to vector<16xf32>
    tpu.vector_store %arg9[%swap3A_9], %swap3A_12 {strides = array<i32>} : memref<80xf32, #tpu.memory_space<vmem>>, vector<16xf32>,
    %broadcast_in_dim3A_13 = arith.constant 1.000000e+00 : f32
    %broadcast_in_dim3A_14 = vector.broadcast %broadcast_in_dim3A_13 : f32 to vector<16xf32>
    %swap3A_15 = arith.constant 32 : index
    %swap3A_16 = tpu.vector_load %arg9[%swap3A_15] {strides = array<i32>} : memref<80xf32, #tpu.memory_space<vmem>>, vector<16xf32>,
    %swap3A_17 = vector.shape_cast %swap3A_16 : vector<16xf32> to vector<16xf32>
    %swap3A_18 = vector.shape_cast %broadcast_in_dim3A_14 : vector<16xf32> to vector<16xf32>
    tpu.vector_store %arg9[%swap3A_15], %swap3A_18 {strides = array<i32>} : memref<80xf32, #tpu.memory_space<vmem>>, vector<16xf32>,
    %broadcast_in_dim3A_19 = arith.constant 1.000000e+00 : f32
    %broadcast_in_dim3A_20 = vector.broadcast %broadcast_in_dim3A_19 : f32 to vector<16xf32>
    %swap3A_21 = arith.constant 48 : index
    %swap3A_22 = tpu.vector_load %arg9[%swap3A_21] {strides = array<i32>} : memref<80xf32, #tpu.memory_space<vmem>>, vector<16xf32>,
    %swap3A_23 = vector.shape_cast %swap3A_22 : vector<16xf32> to vector<16xf32>
    %swap3A_24 = vector.shape_cast %broadcast_in_dim3A_20 : vector<16xf32> to vector<16xf32>
    tpu.vector_store %arg9[%swap3A_21], %swap3A_24 {strides = array<i32>} : memref<80xf32, #tpu.memory_space<vmem>>, vector<16xf32>,
    %broadcast_in_dim3A_25 = arith.constant 1.000000e+00 : f32
    %broadcast_in_dim3A_26 = vector.broadcast %broadcast_in_dim3A_25 : f32 to vector<16xf32>
    %swap3A_27 = arith.constant 64 : index
    %swap3A_28 = tpu.vector_load %arg9[%swap3A_27] {strides = array<i32>} : memref<80xf32, #tpu.memory_space<vmem>>, vector<16xf32>,
    %swap3A_29 = vector.shape_cast %swap3A_28 : vector<16xf32> to vector<16xf32>
    %swap3A_30 = vector.shape_cast %broadcast_in_dim3A_26 : vector<16xf32> to vector<16xf32>
    tpu.vector_store %arg9[%swap3A_27], %swap3A_30 {strides = array<i32>} : memref<80xf32, #tpu.memory_space<vmem>>, vector<16xf32>,
    %scan3A = arith.constant 0 : i32
    %scan3A_31 = arith.constant 0 : i32
    %scan3A_32 = arith.constant 80 : i32
    %scan3A_33 = arith.addi %scan3A_31, %scan3A_32 : i32
    %scan3A_34 = arith.constant 1 : i32
    scf.for %scan3A_250 = %scan3A_31 to %scan3A_33 step %scan3A_34  : i32 {
      %swap3A_251 = arith.index_cast %scan3A_250 : i32 to index
      %swap3A_252 = arith.constant 0 : index
      %swap3A_253 = tpu.vector_load %arg7[%swap3A_251, %swap3A_252] {strides = array<i32>} : memref<80x128xf32, #tpu.memory_space<vmem>>, vector<1x16xf32>,
      %swap3A_254 = vector.shape_cast %swap3A_253 : vector<1x16xf32> to vector<16xf32>
      %swap3A_255 = vector.shape_cast %broadcast_in_dim3A_1 : vector<16xf32> to vector<1x16xf32>
      tpu.vector_store %arg7[%swap3A_251, %swap3A_252], %swap3A_255 {strides = array<i32>} : memref<80x128xf32, #tpu.memory_space<vmem>>, vector<1x16xf32>,
      %swap3A_256 = arith.index_cast %scan3A_250 : i32 to index
      %swap3A_257 = arith.constant 16 : index
      %swap3A_258 = tpu.vector_load %arg7[%swap3A_256, %swap3A_257] {strides = array<i32>} : memref<80x128xf32, #tpu.memory_space<vmem>>, vector<1x16xf32>,
      %swap3A_259 = vector.shape_cast %swap3A_258 : vector<1x16xf32> to vector<16xf32>
      %swap3A_260 = vector.shape_cast %broadcast_in_dim3A_1 : vector<16xf32> to vector<1x16xf32>
      tpu.vector_store %arg7[%swap3A_256, %swap3A_257], %swap3A_260 {strides = array<i32>} : memref<80x128xf32, #tpu.memory_space<vmem>>, vector<1x16xf32>,
      %swap3A_261 = arith.index_cast %scan3A_250 : i32 to index
      %swap3A_262 = arith.constant 32 : index
      %swap3A_263 = tpu.vector_load %arg7[%swap3A_261, %swap3A_262] {strides = array<i32>} : memref<80x128xf32, #tpu.memory_space<vmem>>, vector<1x16xf32>,
      %swap3A_264 = vector.shape_cast %swap3A_263 : vector<1x16xf32> to vector<16xf32>
      %swap3A_265 = vector.shape_cast %broadcast_in_dim3A_1 : vector<16xf32> to vector<1x16xf32>
      tpu.vector_store %arg7[%swap3A_261, %swap3A_262], %swap3A_265 {strides = array<i32>} : memref<80x128xf32, #tpu.memory_space<vmem>>, vector<1x16xf32>,
      %swap3A_266 = arith.index_cast %scan3A_250 : i32 to index
      %swap3A_267 = arith.constant 48 : index
      %swap3A_268 = tpu.vector_load %arg7[%swap3A_266, %swap3A_267] {strides = array<i32>} : memref<80x128xf32, #tpu.memory_space<vmem>>, vector<1x16xf32>,
      %swap3A_269 = vector.shape_cast %swap3A_268 : vector<1x16xf32> to vector<16xf32>
      %swap3A_270 = vector.shape_cast %broadcast_in_dim3A_1 : vector<16xf32> to vector<1x16xf32>
      tpu.vector_store %arg7[%swap3A_266, %swap3A_267], %swap3A_270 {strides = array<i32>} : memref<80x128xf32, #tpu.memory_space<vmem>>, vector<1x16xf32>,
      %swap3A_271 = arith.index_cast %scan3A_250 : i32 to index
      %swap3A_272 = arith.constant 64 : index
      %swap3A_273 = tpu.vector_load %arg7[%swap3A_271, %swap3A_272] {strides = array<i32>} : memref<80x128xf32, #tpu.memory_space<vmem>>, vector<1x16xf32>,
      %swap3A_274 = vector.shape_cast %swap3A_273 : vector<1x16xf32> to vector<16xf32>
      %swap3A_275 = vector.shape_cast %broadcast_in_dim3A_1 : vector<16xf32> to vector<1x16xf32>
      tpu.vector_store %arg7[%swap3A_271, %swap3A_272], %swap3A_275 {strides = array<i32>} : memref<80x128xf32, #tpu.memory_space<vmem>>, vector<1x16xf32>,
      %swap3A_276 = arith.index_cast %scan3A_250 : i32 to index
      %swap3A_277 = arith.constant 80 : index
      %swap3A_278 = tpu.vector_load %arg7[%swap3A_276, %swap3A_277] {strides = array<i32>} : memref<80x128xf32, #tpu.memory_space<vmem>>, vector<1x16xf32>,
      %swap3A_279 = vector.shape_cast %swap3A_278 : vector<1x16xf32> to vector<16xf32>
      %swap3A_280 = vector.shape_cast %broadcast_in_dim3A_1 : vector<16xf32> to vector<1x16xf32>
      tpu.vector_store %arg7[%swap3A_276, %swap3A_277], %swap3A_280 {strides = array<i32>} : memref<80x128xf32, #tpu.memory_space<vmem>>, vector<1x16xf32>,
      %swap3A_281 = arith.index_cast %scan3A_250 : i32 to index
      %swap3A_282 = arith.constant 96 : index
      %swap3A_283 = tpu.vector_load %arg7[%swap3A_281, %swap3A_282] {strides = array<i32>} : memref<80x128xf32, #tpu.memory_space<vmem>>, vector<1x16xf32>,
      %swap3A_284 = vector.shape_cast %swap3A_283 : vector<1x16xf32> to vector<16xf32>
      %swap3A_285 = vector.shape_cast %broadcast_in_dim3A_1 : vector<16xf32> to vector<1x16xf32>
      tpu.vector_store %arg7[%swap3A_281, %swap3A_282], %swap3A_285 {strides = array<i32>} : memref<80x128xf32, #tpu.memory_space<vmem>>, vector<1x16xf32>,
      %swap3A_286 = arith.index_cast %scan3A_250 : i32 to index
      %swap3A_287 = arith.constant 112 : index
      %swap3A_288 = tpu.vector_load %arg7[%swap3A_286, %swap3A_287] {strides = array<i32>} : memref<80x128xf32, #tpu.memory_space<vmem>>, vector<1x16xf32>,
      %swap3A_289 = vector.shape_cast %swap3A_288 : vector<1x16xf32> to vector<16xf32>
      %swap3A_290 = vector.shape_cast %broadcast_in_dim3A_1 : vector<16xf32> to vector<1x16xf32>
      tpu.vector_store %arg7[%swap3A_286, %swap3A_287], %swap3A_290 {strides = array<i32>} : memref<80x128xf32, #tpu.memory_space<vmem>>, vector<1x16xf32>,
    }
    %scan3A_35 = arith.constant 80 : i32
    %scan3A_36 = arith.constant 0 : i32
    %scan3A_37 = arith.constant 0 : i32
    %scan3A_38 = arith.constant 40 : i32
    %scan3A_39 = arith.addi %scan3A_37, %scan3A_38 : i32
    %scan3A_40 = arith.constant 1 : i32
    scf.for %scan3A_250 = %scan3A_37 to %scan3A_39 step %scan3A_40  : i32 {
      %mul3A_251 = arith.constant 16 : i32
      %mul3A_252 = arith.muli %scan3A_250, %mul3A_251 : i32
      %swap3A_253 = arith.index_cast %mul3A_252 : i32 to index
      %swap3A_254 = tpu.vector_load %arg10[%swap3A_253] {strides = array<i32>} : memref<640xf32, #tpu.memory_space<vmem>>, vector<16xf32>,
      %swap3A_255 = vector.shape_cast %swap3A_254 : vector<16xf32> to vector<16xf32>
      %swap3A_256 = vector.shape_cast %broadcast_in_dim3A_1 : vector<16xf32> to vector<16xf32>
      tpu.vector_store %arg10[%swap3A_253], %swap3A_256 {strides = array<i32>} : memref<640xf32, #tpu.memory_space<vmem>>, vector<16xf32>,
    }
    %scan3A_41 = arith.constant 40 : i32
    %mul3A_42 = arith.constant 640 : i32
    %mul3A_43 = arith.muli %arg1, %mul3A_42 : i32
    %add3A_44 = arith.constant 0 : i32
    %add3A_45 = arith.addi %mul3A_43, %add3A_44 : i32
    "tpu.region"() ({
      %run_scoped3A = tpu.sem_alloc : memref<!tpu.dma_semaphore, #tpu.memory_space<semaphore_mem>>
      %dma_start3A_250 = arith.constant 0 : i32
      %dma_start3A_251 = tpu.memref_slice %arg17[%add3A_45, %dma_start3A_250] : memref<10240x128xf32, #tpu.memory_space<vmem_shared>> -> memref<80x128xf32, #tpu.memory_space<vmem_shared>>
      %dma_start3A_252 = arith.constant 0 : i32
      %dma_start3A_253 = tpu.memref_slice %arg17[%add3A_45, %dma_start3A_252] : memref<10240x128xf32, #tpu.memory_space<vmem_shared>> -> memref<80x128xf32, #tpu.memory_space<vmem_shared>>
      tpu.enqueue_dma source(%arg7 : memref<80x128xf32, #tpu.memory_space<vmem>>) target(%dma_start3A_253 : memref<80x128xf32, #tpu.memory_space<vmem_shared>>) target_semaphore(%run_scoped3A : memref<!tpu.dma_semaphore, #tpu.memory_space<semaphore_mem>>)
      %dma_wait3A_254 = arith.constant 0 : i32
      %dma_wait3A_255 = tpu.memref_slice %arg17[%add3A_45, %dma_wait3A_254] : memref<10240x128xf32, #tpu.memory_space<vmem_shared>> -> memref<80x128xf32, #tpu.memory_space<vmem_shared>>
      %dma_wait3A_256 = arith.constant 0 : i32
      %dma_wait3A_257 = tpu.memref_slice %arg17[%add3A_45, %dma_wait3A_256] : memref<10240x128xf32, #tpu.memory_space<vmem_shared>> -> memref<80x128xf32, #tpu.memory_space<vmem_shared>>
      tpu.wait_dma2 semaphore(%run_scoped3A : memref<!tpu.dma_semaphore, #tpu.memory_space<semaphore_mem>>) src(%arg7 : memref<80x128xf32, #tpu.memory_space<vmem>>) dst(%dma_wait3A_257 : memref<80x128xf32, #tpu.memory_space<vmem_shared>>)
      tpu.yield
    }) : () -> ()
    %mul3A_46 = arith.constant 640 : i32
    %mul3A_47 = arith.muli %arg1, %mul3A_46 : i32
    %add3A_48 = arith.constant 80 : i32
    %add3A_49 = arith.addi %mul3A_47, %add3A_48 : i32
    "tpu.region"() ({
      %run_scoped3A = tpu.sem_alloc : memref<!tpu.dma_semaphore, #tpu.memory_space<semaphore_mem>>
      %dma_start3A_250 = arith.constant 0 : i32
      %dma_start3A_251 = tpu.memref_slice %arg17[%add3A_49, %dma_start3A_250] : memref<10240x128xf32, #tpu.memory_space<vmem_shared>> -> memref<80x128xf32, #tpu.memory_space<vmem_shared>>
      %dma_start3A_252 = arith.constant 0 : i32
      %dma_start3A_253 = tpu.memref_slice %arg17[%add3A_49, %dma_start3A_252] : memref<10240x128xf32, #tpu.memory_space<vmem_shared>> -> memref<80x128xf32, #tpu.memory_space<vmem_shared>>
      tpu.enqueue_dma source(%arg7 : memref<80x128xf32, #tpu.memory_space<vmem>>) target(%dma_start3A_253 : memref<80x128xf32, #tpu.memory_space<vmem_shared>>) target_semaphore(%run_scoped3A : memref<!tpu.dma_semaphore, #tpu.memory_space<semaphore_mem>>)
      %dma_wait3A_254 = arith.constant 0 : i32
      %dma_wait3A_255 = tpu.memref_slice %arg17[%add3A_49, %dma_wait3A_254] : memref<10240x128xf32, #tpu.memory_space<vmem_shared>> -> memref<80x128xf32, #tpu.memory_space<vmem_shared>>
      %dma_wait3A_256 = arith.constant 0 : i32
      %dma_wait3A_257 = tpu.memref_slice %arg17[%add3A_49, %dma_wait3A_256] : memref<10240x128xf32, #tpu.memory_space<vmem_shared>> -> memref<80x128xf32, #tpu.memory_space<vmem_shared>>
      tpu.wait_dma2 semaphore(%run_scoped3A : memref<!tpu.dma_semaphore, #tpu.memory_space<semaphore_mem>>) src(%arg7 : memref<80x128xf32, #tpu.memory_space<vmem>>) dst(%dma_wait3A_257 : memref<80x128xf32, #tpu.memory_space<vmem_shared>>)
      tpu.yield
    }) : () -> ()
    %mul3A_50 = arith.constant 640 : i32
    %mul3A_51 = arith.muli %arg1, %mul3A_50 : i32
    %add3A_52 = arith.constant 160 : i32
    %add3A_53 = arith.addi %mul3A_51, %add3A_52 : i32
    "tpu.region"() ({
      %run_scoped3A = tpu.sem_alloc : memref<!tpu.dma_semaphore, #tpu.memory_space<semaphore_mem>>
      %dma_start3A_250 = arith.constant 0 : i32
      %dma_start3A_251 = tpu.memref_slice %arg17[%add3A_53, %dma_start3A_250] : memref<10240x128xf32, #tpu.memory_space<vmem_shared>> -> memref<80x128xf32, #tpu.memory_space<vmem_shared>>
      %dma_start3A_252 = arith.constant 0 : i32
      %dma_start3A_253 = tpu.memref_slice %arg17[%add3A_53, %dma_start3A_252] : memref<10240x128xf32, #tpu.memory_space<vmem_shared>> -> memref<80x128xf32, #tpu.memory_space<vmem_shared>>
      tpu.enqueue_dma source(%arg7 : memref<80x128xf32, #tpu.memory_space<vmem>>) target(%dma_start3A_253 : memref<80x128xf32, #tpu.memory_space<vmem_shared>>) target_semaphore(%run_scoped3A : memref<!tpu.dma_semaphore, #tpu.memory_space<semaphore_mem>>)
      %dma_wait3A_254 = arith.constant 0 : i32
      %dma_wait3A_255 = tpu.memref_slice %arg17[%add3A_53, %dma_wait3A_254] : memref<10240x128xf32, #tpu.memory_space<vmem_shared>> -> memref<80x128xf32, #tpu.memory_space<vmem_shared>>
      %dma_wait3A_256 = arith.constant 0 : i32
      %dma_wait3A_257 = tpu.memref_slice %arg17[%add3A_53, %dma_wait3A_256] : memref<10240x128xf32, #tpu.memory_space<vmem_shared>> -> memref<80x128xf32, #tpu.memory_space<vmem_shared>>
      tpu.wait_dma2 semaphore(%run_scoped3A : memref<!tpu.dma_semaphore, #tpu.memory_space<semaphore_mem>>) src(%arg7 : memref<80x128xf32, #tpu.memory_space<vmem>>) dst(%dma_wait3A_257 : memref<80x128xf32, #tpu.memory_space<vmem_shared>>)
      tpu.yield
    }) : () -> ()
    %mul3A_54 = arith.constant 640 : i32
    %mul3A_55 = arith.muli %arg1, %mul3A_54 : i32
    %add3A_56 = arith.constant 240 : i32
    %add3A_57 = arith.addi %mul3A_55, %add3A_56 : i32
    "tpu.region"() ({
      %run_scoped3A = tpu.sem_alloc : memref<!tpu.dma_semaphore, #tpu.memory_space<semaphore_mem>>
      %dma_start3A_250 = arith.constant 0 : i32
      %dma_start3A_251 = tpu.memref_slice %arg17[%add3A_57, %dma_start3A_250] : memref<10240x128xf32, #tpu.memory_space<vmem_shared>> -> memref<80x128xf32, #tpu.memory_space<vmem_shared>>
      %dma_start3A_252 = arith.constant 0 : i32
      %dma_start3A_253 = tpu.memref_slice %arg17[%add3A_57, %dma_start3A_252] : memref<10240x128xf32, #tpu.memory_space<vmem_shared>> -> memref<80x128xf32, #tpu.memory_space<vmem_shared>>
      tpu.enqueue_dma source(%arg7 : memref<80x128xf32, #tpu.memory_space<vmem>>) target(%dma_start3A_253 : memref<80x128xf32, #tpu.memory_space<vmem_shared>>) target_semaphore(%run_scoped3A : memref<!tpu.dma_semaphore, #tpu.memory_space<semaphore_mem>>)
      %dma_wait3A_254 = arith.constant 0 : i32
      %dma_wait3A_255 = tpu.memref_slice %arg17[%add3A_57, %dma_wait3A_254] : memref<10240x128xf32, #tpu.memory_space<vmem_shared>> -> memref<80x128xf32, #tpu.memory_space<vmem_shared>>
      %dma_wait3A_256 = arith.constant 0 : i32
      %dma_wait3A_257 = tpu.memref_slice %arg17[%add3A_57, %dma_wait3A_256] : memref<10240x128xf32, #tpu.memory_space<vmem_shared>> -> memref<80x128xf32, #tpu.memory_space<vmem_shared>>
      tpu.wait_dma2 semaphore(%run_scoped3A : memref<!tpu.dma_semaphore, #tpu.memory_space<semaphore_mem>>) src(%arg7 : memref<80x128xf32, #tpu.memory_space<vmem>>) dst(%dma_wait3A_257 : memref<80x128xf32, #tpu.memory_space<vmem_shared>>)
      tpu.yield
    }) : () -> ()
    %mul3A_58 = arith.constant 640 : i32
    %mul3A_59 = arith.muli %arg1, %mul3A_58 : i32
    %add3A_60 = arith.constant 320 : i32
    %add3A_61 = arith.addi %mul3A_59, %add3A_60 : i32
    "tpu.region"() ({
      %run_scoped3A = tpu.sem_alloc : memref<!tpu.dma_semaphore, #tpu.memory_space<semaphore_mem>>
      %dma_start3A_250 = arith.constant 0 : i32
      %dma_start3A_251 = tpu.memref_slice %arg17[%add3A_61, %dma_start3A_250] : memref<10240x128xf32, #tpu.memory_space<vmem_shared>> -> memref<80x128xf32, #tpu.memory_space<vmem_shared>>
      %dma_start3A_252 = arith.constant 0 : i32
      %dma_start3A_253 = tpu.memref_slice %arg17[%add3A_61, %dma_start3A_252] : memref<10240x128xf32, #tpu.memory_space<vmem_shared>> -> memref<80x128xf32, #tpu.memory_space<vmem_shared>>
      tpu.enqueue_dma source(%arg7 : memref<80x128xf32, #tpu.memory_space<vmem>>) target(%dma_start3A_253 : memref<80x128xf32, #tpu.memory_space<vmem_shared>>) target_semaphore(%run_scoped3A : memref<!tpu.dma_semaphore, #tpu.memory_space<semaphore_mem>>)
      %dma_wait3A_254 = arith.constant 0 : i32
      %dma_wait3A_255 = tpu.memref_slice %arg17[%add3A_61, %dma_wait3A_254] : memref<10240x128xf32, #tpu.memory_space<vmem_shared>> -> memref<80x128xf32, #tpu.memory_space<vmem_shared>>
      %dma_wait3A_256 = arith.constant 0 : i32
      %dma_wait3A_257 = tpu.memref_slice %arg17[%add3A_61, %dma_wait3A_256] : memref<10240x128xf32, #tpu.memory_space<vmem_shared>> -> memref<80x128xf32, #tpu.memory_space<vmem_shared>>
      tpu.wait_dma2 semaphore(%run_scoped3A : memref<!tpu.dma_semaphore, #tpu.memory_space<semaphore_mem>>) src(%arg7 : memref<80x128xf32, #tpu.memory_space<vmem>>) dst(%dma_wait3A_257 : memref<80x128xf32, #tpu.memory_space<vmem_shared>>)
      tpu.yield
    }) : () -> ()
    %mul3A_62 = arith.constant 640 : i32
    %mul3A_63 = arith.muli %arg1, %mul3A_62 : i32
    %add3A_64 = arith.constant 400 : i32
    %add3A_65 = arith.addi %mul3A_63, %add3A_64 : i32
    "tpu.region"() ({
      %run_scoped3A = tpu.sem_alloc : memref<!tpu.dma_semaphore, #tpu.memory_space<semaphore_mem>>
      %dma_start3A_250 = arith.constant 0 : i32
      %dma_start3A_251 = tpu.memref_slice %arg17[%add3A_65, %dma_start3A_250] : memref<10240x128xf32, #tpu.memory_space<vmem_shared>> -> memref<80x128xf32, #tpu.memory_space<vmem_shared>>
      %dma_start3A_252 = arith.constant 0 : i32
      %dma_start3A_253 = tpu.memref_slice %arg17[%add3A_65, %dma_start3A_252] : memref<10240x128xf32, #tpu.memory_space<vmem_shared>> -> memref<80x128xf32, #tpu.memory_space<vmem_shared>>
      tpu.enqueue_dma source(%arg7 : memref<80x128xf32, #tpu.memory_space<vmem>>) target(%dma_start3A_253 : memref<80x128xf32, #tpu.memory_space<vmem_shared>>) target_semaphore(%run_scoped3A : memref<!tpu.dma_semaphore, #tpu.memory_space<semaphore_mem>>)
      %dma_wait3A_254 = arith.constant 0 : i32
      %dma_wait3A_255 = tpu.memref_slice %arg17[%add3A_65, %dma_wait3A_254] : memref<10240x128xf32, #tpu.memory_space<vmem_shared>> -> memref<80x128xf32, #tpu.memory_space<vmem_shared>>
      %dma_wait3A_256 = arith.constant 0 : i32
      %dma_wait3A_257 = tpu.memref_slice %arg17[%add3A_65, %dma_wait3A_256] : memref<10240x128xf32, #tpu.memory_space<vmem_shared>> -> memref<80x128xf32, #tpu.memory_space<vmem_shared>>
      tpu.wait_dma2 semaphore(%run_scoped3A : memref<!tpu.dma_semaphore, #tpu.memory_space<semaphore_mem>>) src(%arg7 : memref<80x128xf32, #tpu.memory_space<vmem>>) dst(%dma_wait3A_257 : memref<80x128xf32, #tpu.memory_space<vmem_shared>>)
      tpu.yield
    }) : () -> ()
    %mul3A_66 = arith.constant 640 : i32
    %mul3A_67 = arith.muli %arg1, %mul3A_66 : i32
    %add3A_68 = arith.constant 480 : i32
    %add3A_69 = arith.addi %mul3A_67, %add3A_68 : i32
    "tpu.region"() ({
      %run_scoped3A = tpu.sem_alloc : memref<!tpu.dma_semaphore, #tpu.memory_space<semaphore_mem>>
      %dma_start3A_250 = arith.constant 0 : i32
      %dma_start3A_251 = tpu.memref_slice %arg17[%add3A_69, %dma_start3A_250] : memref<10240x128xf32, #tpu.memory_space<vmem_shared>> -> memref<80x128xf32, #tpu.memory_space<vmem_shared>>
      %dma_start3A_252 = arith.constant 0 : i32
      %dma_start3A_253 = tpu.memref_slice %arg17[%add3A_69, %dma_start3A_252] : memref<10240x128xf32, #tpu.memory_space<vmem_shared>> -> memref<80x128xf32, #tpu.memory_space<vmem_shared>>
      tpu.enqueue_dma source(%arg7 : memref<80x128xf32, #tpu.memory_space<vmem>>) target(%dma_start3A_253 : memref<80x128xf32, #tpu.memory_space<vmem_shared>>) target_semaphore(%run_scoped3A : memref<!tpu.dma_semaphore, #tpu.memory_space<semaphore_mem>>)
      %dma_wait3A_254 = arith.constant 0 : i32
      %dma_wait3A_255 = tpu.memref_slice %arg17[%add3A_69, %dma_wait3A_254] : memref<10240x128xf32, #tpu.memory_space<vmem_shared>> -> memref<80x128xf32, #tpu.memory_space<vmem_shared>>
      %dma_wait3A_256 = arith.constant 0 : i32
      %dma_wait3A_257 = tpu.memref_slice %arg17[%add3A_69, %dma_wait3A_256] : memref<10240x128xf32, #tpu.memory_space<vmem_shared>> -> memref<80x128xf32, #tpu.memory_space<vmem_shared>>
      tpu.wait_dma2 semaphore(%run_scoped3A : memref<!tpu.dma_semaphore, #tpu.memory_space<semaphore_mem>>) src(%arg7 : memref<80x128xf32, #tpu.memory_space<vmem>>) dst(%dma_wait3A_257 : memref<80x128xf32, #tpu.memory_space<vmem_shared>>)
      tpu.yield
    }) : () -> ()
    %mul3A_70 = arith.constant 640 : i32
    %mul3A_71 = arith.muli %arg1, %mul3A_70 : i32
    %add3A_72 = arith.constant 560 : i32
    %add3A_73 = arith.addi %mul3A_71, %add3A_72 : i32
    "tpu.region"() ({
      %run_scoped3A = tpu.sem_alloc : memref<!tpu.dma_semaphore, #tpu.memory_space<semaphore_mem>>
      %dma_start3A_250 = arith.constant 0 : i32
      %dma_start3A_251 = tpu.memref_slice %arg17[%add3A_73, %dma_start3A_250] : memref<10240x128xf32, #tpu.memory_space<vmem_shared>> -> memref<80x128xf32, #tpu.memory_space<vmem_shared>>
      %dma_start3A_252 = arith.constant 0 : i32
      %dma_start3A_253 = tpu.memref_slice %arg17[%add3A_73, %dma_start3A_252] : memref<10240x128xf32, #tpu.memory_space<vmem_shared>> -> memref<80x128xf32, #tpu.memory_space<vmem_shared>>
      tpu.enqueue_dma source(%arg7 : memref<80x128xf32, #tpu.memory_space<vmem>>) target(%dma_start3A_253 : memref<80x128xf32, #tpu.memory_space<vmem_shared>>) target_semaphore(%run_scoped3A : memref<!tpu.dma_semaphore, #tpu.memory_space<semaphore_mem>>)
      %dma_wait3A_254 = arith.constant 0 : i32
      %dma_wait3A_255 = tpu.memref_slice %arg17[%add3A_73, %dma_wait3A_254] : memref<10240x128xf32, #tpu.memory_space<vmem_shared>> -> memref<80x128xf32, #tpu.memory_space<vmem_shared>>
      %dma_wait3A_256 = arith.constant 0 : i32
      %dma_wait3A_257 = tpu.memref_slice %arg17[%add3A_73, %dma_wait3A_256] : memref<10240x128xf32, #tpu.memory_space<vmem_shared>> -> memref<80x128xf32, #tpu.memory_space<vmem_shared>>
      tpu.wait_dma2 semaphore(%run_scoped3A : memref<!tpu.dma_semaphore, #tpu.memory_space<semaphore_mem>>) src(%arg7 : memref<80x128xf32, #tpu.memory_space<vmem>>) dst(%dma_wait3A_257 : memref<80x128xf32, #tpu.memory_space<vmem_shared>>)
      tpu.yield
    }) : () -> ()
    %mul3A_74 = arith.constant 640 : i32
    %mul3A_75 = arith.muli %arg1, %mul3A_74 : i32
    "tpu.region"() ({
      %run_scoped3A = tpu.sem_alloc : memref<!tpu.dma_semaphore, #tpu.memory_space<semaphore_mem>>
      %dma_start3A_250 = tpu.memref_slice %arg18[%mul3A_75] : memref<10240xf32, #tpu.memory_space<vmem_shared>> -> memref<640xf32, #tpu.memory_space<vmem_shared>>
      %dma_start3A_251 = tpu.memref_slice %arg18[%mul3A_75] : memref<10240xf32, #tpu.memory_space<vmem_shared>> -> memref<640xf32, #tpu.memory_space<vmem_shared>>
      tpu.enqueue_dma source(%arg10 : memref<640xf32, #tpu.memory_space<vmem>>) target(%dma_start3A_251 : memref<640xf32, #tpu.memory_space<vmem_shared>>) target_semaphore(%run_scoped3A : memref<!tpu.dma_semaphore, #tpu.memory_space<semaphore_mem>>)
      %dma_wait3A_252 = tpu.memref_slice %arg18[%mul3A_75] : memref<10240xf32, #tpu.memory_space<vmem_shared>> -> memref<640xf32, #tpu.memory_space<vmem_shared>>
      %dma_wait3A_253 = tpu.memref_slice %arg18[%mul3A_75] : memref<10240xf32, #tpu.memory_space<vmem_shared>> -> memref<640xf32, #tpu.memory_space<vmem_shared>>
      tpu.wait_dma2 semaphore(%run_scoped3A : memref<!tpu.dma_semaphore, #tpu.memory_space<semaphore_mem>>) src(%arg10 : memref<640xf32, #tpu.memory_space<vmem>>) dst(%dma_wait3A_253 : memref<640xf32, #tpu.memory_space<vmem_shared>>)
      tpu.yield
    }) : () -> ()
    %barrier3A = arith.constant 0 : index
    tpu.barrier barrier_id(%barrier3A)
    "tpu.region"() ({
      %run_scoped3A = tpu.sem_alloc : memref<!tpu.dma_semaphore, #tpu.memory_space<semaphore_mem>>
      %dma_start3A_250 = arith.constant 0 : i32
      %dma_start3A_251 = arith.constant 0 : i32
      %dma_start3A_252 = tpu.memref_slice %arg3[%add3A, %dma_start3A_250, %dma_start3A_251] : memref<32x125x80xi32, #tpu.memory_space<hbm>> -> memref<1x125x80xi32, #tpu.memory_space<hbm>>
      %dma_start3A_253 = tpu.memref_squeeze %dma_start3A_252 : memref<1x125x80xi32, #tpu.memory_space<hbm>> -> memref<125x80xi32, #tpu.memory_space<hbm>>
      %dma_start3A_254 = arith.constant 0 : i32
      %dma_start3A_255 = arith.constant 0 : i32
      %dma_start3A_256 = tpu.memref_slice %arg3[%add3A, %dma_start3A_254, %dma_start3A_255] : memref<32x125x80xi32, #tpu.memory_space<hbm>> -> memref<1x125x80xi32, #tpu.memory_space<hbm>>
      %dma_start3A_257 = tpu.memref_squeeze %dma_start3A_256 : memref<1x125x80xi32, #tpu.memory_space<hbm>> -> memref<125x80xi32, #tpu.memory_space<hbm>>
      tpu.enqueue_dma source(%dma_start3A_257 : memref<125x80xi32, #tpu.memory_space<hbm>>) target(%arg6 : memref<125x80xi32, #tpu.memory_space<vmem>>) target_semaphore(%run_scoped3A : memref<!tpu.dma_semaphore, #tpu.memory_space<semaphore_mem>>)
      %dma_wait3A_258 = arith.constant 0 : i32
      %dma_wait3A_259 = arith.constant 0 : i32
      %dma_wait3A_260 = tpu.memref_slice %arg3[%add3A, %dma_wait3A_258, %dma_wait3A_259] : memref<32x125x80xi32, #tpu.memory_space<hbm>> -> memref<1x125x80xi32, #tpu.memory_space<hbm>>
      %dma_wait3A_261 = tpu.memref_squeeze %dma_wait3A_260 : memref<1x125x80xi32, #tpu.memory_space<hbm>> -> memref<125x80xi32, #tpu.memory_space<hbm>>
      %dma_wait3A_262 = arith.constant 0 : i32
      %dma_wait3A_263 = arith.constant 0 : i32
      %dma_wait3A_264 = tpu.memref_slice %arg3[%add3A, %dma_wait3A_262, %dma_wait3A_263] : memref<32x125x80xi32, #tpu.memory_space<hbm>> -> memref<1x125x80xi32, #tpu.memory_space<hbm>>
      %dma_wait3A_265 = tpu.memref_squeeze %dma_wait3A_264 : memref<1x125x80xi32, #tpu.memory_space<hbm>> -> memref<125x80xi32, #tpu.memory_space<hbm>>
      tpu.wait_dma2 semaphore(%run_scoped3A : memref<!tpu.dma_semaphore, #tpu.memory_space<semaphore_mem>>) src(%dma_wait3A_265 : memref<125x80xi32, #tpu.memory_space<hbm>>) dst(%arg6 : memref<125x80xi32, #tpu.memory_space<vmem>>)
      tpu.yield
    }) : () -> ()
    %get3A = arith.constant 124 : i32
    %get3A_76 = arith.index_cast %get3A : i32 to index
    %get3A_77 = arith.constant 64 : index
    %get3A_78 = tpu.vector_load %arg6[%get3A_76, %get3A_77] {strides = array<i32>} : memref<125x80xi32, #tpu.memory_space<vmem>>, vector<1x16xi32>,
    %get3A_79 = vector.shape_cast %get3A_78 : vector<1x16xi32> to vector<16xi32>
    %slice3A = vector.extract_strided_slice %get3A_79 {offsets = [15], sizes = [1], strides = [1]} : vector<16xi32> to vector<1xi32>
    %squeeze3A = vector.extract %slice3A[0] : i32 from vector<1xi32>
    %get3A_80 = arith.constant 0 : i32
    %get3A_81 = arith.index_cast %get3A_80 : i32 to index
    %get3A_82 = arith.constant 0 : index
    %get3A_83 = tpu.vector_load %arg6[%get3A_81, %get3A_82] {strides = array<i32>} : memref<125x80xi32, #tpu.memory_space<vmem>>, vector<1x16xi32>,
    %get3A_84 = vector.shape_cast %get3A_83 : vector<1x16xi32> to vector<16xi32>
    %slice3A_85 = vector.extract_strided_slice %get3A_84 {offsets = [0], sizes = [1], strides = [1]} : vector<16xi32> to vector<1xi32>
    %squeeze3A_86 = vector.extract %slice3A_85[0] : i32 from vector<1xi32>
    %mul3A_87 = arith.constant 8 : i32
    %mul3A_88 = arith.muli %mul3A_87, %arg1 : i32
    %add3A_89 = arith.constant 10000 : i32
    %add3A_90 = arith.addi %add3A_89, %mul3A_88 : i32
    %add3A_91 = arith.constant 1 : i32
    %add3A_92 = arith.addi %add3A_90, %add3A_91 : i32
    %mul3A_93 = arith.constant 10000 : i32
    %mul3A_94 = arith.muli %add3A, %mul3A_93 : i32
    %add3A_95 = arith.constant 0 : i32
    %add3A_96 = arith.addi %mul3A_94, %add3A_95 : i32
    %dma_start3A = arith.constant 0 : i32
    %dma_start3A_97 = tpu.memref_slice %arg2[%add3A_96, %dma_start3A] : memref<320000x128xf32, #tpu.memory_space<hbm>> -> memref<80x128xf32, #tpu.memory_space<hbm>>
    %dma_start3A_98 = arith.constant 0 : i32
    %dma_start3A_99 = tpu.memref_slice %arg2[%add3A_96, %dma_start3A_98] : memref<320000x128xf32, #tpu.memory_space<hbm>> -> memref<80x128xf32, #tpu.memory_space<hbm>>
    tpu.enqueue_dma source(%dma_start3A_99 : memref<80x128xf32, #tpu.memory_space<hbm>>) target(%arg7 : memref<80x128xf32, #tpu.memory_space<vmem>>) target_semaphore(%arg15 : memref<!tpu.dma_semaphore, #tpu.memory_space<semaphore_mem>>)
    %add3A_100 = arith.constant 80 : i32
    %add3A_101 = arith.addi %mul3A_94, %add3A_100 : i32
    %dma_start3A_102 = arith.constant 0 : i32
    %dma_start3A_103 = tpu.memref_slice %arg2[%add3A_101, %dma_start3A_102] : memref<320000x128xf32, #tpu.memory_space<hbm>> -> memref<80x128xf32, #tpu.memory_space<hbm>>
    %dma_start3A_104 = arith.constant 0 : i32
    %dma_start3A_105 = tpu.memref_slice %arg2[%add3A_101, %dma_start3A_104] : memref<320000x128xf32, #tpu.memory_space<hbm>> -> memref<80x128xf32, #tpu.memory_space<hbm>>
    tpu.enqueue_dma source(%dma_start3A_105 : memref<80x128xf32, #tpu.memory_space<hbm>>) target(%arg8 : memref<80x128xf32, #tpu.memory_space<vmem>>) target_semaphore(%arg16 : memref<!tpu.dma_semaphore, #tpu.memory_space<semaphore_mem>>)
    %scan3A_106 = arith.constant 0 : i32
    %scan3A_107 = arith.constant 0 : i32
    %scan3A_108 = arith.constant 62 : i32
    %scan3A_109 = arith.addi %scan3A_107, %scan3A_108 : i32
    %scan3A_110 = arith.constant 1 : i32
    scf.for %scan3A_250 = %scan3A_107 to %scan3A_109 step %scan3A_110  : i32 {
      %mul3A_251 = arith.constant 2 : i32
      %mul3A_252 = arith.muli %mul3A_251, %scan3A_250 : i32
      %mul3A_253 = arith.constant 2 : i32
      %mul3A_254 = arith.muli %mul3A_253, %scan3A_250 : i32
      %add3A_255 = arith.constant 1 : i32
      %add3A_256 = arith.addi %mul3A_254, %add3A_255 : i32
      %mul3A_257 = arith.constant 80 : i32
      %mul3A_258 = arith.muli %mul3A_252, %mul3A_257 : i32
      %add3A_259 = arith.addi %mul3A_94, %mul3A_258 : i32
      %dma_wait3A_260 = arith.constant 0 : i32
      %dma_wait3A_261 = tpu.memref_slice %arg2[%add3A_259, %dma_wait3A_260] : memref<320000x128xf32, #tpu.memory_space<hbm>> -> memref<80x128xf32, #tpu.memory_space<hbm>>
      %dma_wait3A_262 = arith.constant 0 : i32
      %dma_wait3A_263 = tpu.memref_slice %arg2[%add3A_259, %dma_wait3A_262] : memref<320000x128xf32, #tpu.memory_space<hbm>> -> memref<80x128xf32, #tpu.memory_space<hbm>>
      tpu.wait_dma2 semaphore(%arg15 : memref<!tpu.dma_semaphore, #tpu.memory_space<semaphore_mem>>) src(%dma_wait3A_263 : memref<80x128xf32, #tpu.memory_space<hbm>>) dst(%arg7 : memref<80x128xf32, #tpu.memory_space<vmem>>)
      %get3A_264 = arith.index_cast %mul3A_252 : i32 to index
      %get3A_265 = arith.constant 0 : index
      %get3A_266 = tpu.vector_load %arg6[%get3A_264, %get3A_265] {strides = array<i32>} : memref<125x80xi32, #tpu.memory_space<vmem>>, vector<1x16xi32>,
      %get3A_267 = vector.shape_cast %get3A_266 : vector<1x16xi32> to vector<16xi32>
      %eq3A_268 = vector.broadcast %squeeze3A_86 : i32 to vector<16xi32>
      %eq3A_269 = arith.cmpi eq, %get3A_267, %eq3A_268 : vector<16xi32>
      %eq3A_270 = vector.broadcast %squeeze3A : i32 to vector<16xi32>
      %eq3A_271 = arith.cmpi eq, %get3A_267, %eq3A_270 : vector<16xi32>
      %broadcast_in_dim3A_272 = vector.broadcast %add3A_92 : i32 to vector<16xi32>
      %select_n3A_273 = arith.select %eq3A_271, %broadcast_in_dim3A_272, %get3A_267 : vector<16xi1>, vector<16xi32>
      %broadcast_in_dim3A_274 = vector.broadcast %add3A_90 : i32 to vector<16xi32>
      %select_n3A_275 = arith.select %eq3A_269, %broadcast_in_dim3A_274, %select_n3A_273 : vector<16xi1>, vector<16xi32>
      %swap3A_276 = arith.constant 0 : index
      %swap3A_277 = tpu.vector_load %arg14[%swap3A_276] {strides = array<i32>} : memref<80xi32, #tpu.memory_space<vmem>>, vector<16xi32>,
      %swap3A_278 = vector.shape_cast %swap3A_277 : vector<16xi32> to vector<16xi32>
      %swap3A_279 = vector.shape_cast %select_n3A_275 : vector<16xi32> to vector<16xi32>
      tpu.vector_store %arg14[%swap3A_276], %swap3A_279 {strides = array<i32>} : memref<80xi32, #tpu.memory_space<vmem>>, vector<16xi32>,
      %get3A_280 = arith.index_cast %mul3A_252 : i32 to index
      %get3A_281 = arith.constant 16 : index
      %get3A_282 = tpu.vector_load %arg6[%get3A_280, %get3A_281] {strides = array<i32>} : memref<125x80xi32, #tpu.memory_space<vmem>>, vector<1x16xi32>,
      %get3A_283 = vector.shape_cast %get3A_282 : vector<1x16xi32> to vector<16xi32>
      %eq3A_284 = vector.broadcast %squeeze3A_86 : i32 to vector<16xi32>
      %eq3A_285 = arith.cmpi eq, %get3A_283, %eq3A_284 : vector<16xi32>
      %eq3A_286 = vector.broadcast %squeeze3A : i32 to vector<16xi32>
      %eq3A_287 = arith.cmpi eq, %get3A_283, %eq3A_286 : vector<16xi32>
      %broadcast_in_dim3A_288 = vector.broadcast %add3A_92 : i32 to vector<16xi32>
      %select_n3A_289 = arith.select %eq3A_287, %broadcast_in_dim3A_288, %get3A_283 : vector<16xi1>, vector<16xi32>
      %broadcast_in_dim3A_290 = vector.broadcast %add3A_90 : i32 to vector<16xi32>
      %select_n3A_291 = arith.select %eq3A_285, %broadcast_in_dim3A_290, %select_n3A_289 : vector<16xi1>, vector<16xi32>
      %swap3A_292 = arith.constant 16 : index
      %swap3A_293 = tpu.vector_load %arg14[%swap3A_292] {strides = array<i32>} : memref<80xi32, #tpu.memory_space<vmem>>, vector<16xi32>,
      %swap3A_294 = vector.shape_cast %swap3A_293 : vector<16xi32> to vector<16xi32>
      %swap3A_295 = vector.shape_cast %select_n3A_291 : vector<16xi32> to vector<16xi32>
      tpu.vector_store %arg14[%swap3A_292], %swap3A_295 {strides = array<i32>} : memref<80xi32, #tpu.memory_space<vmem>>, vector<16xi32>,
      %get3A_296 = arith.index_cast %mul3A_252 : i32 to index
      %get3A_297 = arith.constant 32 : index
      %get3A_298 = tpu.vector_load %arg6[%get3A_296, %get3A_297] {strides = array<i32>} : memref<125x80xi32, #tpu.memory_space<vmem>>, vector<1x16xi32>,
      %get3A_299 = vector.shape_cast %get3A_298 : vector<1x16xi32> to vector<16xi32>
      %eq3A_300 = vector.broadcast %squeeze3A_86 : i32 to vector<16xi32>
      %eq3A_301 = arith.cmpi eq, %get3A_299, %eq3A_300 : vector<16xi32>
      %eq3A_302 = vector.broadcast %squeeze3A : i32 to vector<16xi32>
      %eq3A_303 = arith.cmpi eq, %get3A_299, %eq3A_302 : vector<16xi32>
      %broadcast_in_dim3A_304 = vector.broadcast %add3A_92 : i32 to vector<16xi32>
      %select_n3A_305 = arith.select %eq3A_303, %broadcast_in_dim3A_304, %get3A_299 : vector<16xi1>, vector<16xi32>
      %broadcast_in_dim3A_306 = vector.broadcast %add3A_90 : i32 to vector<16xi32>
      %select_n3A_307 = arith.select %eq3A_301, %broadcast_in_dim3A_306, %select_n3A_305 : vector<16xi1>, vector<16xi32>
      %swap3A_308 = arith.constant 32 : index
      %swap3A_309 = tpu.vector_load %arg14[%swap3A_308] {strides = array<i32>} : memref<80xi32, #tpu.memory_space<vmem>>, vector<16xi32>,
      %swap3A_310 = vector.shape_cast %swap3A_309 : vector<16xi32> to vector<16xi32>
      %swap3A_311 = vector.shape_cast %select_n3A_307 : vector<16xi32> to vector<16xi32>
      tpu.vector_store %arg14[%swap3A_308], %swap3A_311 {strides = array<i32>} : memref<80xi32, #tpu.memory_space<vmem>>, vector<16xi32>,
      %get3A_312 = arith.index_cast %mul3A_252 : i32 to index
      %get3A_313 = arith.constant 48 : index
      %get3A_314 = tpu.vector_load %arg6[%get3A_312, %get3A_313] {strides = array<i32>} : memref<125x80xi32, #tpu.memory_space<vmem>>, vector<1x16xi32>,
      %get3A_315 = vector.shape_cast %get3A_314 : vector<1x16xi32> to vector<16xi32>
      %eq3A_316 = vector.broadcast %squeeze3A_86 : i32 to vector<16xi32>
      %eq3A_317 = arith.cmpi eq, %get3A_315, %eq3A_316 : vector<16xi32>
      %eq3A_318 = vector.broadcast %squeeze3A : i32 to vector<16xi32>
      %eq3A_319 = arith.cmpi eq, %get3A_315, %eq3A_318 : vector<16xi32>
      %broadcast_in_dim3A_320 = vector.broadcast %add3A_92 : i32 to vector<16xi32>
      %select_n3A_321 = arith.select %eq3A_319, %broadcast_in_dim3A_320, %get3A_315 : vector<16xi1>, vector<16xi32>
      %broadcast_in_dim3A_322 = vector.broadcast %add3A_90 : i32 to vector<16xi32>
      %select_n3A_323 = arith.select %eq3A_317, %broadcast_in_dim3A_322, %select_n3A_321 : vector<16xi1>, vector<16xi32>
      %swap3A_324 = arith.constant 48 : index
      %swap3A_325 = tpu.vector_load %arg14[%swap3A_324] {strides = array<i32>} : memref<80xi32, #tpu.memory_space<vmem>>, vector<16xi32>,
      %swap3A_326 = vector.shape_cast %swap3A_325 : vector<16xi32> to vector<16xi32>
      %swap3A_327 = vector.shape_cast %select_n3A_323 : vector<16xi32> to vector<16xi32>
      tpu.vector_store %arg14[%swap3A_324], %swap3A_327 {strides = array<i32>} : memref<80xi32, #tpu.memory_space<vmem>>, vector<16xi32>,
      %get3A_328 = arith.index_cast %mul3A_252 : i32 to index
      %get3A_329 = arith.constant 64 : index
      %get3A_330 = tpu.vector_load %arg6[%get3A_328, %get3A_329] {strides = array<i32>} : memref<125x80xi32, #tpu.memory_space<vmem>>, vector<1x16xi32>,
      %get3A_331 = vector.shape_cast %get3A_330 : vector<1x16xi32> to vector<16xi32>
      %eq3A_332 = vector.broadcast %squeeze3A_86 : i32 to vector<16xi32>
      %eq3A_333 = arith.cmpi eq, %get3A_331, %eq3A_332 : vector<16xi32>
      %eq3A_334 = vector.broadcast %squeeze3A : i32 to vector<16xi32>
      %eq3A_335 = arith.cmpi eq, %get3A_331, %eq3A_334 : vector<16xi32>
      %broadcast_in_dim3A_336 = vector.broadcast %add3A_92 : i32 to vector<16xi32>
      %select_n3A_337 = arith.select %eq3A_335, %broadcast_in_dim3A_336, %get3A_331 : vector<16xi1>, vector<16xi32>
      %broadcast_in_dim3A_338 = vector.broadcast %add3A_90 : i32 to vector<16xi32>
      %select_n3A_339 = arith.select %eq3A_333, %broadcast_in_dim3A_338, %select_n3A_337 : vector<16xi1>, vector<16xi32>
      %swap3A_340 = arith.constant 64 : index
      %swap3A_341 = tpu.vector_load %arg14[%swap3A_340] {strides = array<i32>} : memref<80xi32, #tpu.memory_space<vmem>>, vector<16xi32>,
      %swap3A_342 = vector.shape_cast %swap3A_341 : vector<16xi32> to vector<16xi32>
      %swap3A_343 = vector.shape_cast %select_n3A_339 : vector<16xi32> to vector<16xi32>
      tpu.vector_store %arg14[%swap3A_340], %swap3A_343 {strides = array<i32>} : memref<80xi32, #tpu.memory_space<vmem>>, vector<16xi32>,
      "tpu.region"() ({
        %run_scoped3A = tpu.sem_alloc : memref<!tpu.dma_semaphore, #tpu.memory_space<semaphore_mem>>
        %dma_start3A_450 = arith.constant 0 : i32
        %dma_start3A_451 = arith.constant 0 : i32
        %dma_start3A_452 = tpu.memref_slice %arg17[%dma_start3A_450, %dma_start3A_451] : memref<10240x128xf32, #tpu.memory_space<vmem_shared>> -> memref<10240x128xf32, #tpu.memory_space<vmem_shared>>
        tpu.enqueue_indirect_dma source(%arg7 : memref<80x128xf32, #tpu.memory_space<vmem>>) target(%dma_start3A_452 : memref<10240x128xf32, #tpu.memory_space<vmem_shared>>) offsets(%arg14 : memref<80xi32, #tpu.memory_space<vmem>>) semaphore(%run_scoped3A : memref<!tpu.dma_semaphore, #tpu.memory_space<semaphore_mem>>) {add = true}
        %dma_wait3A_453 = arith.constant 0 : i32
        %dma_wait3A_454 = arith.constant 0 : i32
        %dma_wait3A_455 = tpu.memref_slice %arg17[%dma_wait3A_453, %dma_wait3A_454] : memref<10240x128xf32, #tpu.memory_space<vmem_shared>> -> memref<10240x128xf32, #tpu.memory_space<vmem_shared>>
        tpu.wait_indirect_dma semaphore(%run_scoped3A : memref<!tpu.dma_semaphore, #tpu.memory_space<semaphore_mem>>) src(%arg7 : memref<80x128xf32, #tpu.memory_space<vmem>>) dst(%dma_wait3A_455 : memref<10240x128xf32, #tpu.memory_space<vmem_shared>>)
        tpu.yield
      }) : () -> ()
      "tpu.region"() ({
        %run_scoped3A = tpu.sem_alloc : memref<!tpu.dma_semaphore, #tpu.memory_space<semaphore_mem>>
        %dma_start3A_450 = arith.constant 0 : i32
        %dma_start3A_451 = tpu.memref_slice %arg18[%dma_start3A_450] : memref<10240xf32, #tpu.memory_space<vmem_shared>> -> memref<10240xf32, #tpu.memory_space<vmem_shared>>
        tpu.enqueue_indirect_dma source(%arg9 : memref<80xf32, #tpu.memory_space<vmem>>) target(%dma_start3A_451 : memref<10240xf32, #tpu.memory_space<vmem_shared>>) offsets(%arg14 : memref<80xi32, #tpu.memory_space<vmem>>) semaphore(%run_scoped3A : memref<!tpu.dma_semaphore, #tpu.memory_space<semaphore_mem>>) {add = true}
        %dma_wait3A_452 = arith.constant 0 : i32
        %dma_wait3A_453 = tpu.memref_slice %arg18[%dma_wait3A_452] : memref<10240xf32, #tpu.memory_space<vmem_shared>> -> memref<10240xf32, #tpu.memory_space<vmem_shared>>
        tpu.wait_indirect_dma semaphore(%run_scoped3A : memref<!tpu.dma_semaphore, #tpu.memory_space<semaphore_mem>>) src(%arg9 : memref<80xf32, #tpu.memory_space<vmem>>) dst(%dma_wait3A_453 : memref<10240xf32, #tpu.memory_space<vmem_shared>>)
        tpu.yield
      }) : () -> ()
      %add3A_344 = arith.constant 2 : i32
      %add3A_345 = arith.addi %mul3A_252, %add3A_344 : i32
      %mul3A_346 = arith.constant 80 : i32
      %mul3A_347 = arith.muli %add3A_345, %mul3A_346 : i32
      %add3A_348 = arith.addi %mul3A_94, %mul3A_347 : i32
      %dma_start3A_349 = arith.constant 0 : i32
      %dma_start3A_350 = tpu.memref_slice %arg2[%add3A_348, %dma_start3A_349] : memref<320000x128xf32, #tpu.memory_space<hbm>> -> memref<80x128xf32, #tpu.memory_space<hbm>>
      %dma_start3A_351 = arith.constant 0 : i32
      %dma_start3A_352 = tpu.memref_slice %arg2[%add3A_348, %dma_start3A_351] : memref<320000x128xf32, #tpu.memory_space<hbm>> -> memref<80x128xf32, #tpu.memory_space<hbm>>
      tpu.enqueue_dma source(%dma_start3A_352 : memref<80x128xf32, #tpu.memory_space<hbm>>) target(%arg7 : memref<80x128xf32, #tpu.memory_space<vmem>>) target_semaphore(%arg15 : memref<!tpu.dma_semaphore, #tpu.memory_space<semaphore_mem>>)
      %mul3A_353 = arith.constant 80 : i32
      %mul3A_354 = arith.muli %add3A_256, %mul3A_353 : i32
      %add3A_355 = arith.addi %mul3A_94, %mul3A_354 : i32
      %dma_wait3A_356 = arith.constant 0 : i32
      %dma_wait3A_357 = tpu.memref_slice %arg2[%add3A_355, %dma_wait3A_356] : memref<320000x128xf32, #tpu.memory_space<hbm>> -> memref<80x128xf32, #tpu.memory_space<hbm>>
      %dma_wait3A_358 = arith.constant 0 : i32
      %dma_wait3A_359 = tpu.memref_slice %arg2[%add3A_355, %dma_wait3A_358] : memref<320000x128xf32, #tpu.memory_space<hbm>> -> memref<80x128xf32, #tpu.memory_space<hbm>>
      tpu.wait_dma2 semaphore(%arg16 : memref<!tpu.dma_semaphore, #tpu.memory_space<semaphore_mem>>) src(%dma_wait3A_359 : memref<80x128xf32, #tpu.memory_space<hbm>>) dst(%arg8 : memref<80x128xf32, #tpu.memory_space<vmem>>)
      %get3A_360 = arith.index_cast %add3A_256 : i32 to index
      %get3A_361 = arith.constant 0 : index
      %get3A_362 = tpu.vector_load %arg6[%get3A_360, %get3A_361] {strides = array<i32>} : memref<125x80xi32, #tpu.memory_space<vmem>>, vector<1x16xi32>,
      %get3A_363 = vector.shape_cast %get3A_362 : vector<1x16xi32> to vector<16xi32>
      %eq3A_364 = vector.broadcast %squeeze3A_86 : i32 to vector<16xi32>
      %eq3A_365 = arith.cmpi eq, %get3A_363, %eq3A_364 : vector<16xi32>
      %eq3A_366 = vector.broadcast %squeeze3A : i32 to vector<16xi32>
      %eq3A_367 = arith.cmpi eq, %get3A_363, %eq3A_366 : vector<16xi32>
      %broadcast_in_dim3A_368 = vector.broadcast %add3A_92 : i32 to vector<16xi32>
      %select_n3A_369 = arith.select %eq3A_367, %broadcast_in_dim3A_368, %get3A_363 : vector<16xi1>, vector<16xi32>
      %broadcast_in_dim3A_370 = vector.broadcast %add3A_90 : i32 to vector<16xi32>
      %select_n3A_371 = arith.select %eq3A_365, %broadcast_in_dim3A_370, %select_n3A_369 : vector<16xi1>, vector<16xi32>
      %swap3A_372 = arith.constant 0 : index
      %swap3A_373 = tpu.vector_load %arg14[%swap3A_372] {strides = array<i32>} : memref<80xi32, #tpu.memory_space<vmem>>, vector<16xi32>,
      %swap3A_374 = vector.shape_cast %swap3A_373 : vector<16xi32> to vector<16xi32>
      %swap3A_375 = vector.shape_cast %select_n3A_371 : vector<16xi32> to vector<16xi32>
      tpu.vector_store %arg14[%swap3A_372], %swap3A_375 {strides = array<i32>} : memref<80xi32, #tpu.memory_space<vmem>>, vector<16xi32>,
      %get3A_376 = arith.index_cast %add3A_256 : i32 to index
      %get3A_377 = arith.constant 16 : index
      %get3A_378 = tpu.vector_load %arg6[%get3A_376, %get3A_377] {strides = array<i32>} : memref<125x80xi32, #tpu.memory_space<vmem>>, vector<1x16xi32>,
      %get3A_379 = vector.shape_cast %get3A_378 : vector<1x16xi32> to vector<16xi32>
      %eq3A_380 = vector.broadcast %squeeze3A_86 : i32 to vector<16xi32>
      %eq3A_381 = arith.cmpi eq, %get3A_379, %eq3A_380 : vector<16xi32>
      %eq3A_382 = vector.broadcast %squeeze3A : i32 to vector<16xi32>
      %eq3A_383 = arith.cmpi eq, %get3A_379, %eq3A_382 : vector<16xi32>
      %broadcast_in_dim3A_384 = vector.broadcast %add3A_92 : i32 to vector<16xi32>
      %select_n3A_385 = arith.select %eq3A_383, %broadcast_in_dim3A_384, %get3A_379 : vector<16xi1>, vector<16xi32>
      %broadcast_in_dim3A_386 = vector.broadcast %add3A_90 : i32 to vector<16xi32>
      %select_n3A_387 = arith.select %eq3A_381, %broadcast_in_dim3A_386, %select_n3A_385 : vector<16xi1>, vector<16xi32>
      %swap3A_388 = arith.constant 16 : index
      %swap3A_389 = tpu.vector_load %arg14[%swap3A_388] {strides = array<i32>} : memref<80xi32, #tpu.memory_space<vmem>>, vector<16xi32>,
      %swap3A_390 = vector.shape_cast %swap3A_389 : vector<16xi32> to vector<16xi32>
      %swap3A_391 = vector.shape_cast %select_n3A_387 : vector<16xi32> to vector<16xi32>
      tpu.vector_store %arg14[%swap3A_388], %swap3A_391 {strides = array<i32>} : memref<80xi32, #tpu.memory_space<vmem>>, vector<16xi32>,
      %get3A_392 = arith.index_cast %add3A_256 : i32 to index
      %get3A_393 = arith.constant 32 : index
      %get3A_394 = tpu.vector_load %arg6[%get3A_392, %get3A_393] {strides = array<i32>} : memref<125x80xi32, #tpu.memory_space<vmem>>, vector<1x16xi32>,
      %get3A_395 = vector.shape_cast %get3A_394 : vector<1x16xi32> to vector<16xi32>
      %eq3A_396 = vector.broadcast %squeeze3A_86 : i32 to vector<16xi32>
      %eq3A_397 = arith.cmpi eq, %get3A_395, %eq3A_396 : vector<16xi32>
      %eq3A_398 = vector.broadcast %squeeze3A : i32 to vector<16xi32>
      %eq3A_399 = arith.cmpi eq, %get3A_395, %eq3A_398 : vector<16xi32>
      %broadcast_in_dim3A_400 = vector.broadcast %add3A_92 : i32 to vector<16xi32>
      %select_n3A_401 = arith.select %eq3A_399, %broadcast_in_dim3A_400, %get3A_395 : vector<16xi1>, vector<16xi32>
      %broadcast_in_dim3A_402 = vector.broadcast %add3A_90 : i32 to vector<16xi32>
      %select_n3A_403 = arith.select %eq3A_397, %broadcast_in_dim3A_402, %select_n3A_401 : vector<16xi1>, vector<16xi32>
      %swap3A_404 = arith.constant 32 : index
      %swap3A_405 = tpu.vector_load %arg14[%swap3A_404] {strides = array<i32>} : memref<80xi32, #tpu.memory_space<vmem>>, vector<16xi32>,
      %swap3A_406 = vector.shape_cast %swap3A_405 : vector<16xi32> to vector<16xi32>
      %swap3A_407 = vector.shape_cast %select_n3A_403 : vector<16xi32> to vector<16xi32>
      tpu.vector_store %arg14[%swap3A_404], %swap3A_407 {strides = array<i32>} : memref<80xi32, #tpu.memory_space<vmem>>, vector<16xi32>,
      %get3A_408 = arith.index_cast %add3A_256 : i32 to index
      %get3A_409 = arith.constant 48 : index
      %get3A_410 = tpu.vector_load %arg6[%get3A_408, %get3A_409] {strides = array<i32>} : memref<125x80xi32, #tpu.memory_space<vmem>>, vector<1x16xi32>,
      %get3A_411 = vector.shape_cast %get3A_410 : vector<1x16xi32> to vector<16xi32>
      %eq3A_412 = vector.broadcast %squeeze3A_86 : i32 to vector<16xi32>
      %eq3A_413 = arith.cmpi eq, %get3A_411, %eq3A_412 : vector<16xi32>
      %eq3A_414 = vector.broadcast %squeeze3A : i32 to vector<16xi32>
      %eq3A_415 = arith.cmpi eq, %get3A_411, %eq3A_414 : vector<16xi32>
      %broadcast_in_dim3A_416 = vector.broadcast %add3A_92 : i32 to vector<16xi32>
      %select_n3A_417 = arith.select %eq3A_415, %broadcast_in_dim3A_416, %get3A_411 : vector<16xi1>, vector<16xi32>
      %broadcast_in_dim3A_418 = vector.broadcast %add3A_90 : i32 to vector<16xi32>
      %select_n3A_419 = arith.select %eq3A_413, %broadcast_in_dim3A_418, %select_n3A_417 : vector<16xi1>, vector<16xi32>
      %swap3A_420 = arith.constant 48 : index
      %swap3A_421 = tpu.vector_load %arg14[%swap3A_420] {strides = array<i32>} : memref<80xi32, #tpu.memory_space<vmem>>, vector<16xi32>,
      %swap3A_422 = vector.shape_cast %swap3A_421 : vector<16xi32> to vector<16xi32>
      %swap3A_423 = vector.shape_cast %select_n3A_419 : vector<16xi32> to vector<16xi32>
      tpu.vector_store %arg14[%swap3A_420], %swap3A_423 {strides = array<i32>} : memref<80xi32, #tpu.memory_space<vmem>>, vector<16xi32>,
      %get3A_424 = arith.index_cast %add3A_256 : i32 to index
      %get3A_425 = arith.constant 64 : index
      %get3A_426 = tpu.vector_load %arg6[%get3A_424, %get3A_425] {strides = array<i32>} : memref<125x80xi32, #tpu.memory_space<vmem>>, vector<1x16xi32>,
      %get3A_427 = vector.shape_cast %get3A_426 : vector<1x16xi32> to vector<16xi32>
      %eq3A_428 = vector.broadcast %squeeze3A_86 : i32 to vector<16xi32>
      %eq3A_429 = arith.cmpi eq, %get3A_427, %eq3A_428 : vector<16xi32>
      %eq3A_430 = vector.broadcast %squeeze3A : i32 to vector<16xi32>
      %eq3A_431 = arith.cmpi eq, %get3A_427, %eq3A_430 : vector<16xi32>
      %broadcast_in_dim3A_432 = vector.broadcast %add3A_92 : i32 to vector<16xi32>
      %select_n3A_433 = arith.select %eq3A_431, %broadcast_in_dim3A_432, %get3A_427 : vector<16xi1>, vector<16xi32>
      %broadcast_in_dim3A_434 = vector.broadcast %add3A_90 : i32 to vector<16xi32>
      %select_n3A_435 = arith.select %eq3A_429, %broadcast_in_dim3A_434, %select_n3A_433 : vector<16xi1>, vector<16xi32>
      %swap3A_436 = arith.constant 64 : index
      %swap3A_437 = tpu.vector_load %arg14[%swap3A_436] {strides = array<i32>} : memref<80xi32, #tpu.memory_space<vmem>>, vector<16xi32>,
      %swap3A_438 = vector.shape_cast %swap3A_437 : vector<16xi32> to vector<16xi32>
      %swap3A_439 = vector.shape_cast %select_n3A_435 : vector<16xi32> to vector<16xi32>
      tpu.vector_store %arg14[%swap3A_436], %swap3A_439 {strides = array<i32>} : memref<80xi32, #tpu.memory_space<vmem>>, vector<16xi32>,
      "tpu.region"() ({
        %run_scoped3A = tpu.sem_alloc : memref<!tpu.dma_semaphore, #tpu.memory_space<semaphore_mem>>
        %dma_start3A_450 = arith.constant 0 : i32
        %dma_start3A_451 = arith.constant 0 : i32
        %dma_start3A_452 = tpu.memref_slice %arg17[%dma_start3A_450, %dma_start3A_451] : memref<10240x128xf32, #tpu.memory_space<vmem_shared>> -> memref<10240x128xf32, #tpu.memory_space<vmem_shared>>
        tpu.enqueue_indirect_dma source(%arg8 : memref<80x128xf32, #tpu.memory_space<vmem>>) target(%dma_start3A_452 : memref<10240x128xf32, #tpu.memory_space<vmem_shared>>) offsets(%arg14 : memref<80xi32, #tpu.memory_space<vmem>>) semaphore(%run_scoped3A : memref<!tpu.dma_semaphore, #tpu.memory_space<semaphore_mem>>) {add = true}
        %dma_wait3A_453 = arith.constant 0 : i32
        %dma_wait3A_454 = arith.constant 0 : i32
        %dma_wait3A_455 = tpu.memref_slice %arg17[%dma_wait3A_453, %dma_wait3A_454] : memref<10240x128xf32, #tpu.memory_space<vmem_shared>> -> memref<10240x128xf32, #tpu.memory_space<vmem_shared>>
        tpu.wait_indirect_dma semaphore(%run_scoped3A : memref<!tpu.dma_semaphore, #tpu.memory_space<semaphore_mem>>) src(%arg8 : memref<80x128xf32, #tpu.memory_space<vmem>>) dst(%dma_wait3A_455 : memref<10240x128xf32, #tpu.memory_space<vmem_shared>>)
        tpu.yield
      }) : () -> ()
      "tpu.region"() ({
        %run_scoped3A = tpu.sem_alloc : memref<!tpu.dma_semaphore, #tpu.memory_space<semaphore_mem>>
        %dma_start3A_450 = arith.constant 0 : i32
        %dma_start3A_451 = tpu.memref_slice %arg18[%dma_start3A_450] : memref<10240xf32, #tpu.memory_space<vmem_shared>> -> memref<10240xf32, #tpu.memory_space<vmem_shared>>
        tpu.enqueue_indirect_dma source(%arg9 : memref<80xf32, #tpu.memory_space<vmem>>) target(%dma_start3A_451 : memref<10240xf32, #tpu.memory_space<vmem_shared>>) offsets(%arg14 : memref<80xi32, #tpu.memory_space<vmem>>) semaphore(%run_scoped3A : memref<!tpu.dma_semaphore, #tpu.memory_space<semaphore_mem>>) {add = true}
        %dma_wait3A_452 = arith.constant 0 : i32
        %dma_wait3A_453 = tpu.memref_slice %arg18[%dma_wait3A_452] : memref<10240xf32, #tpu.memory_space<vmem_shared>> -> memref<10240xf32, #tpu.memory_space<vmem_shared>>
        tpu.wait_indirect_dma semaphore(%run_scoped3A : memref<!tpu.dma_semaphore, #tpu.memory_space<semaphore_mem>>) src(%arg9 : memref<80xf32, #tpu.memory_space<vmem>>) dst(%dma_wait3A_453 : memref<10240xf32, #tpu.memory_space<vmem_shared>>)
        tpu.yield
      }) : () -> ()
      %add3A_440 = arith.constant 2 : i32
      %add3A_441 = arith.addi %add3A_256, %add3A_440 : i32
      %min3A = arith.constant 124 : i32
      %min3A_442 = arith.minsi %add3A_441, %min3A : i32
      %mul3A_443 = arith.constant 80 : i32
      %mul3A_444 = arith.muli %min3A_442, %mul3A_443 : i32
      %add3A_445 = arith.addi %mul3A_94, %mul3A_444 : i32
      %dma_start3A_446 = arith.constant 0 : i32
      %dma_start3A_447 = tpu.memref_slice %arg2[%add3A_445, %dma_start3A_446] : memref<320000x128xf32, #tpu.memory_space<hbm>> -> memref<80x128xf32, #tpu.memory_space<hbm>>
      %dma_start3A_448 = arith.constant 0 : i32
      %dma_start3A_449 = tpu.memref_slice %arg2[%add3A_445, %dma_start3A_448] : memref<320000x128xf32, #tpu.memory_space<hbm>> -> memref<80x128xf32, #tpu.memory_space<hbm>>
      tpu.enqueue_dma source(%dma_start3A_449 : memref<80x128xf32, #tpu.memory_space<hbm>>) target(%arg8 : memref<80x128xf32, #tpu.memory_space<vmem>>) target_semaphore(%arg16 : memref<!tpu.dma_semaphore, #tpu.memory_space<semaphore_mem>>)
    }
    %scan3A_111 = arith.constant 62 : i32
    %add3A_112 = arith.constant 9920 : i32
    %add3A_113 = arith.addi %mul3A_94, %add3A_112 : i32
    %dma_wait3A = arith.constant 0 : i32
    %dma_wait3A_114 = tpu.memref_slice %arg2[%add3A_113, %dma_wait3A] : memref<320000x128xf32, #tpu.memory_space<hbm>> -> memref<80x128xf32, #tpu.memory_space<hbm>>
    %dma_wait3A_115 = arith.constant 0 : i32
    %dma_wait3A_116 = tpu.memref_slice %arg2[%add3A_113, %dma_wait3A_115] : memref<320000x128xf32, #tpu.memory_space<hbm>> -> memref<80x128xf32, #tpu.memory_space<hbm>>
    tpu.wait_dma2 semaphore(%arg15 : memref<!tpu.dma_semaphore, #tpu.memory_space<semaphore_mem>>) src(%dma_wait3A_116 : memref<80x128xf32, #tpu.memory_space<hbm>>) dst(%arg7 : memref<80x128xf32, #tpu.memory_space<vmem>>)
    %get3A_117 = arith.constant 124 : i32
    %get3A_118 = arith.index_cast %get3A_117 : i32 to index
    %get3A_119 = arith.constant 0 : index
    %get3A_120 = tpu.vector_load %arg6[%get3A_118, %get3A_119] {strides = array<i32>} : memref<125x80xi32, #tpu.memory_space<vmem>>, vector<1x16xi32>,
    %get3A_121 = vector.shape_cast %get3A_120 : vector<1x16xi32> to vector<16xi32>
    %eq3A = vector.broadcast %squeeze3A_86 : i32 to vector<16xi32>
    %eq3A_122 = arith.cmpi eq, %get3A_121, %eq3A : vector<16xi32>
    %eq3A_123 = vector.broadcast %squeeze3A : i32 to vector<16xi32>
    %eq3A_124 = arith.cmpi eq, %get3A_121, %eq3A_123 : vector<16xi32>
    %broadcast_in_dim3A_125 = vector.broadcast %add3A_92 : i32 to vector<16xi32>
    %select_n3A = arith.select %eq3A_124, %broadcast_in_dim3A_125, %get3A_121 : vector<16xi1>, vector<16xi32>
    %broadcast_in_dim3A_126 = vector.broadcast %add3A_90 : i32 to vector<16xi32>
    %select_n3A_127 = arith.select %eq3A_122, %broadcast_in_dim3A_126, %select_n3A : vector<16xi1>, vector<16xi32>
    %swap3A_128 = arith.constant 0 : index
    %swap3A_129 = tpu.vector_load %arg14[%swap3A_128] {strides = array<i32>} : memref<80xi32, #tpu.memory_space<vmem>>, vector<16xi32>,
    %swap3A_130 = vector.shape_cast %swap3A_129 : vector<16xi32> to vector<16xi32>
    %swap3A_131 = vector.shape_cast %select_n3A_127 : vector<16xi32> to vector<16xi32>
    tpu.vector_store %arg14[%swap3A_128], %swap3A_131 {strides = array<i32>} : memref<80xi32, #tpu.memory_space<vmem>>, vector<16xi32>,
    %get3A_132 = arith.constant 124 : i32
    %get3A_133 = arith.index_cast %get3A_132 : i32 to index
    %get3A_134 = arith.constant 16 : index
    %get3A_135 = tpu.vector_load %arg6[%get3A_133, %get3A_134] {strides = array<i32>} : memref<125x80xi32, #tpu.memory_space<vmem>>, vector<1x16xi32>,
    %get3A_136 = vector.shape_cast %get3A_135 : vector<1x16xi32> to vector<16xi32>
    %eq3A_137 = vector.broadcast %squeeze3A_86 : i32 to vector<16xi32>
    %eq3A_138 = arith.cmpi eq, %get3A_136, %eq3A_137 : vector<16xi32>
    %eq3A_139 = vector.broadcast %squeeze3A : i32 to vector<16xi32>
    %eq3A_140 = arith.cmpi eq, %get3A_136, %eq3A_139 : vector<16xi32>
    %broadcast_in_dim3A_141 = vector.broadcast %add3A_92 : i32 to vector<16xi32>
    %select_n3A_142 = arith.select %eq3A_140, %broadcast_in_dim3A_141, %get3A_136 : vector<16xi1>, vector<16xi32>
    %broadcast_in_dim3A_143 = vector.broadcast %add3A_90 : i32 to vector<16xi32>
    %select_n3A_144 = arith.select %eq3A_138, %broadcast_in_dim3A_143, %select_n3A_142 : vector<16xi1>, vector<16xi32>
    %swap3A_145 = arith.constant 16 : index
    %swap3A_146 = tpu.vector_load %arg14[%swap3A_145] {strides = array<i32>} : memref<80xi32, #tpu.memory_space<vmem>>, vector<16xi32>,
    %swap3A_147 = vector.shape_cast %swap3A_146 : vector<16xi32> to vector<16xi32>
    %swap3A_148 = vector.shape_cast %select_n3A_144 : vector<16xi32> to vector<16xi32>
    tpu.vector_store %arg14[%swap3A_145], %swap3A_148 {strides = array<i32>} : memref<80xi32, #tpu.memory_space<vmem>>, vector<16xi32>,
    %get3A_149 = arith.constant 124 : i32
    %get3A_150 = arith.index_cast %get3A_149 : i32 to index
    %get3A_151 = arith.constant 32 : index
    %get3A_152 = tpu.vector_load %arg6[%get3A_150, %get3A_151] {strides = array<i32>} : memref<125x80xi32, #tpu.memory_space<vmem>>, vector<1x16xi32>,
    %get3A_153 = vector.shape_cast %get3A_152 : vector<1x16xi32> to vector<16xi32>
    %eq3A_154 = vector.broadcast %squeeze3A_86 : i32 to vector<16xi32>
    %eq3A_155 = arith.cmpi eq, %get3A_153, %eq3A_154 : vector<16xi32>
    %eq3A_156 = vector.broadcast %squeeze3A : i32 to vector<16xi32>
    %eq3A_157 = arith.cmpi eq, %get3A_153, %eq3A_156 : vector<16xi32>
    %broadcast_in_dim3A_158 = vector.broadcast %add3A_92 : i32 to vector<16xi32>
    %select_n3A_159 = arith.select %eq3A_157, %broadcast_in_dim3A_158, %get3A_153 : vector<16xi1>, vector<16xi32>
    %broadcast_in_dim3A_160 = vector.broadcast %add3A_90 : i32 to vector<16xi32>
    %select_n3A_161 = arith.select %eq3A_155, %broadcast_in_dim3A_160, %select_n3A_159 : vector<16xi1>, vector<16xi32>
    %swap3A_162 = arith.constant 32 : index
    %swap3A_163 = tpu.vector_load %arg14[%swap3A_162] {strides = array<i32>} : memref<80xi32, #tpu.memory_space<vmem>>, vector<16xi32>,
    %swap3A_164 = vector.shape_cast %swap3A_163 : vector<16xi32> to vector<16xi32>
    %swap3A_165 = vector.shape_cast %select_n3A_161 : vector<16xi32> to vector<16xi32>
    tpu.vector_store %arg14[%swap3A_162], %swap3A_165 {strides = array<i32>} : memref<80xi32, #tpu.memory_space<vmem>>, vector<16xi32>,
    %get3A_166 = arith.constant 124 : i32
    %get3A_167 = arith.index_cast %get3A_166 : i32 to index
    %get3A_168 = arith.constant 48 : index
    %get3A_169 = tpu.vector_load %arg6[%get3A_167, %get3A_168] {strides = array<i32>} : memref<125x80xi32, #tpu.memory_space<vmem>>, vector<1x16xi32>,
    %get3A_170 = vector.shape_cast %get3A_169 : vector<1x16xi32> to vector<16xi32>
    %eq3A_171 = vector.broadcast %squeeze3A_86 : i32 to vector<16xi32>
    %eq3A_172 = arith.cmpi eq, %get3A_170, %eq3A_171 : vector<16xi32>
    %eq3A_173 = vector.broadcast %squeeze3A : i32 to vector<16xi32>
    %eq3A_174 = arith.cmpi eq, %get3A_170, %eq3A_173 : vector<16xi32>
    %broadcast_in_dim3A_175 = vector.broadcast %add3A_92 : i32 to vector<16xi32>
    %select_n3A_176 = arith.select %eq3A_174, %broadcast_in_dim3A_175, %get3A_170 : vector<16xi1>, vector<16xi32>
    %broadcast_in_dim3A_177 = vector.broadcast %add3A_90 : i32 to vector<16xi32>
    %select_n3A_178 = arith.select %eq3A_172, %broadcast_in_dim3A_177, %select_n3A_176 : vector<16xi1>, vector<16xi32>
    %swap3A_179 = arith.constant 48 : index
    %swap3A_180 = tpu.vector_load %arg14[%swap3A_179] {strides = array<i32>} : memref<80xi32, #tpu.memory_space<vmem>>, vector<16xi32>,
    %swap3A_181 = vector.shape_cast %swap3A_180 : vector<16xi32> to vector<16xi32>
    %swap3A_182 = vector.shape_cast %select_n3A_178 : vector<16xi32> to vector<16xi32>
    tpu.vector_store %arg14[%swap3A_179], %swap3A_182 {strides = array<i32>} : memref<80xi32, #tpu.memory_space<vmem>>, vector<16xi32>,
    %get3A_183 = arith.constant 124 : i32
    %get3A_184 = arith.index_cast %get3A_183 : i32 to index
    %get3A_185 = arith.constant 64 : index
    %get3A_186 = tpu.vector_load %arg6[%get3A_184, %get3A_185] {strides = array<i32>} : memref<125x80xi32, #tpu.memory_space<vmem>>, vector<1x16xi32>,
    %get3A_187 = vector.shape_cast %get3A_186 : vector<1x16xi32> to vector<16xi32>
    %eq3A_188 = vector.broadcast %squeeze3A_86 : i32 to vector<16xi32>
    %eq3A_189 = arith.cmpi eq, %get3A_187, %eq3A_188 : vector<16xi32>
    %eq3A_190 = vector.broadcast %squeeze3A : i32 to vector<16xi32>
    %eq3A_191 = arith.cmpi eq, %get3A_187, %eq3A_190 : vector<16xi32>
    %broadcast_in_dim3A_192 = vector.broadcast %add3A_92 : i32 to vector<16xi32>
    %select_n3A_193 = arith.select %eq3A_191, %broadcast_in_dim3A_192, %get3A_187 : vector<16xi1>, vector<16xi32>
    %broadcast_in_dim3A_194 = vector.broadcast %add3A_90 : i32 to vector<16xi32>
    %select_n3A_195 = arith.select %eq3A_189, %broadcast_in_dim3A_194, %select_n3A_193 : vector<16xi1>, vector<16xi32>
    %swap3A_196 = arith.constant 64 : index
    %swap3A_197 = tpu.vector_load %arg14[%swap3A_196] {strides = array<i32>} : memref<80xi32, #tpu.memory_space<vmem>>, vector<16xi32>,
    %swap3A_198 = vector.shape_cast %swap3A_197 : vector<16xi32> to vector<16xi32>
    %swap3A_199 = vector.shape_cast %select_n3A_195 : vector<16xi32> to vector<16xi32>
    tpu.vector_store %arg14[%swap3A_196], %swap3A_199 {strides = array<i32>} : memref<80xi32, #tpu.memory_space<vmem>>, vector<16xi32>,
    "tpu.region"() ({
      %run_scoped3A = tpu.sem_alloc : memref<!tpu.dma_semaphore, #tpu.memory_space<semaphore_mem>>
      %dma_start3A_250 = arith.constant 0 : i32
      %dma_start3A_251 = arith.constant 0 : i32
      %dma_start3A_252 = tpu.memref_slice %arg17[%dma_start3A_250, %dma_start3A_251] : memref<10240x128xf32, #tpu.memory_space<vmem_shared>> -> memref<10240x128xf32, #tpu.memory_space<vmem_shared>>
      tpu.enqueue_indirect_dma source(%arg7 : memref<80x128xf32, #tpu.memory_space<vmem>>) target(%dma_start3A_252 : memref<10240x128xf32, #tpu.memory_space<vmem_shared>>) offsets(%arg14 : memref<80xi32, #tpu.memory_space<vmem>>) semaphore(%run_scoped3A : memref<!tpu.dma_semaphore, #tpu.memory_space<semaphore_mem>>) {add = true}
      %dma_wait3A_253 = arith.constant 0 : i32
      %dma_wait3A_254 = arith.constant 0 : i32
      %dma_wait3A_255 = tpu.memref_slice %arg17[%dma_wait3A_253, %dma_wait3A_254] : memref<10240x128xf32, #tpu.memory_space<vmem_shared>> -> memref<10240x128xf32, #tpu.memory_space<vmem_shared>>
      tpu.wait_indirect_dma semaphore(%run_scoped3A : memref<!tpu.dma_semaphore, #tpu.memory_space<semaphore_mem>>) src(%arg7 : memref<80x128xf32, #tpu.memory_space<vmem>>) dst(%dma_wait3A_255 : memref<10240x128xf32, #tpu.memory_space<vmem_shared>>)
      tpu.yield
    }) : () -> ()
    "tpu.region"() ({
      %run_scoped3A = tpu.sem_alloc : memref<!tpu.dma_semaphore, #tpu.memory_space<semaphore_mem>>
      %dma_start3A_250 = arith.constant 0 : i32
      %dma_start3A_251 = tpu.memref_slice %arg18[%dma_start3A_250] : memref<10240xf32, #tpu.memory_space<vmem_shared>> -> memref<10240xf32, #tpu.memory_space<vmem_shared>>
      tpu.enqueue_indirect_dma source(%arg9 : memref<80xf32, #tpu.memory_space<vmem>>) target(%dma_start3A_251 : memref<10240xf32, #tpu.memory_space<vmem_shared>>) offsets(%arg14 : memref<80xi32, #tpu.memory_space<vmem>>) semaphore(%run_scoped3A : memref<!tpu.dma_semaphore, #tpu.memory_space<semaphore_mem>>) {add = true}
      %dma_wait3A_252 = arith.constant 0 : i32
      %dma_wait3A_253 = tpu.memref_slice %arg18[%dma_wait3A_252] : memref<10240xf32, #tpu.memory_space<vmem_shared>> -> memref<10240xf32, #tpu.memory_space<vmem_shared>>
      tpu.wait_indirect_dma semaphore(%run_scoped3A : memref<!tpu.dma_semaphore, #tpu.memory_space<semaphore_mem>>) src(%arg9 : memref<80xf32, #tpu.memory_space<vmem>>) dst(%dma_wait3A_253 : memref<10240xf32, #tpu.memory_space<vmem_shared>>)
      tpu.yield
    }) : () -> ()
    %add3A_200 = arith.constant 9920 : i32
    %add3A_201 = arith.addi %mul3A_94, %add3A_200 : i32
    %dma_wait3A_202 = arith.constant 0 : i32
    %dma_wait3A_203 = tpu.memref_slice %arg2[%add3A_201, %dma_wait3A_202] : memref<320000x128xf32, #tpu.memory_space<hbm>> -> memref<80x128xf32, #tpu.memory_space<hbm>>
    %dma_wait3A_204 = arith.constant 0 : i32
    %dma_wait3A_205 = tpu.memref_slice %arg2[%add3A_201, %dma_wait3A_204] : memref<320000x128xf32, #tpu.memory_space<hbm>> -> memref<80x128xf32, #tpu.memory_space<hbm>>
    tpu.wait_dma2 semaphore(%arg16 : memref<!tpu.dma_semaphore, #tpu.memory_space<semaphore_mem>>) src(%dma_wait3A_205 : memref<80x128xf32, #tpu.memory_space<hbm>>) dst(%arg8 : memref<80x128xf32, #tpu.memory_space<vmem>>)
    %barrier3A_206 = arith.constant 0 : index
    tpu.barrier barrier_id(%barrier3A_206)
    %iota3A = tpu.iota {dimensions = array<i32: 0>} : vector<16xi32>
    %eq3A_207 = arith.constant 0 : i32
    %eq3A_208 = arith.cmpi eq, %arg1, %eq3A_207 : i32
    %convert_element_type3A = arith.extui %eq3A_208 : i1 to i32
    %cond3A = arith.constant 0 : i32
    %cond3A_209 = arith.cmpi ne, %convert_element_type3A, %cond3A : i32
    scf.if %cond3A_209 {
      %mul3A_250 = arith.constant 16 : i32
      %mul3A_251 = arith.muli %arg0, %mul3A_250 : i32
      %add3A_252 = arith.constant 0 : i32
      %add3A_253 = arith.addi %mul3A_251, %add3A_252 : i32
      %run_scoped3A = arith.constant 0 : i32
      "tpu.region"() ({
        %run_scoped3A_696 = tpu.sem_alloc : memref<!tpu.dma_semaphore, #tpu.memory_space<semaphore_mem>>
        %dma_start3A_697 = arith.constant 0 : i32
        %dma_start3A_698 = tpu.memref_slice %arg3[%add3A_253, %run_scoped3A, %dma_start3A_697] : memref<32x125x80xi32, #tpu.memory_space<hbm>> -> memref<1x1x16xi32, #tpu.memory_space<hbm>>
        %dma_start3A_699 = tpu.memref_squeeze %dma_start3A_698 : memref<1x1x16xi32, #tpu.memory_space<hbm>> -> memref<16xi32, #tpu.memory_space<hbm>>
        %dma_start3A_700 = arith.constant 0 : i32
        %dma_start3A_701 = tpu.memref_slice %arg3[%add3A_253, %run_scoped3A, %dma_start3A_700] : memref<32x125x80xi32, #tpu.memory_space<hbm>> -> memref<1x1x16xi32, #tpu.memory_space<hbm>>
        %dma_start3A_702 = tpu.memref_squeeze %dma_start3A_701 : memref<1x1x16xi32, #tpu.memory_space<hbm>> -> memref<16xi32, #tpu.memory_space<hbm>>
        tpu.enqueue_dma source(%dma_start3A_702 : memref<16xi32, #tpu.memory_space<hbm>>) target(%arg11 : memref<16xi32, #tpu.memory_space<vmem>>) target_semaphore(%run_scoped3A_696 : memref<!tpu.dma_semaphore, #tpu.memory_space<semaphore_mem>>)
        %dma_wait3A_703 = arith.constant 0 : i32
        %dma_wait3A_704 = tpu.memref_slice %arg3[%add3A_253, %run_scoped3A, %dma_wait3A_703] : memref<32x125x80xi32, #tpu.memory_space<hbm>> -> memref<1x1x16xi32, #tpu.memory_space<hbm>>
        %dma_wait3A_705 = tpu.memref_squeeze %dma_wait3A_704 : memref<1x1x16xi32, #tpu.memory_space<hbm>> -> memref<16xi32, #tpu.memory_space<hbm>>
        %dma_wait3A_706 = arith.constant 0 : i32
        %dma_wait3A_707 = tpu.memref_slice %arg3[%add3A_253, %run_scoped3A, %dma_wait3A_706] : memref<32x125x80xi32, #tpu.memory_space<hbm>> -> memref<1x1x16xi32, #tpu.memory_space<hbm>>
        %dma_wait3A_708 = tpu.memref_squeeze %dma_wait3A_707 : memref<1x1x16xi32, #tpu.memory_space<hbm>> -> memref<16xi32, #tpu.memory_space<hbm>>
        tpu.wait_dma2 semaphore(%run_scoped3A_696 : memref<!tpu.dma_semaphore, #tpu.memory_space<semaphore_mem>>) src(%dma_wait3A_708 : memref<16xi32, #tpu.memory_space<hbm>>) dst(%arg11 : memref<16xi32, #tpu.memory_space<vmem>>)
        tpu.yield
      }) : () -> ()
      %get3A_254 = arith.constant 0 : index
      %get3A_255 = tpu.vector_load %arg11[%get3A_254] {strides = array<i32>} : memref<16xi32, #tpu.memory_space<vmem>>, vector<16xi32>,
      %get3A_256 = vector.shape_cast %get3A_255 : vector<16xi32> to vector<16xi32>
      %slice3A_257 = vector.extract_strided_slice %get3A_256 {offsets = [0], sizes = [1], strides = [1]} : vector<16xi32> to vector<1xi32>
      %squeeze3A_258 = vector.extract %slice3A_257[0] : i32 from vector<1xi32>
      %run_scoped3A_259 = arith.constant 124 : i32
      "tpu.region"() ({
        %run_scoped3A_696 = tpu.sem_alloc : memref<!tpu.dma_semaphore, #tpu.memory_space<semaphore_mem>>
        %dma_start3A_697 = arith.constant 64 : i32
        %dma_start3A_698 = tpu.memref_slice %arg3[%add3A_253, %run_scoped3A_259, %dma_start3A_697] : memref<32x125x80xi32, #tpu.memory_space<hbm>> -> memref<1x1x16xi32, #tpu.memory_space<hbm>>
        %dma_start3A_699 = tpu.memref_squeeze %dma_start3A_698 : memref<1x1x16xi32, #tpu.memory_space<hbm>> -> memref<16xi32, #tpu.memory_space<hbm>>
        %dma_start3A_700 = arith.constant 64 : i32
        %dma_start3A_701 = tpu.memref_slice %arg3[%add3A_253, %run_scoped3A_259, %dma_start3A_700] : memref<32x125x80xi32, #tpu.memory_space<hbm>> -> memref<1x1x16xi32, #tpu.memory_space<hbm>>
        %dma_start3A_702 = tpu.memref_squeeze %dma_start3A_701 : memref<1x1x16xi32, #tpu.memory_space<hbm>> -> memref<16xi32, #tpu.memory_space<hbm>>
        tpu.enqueue_dma source(%dma_start3A_702 : memref<16xi32, #tpu.memory_space<hbm>>) target(%arg11 : memref<16xi32, #tpu.memory_space<vmem>>) target_semaphore(%run_scoped3A_696 : memref<!tpu.dma_semaphore, #tpu.memory_space<semaphore_mem>>)
        %dma_wait3A_703 = arith.constant 64 : i32
        %dma_wait3A_704 = tpu.memref_slice %arg3[%add3A_253, %run_scoped3A_259, %dma_wait3A_703] : memref<32x125x80xi32, #tpu.memory_space<hbm>> -> memref<1x1x16xi32, #tpu.memory_space<hbm>>
        %dma_wait3A_705 = tpu.memref_squeeze %dma_wait3A_704 : memref<1x1x16xi32, #tpu.memory_space<hbm>> -> memref<16xi32, #tpu.memory_space<hbm>>
        %dma_wait3A_706 = arith.constant 64 : i32
        %dma_wait3A_707 = tpu.memref_slice %arg3[%add3A_253, %run_scoped3A_259, %dma_wait3A_706] : memref<32x125x80xi32, #tpu.memory_space<hbm>> -> memref<1x1x16xi32, #tpu.memory_space<hbm>>
        %dma_wait3A_708 = tpu.memref_squeeze %dma_wait3A_707 : memref<1x1x16xi32, #tpu.memory_space<hbm>> -> memref<16xi32, #tpu.memory_space<hbm>>
        tpu.wait_dma2 semaphore(%run_scoped3A_696 : memref<!tpu.dma_semaphore, #tpu.memory_space<semaphore_mem>>) src(%dma_wait3A_708 : memref<16xi32, #tpu.memory_space<hbm>>) dst(%arg11 : memref<16xi32, #tpu.memory_space<vmem>>)
        tpu.yield
      }) : () -> ()
      %get3A_260 = arith.constant 0 : index
      %get3A_261 = tpu.vector_load %arg11[%get3A_260] {strides = array<i32>} : memref<16xi32, #tpu.memory_space<vmem>>, vector<16xi32>,
      %get3A_262 = vector.shape_cast %get3A_261 : vector<16xi32> to vector<16xi32>
      %slice3A_263 = vector.extract_strided_slice %get3A_262 {offsets = [15], sizes = [1], strides = [1]} : vector<16xi32> to vector<1xi32>
      %squeeze3A_264 = vector.extract %slice3A_263[0] : i32 from vector<1xi32>
      %eq3A_265 = arith.constant 0 : i32
      %eq3A_266 = vector.broadcast %eq3A_265 : i32 to vector<16xi32>
      %eq3A_267 = arith.cmpi eq, %iota3A, %eq3A_266 : vector<16xi32>
      %eq3A_268 = arith.constant 1 : i32
      %eq3A_269 = vector.broadcast %eq3A_268 : i32 to vector<16xi32>
      %eq3A_270 = arith.cmpi eq, %iota3A, %eq3A_269 : vector<16xi32>
      %jit3A = arith.constant 10200 : i32
      %broadcast_in_dim3A_271 = vector.broadcast %squeeze3A_264 : i32 to vector<16xi32>
      %broadcast_in_dim3A_272 = vector.broadcast %jit3A : i32 to vector<16xi32>
      %select_n3A_273 = arith.select %eq3A_270, %broadcast_in_dim3A_271, %broadcast_in_dim3A_272 : vector<16xi1>, vector<16xi32>
      %broadcast_in_dim3A_274 = vector.broadcast %squeeze3A_258 : i32 to vector<16xi32>
      %select_n3A_275 = arith.select %eq3A_267, %broadcast_in_dim3A_274, %select_n3A_273 : vector<16xi1>, vector<16xi32>
      "tpu.region"() ({
        %run_scoped3A_696 = tpu.sem_alloc : memref<!tpu.dma_semaphore, #tpu.memory_space<semaphore_mem>>
        %dma_start3A_697 = arith.constant 10000 : i32
        %dma_start3A_698 = arith.constant 0 : i32
        %dma_start3A_699 = tpu.memref_slice %arg17[%dma_start3A_697, %dma_start3A_698] : memref<10240x128xf32, #tpu.memory_space<vmem_shared>> -> memref<16x128xf32, #tpu.memory_space<vmem_shared>>
        %dma_start3A_700 = arith.constant 10000 : i32
        %dma_start3A_701 = arith.constant 0 : i32
        %dma_start3A_702 = tpu.memref_slice %arg17[%dma_start3A_700, %dma_start3A_701] : memref<10240x128xf32, #tpu.memory_space<vmem_shared>> -> memref<16x128xf32, #tpu.memory_space<vmem_shared>>
        tpu.enqueue_dma source(%dma_start3A_702 : memref<16x128xf32, #tpu.memory_space<vmem_shared>>) target(%arg12 : memref<16x128xf32, #tpu.memory_space<vmem>>) target_semaphore(%run_scoped3A_696 : memref<!tpu.dma_semaphore, #tpu.memory_space<semaphore_mem>>)
        %dma_wait3A_703 = arith.constant 10000 : i32
        %dma_wait3A_704 = arith.constant 0 : i32
        %dma_wait3A_705 = tpu.memref_slice %arg17[%dma_wait3A_703, %dma_wait3A_704] : memref<10240x128xf32, #tpu.memory_space<vmem_shared>> -> memref<16x128xf32, #tpu.memory_space<vmem_shared>>
        %dma_wait3A_706 = arith.constant 10000 : i32
        %dma_wait3A_707 = arith.constant 0 : i32
        %dma_wait3A_708 = tpu.memref_slice %arg17[%dma_wait3A_706, %dma_wait3A_707] : memref<10240x128xf32, #tpu.memory_space<vmem_shared>> -> memref<16x128xf32, #tpu.memory_space<vmem_shared>>
        tpu.wait_dma2 semaphore(%run_scoped3A_696 : memref<!tpu.dma_semaphore, #tpu.memory_space<semaphore_mem>>) src(%dma_wait3A_708 : memref<16x128xf32, #tpu.memory_space<vmem_shared>>) dst(%arg12 : memref<16x128xf32, #tpu.memory_space<vmem>>)
        tpu.yield
      }) : () -> ()
      "tpu.region"() ({
        %run_scoped3A_696 = tpu.sem_alloc : memref<!tpu.dma_semaphore, #tpu.memory_space<semaphore_mem>>
        %dma_start3A_697 = arith.constant 0 : i32
        %dma_start3A_698 = arith.constant 0 : i32
        %dma_start3A_699 = tpu.memref_slice %arg17[%dma_start3A_697, %dma_start3A_698] : memref<10240x128xf32, #tpu.memory_space<vmem_shared>> -> memref<10240x128xf32, #tpu.memory_space<vmem_shared>>
        tpu.enqueue_indirect_dma source(%arg12 : memref<16x128xf32, #tpu.memory_space<vmem>>) target(%dma_start3A_699 : memref<10240x128xf32, #tpu.memory_space<vmem_shared>>) offsets(%select_n3A_275 : vector<16xi32>) semaphore(%run_scoped3A_696 : memref<!tpu.dma_semaphore, #tpu.memory_space<semaphore_mem>>) {add = true}
        %dma_wait3A_700 = arith.constant 0 : i32
        %dma_wait3A_701 = arith.constant 0 : i32
        %dma_wait3A_702 = tpu.memref_slice %arg17[%dma_wait3A_700, %dma_wait3A_701] : memref<10240x128xf32, #tpu.memory_space<vmem_shared>> -> memref<10240x128xf32, #tpu.memory_space<vmem_shared>>
        tpu.wait_indirect_dma semaphore(%run_scoped3A_696 : memref<!tpu.dma_semaphore, #tpu.memory_space<semaphore_mem>>) src(%arg12 : memref<16x128xf32, #tpu.memory_space<vmem>>) dst(%dma_wait3A_702 : memref<10240x128xf32, #tpu.memory_space<vmem_shared>>)
        tpu.yield
      }) : () -> ()
      "tpu.region"() ({
        %run_scoped3A_696 = tpu.sem_alloc : memref<!tpu.dma_semaphore, #tpu.memory_space<semaphore_mem>>
        %dma_start3A_697 = arith.constant 10000 : i32
        %dma_start3A_698 = tpu.memref_slice %arg18[%dma_start3A_697] : memref<10240xf32, #tpu.memory_space<vmem_shared>> -> memref<16xf32, #tpu.memory_space<vmem_shared>>
        %dma_start3A_699 = arith.constant 10000 : i32
        %dma_start3A_700 = tpu.memref_slice %arg18[%dma_start3A_699] : memref<10240xf32, #tpu.memory_space<vmem_shared>> -> memref<16xf32, #tpu.memory_space<vmem_shared>>
        tpu.enqueue_dma source(%dma_start3A_700 : memref<16xf32, #tpu.memory_space<vmem_shared>>) target(%arg13 : memref<16xf32, #tpu.memory_space<vmem>>) target_semaphore(%run_scoped3A_696 : memref<!tpu.dma_semaphore, #tpu.memory_space<semaphore_mem>>)
        %dma_wait3A_701 = arith.constant 10000 : i32
        %dma_wait3A_702 = tpu.memref_slice %arg18[%dma_wait3A_701] : memref<10240xf32, #tpu.memory_space<vmem_shared>> -> memref<16xf32, #tpu.memory_space<vmem_shared>>
        %dma_wait3A_703 = arith.constant 10000 : i32
        %dma_wait3A_704 = tpu.memref_slice %arg18[%dma_wait3A_703] : memref<10240xf32, #tpu.memory_space<vmem_shared>> -> memref<16xf32, #tpu.memory_space<vmem_shared>>
        tpu.wait_dma2 semaphore(%run_scoped3A_696 : memref<!tpu.dma_semaphore, #tpu.memory_space<semaphore_mem>>) src(%dma_wait3A_704 : memref<16xf32, #tpu.memory_space<vmem_shared>>) dst(%arg13 : memref<16xf32, #tpu.memory_space<vmem>>)
        tpu.yield
      }) : () -> ()
      "tpu.region"() ({
        %run_scoped3A_696 = tpu.sem_alloc : memref<!tpu.dma_semaphore, #tpu.memory_space<semaphore_mem>>
        %dma_start3A_697 = arith.constant 0 : i32
        %dma_start3A_698 = tpu.memref_slice %arg18[%dma_start3A_697] : memref<10240xf32, #tpu.memory_space<vmem_shared>> -> memref<10240xf32, #tpu.memory_space<vmem_shared>>
        tpu.enqueue_indirect_dma source(%arg13 : memref<16xf32, #tpu.memory_space<vmem>>) target(%dma_start3A_698 : memref<10240xf32, #tpu.memory_space<vmem_shared>>) offsets(%select_n3A_275 : vector<16xi32>) semaphore(%run_scoped3A_696 : memref<!tpu.dma_semaphore, #tpu.memory_space<semaphore_mem>>) {add = true}
        %dma_wait3A_699 = arith.constant 0 : i32
        %dma_wait3A_700 = tpu.memref_slice %arg18[%dma_wait3A_699] : memref<10240xf32, #tpu.memory_space<vmem_shared>> -> memref<10240xf32, #tpu.memory_space<vmem_shared>>
        tpu.wait_indirect_dma semaphore(%run_scoped3A_696 : memref<!tpu.dma_semaphore, #tpu.memory_space<semaphore_mem>>) src(%arg13 : memref<16xf32, #tpu.memory_space<vmem>>) dst(%dma_wait3A_700 : memref<10240xf32, #tpu.memory_space<vmem_shared>>)
        tpu.yield
      }) : () -> ()
      %mul3A_276 = arith.constant 16 : i32
      %mul3A_277 = arith.muli %arg0, %mul3A_276 : i32
      %add3A_278 = arith.constant 1 : i32
      %add3A_279 = arith.addi %mul3A_277, %add3A_278 : i32
      %run_scoped3A_280 = arith.constant 0 : i32
      "tpu.region"() ({
        %run_scoped3A_696 = tpu.sem_alloc : memref<!tpu.dma_semaphore, #tpu.memory_space<semaphore_mem>>
        %dma_start3A_697 = arith.constant 0 : i32
        %dma_start3A_698 = tpu.memref_slice %arg3[%add3A_279, %run_scoped3A_280, %dma_start3A_697] : memref<32x125x80xi32, #tpu.memory_space<hbm>> -> memref<1x1x16xi32, #tpu.memory_space<hbm>>
        %dma_start3A_699 = tpu.memref_squeeze %dma_start3A_698 : memref<1x1x16xi32, #tpu.memory_space<hbm>> -> memref<16xi32, #tpu.memory_space<hbm>>
        %dma_start3A_700 = arith.constant 0 : i32
        %dma_start3A_701 = tpu.memref_slice %arg3[%add3A_279, %run_scoped3A_280, %dma_start3A_700] : memref<32x125x80xi32, #tpu.memory_space<hbm>> -> memref<1x1x16xi32, #tpu.memory_space<hbm>>
        %dma_start3A_702 = tpu.memref_squeeze %dma_start3A_701 : memref<1x1x16xi32, #tpu.memory_space<hbm>> -> memref<16xi32, #tpu.memory_space<hbm>>
        tpu.enqueue_dma source(%dma_start3A_702 : memref<16xi32, #tpu.memory_space<hbm>>) target(%arg11 : memref<16xi32, #tpu.memory_space<vmem>>) target_semaphore(%run_scoped3A_696 : memref<!tpu.dma_semaphore, #tpu.memory_space<semaphore_mem>>)
        %dma_wait3A_703 = arith.constant 0 : i32
        %dma_wait3A_704 = tpu.memref_slice %arg3[%add3A_279, %run_scoped3A_280, %dma_wait3A_703] : memref<32x125x80xi32, #tpu.memory_space<hbm>> -> memref<1x1x16xi32, #tpu.memory_space<hbm>>
        %dma_wait3A_705 = tpu.memref_squeeze %dma_wait3A_704 : memref<1x1x16xi32, #tpu.memory_space<hbm>> -> memref<16xi32, #tpu.memory_space<hbm>>
        %dma_wait3A_706 = arith.constant 0 : i32
        %dma_wait3A_707 = tpu.memref_slice %arg3[%add3A_279, %run_scoped3A_280, %dma_wait3A_706] : memref<32x125x80xi32, #tpu.memory_space<hbm>> -> memref<1x1x16xi32, #tpu.memory_space<hbm>>
        %dma_wait3A_708 = tpu.memref_squeeze %dma_wait3A_707 : memref<1x1x16xi32, #tpu.memory_space<hbm>> -> memref<16xi32, #tpu.memory_space<hbm>>
        tpu.wait_dma2 semaphore(%run_scoped3A_696 : memref<!tpu.dma_semaphore, #tpu.memory_space<semaphore_mem>>) src(%dma_wait3A_708 : memref<16xi32, #tpu.memory_space<hbm>>) dst(%arg11 : memref<16xi32, #tpu.memory_space<vmem>>)
        tpu.yield
      }) : () -> ()
      %get3A_281 = arith.constant 0 : index
      %get3A_282 = tpu.vector_load %arg11[%get3A_281] {strides = array<i32>} : memref<16xi32, #tpu.memory_space<vmem>>, vector<16xi32>,
      %get3A_283 = vector.shape_cast %get3A_282 : vector<16xi32> to vector<16xi32>
      %slice3A_284 = vector.extract_strided_slice %get3A_283 {offsets = [0], sizes = [1], strides = [1]} : vector<16xi32> to vector<1xi32>
      %squeeze3A_285 = vector.extract %slice3A_284[0] : i32 from vector<1xi32>
      %run_scoped3A_286 = arith.constant 124 : i32
      "tpu.region"() ({
        %run_scoped3A_696 = tpu.sem_alloc : memref<!tpu.dma_semaphore, #tpu.memory_space<semaphore_mem>>
        %dma_start3A_697 = arith.constant 64 : i32
        %dma_start3A_698 = tpu.memref_slice %arg3[%add3A_279, %run_scoped3A_286, %dma_start3A_697] : memref<32x125x80xi32, #tpu.memory_space<hbm>> -> memref<1x1x16xi32, #tpu.memory_space<hbm>>
        %dma_start3A_699 = tpu.memref_squeeze %dma_start3A_698 : memref<1x1x16xi32, #tpu.memory_space<hbm>> -> memref<16xi32, #tpu.memory_space<hbm>>
        %dma_start3A_700 = arith.constant 64 : i32
        %dma_start3A_701 = tpu.memref_slice %arg3[%add3A_279, %run_scoped3A_286, %dma_start3A_700] : memref<32x125x80xi32, #tpu.memory_space<hbm>> -> memref<1x1x16xi32, #tpu.memory_space<hbm>>
        %dma_start3A_702 = tpu.memref_squeeze %dma_start3A_701 : memref<1x1x16xi32, #tpu.memory_space<hbm>> -> memref<16xi32, #tpu.memory_space<hbm>>
        tpu.enqueue_dma source(%dma_start3A_702 : memref<16xi32, #tpu.memory_space<hbm>>) target(%arg11 : memref<16xi32, #tpu.memory_space<vmem>>) target_semaphore(%run_scoped3A_696 : memref<!tpu.dma_semaphore, #tpu.memory_space<semaphore_mem>>)
        %dma_wait3A_703 = arith.constant 64 : i32
        %dma_wait3A_704 = tpu.memref_slice %arg3[%add3A_279, %run_scoped3A_286, %dma_wait3A_703] : memref<32x125x80xi32, #tpu.memory_space<hbm>> -> memref<1x1x16xi32, #tpu.memory_space<hbm>>
        %dma_wait3A_705 = tpu.memref_squeeze %dma_wait3A_704 : memref<1x1x16xi32, #tpu.memory_space<hbm>> -> memref<16xi32, #tpu.memory_space<hbm>>
        %dma_wait3A_706 = arith.constant 64 : i32
        %dma_wait3A_707 = tpu.memref_slice %arg3[%add3A_279, %run_scoped3A_286, %dma_wait3A_706] : memref<32x125x80xi32, #tpu.memory_space<hbm>> -> memref<1x1x16xi32, #tpu.memory_space<hbm>>
        %dma_wait3A_708 = tpu.memref_squeeze %dma_wait3A_707 : memref<1x1x16xi32, #tpu.memory_space<hbm>> -> memref<16xi32, #tpu.memory_space<hbm>>
        tpu.wait_dma2 semaphore(%run_scoped3A_696 : memref<!tpu.dma_semaphore, #tpu.memory_space<semaphore_mem>>) src(%dma_wait3A_708 : memref<16xi32, #tpu.memory_space<hbm>>) dst(%arg11 : memref<16xi32, #tpu.memory_space<vmem>>)
        tpu.yield
      }) : () -> ()
      %get3A_287 = arith.constant 0 : index
      %get3A_288 = tpu.vector_load %arg11[%get3A_287] {strides = array<i32>} : memref<16xi32, #tpu.memory_space<vmem>>, vector<16xi32>,
      %get3A_289 = vector.shape_cast %get3A_288 : vector<16xi32> to vector<16xi32>
      %slice3A_290 = vector.extract_strided_slice %get3A_289 {offsets = [15], sizes = [1], strides = [1]} : vector<16xi32> to vector<1xi32>
      %squeeze3A_291 = vector.extract %slice3A_290[0] : i32 from vector<1xi32>
      %eq3A_292 = arith.constant 0 : i32
      %eq3A_293 = vector.broadcast %eq3A_292 : i32 to vector<16xi32>
      %eq3A_294 = arith.cmpi eq, %iota3A, %eq3A_293 : vector<16xi32>
      %eq3A_295 = arith.constant 1 : i32
      %eq3A_296 = vector.broadcast %eq3A_295 : i32 to vector<16xi32>
      %eq3A_297 = arith.cmpi eq, %iota3A, %eq3A_296 : vector<16xi32>
      %jit3A_298 = arith.constant 10200 : i32
      %broadcast_in_dim3A_299 = vector.broadcast %squeeze3A_291 : i32 to vector<16xi32>
      %broadcast_in_dim3A_300 = vector.broadcast %jit3A_298 : i32 to vector<16xi32>
      %select_n3A_301 = arith.select %eq3A_297, %broadcast_in_dim3A_299, %broadcast_in_dim3A_300 : vector<16xi1>, vector<16xi32>
      %broadcast_in_dim3A_302 = vector.broadcast %squeeze3A_285 : i32 to vector<16xi32>
      %select_n3A_303 = arith.select %eq3A_294, %broadcast_in_dim3A_302, %select_n3A_301 : vector<16xi1>, vector<16xi32>
      "tpu.region"() ({
        %run_scoped3A_696 = tpu.sem_alloc : memref<!tpu.dma_semaphore, #tpu.memory_space<semaphore_mem>>
        %dma_start3A_697 = arith.constant 10008 : i32
        %dma_start3A_698 = arith.constant 0 : i32
        %dma_start3A_699 = tpu.memref_slice %arg17[%dma_start3A_697, %dma_start3A_698] : memref<10240x128xf32, #tpu.memory_space<vmem_shared>> -> memref<16x128xf32, #tpu.memory_space<vmem_shared>>
        %dma_start3A_700 = arith.constant 10008 : i32
        %dma_start3A_701 = arith.constant 0 : i32
        %dma_start3A_702 = tpu.memref_slice %arg17[%dma_start3A_700, %dma_start3A_701] : memref<10240x128xf32, #tpu.memory_space<vmem_shared>> -> memref<16x128xf32, #tpu.memory_space<vmem_shared>>
        tpu.enqueue_dma source(%dma_start3A_702 : memref<16x128xf32, #tpu.memory_space<vmem_shared>>) target(%arg12 : memref<16x128xf32, #tpu.memory_space<vmem>>) target_semaphore(%run_scoped3A_696 : memref<!tpu.dma_semaphore, #tpu.memory_space<semaphore_mem>>)
        %dma_wait3A_703 = arith.constant 10008 : i32
        %dma_wait3A_704 = arith.constant 0 : i32
        %dma_wait3A_705 = tpu.memref_slice %arg17[%dma_wait3A_703, %dma_wait3A_704] : memref<10240x128xf32, #tpu.memory_space<vmem_shared>> -> memref<16x128xf32, #tpu.memory_space<vmem_shared>>
        %dma_wait3A_706 = arith.constant 10008 : i32
        %dma_wait3A_707 = arith.constant 0 : i32
        %dma_wait3A_708 = tpu.memref_slice %arg17[%dma_wait3A_706, %dma_wait3A_707] : memref<10240x128xf32, #tpu.memory_space<vmem_shared>> -> memref<16x128xf32, #tpu.memory_space<vmem_shared>>
        tpu.wait_dma2 semaphore(%run_scoped3A_696 : memref<!tpu.dma_semaphore, #tpu.memory_space<semaphore_mem>>) src(%dma_wait3A_708 : memref<16x128xf32, #tpu.memory_space<vmem_shared>>) dst(%arg12 : memref<16x128xf32, #tpu.memory_space<vmem>>)
        tpu.yield
      }) : () -> ()
      "tpu.region"() ({
        %run_scoped3A_696 = tpu.sem_alloc : memref<!tpu.dma_semaphore, #tpu.memory_space<semaphore_mem>>
        %dma_start3A_697 = arith.constant 0 : i32
        %dma_start3A_698 = arith.constant 0 : i32
        %dma_start3A_699 = tpu.memref_slice %arg17[%dma_start3A_697, %dma_start3A_698] : memref<10240x128xf32, #tpu.memory_space<vmem_shared>> -> memref<10240x128xf32, #tpu.memory_space<vmem_shared>>
        tpu.enqueue_indirect_dma source(%arg12 : memref<16x128xf32, #tpu.memory_space<vmem>>) target(%dma_start3A_699 : memref<10240x128xf32, #tpu.memory_space<vmem_shared>>) offsets(%select_n3A_303 : vector<16xi32>) semaphore(%run_scoped3A_696 : memref<!tpu.dma_semaphore, #tpu.memory_space<semaphore_mem>>) {add = true}
        %dma_wait3A_700 = arith.constant 0 : i32
        %dma_wait3A_701 = arith.constant 0 : i32
        %dma_wait3A_702 = tpu.memref_slice %arg17[%dma_wait3A_700, %dma_wait3A_701] : memref<10240x128xf32, #tpu.memory_space<vmem_shared>> -> memref<10240x128xf32, #tpu.memory_space<vmem_shared>>
        tpu.wait_indirect_dma semaphore(%run_scoped3A_696 : memref<!tpu.dma_semaphore, #tpu.memory_space<semaphore_mem>>) src(%arg12 : memref<16x128xf32, #tpu.memory_space<vmem>>) dst(%dma_wait3A_702 : memref<10240x128xf32, #tpu.memory_space<vmem_shared>>)
        tpu.yield
      }) : () -> ()
      "tpu.region"() ({
        %run_scoped3A_696 = tpu.sem_alloc : memref<!tpu.dma_semaphore, #tpu.memory_space<semaphore_mem>>
        %dma_start3A_697 = arith.constant 10008 : i32
        %dma_start3A_698 = tpu.memref_slice %arg18[%dma_start3A_697] : memref<10240xf32, #tpu.memory_space<vmem_shared>> -> memref<16xf32, #tpu.memory_space<vmem_shared>>
        %dma_start3A_699 = arith.constant 10008 : i32
        %dma_start3A_700 = tpu.memref_slice %arg18[%dma_start3A_699] : memref<10240xf32, #tpu.memory_space<vmem_shared>> -> memref<16xf32, #tpu.memory_space<vmem_shared>>
        tpu.enqueue_dma source(%dma_start3A_700 : memref<16xf32, #tpu.memory_space<vmem_shared>>) target(%arg13 : memref<16xf32, #tpu.memory_space<vmem>>) target_semaphore(%run_scoped3A_696 : memref<!tpu.dma_semaphore, #tpu.memory_space<semaphore_mem>>)
        %dma_wait3A_701 = arith.constant 10008 : i32
        %dma_wait3A_702 = tpu.memref_slice %arg18[%dma_wait3A_701] : memref<10240xf32, #tpu.memory_space<vmem_shared>> -> memref<16xf32, #tpu.memory_space<vmem_shared>>
        %dma_wait3A_703 = arith.constant 10008 : i32
        %dma_wait3A_704 = tpu.memref_slice %arg18[%dma_wait3A_703] : memref<10240xf32, #tpu.memory_space<vmem_shared>> -> memref<16xf32, #tpu.memory_space<vmem_shared>>
        tpu.wait_dma2 semaphore(%run_scoped3A_696 : memref<!tpu.dma_semaphore, #tpu.memory_space<semaphore_mem>>) src(%dma_wait3A_704 : memref<16xf32, #tpu.memory_space<vmem_shared>>) dst(%arg13 : memref<16xf32, #tpu.memory_space<vmem>>)
        tpu.yield
      }) : () -> ()
      "tpu.region"() ({
        %run_scoped3A_696 = tpu.sem_alloc : memref<!tpu.dma_semaphore, #tpu.memory_space<semaphore_mem>>
        %dma_start3A_697 = arith.constant 0 : i32
        %dma_start3A_698 = tpu.memref_slice %arg18[%dma_start3A_697] : memref<10240xf32, #tpu.memory_space<vmem_shared>> -> memref<10240xf32, #tpu.memory_space<vmem_shared>>
        tpu.enqueue_indirect_dma source(%arg13 : memref<16xf32, #tpu.memory_space<vmem>>) target(%dma_start3A_698 : memref<10240xf32, #tpu.memory_space<vmem_shared>>) offsets(%select_n3A_303 : vector<16xi32>) semaphore(%run_scoped3A_696 : memref<!tpu.dma_semaphore, #tpu.memory_space<semaphore_mem>>) {add = true}
        %dma_wait3A_699 = arith.constant 0 : i32
        %dma_wait3A_700 = tpu.memref_slice %arg18[%dma_wait3A_699] : memref<10240xf32, #tpu.memory_space<vmem_shared>> -> memref<10240xf32, #tpu.memory_space<vmem_shared>>
        tpu.wait_indirect_dma semaphore(%run_scoped3A_696 : memref<!tpu.dma_semaphore, #tpu.memory_space<semaphore_mem>>) src(%arg13 : memref<16xf32, #tpu.memory_space<vmem>>) dst(%dma_wait3A_700 : memref<10240xf32, #tpu.memory_space<vmem_shared>>)
        tpu.yield
      }) : () -> ()
      %mul3A_304 = arith.constant 16 : i32
      %mul3A_305 = arith.muli %arg0, %mul3A_304 : i32
      %add3A_306 = arith.constant 2 : i32
      %add3A_307 = arith.addi %mul3A_305, %add3A_306 : i32
      %run_scoped3A_308 = arith.constant 0 : i32
      "tpu.region"() ({
        %run_scoped3A_696 = tpu.sem_alloc : memref<!tpu.dma_semaphore, #tpu.memory_space<semaphore_mem>>
        %dma_start3A_697 = arith.constant 0 : i32
        %dma_start3A_698 = tpu.memref_slice %arg3[%add3A_307, %run_scoped3A_308, %dma_start3A_697] : memref<32x125x80xi32, #tpu.memory_space<hbm>> -> memref<1x1x16xi32, #tpu.memory_space<hbm>>
        %dma_start3A_699 = tpu.memref_squeeze %dma_start3A_698 : memref<1x1x16xi32, #tpu.memory_space<hbm>> -> memref<16xi32, #tpu.memory_space<hbm>>
        %dma_start3A_700 = arith.constant 0 : i32
        %dma_start3A_701 = tpu.memref_slice %arg3[%add3A_307, %run_scoped3A_308, %dma_start3A_700] : memref<32x125x80xi32, #tpu.memory_space<hbm>> -> memref<1x1x16xi32, #tpu.memory_space<hbm>>
        %dma_start3A_702 = tpu.memref_squeeze %dma_start3A_701 : memref<1x1x16xi32, #tpu.memory_space<hbm>> -> memref<16xi32, #tpu.memory_space<hbm>>
        tpu.enqueue_dma source(%dma_start3A_702 : memref<16xi32, #tpu.memory_space<hbm>>) target(%arg11 : memref<16xi32, #tpu.memory_space<vmem>>) target_semaphore(%run_scoped3A_696 : memref<!tpu.dma_semaphore, #tpu.memory_space<semaphore_mem>>)
        %dma_wait3A_703 = arith.constant 0 : i32
        %dma_wait3A_704 = tpu.memref_slice %arg3[%add3A_307, %run_scoped3A_308, %dma_wait3A_703] : memref<32x125x80xi32, #tpu.memory_space<hbm>> -> memref<1x1x16xi32, #tpu.memory_space<hbm>>
        %dma_wait3A_705 = tpu.memref_squeeze %dma_wait3A_704 : memref<1x1x16xi32, #tpu.memory_space<hbm>> -> memref<16xi32, #tpu.memory_space<hbm>>
        %dma_wait3A_706 = arith.constant 0 : i32
        %dma_wait3A_707 = tpu.memref_slice %arg3[%add3A_307, %run_scoped3A_308, %dma_wait3A_706] : memref<32x125x80xi32, #tpu.memory_space<hbm>> -> memref<1x1x16xi32, #tpu.memory_space<hbm>>
        %dma_wait3A_708 = tpu.memref_squeeze %dma_wait3A_707 : memref<1x1x16xi32, #tpu.memory_space<hbm>> -> memref<16xi32, #tpu.memory_space<hbm>>
        tpu.wait_dma2 semaphore(%run_scoped3A_696 : memref<!tpu.dma_semaphore, #tpu.memory_space<semaphore_mem>>) src(%dma_wait3A_708 : memref<16xi32, #tpu.memory_space<hbm>>) dst(%arg11 : memref<16xi32, #tpu.memory_space<vmem>>)
        tpu.yield
      }) : () -> ()
      %get3A_309 = arith.constant 0 : index
      %get3A_310 = tpu.vector_load %arg11[%get3A_309] {strides = array<i32>} : memref<16xi32, #tpu.memory_space<vmem>>, vector<16xi32>,
      %get3A_311 = vector.shape_cast %get3A_310 : vector<16xi32> to vector<16xi32>
      %slice3A_312 = vector.extract_strided_slice %get3A_311 {offsets = [0], sizes = [1], strides = [1]} : vector<16xi32> to vector<1xi32>
      %squeeze3A_313 = vector.extract %slice3A_312[0] : i32 from vector<1xi32>
      %run_scoped3A_314 = arith.constant 124 : i32
      "tpu.region"() ({
        %run_scoped3A_696 = tpu.sem_alloc : memref<!tpu.dma_semaphore, #tpu.memory_space<semaphore_mem>>
        %dma_start3A_697 = arith.constant 64 : i32
        %dma_start3A_698 = tpu.memref_slice %arg3[%add3A_307, %run_scoped3A_314, %dma_start3A_697] : memref<32x125x80xi32, #tpu.memory_space<hbm>> -> memref<1x1x16xi32, #tpu.memory_space<hbm>>
        %dma_start3A_699 = tpu.memref_squeeze %dma_start3A_698 : memref<1x1x16xi32, #tpu.memory_space<hbm>> -> memref<16xi32, #tpu.memory_space<hbm>>
        %dma_start3A_700 = arith.constant 64 : i32
        %dma_start3A_701 = tpu.memref_slice %arg3[%add3A_307, %run_scoped3A_314, %dma_start3A_700] : memref<32x125x80xi32, #tpu.memory_space<hbm>> -> memref<1x1x16xi32, #tpu.memory_space<hbm>>
        %dma_start3A_702 = tpu.memref_squeeze %dma_start3A_701 : memref<1x1x16xi32, #tpu.memory_space<hbm>> -> memref<16xi32, #tpu.memory_space<hbm>>
        tpu.enqueue_dma source(%dma_start3A_702 : memref<16xi32, #tpu.memory_space<hbm>>) target(%arg11 : memref<16xi32, #tpu.memory_space<vmem>>) target_semaphore(%run_scoped3A_696 : memref<!tpu.dma_semaphore, #tpu.memory_space<semaphore_mem>>)
        %dma_wait3A_703 = arith.constant 64 : i32
        %dma_wait3A_704 = tpu.memref_slice %arg3[%add3A_307, %run_scoped3A_314, %dma_wait3A_703] : memref<32x125x80xi32, #tpu.memory_space<hbm>> -> memref<1x1x16xi32, #tpu.memory_space<hbm>>
        %dma_wait3A_705 = tpu.memref_squeeze %dma_wait3A_704 : memref<1x1x16xi32, #tpu.memory_space<hbm>> -> memref<16xi32, #tpu.memory_space<hbm>>
        %dma_wait3A_706 = arith.constant 64 : i32
        %dma_wait3A_707 = tpu.memref_slice %arg3[%add3A_307, %run_scoped3A_314, %dma_wait3A_706] : memref<32x125x80xi32, #tpu.memory_space<hbm>> -> memref<1x1x16xi32, #tpu.memory_space<hbm>>
        %dma_wait3A_708 = tpu.memref_squeeze %dma_wait3A_707 : memref<1x1x16xi32, #tpu.memory_space<hbm>> -> memref<16xi32, #tpu.memory_space<hbm>>
        tpu.wait_dma2 semaphore(%run_scoped3A_696 : memref<!tpu.dma_semaphore, #tpu.memory_space<semaphore_mem>>) src(%dma_wait3A_708 : memref<16xi32, #tpu.memory_space<hbm>>) dst(%arg11 : memref<16xi32, #tpu.memory_space<vmem>>)
        tpu.yield
      }) : () -> ()
      %get3A_315 = arith.constant 0 : index
      %get3A_316 = tpu.vector_load %arg11[%get3A_315] {strides = array<i32>} : memref<16xi32, #tpu.memory_space<vmem>>, vector<16xi32>,
      %get3A_317 = vector.shape_cast %get3A_316 : vector<16xi32> to vector<16xi32>
      %slice3A_318 = vector.extract_strided_slice %get3A_317 {offsets = [15], sizes = [1], strides = [1]} : vector<16xi32> to vector<1xi32>
      %squeeze3A_319 = vector.extract %slice3A_318[0] : i32 from vector<1xi32>
      %eq3A_320 = arith.constant 0 : i32
      %eq3A_321 = vector.broadcast %eq3A_320 : i32 to vector<16xi32>
      %eq3A_322 = arith.cmpi eq, %iota3A, %eq3A_321 : vector<16xi32>
      %eq3A_323 = arith.constant 1 : i32
      %eq3A_324 = vector.broadcast %eq3A_323 : i32 to vector<16xi32>
      %eq3A_325 = arith.cmpi eq, %iota3A, %eq3A_324 : vector<16xi32>
      %jit3A_326 = arith.constant 10200 : i32
      %broadcast_in_dim3A_327 = vector.broadcast %squeeze3A_319 : i32 to vector<16xi32>
      %broadcast_in_dim3A_328 = vector.broadcast %jit3A_326 : i32 to vector<16xi32>
      %select_n3A_329 = arith.select %eq3A_325, %broadcast_in_dim3A_327, %broadcast_in_dim3A_328 : vector<16xi1>, vector<16xi32>
      %broadcast_in_dim3A_330 = vector.broadcast %squeeze3A_313 : i32 to vector<16xi32>
      %select_n3A_331 = arith.select %eq3A_322, %broadcast_in_dim3A_330, %select_n3A_329 : vector<16xi1>, vector<16xi32>
      "tpu.region"() ({
        %run_scoped3A_696 = tpu.sem_alloc : memref<!tpu.dma_semaphore, #tpu.memory_space<semaphore_mem>>
        %dma_start3A_697 = arith.constant 10016 : i32
        %dma_start3A_698 = arith.constant 0 : i32
        %dma_start3A_699 = tpu.memref_slice %arg17[%dma_start3A_697, %dma_start3A_698] : memref<10240x128xf32, #tpu.memory_space<vmem_shared>> -> memref<16x128xf32, #tpu.memory_space<vmem_shared>>
        %dma_start3A_700 = arith.constant 10016 : i32
        %dma_start3A_701 = arith.constant 0 : i32
        %dma_start3A_702 = tpu.memref_slice %arg17[%dma_start3A_700, %dma_start3A_701] : memref<10240x128xf32, #tpu.memory_space<vmem_shared>> -> memref<16x128xf32, #tpu.memory_space<vmem_shared>>
        tpu.enqueue_dma source(%dma_start3A_702 : memref<16x128xf32, #tpu.memory_space<vmem_shared>>) target(%arg12 : memref<16x128xf32, #tpu.memory_space<vmem>>) target_semaphore(%run_scoped3A_696 : memref<!tpu.dma_semaphore, #tpu.memory_space<semaphore_mem>>)
        %dma_wait3A_703 = arith.constant 10016 : i32
        %dma_wait3A_704 = arith.constant 0 : i32
        %dma_wait3A_705 = tpu.memref_slice %arg17[%dma_wait3A_703, %dma_wait3A_704] : memref<10240x128xf32, #tpu.memory_space<vmem_shared>> -> memref<16x128xf32, #tpu.memory_space<vmem_shared>>
        %dma_wait3A_706 = arith.constant 10016 : i32
        %dma_wait3A_707 = arith.constant 0 : i32
        %dma_wait3A_708 = tpu.memref_slice %arg17[%dma_wait3A_706, %dma_wait3A_707] : memref<10240x128xf32, #tpu.memory_space<vmem_shared>> -> memref<16x128xf32, #tpu.memory_space<vmem_shared>>
        tpu.wait_dma2 semaphore(%run_scoped3A_696 : memref<!tpu.dma_semaphore, #tpu.memory_space<semaphore_mem>>) src(%dma_wait3A_708 : memref<16x128xf32, #tpu.memory_space<vmem_shared>>) dst(%arg12 : memref<16x128xf32, #tpu.memory_space<vmem>>)
        tpu.yield
      }) : () -> ()
      "tpu.region"() ({
        %run_scoped3A_696 = tpu.sem_alloc : memref<!tpu.dma_semaphore, #tpu.memory_space<semaphore_mem>>
        %dma_start3A_697 = arith.constant 0 : i32
        %dma_start3A_698 = arith.constant 0 : i32
        %dma_start3A_699 = tpu.memref_slice %arg17[%dma_start3A_697, %dma_start3A_698] : memref<10240x128xf32, #tpu.memory_space<vmem_shared>> -> memref<10240x128xf32, #tpu.memory_space<vmem_shared>>
        tpu.enqueue_indirect_dma source(%arg12 : memref<16x128xf32, #tpu.memory_space<vmem>>) target(%dma_start3A_699 : memref<10240x128xf32, #tpu.memory_space<vmem_shared>>) offsets(%select_n3A_331 : vector<16xi32>) semaphore(%run_scoped3A_696 : memref<!tpu.dma_semaphore, #tpu.memory_space<semaphore_mem>>) {add = true}
        %dma_wait3A_700 = arith.constant 0 : i32
        %dma_wait3A_701 = arith.constant 0 : i32
        %dma_wait3A_702 = tpu.memref_slice %arg17[%dma_wait3A_700, %dma_wait3A_701] : memref<10240x128xf32, #tpu.memory_space<vmem_shared>> -> memref<10240x128xf32, #tpu.memory_space<vmem_shared>>
        tpu.wait_indirect_dma semaphore(%run_scoped3A_696 : memref<!tpu.dma_semaphore, #tpu.memory_space<semaphore_mem>>) src(%arg12 : memref<16x128xf32, #tpu.memory_space<vmem>>) dst(%dma_wait3A_702 : memref<10240x128xf32, #tpu.memory_space<vmem_shared>>)
        tpu.yield
      }) : () -> ()
      "tpu.region"() ({
        %run_scoped3A_696 = tpu.sem_alloc : memref<!tpu.dma_semaphore, #tpu.memory_space<semaphore_mem>>
        %dma_start3A_697 = arith.constant 10016 : i32
        %dma_start3A_698 = tpu.memref_slice %arg18[%dma_start3A_697] : memref<10240xf32, #tpu.memory_space<vmem_shared>> -> memref<16xf32, #tpu.memory_space<vmem_shared>>
        %dma_start3A_699 = arith.constant 10016 : i32
        %dma_start3A_700 = tpu.memref_slice %arg18[%dma_start3A_699] : memref<10240xf32, #tpu.memory_space<vmem_shared>> -> memref<16xf32, #tpu.memory_space<vmem_shared>>
        tpu.enqueue_dma source(%dma_start3A_700 : memref<16xf32, #tpu.memory_space<vmem_shared>>) target(%arg13 : memref<16xf32, #tpu.memory_space<vmem>>) target_semaphore(%run_scoped3A_696 : memref<!tpu.dma_semaphore, #tpu.memory_space<semaphore_mem>>)
        %dma_wait3A_701 = arith.constant 10016 : i32
        %dma_wait3A_702 = tpu.memref_slice %arg18[%dma_wait3A_701] : memref<10240xf32, #tpu.memory_space<vmem_shared>> -> memref<16xf32, #tpu.memory_space<vmem_shared>>
        %dma_wait3A_703 = arith.constant 10016 : i32
        %dma_wait3A_704 = tpu.memref_slice %arg18[%dma_wait3A_703] : memref<10240xf32, #tpu.memory_space<vmem_shared>> -> memref<16xf32, #tpu.memory_space<vmem_shared>>
        tpu.wait_dma2 semaphore(%run_scoped3A_696 : memref<!tpu.dma_semaphore, #tpu.memory_space<semaphore_mem>>) src(%dma_wait3A_704 : memref<16xf32, #tpu.memory_space<vmem_shared>>) dst(%arg13 : memref<16xf32, #tpu.memory_space<vmem>>)
        tpu.yield
      }) : () -> ()
      "tpu.region"() ({
        %run_scoped3A_696 = tpu.sem_alloc : memref<!tpu.dma_semaphore, #tpu.memory_space<semaphore_mem>>
        %dma_start3A_697 = arith.constant 0 : i32
        %dma_start3A_698 = tpu.memref_slice %arg18[%dma_start3A_697] : memref<10240xf32, #tpu.memory_space<vmem_shared>> -> memref<10240xf32, #tpu.memory_space<vmem_shared>>
        tpu.enqueue_indirect_dma source(%arg13 : memref<16xf32, #tpu.memory_space<vmem>>) target(%dma_start3A_698 : memref<10240xf32, #tpu.memory_space<vmem_shared>>) offsets(%select_n3A_331 : vector<16xi32>) semaphore(%run_scoped3A_696 : memref<!tpu.dma_semaphore, #tpu.memory_space<semaphore_mem>>) {add = true}
        %dma_wait3A_699 = arith.constant 0 : i32
        %dma_wait3A_700 = tpu.memref_slice %arg18[%dma_wait3A_699] : memref<10240xf32, #tpu.memory_space<vmem_shared>> -> memref<10240xf32, #tpu.memory_space<vmem_shared>>
        tpu.wait_indirect_dma semaphore(%run_scoped3A_696 : memref<!tpu.dma_semaphore, #tpu.memory_space<semaphore_mem>>) src(%arg13 : memref<16xf32, #tpu.memory_space<vmem>>) dst(%dma_wait3A_700 : memref<10240xf32, #tpu.memory_space<vmem_shared>>)
        tpu.yield
      }) : () -> ()
      %mul3A_332 = arith.constant 16 : i32
      %mul3A_333 = arith.muli %arg0, %mul3A_332 : i32
      %add3A_334 = arith.constant 3 : i32
      %add3A_335 = arith.addi %mul3A_333, %add3A_334 : i32
      %run_scoped3A_336 = arith.constant 0 : i32
      "tpu.region"() ({
        %run_scoped3A_696 = tpu.sem_alloc : memref<!tpu.dma_semaphore, #tpu.memory_space<semaphore_mem>>
        %dma_start3A_697 = arith.constant 0 : i32
        %dma_start3A_698 = tpu.memref_slice %arg3[%add3A_335, %run_scoped3A_336, %dma_start3A_697] : memref<32x125x80xi32, #tpu.memory_space<hbm>> -> memref<1x1x16xi32, #tpu.memory_space<hbm>>
        %dma_start3A_699 = tpu.memref_squeeze %dma_start3A_698 : memref<1x1x16xi32, #tpu.memory_space<hbm>> -> memref<16xi32, #tpu.memory_space<hbm>>
        %dma_start3A_700 = arith.constant 0 : i32
        %dma_start3A_701 = tpu.memref_slice %arg3[%add3A_335, %run_scoped3A_336, %dma_start3A_700] : memref<32x125x80xi32, #tpu.memory_space<hbm>> -> memref<1x1x16xi32, #tpu.memory_space<hbm>>
        %dma_start3A_702 = tpu.memref_squeeze %dma_start3A_701 : memref<1x1x16xi32, #tpu.memory_space<hbm>> -> memref<16xi32, #tpu.memory_space<hbm>>
        tpu.enqueue_dma source(%dma_start3A_702 : memref<16xi32, #tpu.memory_space<hbm>>) target(%arg11 : memref<16xi32, #tpu.memory_space<vmem>>) target_semaphore(%run_scoped3A_696 : memref<!tpu.dma_semaphore, #tpu.memory_space<semaphore_mem>>)
        %dma_wait3A_703 = arith.constant 0 : i32
        %dma_wait3A_704 = tpu.memref_slice %arg3[%add3A_335, %run_scoped3A_336, %dma_wait3A_703] : memref<32x125x80xi32, #tpu.memory_space<hbm>> -> memref<1x1x16xi32, #tpu.memory_space<hbm>>
        %dma_wait3A_705 = tpu.memref_squeeze %dma_wait3A_704 : memref<1x1x16xi32, #tpu.memory_space<hbm>> -> memref<16xi32, #tpu.memory_space<hbm>>
        %dma_wait3A_706 = arith.constant 0 : i32
        %dma_wait3A_707 = tpu.memref_slice %arg3[%add3A_335, %run_scoped3A_336, %dma_wait3A_706] : memref<32x125x80xi32, #tpu.memory_space<hbm>> -> memref<1x1x16xi32, #tpu.memory_space<hbm>>
        %dma_wait3A_708 = tpu.memref_squeeze %dma_wait3A_707 : memref<1x1x16xi32, #tpu.memory_space<hbm>> -> memref<16xi32, #tpu.memory_space<hbm>>
        tpu.wait_dma2 semaphore(%run_scoped3A_696 : memref<!tpu.dma_semaphore, #tpu.memory_space<semaphore_mem>>) src(%dma_wait3A_708 : memref<16xi32, #tpu.memory_space<hbm>>) dst(%arg11 : memref<16xi32, #tpu.memory_space<vmem>>)
        tpu.yield
      }) : () -> ()
      %get3A_337 = arith.constant 0 : index
      %get3A_338 = tpu.vector_load %arg11[%get3A_337] {strides = array<i32>} : memref<16xi32, #tpu.memory_space<vmem>>, vector<16xi32>,
      %get3A_339 = vector.shape_cast %get3A_338 : vector<16xi32> to vector<16xi32>
      %slice3A_340 = vector.extract_strided_slice %get3A_339 {offsets = [0], sizes = [1], strides = [1]} : vector<16xi32> to vector<1xi32>
      %squeeze3A_341 = vector.extract %slice3A_340[0] : i32 from vector<1xi32>
      %run_scoped3A_342 = arith.constant 124 : i32
      "tpu.region"() ({
        %run_scoped3A_696 = tpu.sem_alloc : memref<!tpu.dma_semaphore, #tpu.memory_space<semaphore_mem>>
        %dma_start3A_697 = arith.constant 64 : i32
        %dma_start3A_698 = tpu.memref_slice %arg3[%add3A_335, %run_scoped3A_342, %dma_start3A_697] : memref<32x125x80xi32, #tpu.memory_space<hbm>> -> memref<1x1x16xi32, #tpu.memory_space<hbm>>
        %dma_start3A_699 = tpu.memref_squeeze %dma_start3A_698 : memref<1x1x16xi32, #tpu.memory_space<hbm>> -> memref<16xi32, #tpu.memory_space<hbm>>
        %dma_start3A_700 = arith.constant 64 : i32
        %dma_start3A_701 = tpu.memref_slice %arg3[%add3A_335, %run_scoped3A_342, %dma_start3A_700] : memref<32x125x80xi32, #tpu.memory_space<hbm>> -> memref<1x1x16xi32, #tpu.memory_space<hbm>>
        %dma_start3A_702 = tpu.memref_squeeze %dma_start3A_701 : memref<1x1x16xi32, #tpu.memory_space<hbm>> -> memref<16xi32, #tpu.memory_space<hbm>>
        tpu.enqueue_dma source(%dma_start3A_702 : memref<16xi32, #tpu.memory_space<hbm>>) target(%arg11 : memref<16xi32, #tpu.memory_space<vmem>>) target_semaphore(%run_scoped3A_696 : memref<!tpu.dma_semaphore, #tpu.memory_space<semaphore_mem>>)
        %dma_wait3A_703 = arith.constant 64 : i32
        %dma_wait3A_704 = tpu.memref_slice %arg3[%add3A_335, %run_scoped3A_342, %dma_wait3A_703] : memref<32x125x80xi32, #tpu.memory_space<hbm>> -> memref<1x1x16xi32, #tpu.memory_space<hbm>>
        %dma_wait3A_705 = tpu.memref_squeeze %dma_wait3A_704 : memref<1x1x16xi32, #tpu.memory_space<hbm>> -> memref<16xi32, #tpu.memory_space<hbm>>
        %dma_wait3A_706 = arith.constant 64 : i32
        %dma_wait3A_707 = tpu.memref_slice %arg3[%add3A_335, %run_scoped3A_342, %dma_wait3A_706] : memref<32x125x80xi32, #tpu.memory_space<hbm>> -> memref<1x1x16xi32, #tpu.memory_space<hbm>>
        %dma_wait3A_708 = tpu.memref_squeeze %dma_wait3A_707 : memref<1x1x16xi32, #tpu.memory_space<hbm>> -> memref<16xi32, #tpu.memory_space<hbm>>
        tpu.wait_dma2 semaphore(%run_scoped3A_696 : memref<!tpu.dma_semaphore, #tpu.memory_space<semaphore_mem>>) src(%dma_wait3A_708 : memref<16xi32, #tpu.memory_space<hbm>>) dst(%arg11 : memref<16xi32, #tpu.memory_space<vmem>>)
        tpu.yield
      }) : () -> ()
      %get3A_343 = arith.constant 0 : index
      %get3A_344 = tpu.vector_load %arg11[%get3A_343] {strides = array<i32>} : memref<16xi32, #tpu.memory_space<vmem>>, vector<16xi32>,
      %get3A_345 = vector.shape_cast %get3A_344 : vector<16xi32> to vector<16xi32>
      %slice3A_346 = vector.extract_strided_slice %get3A_345 {offsets = [15], sizes = [1], strides = [1]} : vector<16xi32> to vector<1xi32>
      %squeeze3A_347 = vector.extract %slice3A_346[0] : i32 from vector<1xi32>
      %eq3A_348 = arith.constant 0 : i32
      %eq3A_349 = vector.broadcast %eq3A_348 : i32 to vector<16xi32>
      %eq3A_350 = arith.cmpi eq, %iota3A, %eq3A_349 : vector<16xi32>
      %eq3A_351 = arith.constant 1 : i32
      %eq3A_352 = vector.broadcast %eq3A_351 : i32 to vector<16xi32>
      %eq3A_353 = arith.cmpi eq, %iota3A, %eq3A_352 : vector<16xi32>
      %jit3A_354 = arith.constant 10200 : i32
      %broadcast_in_dim3A_355 = vector.broadcast %squeeze3A_347 : i32 to vector<16xi32>
      %broadcast_in_dim3A_356 = vector.broadcast %jit3A_354 : i32 to vector<16xi32>
      %select_n3A_357 = arith.select %eq3A_353, %broadcast_in_dim3A_355, %broadcast_in_dim3A_356 : vector<16xi1>, vector<16xi32>
      %broadcast_in_dim3A_358 = vector.broadcast %squeeze3A_341 : i32 to vector<16xi32>
      %select_n3A_359 = arith.select %eq3A_350, %broadcast_in_dim3A_358, %select_n3A_357 : vector<16xi1>, vector<16xi32>
      "tpu.region"() ({
        %run_scoped3A_696 = tpu.sem_alloc : memref<!tpu.dma_semaphore, #tpu.memory_space<semaphore_mem>>
        %dma_start3A_697 = arith.constant 10024 : i32
        %dma_start3A_698 = arith.constant 0 : i32
        %dma_start3A_699 = tpu.memref_slice %arg17[%dma_start3A_697, %dma_start3A_698] : memref<10240x128xf32, #tpu.memory_space<vmem_shared>> -> memref<16x128xf32, #tpu.memory_space<vmem_shared>>
        %dma_start3A_700 = arith.constant 10024 : i32
        %dma_start3A_701 = arith.constant 0 : i32
        %dma_start3A_702 = tpu.memref_slice %arg17[%dma_start3A_700, %dma_start3A_701] : memref<10240x128xf32, #tpu.memory_space<vmem_shared>> -> memref<16x128xf32, #tpu.memory_space<vmem_shared>>
        tpu.enqueue_dma source(%dma_start3A_702 : memref<16x128xf32, #tpu.memory_space<vmem_shared>>) target(%arg12 : memref<16x128xf32, #tpu.memory_space<vmem>>) target_semaphore(%run_scoped3A_696 : memref<!tpu.dma_semaphore, #tpu.memory_space<semaphore_mem>>)
        %dma_wait3A_703 = arith.constant 10024 : i32
        %dma_wait3A_704 = arith.constant 0 : i32
        %dma_wait3A_705 = tpu.memref_slice %arg17[%dma_wait3A_703, %dma_wait3A_704] : memref<10240x128xf32, #tpu.memory_space<vmem_shared>> -> memref<16x128xf32, #tpu.memory_space<vmem_shared>>
        %dma_wait3A_706 = arith.constant 10024 : i32
        %dma_wait3A_707 = arith.constant 0 : i32
        %dma_wait3A_708 = tpu.memref_slice %arg17[%dma_wait3A_706, %dma_wait3A_707] : memref<10240x128xf32, #tpu.memory_space<vmem_shared>> -> memref<16x128xf32, #tpu.memory_space<vmem_shared>>
        tpu.wait_dma2 semaphore(%run_scoped3A_696 : memref<!tpu.dma_semaphore, #tpu.memory_space<semaphore_mem>>) src(%dma_wait3A_708 : memref<16x128xf32, #tpu.memory_space<vmem_shared>>) dst(%arg12 : memref<16x128xf32, #tpu.memory_space<vmem>>)
        tpu.yield
      }) : () -> ()
      "tpu.region"() ({
        %run_scoped3A_696 = tpu.sem_alloc : memref<!tpu.dma_semaphore, #tpu.memory_space<semaphore_mem>>
        %dma_start3A_697 = arith.constant 0 : i32
        %dma_start3A_698 = arith.constant 0 : i32
        %dma_start3A_699 = tpu.memref_slice %arg17[%dma_start3A_697, %dma_start3A_698] : memref<10240x128xf32, #tpu.memory_space<vmem_shared>> -> memref<10240x128xf32, #tpu.memory_space<vmem_shared>>
        tpu.enqueue_indirect_dma source(%arg12 : memref<16x128xf32, #tpu.memory_space<vmem>>) target(%dma_start3A_699 : memref<10240x128xf32, #tpu.memory_space<vmem_shared>>) offsets(%select_n3A_359 : vector<16xi32>) semaphore(%run_scoped3A_696 : memref<!tpu.dma_semaphore, #tpu.memory_space<semaphore_mem>>) {add = true}
        %dma_wait3A_700 = arith.constant 0 : i32
        %dma_wait3A_701 = arith.constant 0 : i32
        %dma_wait3A_702 = tpu.memref_slice %arg17[%dma_wait3A_700, %dma_wait3A_701] : memref<10240x128xf32, #tpu.memory_space<vmem_shared>> -> memref<10240x128xf32, #tpu.memory_space<vmem_shared>>
        tpu.wait_indirect_dma semaphore(%run_scoped3A_696 : memref<!tpu.dma_semaphore, #tpu.memory_space<semaphore_mem>>) src(%arg12 : memref<16x128xf32, #tpu.memory_space<vmem>>) dst(%dma_wait3A_702 : memref<10240x128xf32, #tpu.memory_space<vmem_shared>>)
        tpu.yield
      }) : () -> ()
      "tpu.region"() ({
        %run_scoped3A_696 = tpu.sem_alloc : memref<!tpu.dma_semaphore, #tpu.memory_space<semaphore_mem>>
        %dma_start3A_697 = arith.constant 10024 : i32
        %dma_start3A_698 = tpu.memref_slice %arg18[%dma_start3A_697] : memref<10240xf32, #tpu.memory_space<vmem_shared>> -> memref<16xf32, #tpu.memory_space<vmem_shared>>
        %dma_start3A_699 = arith.constant 10024 : i32
        %dma_start3A_700 = tpu.memref_slice %arg18[%dma_start3A_699] : memref<10240xf32, #tpu.memory_space<vmem_shared>> -> memref<16xf32, #tpu.memory_space<vmem_shared>>
        tpu.enqueue_dma source(%dma_start3A_700 : memref<16xf32, #tpu.memory_space<vmem_shared>>) target(%arg13 : memref<16xf32, #tpu.memory_space<vmem>>) target_semaphore(%run_scoped3A_696 : memref<!tpu.dma_semaphore, #tpu.memory_space<semaphore_mem>>)
        %dma_wait3A_701 = arith.constant 10024 : i32
        %dma_wait3A_702 = tpu.memref_slice %arg18[%dma_wait3A_701] : memref<10240xf32, #tpu.memory_space<vmem_shared>> -> memref<16xf32, #tpu.memory_space<vmem_shared>>
        %dma_wait3A_703 = arith.constant 10024 : i32
        %dma_wait3A_704 = tpu.memref_slice %arg18[%dma_wait3A_703] : memref<10240xf32, #tpu.memory_space<vmem_shared>> -> memref<16xf32, #tpu.memory_space<vmem_shared>>
        tpu.wait_dma2 semaphore(%run_scoped3A_696 : memref<!tpu.dma_semaphore, #tpu.memory_space<semaphore_mem>>) src(%dma_wait3A_704 : memref<16xf32, #tpu.memory_space<vmem_shared>>) dst(%arg13 : memref<16xf32, #tpu.memory_space<vmem>>)
        tpu.yield
      }) : () -> ()
      "tpu.region"() ({
        %run_scoped3A_696 = tpu.sem_alloc : memref<!tpu.dma_semaphore, #tpu.memory_space<semaphore_mem>>
        %dma_start3A_697 = arith.constant 0 : i32
        %dma_start3A_698 = tpu.memref_slice %arg18[%dma_start3A_697] : memref<10240xf32, #tpu.memory_space<vmem_shared>> -> memref<10240xf32, #tpu.memory_space<vmem_shared>>
        tpu.enqueue_indirect_dma source(%arg13 : memref<16xf32, #tpu.memory_space<vmem>>) target(%dma_start3A_698 : memref<10240xf32, #tpu.memory_space<vmem_shared>>) offsets(%select_n3A_359 : vector<16xi32>) semaphore(%run_scoped3A_696 : memref<!tpu.dma_semaphore, #tpu.memory_space<semaphore_mem>>) {add = true}
        %dma_wait3A_699 = arith.constant 0 : i32
        %dma_wait3A_700 = tpu.memref_slice %arg18[%dma_wait3A_699] : memref<10240xf32, #tpu.memory_space<vmem_shared>> -> memref<10240xf32, #tpu.memory_space<vmem_shared>>
        tpu.wait_indirect_dma semaphore(%run_scoped3A_696 : memref<!tpu.dma_semaphore, #tpu.memory_space<semaphore_mem>>) src(%arg13 : memref<16xf32, #tpu.memory_space<vmem>>) dst(%dma_wait3A_700 : memref<10240xf32, #tpu.memory_space<vmem_shared>>)
        tpu.yield
      }) : () -> ()
      %mul3A_360 = arith.constant 16 : i32
      %mul3A_361 = arith.muli %arg0, %mul3A_360 : i32
      %add3A_362 = arith.constant 4 : i32
      %add3A_363 = arith.addi %mul3A_361, %add3A_362 : i32
      %run_scoped3A_364 = arith.constant 0 : i32
      "tpu.region"() ({
        %run_scoped3A_696 = tpu.sem_alloc : memref<!tpu.dma_semaphore, #tpu.memory_space<semaphore_mem>>
        %dma_start3A_697 = arith.constant 0 : i32
        %dma_start3A_698 = tpu.memref_slice %arg3[%add3A_363, %run_scoped3A_364, %dma_start3A_697] : memref<32x125x80xi32, #tpu.memory_space<hbm>> -> memref<1x1x16xi32, #tpu.memory_space<hbm>>
        %dma_start3A_699 = tpu.memref_squeeze %dma_start3A_698 : memref<1x1x16xi32, #tpu.memory_space<hbm>> -> memref<16xi32, #tpu.memory_space<hbm>>
        %dma_start3A_700 = arith.constant 0 : i32
        %dma_start3A_701 = tpu.memref_slice %arg3[%add3A_363, %run_scoped3A_364, %dma_start3A_700] : memref<32x125x80xi32, #tpu.memory_space<hbm>> -> memref<1x1x16xi32, #tpu.memory_space<hbm>>
        %dma_start3A_702 = tpu.memref_squeeze %dma_start3A_701 : memref<1x1x16xi32, #tpu.memory_space<hbm>> -> memref<16xi32, #tpu.memory_space<hbm>>
        tpu.enqueue_dma source(%dma_start3A_702 : memref<16xi32, #tpu.memory_space<hbm>>) target(%arg11 : memref<16xi32, #tpu.memory_space<vmem>>) target_semaphore(%run_scoped3A_696 : memref<!tpu.dma_semaphore, #tpu.memory_space<semaphore_mem>>)
        %dma_wait3A_703 = arith.constant 0 : i32
        %dma_wait3A_704 = tpu.memref_slice %arg3[%add3A_363, %run_scoped3A_364, %dma_wait3A_703] : memref<32x125x80xi32, #tpu.memory_space<hbm>> -> memref<1x1x16xi32, #tpu.memory_space<hbm>>
        %dma_wait3A_705 = tpu.memref_squeeze %dma_wait3A_704 : memref<1x1x16xi32, #tpu.memory_space<hbm>> -> memref<16xi32, #tpu.memory_space<hbm>>
        %dma_wait3A_706 = arith.constant 0 : i32
        %dma_wait3A_707 = tpu.memref_slice %arg3[%add3A_363, %run_scoped3A_364, %dma_wait3A_706] : memref<32x125x80xi32, #tpu.memory_space<hbm>> -> memref<1x1x16xi32, #tpu.memory_space<hbm>>
        %dma_wait3A_708 = tpu.memref_squeeze %dma_wait3A_707 : memref<1x1x16xi32, #tpu.memory_space<hbm>> -> memref<16xi32, #tpu.memory_space<hbm>>
        tpu.wait_dma2 semaphore(%run_scoped3A_696 : memref<!tpu.dma_semaphore, #tpu.memory_space<semaphore_mem>>) src(%dma_wait3A_708 : memref<16xi32, #tpu.memory_space<hbm>>) dst(%arg11 : memref<16xi32, #tpu.memory_space<vmem>>)
        tpu.yield
      }) : () -> ()
      %get3A_365 = arith.constant 0 : index
      %get3A_366 = tpu.vector_load %arg11[%get3A_365] {strides = array<i32>} : memref<16xi32, #tpu.memory_space<vmem>>, vector<16xi32>,
      %get3A_367 = vector.shape_cast %get3A_366 : vector<16xi32> to vector<16xi32>
      %slice3A_368 = vector.extract_strided_slice %get3A_367 {offsets = [0], sizes = [1], strides = [1]} : vector<16xi32> to vector<1xi32>
      %squeeze3A_369 = vector.extract %slice3A_368[0] : i32 from vector<1xi32>
      %run_scoped3A_370 = arith.constant 124 : i32
      "tpu.region"() ({
        %run_scoped3A_696 = tpu.sem_alloc : memref<!tpu.dma_semaphore, #tpu.memory_space<semaphore_mem>>
        %dma_start3A_697 = arith.constant 64 : i32
        %dma_start3A_698 = tpu.memref_slice %arg3[%add3A_363, %run_scoped3A_370, %dma_start3A_697] : memref<32x125x80xi32, #tpu.memory_space<hbm>> -> memref<1x1x16xi32, #tpu.memory_space<hbm>>
        %dma_start3A_699 = tpu.memref_squeeze %dma_start3A_698 : memref<1x1x16xi32, #tpu.memory_space<hbm>> -> memref<16xi32, #tpu.memory_space<hbm>>
        %dma_start3A_700 = arith.constant 64 : i32
        %dma_start3A_701 = tpu.memref_slice %arg3[%add3A_363, %run_scoped3A_370, %dma_start3A_700] : memref<32x125x80xi32, #tpu.memory_space<hbm>> -> memref<1x1x16xi32, #tpu.memory_space<hbm>>
        %dma_start3A_702 = tpu.memref_squeeze %dma_start3A_701 : memref<1x1x16xi32, #tpu.memory_space<hbm>> -> memref<16xi32, #tpu.memory_space<hbm>>
        tpu.enqueue_dma source(%dma_start3A_702 : memref<16xi32, #tpu.memory_space<hbm>>) target(%arg11 : memref<16xi32, #tpu.memory_space<vmem>>) target_semaphore(%run_scoped3A_696 : memref<!tpu.dma_semaphore, #tpu.memory_space<semaphore_mem>>)
        %dma_wait3A_703 = arith.constant 64 : i32
        %dma_wait3A_704 = tpu.memref_slice %arg3[%add3A_363, %run_scoped3A_370, %dma_wait3A_703] : memref<32x125x80xi32, #tpu.memory_space<hbm>> -> memref<1x1x16xi32, #tpu.memory_space<hbm>>
        %dma_wait3A_705 = tpu.memref_squeeze %dma_wait3A_704 : memref<1x1x16xi32, #tpu.memory_space<hbm>> -> memref<16xi32, #tpu.memory_space<hbm>>
        %dma_wait3A_706 = arith.constant 64 : i32
        %dma_wait3A_707 = tpu.memref_slice %arg3[%add3A_363, %run_scoped3A_370, %dma_wait3A_706] : memref<32x125x80xi32, #tpu.memory_space<hbm>> -> memref<1x1x16xi32, #tpu.memory_space<hbm>>
        %dma_wait3A_708 = tpu.memref_squeeze %dma_wait3A_707 : memref<1x1x16xi32, #tpu.memory_space<hbm>> -> memref<16xi32, #tpu.memory_space<hbm>>
        tpu.wait_dma2 semaphore(%run_scoped3A_696 : memref<!tpu.dma_semaphore, #tpu.memory_space<semaphore_mem>>) src(%dma_wait3A_708 : memref<16xi32, #tpu.memory_space<hbm>>) dst(%arg11 : memref<16xi32, #tpu.memory_space<vmem>>)
        tpu.yield
      }) : () -> ()
      %get3A_371 = arith.constant 0 : index
      %get3A_372 = tpu.vector_load %arg11[%get3A_371] {strides = array<i32>} : memref<16xi32, #tpu.memory_space<vmem>>, vector<16xi32>,
      %get3A_373 = vector.shape_cast %get3A_372 : vector<16xi32> to vector<16xi32>
      %slice3A_374 = vector.extract_strided_slice %get3A_373 {offsets = [15], sizes = [1], strides = [1]} : vector<16xi32> to vector<1xi32>
      %squeeze3A_375 = vector.extract %slice3A_374[0] : i32 from vector<1xi32>
      %eq3A_376 = arith.constant 0 : i32
      %eq3A_377 = vector.broadcast %eq3A_376 : i32 to vector<16xi32>
      %eq3A_378 = arith.cmpi eq, %iota3A, %eq3A_377 : vector<16xi32>
      %eq3A_379 = arith.constant 1 : i32
      %eq3A_380 = vector.broadcast %eq3A_379 : i32 to vector<16xi32>
      %eq3A_381 = arith.cmpi eq, %iota3A, %eq3A_380 : vector<16xi32>
      %jit3A_382 = arith.constant 10200 : i32
      %broadcast_in_dim3A_383 = vector.broadcast %squeeze3A_375 : i32 to vector<16xi32>
      %broadcast_in_dim3A_384 = vector.broadcast %jit3A_382 : i32 to vector<16xi32>
      %select_n3A_385 = arith.select %eq3A_381, %broadcast_in_dim3A_383, %broadcast_in_dim3A_384 : vector<16xi1>, vector<16xi32>
      %broadcast_in_dim3A_386 = vector.broadcast %squeeze3A_369 : i32 to vector<16xi32>
      %select_n3A_387 = arith.select %eq3A_378, %broadcast_in_dim3A_386, %select_n3A_385 : vector<16xi1>, vector<16xi32>
      "tpu.region"() ({
        %run_scoped3A_696 = tpu.sem_alloc : memref<!tpu.dma_semaphore, #tpu.memory_space<semaphore_mem>>
        %dma_start3A_697 = arith.constant 10032 : i32
        %dma_start3A_698 = arith.constant 0 : i32
        %dma_start3A_699 = tpu.memref_slice %arg17[%dma_start3A_697, %dma_start3A_698] : memref<10240x128xf32, #tpu.memory_space<vmem_shared>> -> memref<16x128xf32, #tpu.memory_space<vmem_shared>>
        %dma_start3A_700 = arith.constant 10032 : i32
        %dma_start3A_701 = arith.constant 0 : i32
        %dma_start3A_702 = tpu.memref_slice %arg17[%dma_start3A_700, %dma_start3A_701] : memref<10240x128xf32, #tpu.memory_space<vmem_shared>> -> memref<16x128xf32, #tpu.memory_space<vmem_shared>>
        tpu.enqueue_dma source(%dma_start3A_702 : memref<16x128xf32, #tpu.memory_space<vmem_shared>>) target(%arg12 : memref<16x128xf32, #tpu.memory_space<vmem>>) target_semaphore(%run_scoped3A_696 : memref<!tpu.dma_semaphore, #tpu.memory_space<semaphore_mem>>)
        %dma_wait3A_703 = arith.constant 10032 : i32
        %dma_wait3A_704 = arith.constant 0 : i32
        %dma_wait3A_705 = tpu.memref_slice %arg17[%dma_wait3A_703, %dma_wait3A_704] : memref<10240x128xf32, #tpu.memory_space<vmem_shared>> -> memref<16x128xf32, #tpu.memory_space<vmem_shared>>
        %dma_wait3A_706 = arith.constant 10032 : i32
        %dma_wait3A_707 = arith.constant 0 : i32
        %dma_wait3A_708 = tpu.memref_slice %arg17[%dma_wait3A_706, %dma_wait3A_707] : memref<10240x128xf32, #tpu.memory_space<vmem_shared>> -> memref<16x128xf32, #tpu.memory_space<vmem_shared>>
        tpu.wait_dma2 semaphore(%run_scoped3A_696 : memref<!tpu.dma_semaphore, #tpu.memory_space<semaphore_mem>>) src(%dma_wait3A_708 : memref<16x128xf32, #tpu.memory_space<vmem_shared>>) dst(%arg12 : memref<16x128xf32, #tpu.memory_space<vmem>>)
        tpu.yield
      }) : () -> ()
      "tpu.region"() ({
        %run_scoped3A_696 = tpu.sem_alloc : memref<!tpu.dma_semaphore, #tpu.memory_space<semaphore_mem>>
        %dma_start3A_697 = arith.constant 0 : i32
        %dma_start3A_698 = arith.constant 0 : i32
        %dma_start3A_699 = tpu.memref_slice %arg17[%dma_start3A_697, %dma_start3A_698] : memref<10240x128xf32, #tpu.memory_space<vmem_shared>> -> memref<10240x128xf32, #tpu.memory_space<vmem_shared>>
        tpu.enqueue_indirect_dma source(%arg12 : memref<16x128xf32, #tpu.memory_space<vmem>>) target(%dma_start3A_699 : memref<10240x128xf32, #tpu.memory_space<vmem_shared>>) offsets(%select_n3A_387 : vector<16xi32>) semaphore(%run_scoped3A_696 : memref<!tpu.dma_semaphore, #tpu.memory_space<semaphore_mem>>) {add = true}
        %dma_wait3A_700 = arith.constant 0 : i32
        %dma_wait3A_701 = arith.constant 0 : i32
        %dma_wait3A_702 = tpu.memref_slice %arg17[%dma_wait3A_700, %dma_wait3A_701] : memref<10240x128xf32, #tpu.memory_space<vmem_shared>> -> memref<10240x128xf32, #tpu.memory_space<vmem_shared>>
        tpu.wait_indirect_dma semaphore(%run_scoped3A_696 : memref<!tpu.dma_semaphore, #tpu.memory_space<semaphore_mem>>) src(%arg12 : memref<16x128xf32, #tpu.memory_space<vmem>>) dst(%dma_wait3A_702 : memref<10240x128xf32, #tpu.memory_space<vmem_shared>>)
        tpu.yield
      }) : () -> ()
      "tpu.region"() ({
        %run_scoped3A_696 = tpu.sem_alloc : memref<!tpu.dma_semaphore, #tpu.memory_space<semaphore_mem>>
        %dma_start3A_697 = arith.constant 10032 : i32
        %dma_start3A_698 = tpu.memref_slice %arg18[%dma_start3A_697] : memref<10240xf32, #tpu.memory_space<vmem_shared>> -> memref<16xf32, #tpu.memory_space<vmem_shared>>
        %dma_start3A_699 = arith.constant 10032 : i32
        %dma_start3A_700 = tpu.memref_slice %arg18[%dma_start3A_699] : memref<10240xf32, #tpu.memory_space<vmem_shared>> -> memref<16xf32, #tpu.memory_space<vmem_shared>>
        tpu.enqueue_dma source(%dma_start3A_700 : memref<16xf32, #tpu.memory_space<vmem_shared>>) target(%arg13 : memref<16xf32, #tpu.memory_space<vmem>>) target_semaphore(%run_scoped3A_696 : memref<!tpu.dma_semaphore, #tpu.memory_space<semaphore_mem>>)
        %dma_wait3A_701 = arith.constant 10032 : i32
        %dma_wait3A_702 = tpu.memref_slice %arg18[%dma_wait3A_701] : memref<10240xf32, #tpu.memory_space<vmem_shared>> -> memref<16xf32, #tpu.memory_space<vmem_shared>>
        %dma_wait3A_703 = arith.constant 10032 : i32
        %dma_wait3A_704 = tpu.memref_slice %arg18[%dma_wait3A_703] : memref<10240xf32, #tpu.memory_space<vmem_shared>> -> memref<16xf32, #tpu.memory_space<vmem_shared>>
        tpu.wait_dma2 semaphore(%run_scoped3A_696 : memref<!tpu.dma_semaphore, #tpu.memory_space<semaphore_mem>>) src(%dma_wait3A_704 : memref<16xf32, #tpu.memory_space<vmem_shared>>) dst(%arg13 : memref<16xf32, #tpu.memory_space<vmem>>)
        tpu.yield
      }) : () -> ()
      "tpu.region"() ({
        %run_scoped3A_696 = tpu.sem_alloc : memref<!tpu.dma_semaphore, #tpu.memory_space<semaphore_mem>>
        %dma_start3A_697 = arith.constant 0 : i32
        %dma_start3A_698 = tpu.memref_slice %arg18[%dma_start3A_697] : memref<10240xf32, #tpu.memory_space<vmem_shared>> -> memref<10240xf32, #tpu.memory_space<vmem_shared>>
        tpu.enqueue_indirect_dma source(%arg13 : memref<16xf32, #tpu.memory_space<vmem>>) target(%dma_start3A_698 : memref<10240xf32, #tpu.memory_space<vmem_shared>>) offsets(%select_n3A_387 : vector<16xi32>) semaphore(%run_scoped3A_696 : memref<!tpu.dma_semaphore, #tpu.memory_space<semaphore_mem>>) {add = true}
        %dma_wait3A_699 = arith.constant 0 : i32
        %dma_wait3A_700 = tpu.memref_slice %arg18[%dma_wait3A_699] : memref<10240xf32, #tpu.memory_space<vmem_shared>> -> memref<10240xf32, #tpu.memory_space<vmem_shared>>
        tpu.wait_indirect_dma semaphore(%run_scoped3A_696 : memref<!tpu.dma_semaphore, #tpu.memory_space<semaphore_mem>>) src(%arg13 : memref<16xf32, #tpu.memory_space<vmem>>) dst(%dma_wait3A_700 : memref<10240xf32, #tpu.memory_space<vmem_shared>>)
        tpu.yield
      }) : () -> ()
      %mul3A_388 = arith.constant 16 : i32
      %mul3A_389 = arith.muli %arg0, %mul3A_388 : i32
      %add3A_390 = arith.constant 5 : i32
      %add3A_391 = arith.addi %mul3A_389, %add3A_390 : i32
      %run_scoped3A_392 = arith.constant 0 : i32
      "tpu.region"() ({
        %run_scoped3A_696 = tpu.sem_alloc : memref<!tpu.dma_semaphore, #tpu.memory_space<semaphore_mem>>
        %dma_start3A_697 = arith.constant 0 : i32
        %dma_start3A_698 = tpu.memref_slice %arg3[%add3A_391, %run_scoped3A_392, %dma_start3A_697] : memref<32x125x80xi32, #tpu.memory_space<hbm>> -> memref<1x1x16xi32, #tpu.memory_space<hbm>>
        %dma_start3A_699 = tpu.memref_squeeze %dma_start3A_698 : memref<1x1x16xi32, #tpu.memory_space<hbm>> -> memref<16xi32, #tpu.memory_space<hbm>>
        %dma_start3A_700 = arith.constant 0 : i32
        %dma_start3A_701 = tpu.memref_slice %arg3[%add3A_391, %run_scoped3A_392, %dma_start3A_700] : memref<32x125x80xi32, #tpu.memory_space<hbm>> -> memref<1x1x16xi32, #tpu.memory_space<hbm>>
        %dma_start3A_702 = tpu.memref_squeeze %dma_start3A_701 : memref<1x1x16xi32, #tpu.memory_space<hbm>> -> memref<16xi32, #tpu.memory_space<hbm>>
        tpu.enqueue_dma source(%dma_start3A_702 : memref<16xi32, #tpu.memory_space<hbm>>) target(%arg11 : memref<16xi32, #tpu.memory_space<vmem>>) target_semaphore(%run_scoped3A_696 : memref<!tpu.dma_semaphore, #tpu.memory_space<semaphore_mem>>)
        %dma_wait3A_703 = arith.constant 0 : i32
        %dma_wait3A_704 = tpu.memref_slice %arg3[%add3A_391, %run_scoped3A_392, %dma_wait3A_703] : memref<32x125x80xi32, #tpu.memory_space<hbm>> -> memref<1x1x16xi32, #tpu.memory_space<hbm>>
        %dma_wait3A_705 = tpu.memref_squeeze %dma_wait3A_704 : memref<1x1x16xi32, #tpu.memory_space<hbm>> -> memref<16xi32, #tpu.memory_space<hbm>>
        %dma_wait3A_706 = arith.constant 0 : i32
        %dma_wait3A_707 = tpu.memref_slice %arg3[%add3A_391, %run_scoped3A_392, %dma_wait3A_706] : memref<32x125x80xi32, #tpu.memory_space<hbm>> -> memref<1x1x16xi32, #tpu.memory_space<hbm>>
        %dma_wait3A_708 = tpu.memref_squeeze %dma_wait3A_707 : memref<1x1x16xi32, #tpu.memory_space<hbm>> -> memref<16xi32, #tpu.memory_space<hbm>>
        tpu.wait_dma2 semaphore(%run_scoped3A_696 : memref<!tpu.dma_semaphore, #tpu.memory_space<semaphore_mem>>) src(%dma_wait3A_708 : memref<16xi32, #tpu.memory_space<hbm>>) dst(%arg11 : memref<16xi32, #tpu.memory_space<vmem>>)
        tpu.yield
      }) : () -> ()
      %get3A_393 = arith.constant 0 : index
      %get3A_394 = tpu.vector_load %arg11[%get3A_393] {strides = array<i32>} : memref<16xi32, #tpu.memory_space<vmem>>, vector<16xi32>,
      %get3A_395 = vector.shape_cast %get3A_394 : vector<16xi32> to vector<16xi32>
      %slice3A_396 = vector.extract_strided_slice %get3A_395 {offsets = [0], sizes = [1], strides = [1]} : vector<16xi32> to vector<1xi32>
      %squeeze3A_397 = vector.extract %slice3A_396[0] : i32 from vector<1xi32>
      %run_scoped3A_398 = arith.constant 124 : i32
      "tpu.region"() ({
        %run_scoped3A_696 = tpu.sem_alloc : memref<!tpu.dma_semaphore, #tpu.memory_space<semaphore_mem>>
        %dma_start3A_697 = arith.constant 64 : i32
        %dma_start3A_698 = tpu.memref_slice %arg3[%add3A_391, %run_scoped3A_398, %dma_start3A_697] : memref<32x125x80xi32, #tpu.memory_space<hbm>> -> memref<1x1x16xi32, #tpu.memory_space<hbm>>
        %dma_start3A_699 = tpu.memref_squeeze %dma_start3A_698 : memref<1x1x16xi32, #tpu.memory_space<hbm>> -> memref<16xi32, #tpu.memory_space<hbm>>
        %dma_start3A_700 = arith.constant 64 : i32
        %dma_start3A_701 = tpu.memref_slice %arg3[%add3A_391, %run_scoped3A_398, %dma_start3A_700] : memref<32x125x80xi32, #tpu.memory_space<hbm>> -> memref<1x1x16xi32, #tpu.memory_space<hbm>>
        %dma_start3A_702 = tpu.memref_squeeze %dma_start3A_701 : memref<1x1x16xi32, #tpu.memory_space<hbm>> -> memref<16xi32, #tpu.memory_space<hbm>>
        tpu.enqueue_dma source(%dma_start3A_702 : memref<16xi32, #tpu.memory_space<hbm>>) target(%arg11 : memref<16xi32, #tpu.memory_space<vmem>>) target_semaphore(%run_scoped3A_696 : memref<!tpu.dma_semaphore, #tpu.memory_space<semaphore_mem>>)
        %dma_wait3A_703 = arith.constant 64 : i32
        %dma_wait3A_704 = tpu.memref_slice %arg3[%add3A_391, %run_scoped3A_398, %dma_wait3A_703] : memref<32x125x80xi32, #tpu.memory_space<hbm>> -> memref<1x1x16xi32, #tpu.memory_space<hbm>>
        %dma_wait3A_705 = tpu.memref_squeeze %dma_wait3A_704 : memref<1x1x16xi32, #tpu.memory_space<hbm>> -> memref<16xi32, #tpu.memory_space<hbm>>
        %dma_wait3A_706 = arith.constant 64 : i32
        %dma_wait3A_707 = tpu.memref_slice %arg3[%add3A_391, %run_scoped3A_398, %dma_wait3A_706] : memref<32x125x80xi32, #tpu.memory_space<hbm>> -> memref<1x1x16xi32, #tpu.memory_space<hbm>>
        %dma_wait3A_708 = tpu.memref_squeeze %dma_wait3A_707 : memref<1x1x16xi32, #tpu.memory_space<hbm>> -> memref<16xi32, #tpu.memory_space<hbm>>
        tpu.wait_dma2 semaphore(%run_scoped3A_696 : memref<!tpu.dma_semaphore, #tpu.memory_space<semaphore_mem>>) src(%dma_wait3A_708 : memref<16xi32, #tpu.memory_space<hbm>>) dst(%arg11 : memref<16xi32, #tpu.memory_space<vmem>>)
        tpu.yield
      }) : () -> ()
      %get3A_399 = arith.constant 0 : index
      %get3A_400 = tpu.vector_load %arg11[%get3A_399] {strides = array<i32>} : memref<16xi32, #tpu.memory_space<vmem>>, vector<16xi32>,
      %get3A_401 = vector.shape_cast %get3A_400 : vector<16xi32> to vector<16xi32>
      %slice3A_402 = vector.extract_strided_slice %get3A_401 {offsets = [15], sizes = [1], strides = [1]} : vector<16xi32> to vector<1xi32>
      %squeeze3A_403 = vector.extract %slice3A_402[0] : i32 from vector<1xi32>
      %eq3A_404 = arith.constant 0 : i32
      %eq3A_405 = vector.broadcast %eq3A_404 : i32 to vector<16xi32>
      %eq3A_406 = arith.cmpi eq, %iota3A, %eq3A_405 : vector<16xi32>
      %eq3A_407 = arith.constant 1 : i32
      %eq3A_408 = vector.broadcast %eq3A_407 : i32 to vector<16xi32>
      %eq3A_409 = arith.cmpi eq, %iota3A, %eq3A_408 : vector<16xi32>
      %jit3A_410 = arith.constant 10200 : i32
      %broadcast_in_dim3A_411 = vector.broadcast %squeeze3A_403 : i32 to vector<16xi32>
      %broadcast_in_dim3A_412 = vector.broadcast %jit3A_410 : i32 to vector<16xi32>
      %select_n3A_413 = arith.select %eq3A_409, %broadcast_in_dim3A_411, %broadcast_in_dim3A_412 : vector<16xi1>, vector<16xi32>
      %broadcast_in_dim3A_414 = vector.broadcast %squeeze3A_397 : i32 to vector<16xi32>
      %select_n3A_415 = arith.select %eq3A_406, %broadcast_in_dim3A_414, %select_n3A_413 : vector<16xi1>, vector<16xi32>
      "tpu.region"() ({
        %run_scoped3A_696 = tpu.sem_alloc : memref<!tpu.dma_semaphore, #tpu.memory_space<semaphore_mem>>
        %dma_start3A_697 = arith.constant 10040 : i32
        %dma_start3A_698 = arith.constant 0 : i32
        %dma_start3A_699 = tpu.memref_slice %arg17[%dma_start3A_697, %dma_start3A_698] : memref<10240x128xf32, #tpu.memory_space<vmem_shared>> -> memref<16x128xf32, #tpu.memory_space<vmem_shared>>
        %dma_start3A_700 = arith.constant 10040 : i32
        %dma_start3A_701 = arith.constant 0 : i32
        %dma_start3A_702 = tpu.memref_slice %arg17[%dma_start3A_700, %dma_start3A_701] : memref<10240x128xf32, #tpu.memory_space<vmem_shared>> -> memref<16x128xf32, #tpu.memory_space<vmem_shared>>
        tpu.enqueue_dma source(%dma_start3A_702 : memref<16x128xf32, #tpu.memory_space<vmem_shared>>) target(%arg12 : memref<16x128xf32, #tpu.memory_space<vmem>>) target_semaphore(%run_scoped3A_696 : memref<!tpu.dma_semaphore, #tpu.memory_space<semaphore_mem>>)
        %dma_wait3A_703 = arith.constant 10040 : i32
        %dma_wait3A_704 = arith.constant 0 : i32
        %dma_wait3A_705 = tpu.memref_slice %arg17[%dma_wait3A_703, %dma_wait3A_704] : memref<10240x128xf32, #tpu.memory_space<vmem_shared>> -> memref<16x128xf32, #tpu.memory_space<vmem_shared>>
        %dma_wait3A_706 = arith.constant 10040 : i32
        %dma_wait3A_707 = arith.constant 0 : i32
        %dma_wait3A_708 = tpu.memref_slice %arg17[%dma_wait3A_706, %dma_wait3A_707] : memref<10240x128xf32, #tpu.memory_space<vmem_shared>> -> memref<16x128xf32, #tpu.memory_space<vmem_shared>>
        tpu.wait_dma2 semaphore(%run_scoped3A_696 : memref<!tpu.dma_semaphore, #tpu.memory_space<semaphore_mem>>) src(%dma_wait3A_708 : memref<16x128xf32, #tpu.memory_space<vmem_shared>>) dst(%arg12 : memref<16x128xf32, #tpu.memory_space<vmem>>)
        tpu.yield
      }) : () -> ()
      "tpu.region"() ({
        %run_scoped3A_696 = tpu.sem_alloc : memref<!tpu.dma_semaphore, #tpu.memory_space<semaphore_mem>>
        %dma_start3A_697 = arith.constant 0 : i32
        %dma_start3A_698 = arith.constant 0 : i32
        %dma_start3A_699 = tpu.memref_slice %arg17[%dma_start3A_697, %dma_start3A_698] : memref<10240x128xf32, #tpu.memory_space<vmem_shared>> -> memref<10240x128xf32, #tpu.memory_space<vmem_shared>>
        tpu.enqueue_indirect_dma source(%arg12 : memref<16x128xf32, #tpu.memory_space<vmem>>) target(%dma_start3A_699 : memref<10240x128xf32, #tpu.memory_space<vmem_shared>>) offsets(%select_n3A_415 : vector<16xi32>) semaphore(%run_scoped3A_696 : memref<!tpu.dma_semaphore, #tpu.memory_space<semaphore_mem>>) {add = true}
        %dma_wait3A_700 = arith.constant 0 : i32
        %dma_wait3A_701 = arith.constant 0 : i32
        %dma_wait3A_702 = tpu.memref_slice %arg17[%dma_wait3A_700, %dma_wait3A_701] : memref<10240x128xf32, #tpu.memory_space<vmem_shared>> -> memref<10240x128xf32, #tpu.memory_space<vmem_shared>>
        tpu.wait_indirect_dma semaphore(%run_scoped3A_696 : memref<!tpu.dma_semaphore, #tpu.memory_space<semaphore_mem>>) src(%arg12 : memref<16x128xf32, #tpu.memory_space<vmem>>) dst(%dma_wait3A_702 : memref<10240x128xf32, #tpu.memory_space<vmem_shared>>)
        tpu.yield
      }) : () -> ()
      "tpu.region"() ({
        %run_scoped3A_696 = tpu.sem_alloc : memref<!tpu.dma_semaphore, #tpu.memory_space<semaphore_mem>>
        %dma_start3A_697 = arith.constant 10040 : i32
        %dma_start3A_698 = tpu.memref_slice %arg18[%dma_start3A_697] : memref<10240xf32, #tpu.memory_space<vmem_shared>> -> memref<16xf32, #tpu.memory_space<vmem_shared>>
        %dma_start3A_699 = arith.constant 10040 : i32
        %dma_start3A_700 = tpu.memref_slice %arg18[%dma_start3A_699] : memref<10240xf32, #tpu.memory_space<vmem_shared>> -> memref<16xf32, #tpu.memory_space<vmem_shared>>
        tpu.enqueue_dma source(%dma_start3A_700 : memref<16xf32, #tpu.memory_space<vmem_shared>>) target(%arg13 : memref<16xf32, #tpu.memory_space<vmem>>) target_semaphore(%run_scoped3A_696 : memref<!tpu.dma_semaphore, #tpu.memory_space<semaphore_mem>>)
        %dma_wait3A_701 = arith.constant 10040 : i32
        %dma_wait3A_702 = tpu.memref_slice %arg18[%dma_wait3A_701] : memref<10240xf32, #tpu.memory_space<vmem_shared>> -> memref<16xf32, #tpu.memory_space<vmem_shared>>
        %dma_wait3A_703 = arith.constant 10040 : i32
        %dma_wait3A_704 = tpu.memref_slice %arg18[%dma_wait3A_703] : memref<10240xf32, #tpu.memory_space<vmem_shared>> -> memref<16xf32, #tpu.memory_space<vmem_shared>>
        tpu.wait_dma2 semaphore(%run_scoped3A_696 : memref<!tpu.dma_semaphore, #tpu.memory_space<semaphore_mem>>) src(%dma_wait3A_704 : memref<16xf32, #tpu.memory_space<vmem_shared>>) dst(%arg13 : memref<16xf32, #tpu.memory_space<vmem>>)
        tpu.yield
      }) : () -> ()
      "tpu.region"() ({
        %run_scoped3A_696 = tpu.sem_alloc : memref<!tpu.dma_semaphore, #tpu.memory_space<semaphore_mem>>
        %dma_start3A_697 = arith.constant 0 : i32
        %dma_start3A_698 = tpu.memref_slice %arg18[%dma_start3A_697] : memref<10240xf32, #tpu.memory_space<vmem_shared>> -> memref<10240xf32, #tpu.memory_space<vmem_shared>>
        tpu.enqueue_indirect_dma source(%arg13 : memref<16xf32, #tpu.memory_space<vmem>>) target(%dma_start3A_698 : memref<10240xf32, #tpu.memory_space<vmem_shared>>) offsets(%select_n3A_415 : vector<16xi32>) semaphore(%run_scoped3A_696 : memref<!tpu.dma_semaphore, #tpu.memory_space<semaphore_mem>>) {add = true}
        %dma_wait3A_699 = arith.constant 0 : i32
        %dma_wait3A_700 = tpu.memref_slice %arg18[%dma_wait3A_699] : memref<10240xf32, #tpu.memory_space<vmem_shared>> -> memref<10240xf32, #tpu.memory_space<vmem_shared>>
        tpu.wait_indirect_dma semaphore(%run_scoped3A_696 : memref<!tpu.dma_semaphore, #tpu.memory_space<semaphore_mem>>) src(%arg13 : memref<16xf32, #tpu.memory_space<vmem>>) dst(%dma_wait3A_700 : memref<10240xf32, #tpu.memory_space<vmem_shared>>)
        tpu.yield
      }) : () -> ()
      %mul3A_416 = arith.constant 16 : i32
      %mul3A_417 = arith.muli %arg0, %mul3A_416 : i32
      %add3A_418 = arith.constant 6 : i32
      %add3A_419 = arith.addi %mul3A_417, %add3A_418 : i32
      %run_scoped3A_420 = arith.constant 0 : i32
      "tpu.region"() ({
        %run_scoped3A_696 = tpu.sem_alloc : memref<!tpu.dma_semaphore, #tpu.memory_space<semaphore_mem>>
        %dma_start3A_697 = arith.constant 0 : i32
        %dma_start3A_698 = tpu.memref_slice %arg3[%add3A_419, %run_scoped3A_420, %dma_start3A_697] : memref<32x125x80xi32, #tpu.memory_space<hbm>> -> memref<1x1x16xi32, #tpu.memory_space<hbm>>
        %dma_start3A_699 = tpu.memref_squeeze %dma_start3A_698 : memref<1x1x16xi32, #tpu.memory_space<hbm>> -> memref<16xi32, #tpu.memory_space<hbm>>
        %dma_start3A_700 = arith.constant 0 : i32
        %dma_start3A_701 = tpu.memref_slice %arg3[%add3A_419, %run_scoped3A_420, %dma_start3A_700] : memref<32x125x80xi32, #tpu.memory_space<hbm>> -> memref<1x1x16xi32, #tpu.memory_space<hbm>>
        %dma_start3A_702 = tpu.memref_squeeze %dma_start3A_701 : memref<1x1x16xi32, #tpu.memory_space<hbm>> -> memref<16xi32, #tpu.memory_space<hbm>>
        tpu.enqueue_dma source(%dma_start3A_702 : memref<16xi32, #tpu.memory_space<hbm>>) target(%arg11 : memref<16xi32, #tpu.memory_space<vmem>>) target_semaphore(%run_scoped3A_696 : memref<!tpu.dma_semaphore, #tpu.memory_space<semaphore_mem>>)
        %dma_wait3A_703 = arith.constant 0 : i32
        %dma_wait3A_704 = tpu.memref_slice %arg3[%add3A_419, %run_scoped3A_420, %dma_wait3A_703] : memref<32x125x80xi32, #tpu.memory_space<hbm>> -> memref<1x1x16xi32, #tpu.memory_space<hbm>>
        %dma_wait3A_705 = tpu.memref_squeeze %dma_wait3A_704 : memref<1x1x16xi32, #tpu.memory_space<hbm>> -> memref<16xi32, #tpu.memory_space<hbm>>
        %dma_wait3A_706 = arith.constant 0 : i32
        %dma_wait3A_707 = tpu.memref_slice %arg3[%add3A_419, %run_scoped3A_420, %dma_wait3A_706] : memref<32x125x80xi32, #tpu.memory_space<hbm>> -> memref<1x1x16xi32, #tpu.memory_space<hbm>>
        %dma_wait3A_708 = tpu.memref_squeeze %dma_wait3A_707 : memref<1x1x16xi32, #tpu.memory_space<hbm>> -> memref<16xi32, #tpu.memory_space<hbm>>
        tpu.wait_dma2 semaphore(%run_scoped3A_696 : memref<!tpu.dma_semaphore, #tpu.memory_space<semaphore_mem>>) src(%dma_wait3A_708 : memref<16xi32, #tpu.memory_space<hbm>>) dst(%arg11 : memref<16xi32, #tpu.memory_space<vmem>>)
        tpu.yield
      }) : () -> ()
      %get3A_421 = arith.constant 0 : index
      %get3A_422 = tpu.vector_load %arg11[%get3A_421] {strides = array<i32>} : memref<16xi32, #tpu.memory_space<vmem>>, vector<16xi32>,
      %get3A_423 = vector.shape_cast %get3A_422 : vector<16xi32> to vector<16xi32>
      %slice3A_424 = vector.extract_strided_slice %get3A_423 {offsets = [0], sizes = [1], strides = [1]} : vector<16xi32> to vector<1xi32>
      %squeeze3A_425 = vector.extract %slice3A_424[0] : i32 from vector<1xi32>
      %run_scoped3A_426 = arith.constant 124 : i32
      "tpu.region"() ({
        %run_scoped3A_696 = tpu.sem_alloc : memref<!tpu.dma_semaphore, #tpu.memory_space<semaphore_mem>>
        %dma_start3A_697 = arith.constant 64 : i32
        %dma_start3A_698 = tpu.memref_slice %arg3[%add3A_419, %run_scoped3A_426, %dma_start3A_697] : memref<32x125x80xi32, #tpu.memory_space<hbm>> -> memref<1x1x16xi32, #tpu.memory_space<hbm>>
        %dma_start3A_699 = tpu.memref_squeeze %dma_start3A_698 : memref<1x1x16xi32, #tpu.memory_space<hbm>> -> memref<16xi32, #tpu.memory_space<hbm>>
        %dma_start3A_700 = arith.constant 64 : i32
        %dma_start3A_701 = tpu.memref_slice %arg3[%add3A_419, %run_scoped3A_426, %dma_start3A_700] : memref<32x125x80xi32, #tpu.memory_space<hbm>> -> memref<1x1x16xi32, #tpu.memory_space<hbm>>
        %dma_start3A_702 = tpu.memref_squeeze %dma_start3A_701 : memref<1x1x16xi32, #tpu.memory_space<hbm>> -> memref<16xi32, #tpu.memory_space<hbm>>
        tpu.enqueue_dma source(%dma_start3A_702 : memref<16xi32, #tpu.memory_space<hbm>>) target(%arg11 : memref<16xi32, #tpu.memory_space<vmem>>) target_semaphore(%run_scoped3A_696 : memref<!tpu.dma_semaphore, #tpu.memory_space<semaphore_mem>>)
        %dma_wait3A_703 = arith.constant 64 : i32
        %dma_wait3A_704 = tpu.memref_slice %arg3[%add3A_419, %run_scoped3A_426, %dma_wait3A_703] : memref<32x125x80xi32, #tpu.memory_space<hbm>> -> memref<1x1x16xi32, #tpu.memory_space<hbm>>
        %dma_wait3A_705 = tpu.memref_squeeze %dma_wait3A_704 : memref<1x1x16xi32, #tpu.memory_space<hbm>> -> memref<16xi32, #tpu.memory_space<hbm>>
        %dma_wait3A_706 = arith.constant 64 : i32
        %dma_wait3A_707 = tpu.memref_slice %arg3[%add3A_419, %run_scoped3A_426, %dma_wait3A_706] : memref<32x125x80xi32, #tpu.memory_space<hbm>> -> memref<1x1x16xi32, #tpu.memory_space<hbm>>
        %dma_wait3A_708 = tpu.memref_squeeze %dma_wait3A_707 : memref<1x1x16xi32, #tpu.memory_space<hbm>> -> memref<16xi32, #tpu.memory_space<hbm>>
        tpu.wait_dma2 semaphore(%run_scoped3A_696 : memref<!tpu.dma_semaphore, #tpu.memory_space<semaphore_mem>>) src(%dma_wait3A_708 : memref<16xi32, #tpu.memory_space<hbm>>) dst(%arg11 : memref<16xi32, #tpu.memory_space<vmem>>)
        tpu.yield
      }) : () -> ()
      %get3A_427 = arith.constant 0 : index
      %get3A_428 = tpu.vector_load %arg11[%get3A_427] {strides = array<i32>} : memref<16xi32, #tpu.memory_space<vmem>>, vector<16xi32>,
      %get3A_429 = vector.shape_cast %get3A_428 : vector<16xi32> to vector<16xi32>
      %slice3A_430 = vector.extract_strided_slice %get3A_429 {offsets = [15], sizes = [1], strides = [1]} : vector<16xi32> to vector<1xi32>
      %squeeze3A_431 = vector.extract %slice3A_430[0] : i32 from vector<1xi32>
      %eq3A_432 = arith.constant 0 : i32
      %eq3A_433 = vector.broadcast %eq3A_432 : i32 to vector<16xi32>
      %eq3A_434 = arith.cmpi eq, %iota3A, %eq3A_433 : vector<16xi32>
      %eq3A_435 = arith.constant 1 : i32
      %eq3A_436 = vector.broadcast %eq3A_435 : i32 to vector<16xi32>
      %eq3A_437 = arith.cmpi eq, %iota3A, %eq3A_436 : vector<16xi32>
      %jit3A_438 = arith.constant 10200 : i32
      %broadcast_in_dim3A_439 = vector.broadcast %squeeze3A_431 : i32 to vector<16xi32>
      %broadcast_in_dim3A_440 = vector.broadcast %jit3A_438 : i32 to vector<16xi32>
      %select_n3A_441 = arith.select %eq3A_437, %broadcast_in_dim3A_439, %broadcast_in_dim3A_440 : vector<16xi1>, vector<16xi32>
      %broadcast_in_dim3A_442 = vector.broadcast %squeeze3A_425 : i32 to vector<16xi32>
      %select_n3A_443 = arith.select %eq3A_434, %broadcast_in_dim3A_442, %select_n3A_441 : vector<16xi1>, vector<16xi32>
      "tpu.region"() ({
        %run_scoped3A_696 = tpu.sem_alloc : memref<!tpu.dma_semaphore, #tpu.memory_space<semaphore_mem>>
        %dma_start3A_697 = arith.constant 10048 : i32
        %dma_start3A_698 = arith.constant 0 : i32
        %dma_start3A_699 = tpu.memref_slice %arg17[%dma_start3A_697, %dma_start3A_698] : memref<10240x128xf32, #tpu.memory_space<vmem_shared>> -> memref<16x128xf32, #tpu.memory_space<vmem_shared>>
        %dma_start3A_700 = arith.constant 10048 : i32
        %dma_start3A_701 = arith.constant 0 : i32
        %dma_start3A_702 = tpu.memref_slice %arg17[%dma_start3A_700, %dma_start3A_701] : memref<10240x128xf32, #tpu.memory_space<vmem_shared>> -> memref<16x128xf32, #tpu.memory_space<vmem_shared>>
        tpu.enqueue_dma source(%dma_start3A_702 : memref<16x128xf32, #tpu.memory_space<vmem_shared>>) target(%arg12 : memref<16x128xf32, #tpu.memory_space<vmem>>) target_semaphore(%run_scoped3A_696 : memref<!tpu.dma_semaphore, #tpu.memory_space<semaphore_mem>>)
        %dma_wait3A_703 = arith.constant 10048 : i32
        %dma_wait3A_704 = arith.constant 0 : i32
        %dma_wait3A_705 = tpu.memref_slice %arg17[%dma_wait3A_703, %dma_wait3A_704] : memref<10240x128xf32, #tpu.memory_space<vmem_shared>> -> memref<16x128xf32, #tpu.memory_space<vmem_shared>>
        %dma_wait3A_706 = arith.constant 10048 : i32
        %dma_wait3A_707 = arith.constant 0 : i32
        %dma_wait3A_708 = tpu.memref_slice %arg17[%dma_wait3A_706, %dma_wait3A_707] : memref<10240x128xf32, #tpu.memory_space<vmem_shared>> -> memref<16x128xf32, #tpu.memory_space<vmem_shared>>
        tpu.wait_dma2 semaphore(%run_scoped3A_696 : memref<!tpu.dma_semaphore, #tpu.memory_space<semaphore_mem>>) src(%dma_wait3A_708 : memref<16x128xf32, #tpu.memory_space<vmem_shared>>) dst(%arg12 : memref<16x128xf32, #tpu.memory_space<vmem>>)
        tpu.yield
      }) : () -> ()
      "tpu.region"() ({
        %run_scoped3A_696 = tpu.sem_alloc : memref<!tpu.dma_semaphore, #tpu.memory_space<semaphore_mem>>
        %dma_start3A_697 = arith.constant 0 : i32
        %dma_start3A_698 = arith.constant 0 : i32
        %dma_start3A_699 = tpu.memref_slice %arg17[%dma_start3A_697, %dma_start3A_698] : memref<10240x128xf32, #tpu.memory_space<vmem_shared>> -> memref<10240x128xf32, #tpu.memory_space<vmem_shared>>
        tpu.enqueue_indirect_dma source(%arg12 : memref<16x128xf32, #tpu.memory_space<vmem>>) target(%dma_start3A_699 : memref<10240x128xf32, #tpu.memory_space<vmem_shared>>) offsets(%select_n3A_443 : vector<16xi32>) semaphore(%run_scoped3A_696 : memref<!tpu.dma_semaphore, #tpu.memory_space<semaphore_mem>>) {add = true}
        %dma_wait3A_700 = arith.constant 0 : i32
        %dma_wait3A_701 = arith.constant 0 : i32
        %dma_wait3A_702 = tpu.memref_slice %arg17[%dma_wait3A_700, %dma_wait3A_701] : memref<10240x128xf32, #tpu.memory_space<vmem_shared>> -> memref<10240x128xf32, #tpu.memory_space<vmem_shared>>
        tpu.wait_indirect_dma semaphore(%run_scoped3A_696 : memref<!tpu.dma_semaphore, #tpu.memory_space<semaphore_mem>>) src(%arg12 : memref<16x128xf32, #tpu.memory_space<vmem>>) dst(%dma_wait3A_702 : memref<10240x128xf32, #tpu.memory_space<vmem_shared>>)
        tpu.yield
      }) : () -> ()
      "tpu.region"() ({
        %run_scoped3A_696 = tpu.sem_alloc : memref<!tpu.dma_semaphore, #tpu.memory_space<semaphore_mem>>
        %dma_start3A_697 = arith.constant 10048 : i32
        %dma_start3A_698 = tpu.memref_slice %arg18[%dma_start3A_697] : memref<10240xf32, #tpu.memory_space<vmem_shared>> -> memref<16xf32, #tpu.memory_space<vmem_shared>>
        %dma_start3A_699 = arith.constant 10048 : i32
        %dma_start3A_700 = tpu.memref_slice %arg18[%dma_start3A_699] : memref<10240xf32, #tpu.memory_space<vmem_shared>> -> memref<16xf32, #tpu.memory_space<vmem_shared>>
        tpu.enqueue_dma source(%dma_start3A_700 : memref<16xf32, #tpu.memory_space<vmem_shared>>) target(%arg13 : memref<16xf32, #tpu.memory_space<vmem>>) target_semaphore(%run_scoped3A_696 : memref<!tpu.dma_semaphore, #tpu.memory_space<semaphore_mem>>)
        %dma_wait3A_701 = arith.constant 10048 : i32
        %dma_wait3A_702 = tpu.memref_slice %arg18[%dma_wait3A_701] : memref<10240xf32, #tpu.memory_space<vmem_shared>> -> memref<16xf32, #tpu.memory_space<vmem_shared>>
        %dma_wait3A_703 = arith.constant 10048 : i32
        %dma_wait3A_704 = tpu.memref_slice %arg18[%dma_wait3A_703] : memref<10240xf32, #tpu.memory_space<vmem_shared>> -> memref<16xf32, #tpu.memory_space<vmem_shared>>
        tpu.wait_dma2 semaphore(%run_scoped3A_696 : memref<!tpu.dma_semaphore, #tpu.memory_space<semaphore_mem>>) src(%dma_wait3A_704 : memref<16xf32, #tpu.memory_space<vmem_shared>>) dst(%arg13 : memref<16xf32, #tpu.memory_space<vmem>>)
        tpu.yield
      }) : () -> ()
      "tpu.region"() ({
        %run_scoped3A_696 = tpu.sem_alloc : memref<!tpu.dma_semaphore, #tpu.memory_space<semaphore_mem>>
        %dma_start3A_697 = arith.constant 0 : i32
        %dma_start3A_698 = tpu.memref_slice %arg18[%dma_start3A_697] : memref<10240xf32, #tpu.memory_space<vmem_shared>> -> memref<10240xf32, #tpu.memory_space<vmem_shared>>
        tpu.enqueue_indirect_dma source(%arg13 : memref<16xf32, #tpu.memory_space<vmem>>) target(%dma_start3A_698 : memref<10240xf32, #tpu.memory_space<vmem_shared>>) offsets(%select_n3A_443 : vector<16xi32>) semaphore(%run_scoped3A_696 : memref<!tpu.dma_semaphore, #tpu.memory_space<semaphore_mem>>) {add = true}
        %dma_wait3A_699 = arith.constant 0 : i32
        %dma_wait3A_700 = tpu.memref_slice %arg18[%dma_wait3A_699] : memref<10240xf32, #tpu.memory_space<vmem_shared>> -> memref<10240xf32, #tpu.memory_space<vmem_shared>>
        tpu.wait_indirect_dma semaphore(%run_scoped3A_696 : memref<!tpu.dma_semaphore, #tpu.memory_space<semaphore_mem>>) src(%arg13 : memref<16xf32, #tpu.memory_space<vmem>>) dst(%dma_wait3A_700 : memref<10240xf32, #tpu.memory_space<vmem_shared>>)
        tpu.yield
      }) : () -> ()
      %mul3A_444 = arith.constant 16 : i32
      %mul3A_445 = arith.muli %arg0, %mul3A_444 : i32
      %add3A_446 = arith.constant 7 : i32
      %add3A_447 = arith.addi %mul3A_445, %add3A_446 : i32
      %run_scoped3A_448 = arith.constant 0 : i32
      "tpu.region"() ({
        %run_scoped3A_696 = tpu.sem_alloc : memref<!tpu.dma_semaphore, #tpu.memory_space<semaphore_mem>>
        %dma_start3A_697 = arith.constant 0 : i32
        %dma_start3A_698 = tpu.memref_slice %arg3[%add3A_447, %run_scoped3A_448, %dma_start3A_697] : memref<32x125x80xi32, #tpu.memory_space<hbm>> -> memref<1x1x16xi32, #tpu.memory_space<hbm>>
        %dma_start3A_699 = tpu.memref_squeeze %dma_start3A_698 : memref<1x1x16xi32, #tpu.memory_space<hbm>> -> memref<16xi32, #tpu.memory_space<hbm>>
        %dma_start3A_700 = arith.constant 0 : i32
        %dma_start3A_701 = tpu.memref_slice %arg3[%add3A_447, %run_scoped3A_448, %dma_start3A_700] : memref<32x125x80xi32, #tpu.memory_space<hbm>> -> memref<1x1x16xi32, #tpu.memory_space<hbm>>
        %dma_start3A_702 = tpu.memref_squeeze %dma_start3A_701 : memref<1x1x16xi32, #tpu.memory_space<hbm>> -> memref<16xi32, #tpu.memory_space<hbm>>
        tpu.enqueue_dma source(%dma_start3A_702 : memref<16xi32, #tpu.memory_space<hbm>>) target(%arg11 : memref<16xi32, #tpu.memory_space<vmem>>) target_semaphore(%run_scoped3A_696 : memref<!tpu.dma_semaphore, #tpu.memory_space<semaphore_mem>>)
        %dma_wait3A_703 = arith.constant 0 : i32
        %dma_wait3A_704 = tpu.memref_slice %arg3[%add3A_447, %run_scoped3A_448, %dma_wait3A_703] : memref<32x125x80xi32, #tpu.memory_space<hbm>> -> memref<1x1x16xi32, #tpu.memory_space<hbm>>
        %dma_wait3A_705 = tpu.memref_squeeze %dma_wait3A_704 : memref<1x1x16xi32, #tpu.memory_space<hbm>> -> memref<16xi32, #tpu.memory_space<hbm>>
        %dma_wait3A_706 = arith.constant 0 : i32
        %dma_wait3A_707 = tpu.memref_slice %arg3[%add3A_447, %run_scoped3A_448, %dma_wait3A_706] : memref<32x125x80xi32, #tpu.memory_space<hbm>> -> memref<1x1x16xi32, #tpu.memory_space<hbm>>
        %dma_wait3A_708 = tpu.memref_squeeze %dma_wait3A_707 : memref<1x1x16xi32, #tpu.memory_space<hbm>> -> memref<16xi32, #tpu.memory_space<hbm>>
        tpu.wait_dma2 semaphore(%run_scoped3A_696 : memref<!tpu.dma_semaphore, #tpu.memory_space<semaphore_mem>>) src(%dma_wait3A_708 : memref<16xi32, #tpu.memory_space<hbm>>) dst(%arg11 : memref<16xi32, #tpu.memory_space<vmem>>)
        tpu.yield
      }) : () -> ()
      %get3A_449 = arith.constant 0 : index
      %get3A_450 = tpu.vector_load %arg11[%get3A_449] {strides = array<i32>} : memref<16xi32, #tpu.memory_space<vmem>>, vector<16xi32>,
      %get3A_451 = vector.shape_cast %get3A_450 : vector<16xi32> to vector<16xi32>
      %slice3A_452 = vector.extract_strided_slice %get3A_451 {offsets = [0], sizes = [1], strides = [1]} : vector<16xi32> to vector<1xi32>
      %squeeze3A_453 = vector.extract %slice3A_452[0] : i32 from vector<1xi32>
      %run_scoped3A_454 = arith.constant 124 : i32
      "tpu.region"() ({
        %run_scoped3A_696 = tpu.sem_alloc : memref<!tpu.dma_semaphore, #tpu.memory_space<semaphore_mem>>
        %dma_start3A_697 = arith.constant 64 : i32
        %dma_start3A_698 = tpu.memref_slice %arg3[%add3A_447, %run_scoped3A_454, %dma_start3A_697] : memref<32x125x80xi32, #tpu.memory_space<hbm>> -> memref<1x1x16xi32, #tpu.memory_space<hbm>>
        %dma_start3A_699 = tpu.memref_squeeze %dma_start3A_698 : memref<1x1x16xi32, #tpu.memory_space<hbm>> -> memref<16xi32, #tpu.memory_space<hbm>>
        %dma_start3A_700 = arith.constant 64 : i32
        %dma_start3A_701 = tpu.memref_slice %arg3[%add3A_447, %run_scoped3A_454, %dma_start3A_700] : memref<32x125x80xi32, #tpu.memory_space<hbm>> -> memref<1x1x16xi32, #tpu.memory_space<hbm>>
        %dma_start3A_702 = tpu.memref_squeeze %dma_start3A_701 : memref<1x1x16xi32, #tpu.memory_space<hbm>> -> memref<16xi32, #tpu.memory_space<hbm>>
        tpu.enqueue_dma source(%dma_start3A_702 : memref<16xi32, #tpu.memory_space<hbm>>) target(%arg11 : memref<16xi32, #tpu.memory_space<vmem>>) target_semaphore(%run_scoped3A_696 : memref<!tpu.dma_semaphore, #tpu.memory_space<semaphore_mem>>)
        %dma_wait3A_703 = arith.constant 64 : i32
        %dma_wait3A_704 = tpu.memref_slice %arg3[%add3A_447, %run_scoped3A_454, %dma_wait3A_703] : memref<32x125x80xi32, #tpu.memory_space<hbm>> -> memref<1x1x16xi32, #tpu.memory_space<hbm>>
        %dma_wait3A_705 = tpu.memref_squeeze %dma_wait3A_704 : memref<1x1x16xi32, #tpu.memory_space<hbm>> -> memref<16xi32, #tpu.memory_space<hbm>>
        %dma_wait3A_706 = arith.constant 64 : i32
        %dma_wait3A_707 = tpu.memref_slice %arg3[%add3A_447, %run_scoped3A_454, %dma_wait3A_706] : memref<32x125x80xi32, #tpu.memory_space<hbm>> -> memref<1x1x16xi32, #tpu.memory_space<hbm>>
        %dma_wait3A_708 = tpu.memref_squeeze %dma_wait3A_707 : memref<1x1x16xi32, #tpu.memory_space<hbm>> -> memref<16xi32, #tpu.memory_space<hbm>>
        tpu.wait_dma2 semaphore(%run_scoped3A_696 : memref<!tpu.dma_semaphore, #tpu.memory_space<semaphore_mem>>) src(%dma_wait3A_708 : memref<16xi32, #tpu.memory_space<hbm>>) dst(%arg11 : memref<16xi32, #tpu.memory_space<vmem>>)
        tpu.yield
      }) : () -> ()
      %get3A_455 = arith.constant 0 : index
      %get3A_456 = tpu.vector_load %arg11[%get3A_455] {strides = array<i32>} : memref<16xi32, #tpu.memory_space<vmem>>, vector<16xi32>,
      %get3A_457 = vector.shape_cast %get3A_456 : vector<16xi32> to vector<16xi32>
      %slice3A_458 = vector.extract_strided_slice %get3A_457 {offsets = [15], sizes = [1], strides = [1]} : vector<16xi32> to vector<1xi32>
      %squeeze3A_459 = vector.extract %slice3A_458[0] : i32 from vector<1xi32>
      %eq3A_460 = arith.constant 0 : i32
      %eq3A_461 = vector.broadcast %eq3A_460 : i32 to vector<16xi32>
      %eq3A_462 = arith.cmpi eq, %iota3A, %eq3A_461 : vector<16xi32>
      %eq3A_463 = arith.constant 1 : i32
      %eq3A_464 = vector.broadcast %eq3A_463 : i32 to vector<16xi32>
      %eq3A_465 = arith.cmpi eq, %iota3A, %eq3A_464 : vector<16xi32>
      %jit3A_466 = arith.constant 10200 : i32
      %broadcast_in_dim3A_467 = vector.broadcast %squeeze3A_459 : i32 to vector<16xi32>
      %broadcast_in_dim3A_468 = vector.broadcast %jit3A_466 : i32 to vector<16xi32>
      %select_n3A_469 = arith.select %eq3A_465, %broadcast_in_dim3A_467, %broadcast_in_dim3A_468 : vector<16xi1>, vector<16xi32>
      %broadcast_in_dim3A_470 = vector.broadcast %squeeze3A_453 : i32 to vector<16xi32>
      %select_n3A_471 = arith.select %eq3A_462, %broadcast_in_dim3A_470, %select_n3A_469 : vector<16xi1>, vector<16xi32>
      "tpu.region"() ({
        %run_scoped3A_696 = tpu.sem_alloc : memref<!tpu.dma_semaphore, #tpu.memory_space<semaphore_mem>>
        %dma_start3A_697 = arith.constant 10056 : i32
        %dma_start3A_698 = arith.constant 0 : i32
        %dma_start3A_699 = tpu.memref_slice %arg17[%dma_start3A_697, %dma_start3A_698] : memref<10240x128xf32, #tpu.memory_space<vmem_shared>> -> memref<16x128xf32, #tpu.memory_space<vmem_shared>>
        %dma_start3A_700 = arith.constant 10056 : i32
        %dma_start3A_701 = arith.constant 0 : i32
        %dma_start3A_702 = tpu.memref_slice %arg17[%dma_start3A_700, %dma_start3A_701] : memref<10240x128xf32, #tpu.memory_space<vmem_shared>> -> memref<16x128xf32, #tpu.memory_space<vmem_shared>>
        tpu.enqueue_dma source(%dma_start3A_702 : memref<16x128xf32, #tpu.memory_space<vmem_shared>>) target(%arg12 : memref<16x128xf32, #tpu.memory_space<vmem>>) target_semaphore(%run_scoped3A_696 : memref<!tpu.dma_semaphore, #tpu.memory_space<semaphore_mem>>)
        %dma_wait3A_703 = arith.constant 10056 : i32
        %dma_wait3A_704 = arith.constant 0 : i32
        %dma_wait3A_705 = tpu.memref_slice %arg17[%dma_wait3A_703, %dma_wait3A_704] : memref<10240x128xf32, #tpu.memory_space<vmem_shared>> -> memref<16x128xf32, #tpu.memory_space<vmem_shared>>
        %dma_wait3A_706 = arith.constant 10056 : i32
        %dma_wait3A_707 = arith.constant 0 : i32
        %dma_wait3A_708 = tpu.memref_slice %arg17[%dma_wait3A_706, %dma_wait3A_707] : memref<10240x128xf32, #tpu.memory_space<vmem_shared>> -> memref<16x128xf32, #tpu.memory_space<vmem_shared>>
        tpu.wait_dma2 semaphore(%run_scoped3A_696 : memref<!tpu.dma_semaphore, #tpu.memory_space<semaphore_mem>>) src(%dma_wait3A_708 : memref<16x128xf32, #tpu.memory_space<vmem_shared>>) dst(%arg12 : memref<16x128xf32, #tpu.memory_space<vmem>>)
        tpu.yield
      }) : () -> ()
      "tpu.region"() ({
        %run_scoped3A_696 = tpu.sem_alloc : memref<!tpu.dma_semaphore, #tpu.memory_space<semaphore_mem>>
        %dma_start3A_697 = arith.constant 0 : i32
        %dma_start3A_698 = arith.constant 0 : i32
        %dma_start3A_699 = tpu.memref_slice %arg17[%dma_start3A_697, %dma_start3A_698] : memref<10240x128xf32, #tpu.memory_space<vmem_shared>> -> memref<10240x128xf32, #tpu.memory_space<vmem_shared>>
        tpu.enqueue_indirect_dma source(%arg12 : memref<16x128xf32, #tpu.memory_space<vmem>>) target(%dma_start3A_699 : memref<10240x128xf32, #tpu.memory_space<vmem_shared>>) offsets(%select_n3A_471 : vector<16xi32>) semaphore(%run_scoped3A_696 : memref<!tpu.dma_semaphore, #tpu.memory_space<semaphore_mem>>) {add = true}
        %dma_wait3A_700 = arith.constant 0 : i32
        %dma_wait3A_701 = arith.constant 0 : i32
        %dma_wait3A_702 = tpu.memref_slice %arg17[%dma_wait3A_700, %dma_wait3A_701] : memref<10240x128xf32, #tpu.memory_space<vmem_shared>> -> memref<10240x128xf32, #tpu.memory_space<vmem_shared>>
        tpu.wait_indirect_dma semaphore(%run_scoped3A_696 : memref<!tpu.dma_semaphore, #tpu.memory_space<semaphore_mem>>) src(%arg12 : memref<16x128xf32, #tpu.memory_space<vmem>>) dst(%dma_wait3A_702 : memref<10240x128xf32, #tpu.memory_space<vmem_shared>>)
        tpu.yield
      }) : () -> ()
      "tpu.region"() ({
        %run_scoped3A_696 = tpu.sem_alloc : memref<!tpu.dma_semaphore, #tpu.memory_space<semaphore_mem>>
        %dma_start3A_697 = arith.constant 10056 : i32
        %dma_start3A_698 = tpu.memref_slice %arg18[%dma_start3A_697] : memref<10240xf32, #tpu.memory_space<vmem_shared>> -> memref<16xf32, #tpu.memory_space<vmem_shared>>
        %dma_start3A_699 = arith.constant 10056 : i32
        %dma_start3A_700 = tpu.memref_slice %arg18[%dma_start3A_699] : memref<10240xf32, #tpu.memory_space<vmem_shared>> -> memref<16xf32, #tpu.memory_space<vmem_shared>>
        tpu.enqueue_dma source(%dma_start3A_700 : memref<16xf32, #tpu.memory_space<vmem_shared>>) target(%arg13 : memref<16xf32, #tpu.memory_space<vmem>>) target_semaphore(%run_scoped3A_696 : memref<!tpu.dma_semaphore, #tpu.memory_space<semaphore_mem>>)
        %dma_wait3A_701 = arith.constant 10056 : i32
        %dma_wait3A_702 = tpu.memref_slice %arg18[%dma_wait3A_701] : memref<10240xf32, #tpu.memory_space<vmem_shared>> -> memref<16xf32, #tpu.memory_space<vmem_shared>>
        %dma_wait3A_703 = arith.constant 10056 : i32
        %dma_wait3A_704 = tpu.memref_slice %arg18[%dma_wait3A_703] : memref<10240xf32, #tpu.memory_space<vmem_shared>> -> memref<16xf32, #tpu.memory_space<vmem_shared>>
        tpu.wait_dma2 semaphore(%run_scoped3A_696 : memref<!tpu.dma_semaphore, #tpu.memory_space<semaphore_mem>>) src(%dma_wait3A_704 : memref<16xf32, #tpu.memory_space<vmem_shared>>) dst(%arg13 : memref<16xf32, #tpu.memory_space<vmem>>)
        tpu.yield
      }) : () -> ()
      "tpu.region"() ({
        %run_scoped3A_696 = tpu.sem_alloc : memref<!tpu.dma_semaphore, #tpu.memory_space<semaphore_mem>>
        %dma_start3A_697 = arith.constant 0 : i32
        %dma_start3A_698 = tpu.memref_slice %arg18[%dma_start3A_697] : memref<10240xf32, #tpu.memory_space<vmem_shared>> -> memref<10240xf32, #tpu.memory_space<vmem_shared>>
        tpu.enqueue_indirect_dma source(%arg13 : memref<16xf32, #tpu.memory_space<vmem>>) target(%dma_start3A_698 : memref<10240xf32, #tpu.memory_space<vmem_shared>>) offsets(%select_n3A_471 : vector<16xi32>) semaphore(%run_scoped3A_696 : memref<!tpu.dma_semaphore, #tpu.memory_space<semaphore_mem>>) {add = true}
        %dma_wait3A_699 = arith.constant 0 : i32
        %dma_wait3A_700 = tpu.memref_slice %arg18[%dma_wait3A_699] : memref<10240xf32, #tpu.memory_space<vmem_shared>> -> memref<10240xf32, #tpu.memory_space<vmem_shared>>
        tpu.wait_indirect_dma semaphore(%run_scoped3A_696 : memref<!tpu.dma_semaphore, #tpu.memory_space<semaphore_mem>>) src(%arg13 : memref<16xf32, #tpu.memory_space<vmem>>) dst(%dma_wait3A_700 : memref<10240xf32, #tpu.memory_space<vmem_shared>>)
        tpu.yield
      }) : () -> ()
      %mul3A_472 = arith.constant 16 : i32
      %mul3A_473 = arith.muli %arg0, %mul3A_472 : i32
      %add3A_474 = arith.constant 8 : i32
      %add3A_475 = arith.addi %mul3A_473, %add3A_474 : i32
      %run_scoped3A_476 = arith.constant 0 : i32
      "tpu.region"() ({
        %run_scoped3A_696 = tpu.sem_alloc : memref<!tpu.dma_semaphore, #tpu.memory_space<semaphore_mem>>
        %dma_start3A_697 = arith.constant 0 : i32
        %dma_start3A_698 = tpu.memref_slice %arg3[%add3A_475, %run_scoped3A_476, %dma_start3A_697] : memref<32x125x80xi32, #tpu.memory_space<hbm>> -> memref<1x1x16xi32, #tpu.memory_space<hbm>>
        %dma_start3A_699 = tpu.memref_squeeze %dma_start3A_698 : memref<1x1x16xi32, #tpu.memory_space<hbm>> -> memref<16xi32, #tpu.memory_space<hbm>>
        %dma_start3A_700 = arith.constant 0 : i32
        %dma_start3A_701 = tpu.memref_slice %arg3[%add3A_475, %run_scoped3A_476, %dma_start3A_700] : memref<32x125x80xi32, #tpu.memory_space<hbm>> -> memref<1x1x16xi32, #tpu.memory_space<hbm>>
        %dma_start3A_702 = tpu.memref_squeeze %dma_start3A_701 : memref<1x1x16xi32, #tpu.memory_space<hbm>> -> memref<16xi32, #tpu.memory_space<hbm>>
        tpu.enqueue_dma source(%dma_start3A_702 : memref<16xi32, #tpu.memory_space<hbm>>) target(%arg11 : memref<16xi32, #tpu.memory_space<vmem>>) target_semaphore(%run_scoped3A_696 : memref<!tpu.dma_semaphore, #tpu.memory_space<semaphore_mem>>)
        %dma_wait3A_703 = arith.constant 0 : i32
        %dma_wait3A_704 = tpu.memref_slice %arg3[%add3A_475, %run_scoped3A_476, %dma_wait3A_703] : memref<32x125x80xi32, #tpu.memory_space<hbm>> -> memref<1x1x16xi32, #tpu.memory_space<hbm>>
        %dma_wait3A_705 = tpu.memref_squeeze %dma_wait3A_704 : memref<1x1x16xi32, #tpu.memory_space<hbm>> -> memref<16xi32, #tpu.memory_space<hbm>>
        %dma_wait3A_706 = arith.constant 0 : i32
        %dma_wait3A_707 = tpu.memref_slice %arg3[%add3A_475, %run_scoped3A_476, %dma_wait3A_706] : memref<32x125x80xi32, #tpu.memory_space<hbm>> -> memref<1x1x16xi32, #tpu.memory_space<hbm>>
        %dma_wait3A_708 = tpu.memref_squeeze %dma_wait3A_707 : memref<1x1x16xi32, #tpu.memory_space<hbm>> -> memref<16xi32, #tpu.memory_space<hbm>>
        tpu.wait_dma2 semaphore(%run_scoped3A_696 : memref<!tpu.dma_semaphore, #tpu.memory_space<semaphore_mem>>) src(%dma_wait3A_708 : memref<16xi32, #tpu.memory_space<hbm>>) dst(%arg11 : memref<16xi32, #tpu.memory_space<vmem>>)
        tpu.yield
      }) : () -> ()
      %get3A_477 = arith.constant 0 : index
      %get3A_478 = tpu.vector_load %arg11[%get3A_477] {strides = array<i32>} : memref<16xi32, #tpu.memory_space<vmem>>, vector<16xi32>,
      %get3A_479 = vector.shape_cast %get3A_478 : vector<16xi32> to vector<16xi32>
      %slice3A_480 = vector.extract_strided_slice %get3A_479 {offsets = [0], sizes = [1], strides = [1]} : vector<16xi32> to vector<1xi32>
      %squeeze3A_481 = vector.extract %slice3A_480[0] : i32 from vector<1xi32>
      %run_scoped3A_482 = arith.constant 124 : i32
      "tpu.region"() ({
        %run_scoped3A_696 = tpu.sem_alloc : memref<!tpu.dma_semaphore, #tpu.memory_space<semaphore_mem>>
        %dma_start3A_697 = arith.constant 64 : i32
        %dma_start3A_698 = tpu.memref_slice %arg3[%add3A_475, %run_scoped3A_482, %dma_start3A_697] : memref<32x125x80xi32, #tpu.memory_space<hbm>> -> memref<1x1x16xi32, #tpu.memory_space<hbm>>
        %dma_start3A_699 = tpu.memref_squeeze %dma_start3A_698 : memref<1x1x16xi32, #tpu.memory_space<hbm>> -> memref<16xi32, #tpu.memory_space<hbm>>
        %dma_start3A_700 = arith.constant 64 : i32
        %dma_start3A_701 = tpu.memref_slice %arg3[%add3A_475, %run_scoped3A_482, %dma_start3A_700] : memref<32x125x80xi32, #tpu.memory_space<hbm>> -> memref<1x1x16xi32, #tpu.memory_space<hbm>>
        %dma_start3A_702 = tpu.memref_squeeze %dma_start3A_701 : memref<1x1x16xi32, #tpu.memory_space<hbm>> -> memref<16xi32, #tpu.memory_space<hbm>>
        tpu.enqueue_dma source(%dma_start3A_702 : memref<16xi32, #tpu.memory_space<hbm>>) target(%arg11 : memref<16xi32, #tpu.memory_space<vmem>>) target_semaphore(%run_scoped3A_696 : memref<!tpu.dma_semaphore, #tpu.memory_space<semaphore_mem>>)
        %dma_wait3A_703 = arith.constant 64 : i32
        %dma_wait3A_704 = tpu.memref_slice %arg3[%add3A_475, %run_scoped3A_482, %dma_wait3A_703] : memref<32x125x80xi32, #tpu.memory_space<hbm>> -> memref<1x1x16xi32, #tpu.memory_space<hbm>>
        %dma_wait3A_705 = tpu.memref_squeeze %dma_wait3A_704 : memref<1x1x16xi32, #tpu.memory_space<hbm>> -> memref<16xi32, #tpu.memory_space<hbm>>
        %dma_wait3A_706 = arith.constant 64 : i32
        %dma_wait3A_707 = tpu.memref_slice %arg3[%add3A_475, %run_scoped3A_482, %dma_wait3A_706] : memref<32x125x80xi32, #tpu.memory_space<hbm>> -> memref<1x1x16xi32, #tpu.memory_space<hbm>>
        %dma_wait3A_708 = tpu.memref_squeeze %dma_wait3A_707 : memref<1x1x16xi32, #tpu.memory_space<hbm>> -> memref<16xi32, #tpu.memory_space<hbm>>
        tpu.wait_dma2 semaphore(%run_scoped3A_696 : memref<!tpu.dma_semaphore, #tpu.memory_space<semaphore_mem>>) src(%dma_wait3A_708 : memref<16xi32, #tpu.memory_space<hbm>>) dst(%arg11 : memref<16xi32, #tpu.memory_space<vmem>>)
        tpu.yield
      }) : () -> ()
      %get3A_483 = arith.constant 0 : index
      %get3A_484 = tpu.vector_load %arg11[%get3A_483] {strides = array<i32>} : memref<16xi32, #tpu.memory_space<vmem>>, vector<16xi32>,
      %get3A_485 = vector.shape_cast %get3A_484 : vector<16xi32> to vector<16xi32>
      %slice3A_486 = vector.extract_strided_slice %get3A_485 {offsets = [15], sizes = [1], strides = [1]} : vector<16xi32> to vector<1xi32>
      %squeeze3A_487 = vector.extract %slice3A_486[0] : i32 from vector<1xi32>
      %eq3A_488 = arith.constant 0 : i32
      %eq3A_489 = vector.broadcast %eq3A_488 : i32 to vector<16xi32>
      %eq3A_490 = arith.cmpi eq, %iota3A, %eq3A_489 : vector<16xi32>
      %eq3A_491 = arith.constant 1 : i32
      %eq3A_492 = vector.broadcast %eq3A_491 : i32 to vector<16xi32>
      %eq3A_493 = arith.cmpi eq, %iota3A, %eq3A_492 : vector<16xi32>
      %jit3A_494 = arith.constant 10200 : i32
      %broadcast_in_dim3A_495 = vector.broadcast %squeeze3A_487 : i32 to vector<16xi32>
      %broadcast_in_dim3A_496 = vector.broadcast %jit3A_494 : i32 to vector<16xi32>
      %select_n3A_497 = arith.select %eq3A_493, %broadcast_in_dim3A_495, %broadcast_in_dim3A_496 : vector<16xi1>, vector<16xi32>
      %broadcast_in_dim3A_498 = vector.broadcast %squeeze3A_481 : i32 to vector<16xi32>
      %select_n3A_499 = arith.select %eq3A_490, %broadcast_in_dim3A_498, %select_n3A_497 : vector<16xi1>, vector<16xi32>
      "tpu.region"() ({
        %run_scoped3A_696 = tpu.sem_alloc : memref<!tpu.dma_semaphore, #tpu.memory_space<semaphore_mem>>
        %dma_start3A_697 = arith.constant 10064 : i32
        %dma_start3A_698 = arith.constant 0 : i32
        %dma_start3A_699 = tpu.memref_slice %arg17[%dma_start3A_697, %dma_start3A_698] : memref<10240x128xf32, #tpu.memory_space<vmem_shared>> -> memref<16x128xf32, #tpu.memory_space<vmem_shared>>
        %dma_start3A_700 = arith.constant 10064 : i32
        %dma_start3A_701 = arith.constant 0 : i32
        %dma_start3A_702 = tpu.memref_slice %arg17[%dma_start3A_700, %dma_start3A_701] : memref<10240x128xf32, #tpu.memory_space<vmem_shared>> -> memref<16x128xf32, #tpu.memory_space<vmem_shared>>
        tpu.enqueue_dma source(%dma_start3A_702 : memref<16x128xf32, #tpu.memory_space<vmem_shared>>) target(%arg12 : memref<16x128xf32, #tpu.memory_space<vmem>>) target_semaphore(%run_scoped3A_696 : memref<!tpu.dma_semaphore, #tpu.memory_space<semaphore_mem>>)
        %dma_wait3A_703 = arith.constant 10064 : i32
        %dma_wait3A_704 = arith.constant 0 : i32
        %dma_wait3A_705 = tpu.memref_slice %arg17[%dma_wait3A_703, %dma_wait3A_704] : memref<10240x128xf32, #tpu.memory_space<vmem_shared>> -> memref<16x128xf32, #tpu.memory_space<vmem_shared>>
        %dma_wait3A_706 = arith.constant 10064 : i32
        %dma_wait3A_707 = arith.constant 0 : i32
        %dma_wait3A_708 = tpu.memref_slice %arg17[%dma_wait3A_706, %dma_wait3A_707] : memref<10240x128xf32, #tpu.memory_space<vmem_shared>> -> memref<16x128xf32, #tpu.memory_space<vmem_shared>>
        tpu.wait_dma2 semaphore(%run_scoped3A_696 : memref<!tpu.dma_semaphore, #tpu.memory_space<semaphore_mem>>) src(%dma_wait3A_708 : memref<16x128xf32, #tpu.memory_space<vmem_shared>>) dst(%arg12 : memref<16x128xf32, #tpu.memory_space<vmem>>)
        tpu.yield
      }) : () -> ()
      "tpu.region"() ({
        %run_scoped3A_696 = tpu.sem_alloc : memref<!tpu.dma_semaphore, #tpu.memory_space<semaphore_mem>>
        %dma_start3A_697 = arith.constant 0 : i32
        %dma_start3A_698 = arith.constant 0 : i32
        %dma_start3A_699 = tpu.memref_slice %arg17[%dma_start3A_697, %dma_start3A_698] : memref<10240x128xf32, #tpu.memory_space<vmem_shared>> -> memref<10240x128xf32, #tpu.memory_space<vmem_shared>>
        tpu.enqueue_indirect_dma source(%arg12 : memref<16x128xf32, #tpu.memory_space<vmem>>) target(%dma_start3A_699 : memref<10240x128xf32, #tpu.memory_space<vmem_shared>>) offsets(%select_n3A_499 : vector<16xi32>) semaphore(%run_scoped3A_696 : memref<!tpu.dma_semaphore, #tpu.memory_space<semaphore_mem>>) {add = true}
        %dma_wait3A_700 = arith.constant 0 : i32
        %dma_wait3A_701 = arith.constant 0 : i32
        %dma_wait3A_702 = tpu.memref_slice %arg17[%dma_wait3A_700, %dma_wait3A_701] : memref<10240x128xf32, #tpu.memory_space<vmem_shared>> -> memref<10240x128xf32, #tpu.memory_space<vmem_shared>>
        tpu.wait_indirect_dma semaphore(%run_scoped3A_696 : memref<!tpu.dma_semaphore, #tpu.memory_space<semaphore_mem>>) src(%arg12 : memref<16x128xf32, #tpu.memory_space<vmem>>) dst(%dma_wait3A_702 : memref<10240x128xf32, #tpu.memory_space<vmem_shared>>)
        tpu.yield
      }) : () -> ()
      "tpu.region"() ({
        %run_scoped3A_696 = tpu.sem_alloc : memref<!tpu.dma_semaphore, #tpu.memory_space<semaphore_mem>>
        %dma_start3A_697 = arith.constant 10064 : i32
        %dma_start3A_698 = tpu.memref_slice %arg18[%dma_start3A_697] : memref<10240xf32, #tpu.memory_space<vmem_shared>> -> memref<16xf32, #tpu.memory_space<vmem_shared>>
        %dma_start3A_699 = arith.constant 10064 : i32
        %dma_start3A_700 = tpu.memref_slice %arg18[%dma_start3A_699] : memref<10240xf32, #tpu.memory_space<vmem_shared>> -> memref<16xf32, #tpu.memory_space<vmem_shared>>
        tpu.enqueue_dma source(%dma_start3A_700 : memref<16xf32, #tpu.memory_space<vmem_shared>>) target(%arg13 : memref<16xf32, #tpu.memory_space<vmem>>) target_semaphore(%run_scoped3A_696 : memref<!tpu.dma_semaphore, #tpu.memory_space<semaphore_mem>>)
        %dma_wait3A_701 = arith.constant 10064 : i32
        %dma_wait3A_702 = tpu.memref_slice %arg18[%dma_wait3A_701] : memref<10240xf32, #tpu.memory_space<vmem_shared>> -> memref<16xf32, #tpu.memory_space<vmem_shared>>
        %dma_wait3A_703 = arith.constant 10064 : i32
        %dma_wait3A_704 = tpu.memref_slice %arg18[%dma_wait3A_703] : memref<10240xf32, #tpu.memory_space<vmem_shared>> -> memref<16xf32, #tpu.memory_space<vmem_shared>>
        tpu.wait_dma2 semaphore(%run_scoped3A_696 : memref<!tpu.dma_semaphore, #tpu.memory_space<semaphore_mem>>) src(%dma_wait3A_704 : memref<16xf32, #tpu.memory_space<vmem_shared>>) dst(%arg13 : memref<16xf32, #tpu.memory_space<vmem>>)
        tpu.yield
      }) : () -> ()
      "tpu.region"() ({
        %run_scoped3A_696 = tpu.sem_alloc : memref<!tpu.dma_semaphore, #tpu.memory_space<semaphore_mem>>
        %dma_start3A_697 = arith.constant 0 : i32
        %dma_start3A_698 = tpu.memref_slice %arg18[%dma_start3A_697] : memref<10240xf32, #tpu.memory_space<vmem_shared>> -> memref<10240xf32, #tpu.memory_space<vmem_shared>>
        tpu.enqueue_indirect_dma source(%arg13 : memref<16xf32, #tpu.memory_space<vmem>>) target(%dma_start3A_698 : memref<10240xf32, #tpu.memory_space<vmem_shared>>) offsets(%select_n3A_499 : vector<16xi32>) semaphore(%run_scoped3A_696 : memref<!tpu.dma_semaphore, #tpu.memory_space<semaphore_mem>>) {add = true}
        %dma_wait3A_699 = arith.constant 0 : i32
        %dma_wait3A_700 = tpu.memref_slice %arg18[%dma_wait3A_699] : memref<10240xf32, #tpu.memory_space<vmem_shared>> -> memref<10240xf32, #tpu.memory_space<vmem_shared>>
        tpu.wait_indirect_dma semaphore(%run_scoped3A_696 : memref<!tpu.dma_semaphore, #tpu.memory_space<semaphore_mem>>) src(%arg13 : memref<16xf32, #tpu.memory_space<vmem>>) dst(%dma_wait3A_700 : memref<10240xf32, #tpu.memory_space<vmem_shared>>)
        tpu.yield
      }) : () -> ()
      %mul3A_500 = arith.constant 16 : i32
      %mul3A_501 = arith.muli %arg0, %mul3A_500 : i32
      %add3A_502 = arith.constant 9 : i32
      %add3A_503 = arith.addi %mul3A_501, %add3A_502 : i32
      %run_scoped3A_504 = arith.constant 0 : i32
      "tpu.region"() ({
        %run_scoped3A_696 = tpu.sem_alloc : memref<!tpu.dma_semaphore, #tpu.memory_space<semaphore_mem>>
        %dma_start3A_697 = arith.constant 0 : i32
        %dma_start3A_698 = tpu.memref_slice %arg3[%add3A_503, %run_scoped3A_504, %dma_start3A_697] : memref<32x125x80xi32, #tpu.memory_space<hbm>> -> memref<1x1x16xi32, #tpu.memory_space<hbm>>
        %dma_start3A_699 = tpu.memref_squeeze %dma_start3A_698 : memref<1x1x16xi32, #tpu.memory_space<hbm>> -> memref<16xi32, #tpu.memory_space<hbm>>
        %dma_start3A_700 = arith.constant 0 : i32
        %dma_start3A_701 = tpu.memref_slice %arg3[%add3A_503, %run_scoped3A_504, %dma_start3A_700] : memref<32x125x80xi32, #tpu.memory_space<hbm>> -> memref<1x1x16xi32, #tpu.memory_space<hbm>>
        %dma_start3A_702 = tpu.memref_squeeze %dma_start3A_701 : memref<1x1x16xi32, #tpu.memory_space<hbm>> -> memref<16xi32, #tpu.memory_space<hbm>>
        tpu.enqueue_dma source(%dma_start3A_702 : memref<16xi32, #tpu.memory_space<hbm>>) target(%arg11 : memref<16xi32, #tpu.memory_space<vmem>>) target_semaphore(%run_scoped3A_696 : memref<!tpu.dma_semaphore, #tpu.memory_space<semaphore_mem>>)
        %dma_wait3A_703 = arith.constant 0 : i32
        %dma_wait3A_704 = tpu.memref_slice %arg3[%add3A_503, %run_scoped3A_504, %dma_wait3A_703] : memref<32x125x80xi32, #tpu.memory_space<hbm>> -> memref<1x1x16xi32, #tpu.memory_space<hbm>>
        %dma_wait3A_705 = tpu.memref_squeeze %dma_wait3A_704 : memref<1x1x16xi32, #tpu.memory_space<hbm>> -> memref<16xi32, #tpu.memory_space<hbm>>
        %dma_wait3A_706 = arith.constant 0 : i32
        %dma_wait3A_707 = tpu.memref_slice %arg3[%add3A_503, %run_scoped3A_504, %dma_wait3A_706] : memref<32x125x80xi32, #tpu.memory_space<hbm>> -> memref<1x1x16xi32, #tpu.memory_space<hbm>>
        %dma_wait3A_708 = tpu.memref_squeeze %dma_wait3A_707 : memref<1x1x16xi32, #tpu.memory_space<hbm>> -> memref<16xi32, #tpu.memory_space<hbm>>
        tpu.wait_dma2 semaphore(%run_scoped3A_696 : memref<!tpu.dma_semaphore, #tpu.memory_space<semaphore_mem>>) src(%dma_wait3A_708 : memref<16xi32, #tpu.memory_space<hbm>>) dst(%arg11 : memref<16xi32, #tpu.memory_space<vmem>>)
        tpu.yield
      }) : () -> ()
      %get3A_505 = arith.constant 0 : index
      %get3A_506 = tpu.vector_load %arg11[%get3A_505] {strides = array<i32>} : memref<16xi32, #tpu.memory_space<vmem>>, vector<16xi32>,
      %get3A_507 = vector.shape_cast %get3A_506 : vector<16xi32> to vector<16xi32>
      %slice3A_508 = vector.extract_strided_slice %get3A_507 {offsets = [0], sizes = [1], strides = [1]} : vector<16xi32> to vector<1xi32>
      %squeeze3A_509 = vector.extract %slice3A_508[0] : i32 from vector<1xi32>
      %run_scoped3A_510 = arith.constant 124 : i32
      "tpu.region"() ({
        %run_scoped3A_696 = tpu.sem_alloc : memref<!tpu.dma_semaphore, #tpu.memory_space<semaphore_mem>>
        %dma_start3A_697 = arith.constant 64 : i32
        %dma_start3A_698 = tpu.memref_slice %arg3[%add3A_503, %run_scoped3A_510, %dma_start3A_697] : memref<32x125x80xi32, #tpu.memory_space<hbm>> -> memref<1x1x16xi32, #tpu.memory_space<hbm>>
        %dma_start3A_699 = tpu.memref_squeeze %dma_start3A_698 : memref<1x1x16xi32, #tpu.memory_space<hbm>> -> memref<16xi32, #tpu.memory_space<hbm>>
        %dma_start3A_700 = arith.constant 64 : i32
        %dma_start3A_701 = tpu.memref_slice %arg3[%add3A_503, %run_scoped3A_510, %dma_start3A_700] : memref<32x125x80xi32, #tpu.memory_space<hbm>> -> memref<1x1x16xi32, #tpu.memory_space<hbm>>
        %dma_start3A_702 = tpu.memref_squeeze %dma_start3A_701 : memref<1x1x16xi32, #tpu.memory_space<hbm>> -> memref<16xi32, #tpu.memory_space<hbm>>
        tpu.enqueue_dma source(%dma_start3A_702 : memref<16xi32, #tpu.memory_space<hbm>>) target(%arg11 : memref<16xi32, #tpu.memory_space<vmem>>) target_semaphore(%run_scoped3A_696 : memref<!tpu.dma_semaphore, #tpu.memory_space<semaphore_mem>>)
        %dma_wait3A_703 = arith.constant 64 : i32
        %dma_wait3A_704 = tpu.memref_slice %arg3[%add3A_503, %run_scoped3A_510, %dma_wait3A_703] : memref<32x125x80xi32, #tpu.memory_space<hbm>> -> memref<1x1x16xi32, #tpu.memory_space<hbm>>
        %dma_wait3A_705 = tpu.memref_squeeze %dma_wait3A_704 : memref<1x1x16xi32, #tpu.memory_space<hbm>> -> memref<16xi32, #tpu.memory_space<hbm>>
        %dma_wait3A_706 = arith.constant 64 : i32
        %dma_wait3A_707 = tpu.memref_slice %arg3[%add3A_503, %run_scoped3A_510, %dma_wait3A_706] : memref<32x125x80xi32, #tpu.memory_space<hbm>> -> memref<1x1x16xi32, #tpu.memory_space<hbm>>
        %dma_wait3A_708 = tpu.memref_squeeze %dma_wait3A_707 : memref<1x1x16xi32, #tpu.memory_space<hbm>> -> memref<16xi32, #tpu.memory_space<hbm>>
        tpu.wait_dma2 semaphore(%run_scoped3A_696 : memref<!tpu.dma_semaphore, #tpu.memory_space<semaphore_mem>>) src(%dma_wait3A_708 : memref<16xi32, #tpu.memory_space<hbm>>) dst(%arg11 : memref<16xi32, #tpu.memory_space<vmem>>)
        tpu.yield
      }) : () -> ()
      %get3A_511 = arith.constant 0 : index
      %get3A_512 = tpu.vector_load %arg11[%get3A_511] {strides = array<i32>} : memref<16xi32, #tpu.memory_space<vmem>>, vector<16xi32>,
      %get3A_513 = vector.shape_cast %get3A_512 : vector<16xi32> to vector<16xi32>
      %slice3A_514 = vector.extract_strided_slice %get3A_513 {offsets = [15], sizes = [1], strides = [1]} : vector<16xi32> to vector<1xi32>
      %squeeze3A_515 = vector.extract %slice3A_514[0] : i32 from vector<1xi32>
      %eq3A_516 = arith.constant 0 : i32
      %eq3A_517 = vector.broadcast %eq3A_516 : i32 to vector<16xi32>
      %eq3A_518 = arith.cmpi eq, %iota3A, %eq3A_517 : vector<16xi32>
      %eq3A_519 = arith.constant 1 : i32
      %eq3A_520 = vector.broadcast %eq3A_519 : i32 to vector<16xi32>
      %eq3A_521 = arith.cmpi eq, %iota3A, %eq3A_520 : vector<16xi32>
      %jit3A_522 = arith.constant 10200 : i32
      %broadcast_in_dim3A_523 = vector.broadcast %squeeze3A_515 : i32 to vector<16xi32>
      %broadcast_in_dim3A_524 = vector.broadcast %jit3A_522 : i32 to vector<16xi32>
      %select_n3A_525 = arith.select %eq3A_521, %broadcast_in_dim3A_523, %broadcast_in_dim3A_524 : vector<16xi1>, vector<16xi32>
      %broadcast_in_dim3A_526 = vector.broadcast %squeeze3A_509 : i32 to vector<16xi32>
      %select_n3A_527 = arith.select %eq3A_518, %broadcast_in_dim3A_526, %select_n3A_525 : vector<16xi1>, vector<16xi32>
      "tpu.region"() ({
        %run_scoped3A_696 = tpu.sem_alloc : memref<!tpu.dma_semaphore, #tpu.memory_space<semaphore_mem>>
        %dma_start3A_697 = arith.constant 10072 : i32
        %dma_start3A_698 = arith.constant 0 : i32
        %dma_start3A_699 = tpu.memref_slice %arg17[%dma_start3A_697, %dma_start3A_698] : memref<10240x128xf32, #tpu.memory_space<vmem_shared>> -> memref<16x128xf32, #tpu.memory_space<vmem_shared>>
        %dma_start3A_700 = arith.constant 10072 : i32
        %dma_start3A_701 = arith.constant 0 : i32
        %dma_start3A_702 = tpu.memref_slice %arg17[%dma_start3A_700, %dma_start3A_701] : memref<10240x128xf32, #tpu.memory_space<vmem_shared>> -> memref<16x128xf32, #tpu.memory_space<vmem_shared>>
        tpu.enqueue_dma source(%dma_start3A_702 : memref<16x128xf32, #tpu.memory_space<vmem_shared>>) target(%arg12 : memref<16x128xf32, #tpu.memory_space<vmem>>) target_semaphore(%run_scoped3A_696 : memref<!tpu.dma_semaphore, #tpu.memory_space<semaphore_mem>>)
        %dma_wait3A_703 = arith.constant 10072 : i32
        %dma_wait3A_704 = arith.constant 0 : i32
        %dma_wait3A_705 = tpu.memref_slice %arg17[%dma_wait3A_703, %dma_wait3A_704] : memref<10240x128xf32, #tpu.memory_space<vmem_shared>> -> memref<16x128xf32, #tpu.memory_space<vmem_shared>>
        %dma_wait3A_706 = arith.constant 10072 : i32
        %dma_wait3A_707 = arith.constant 0 : i32
        %dma_wait3A_708 = tpu.memref_slice %arg17[%dma_wait3A_706, %dma_wait3A_707] : memref<10240x128xf32, #tpu.memory_space<vmem_shared>> -> memref<16x128xf32, #tpu.memory_space<vmem_shared>>
        tpu.wait_dma2 semaphore(%run_scoped3A_696 : memref<!tpu.dma_semaphore, #tpu.memory_space<semaphore_mem>>) src(%dma_wait3A_708 : memref<16x128xf32, #tpu.memory_space<vmem_shared>>) dst(%arg12 : memref<16x128xf32, #tpu.memory_space<vmem>>)
        tpu.yield
      }) : () -> ()
      "tpu.region"() ({
        %run_scoped3A_696 = tpu.sem_alloc : memref<!tpu.dma_semaphore, #tpu.memory_space<semaphore_mem>>
        %dma_start3A_697 = arith.constant 0 : i32
        %dma_start3A_698 = arith.constant 0 : i32
        %dma_start3A_699 = tpu.memref_slice %arg17[%dma_start3A_697, %dma_start3A_698] : memref<10240x128xf32, #tpu.memory_space<vmem_shared>> -> memref<10240x128xf32, #tpu.memory_space<vmem_shared>>
        tpu.enqueue_indirect_dma source(%arg12 : memref<16x128xf32, #tpu.memory_space<vmem>>) target(%dma_start3A_699 : memref<10240x128xf32, #tpu.memory_space<vmem_shared>>) offsets(%select_n3A_527 : vector<16xi32>) semaphore(%run_scoped3A_696 : memref<!tpu.dma_semaphore, #tpu.memory_space<semaphore_mem>>) {add = true}
        %dma_wait3A_700 = arith.constant 0 : i32
        %dma_wait3A_701 = arith.constant 0 : i32
        %dma_wait3A_702 = tpu.memref_slice %arg17[%dma_wait3A_700, %dma_wait3A_701] : memref<10240x128xf32, #tpu.memory_space<vmem_shared>> -> memref<10240x128xf32, #tpu.memory_space<vmem_shared>>
        tpu.wait_indirect_dma semaphore(%run_scoped3A_696 : memref<!tpu.dma_semaphore, #tpu.memory_space<semaphore_mem>>) src(%arg12 : memref<16x128xf32, #tpu.memory_space<vmem>>) dst(%dma_wait3A_702 : memref<10240x128xf32, #tpu.memory_space<vmem_shared>>)
        tpu.yield
      }) : () -> ()
      "tpu.region"() ({
        %run_scoped3A_696 = tpu.sem_alloc : memref<!tpu.dma_semaphore, #tpu.memory_space<semaphore_mem>>
        %dma_start3A_697 = arith.constant 10072 : i32
        %dma_start3A_698 = tpu.memref_slice %arg18[%dma_start3A_697] : memref<10240xf32, #tpu.memory_space<vmem_shared>> -> memref<16xf32, #tpu.memory_space<vmem_shared>>
        %dma_start3A_699 = arith.constant 10072 : i32
        %dma_start3A_700 = tpu.memref_slice %arg18[%dma_start3A_699] : memref<10240xf32, #tpu.memory_space<vmem_shared>> -> memref<16xf32, #tpu.memory_space<vmem_shared>>
        tpu.enqueue_dma source(%dma_start3A_700 : memref<16xf32, #tpu.memory_space<vmem_shared>>) target(%arg13 : memref<16xf32, #tpu.memory_space<vmem>>) target_semaphore(%run_scoped3A_696 : memref<!tpu.dma_semaphore, #tpu.memory_space<semaphore_mem>>)
        %dma_wait3A_701 = arith.constant 10072 : i32
        %dma_wait3A_702 = tpu.memref_slice %arg18[%dma_wait3A_701] : memref<10240xf32, #tpu.memory_space<vmem_shared>> -> memref<16xf32, #tpu.memory_space<vmem_shared>>
        %dma_wait3A_703 = arith.constant 10072 : i32
        %dma_wait3A_704 = tpu.memref_slice %arg18[%dma_wait3A_703] : memref<10240xf32, #tpu.memory_space<vmem_shared>> -> memref<16xf32, #tpu.memory_space<vmem_shared>>
        tpu.wait_dma2 semaphore(%run_scoped3A_696 : memref<!tpu.dma_semaphore, #tpu.memory_space<semaphore_mem>>) src(%dma_wait3A_704 : memref<16xf32, #tpu.memory_space<vmem_shared>>) dst(%arg13 : memref<16xf32, #tpu.memory_space<vmem>>)
        tpu.yield
      }) : () -> ()
      "tpu.region"() ({
        %run_scoped3A_696 = tpu.sem_alloc : memref<!tpu.dma_semaphore, #tpu.memory_space<semaphore_mem>>
        %dma_start3A_697 = arith.constant 0 : i32
        %dma_start3A_698 = tpu.memref_slice %arg18[%dma_start3A_697] : memref<10240xf32, #tpu.memory_space<vmem_shared>> -> memref<10240xf32, #tpu.memory_space<vmem_shared>>
        tpu.enqueue_indirect_dma source(%arg13 : memref<16xf32, #tpu.memory_space<vmem>>) target(%dma_start3A_698 : memref<10240xf32, #tpu.memory_space<vmem_shared>>) offsets(%select_n3A_527 : vector<16xi32>) semaphore(%run_scoped3A_696 : memref<!tpu.dma_semaphore, #tpu.memory_space<semaphore_mem>>) {add = true}
        %dma_wait3A_699 = arith.constant 0 : i32
        %dma_wait3A_700 = tpu.memref_slice %arg18[%dma_wait3A_699] : memref<10240xf32, #tpu.memory_space<vmem_shared>> -> memref<10240xf32, #tpu.memory_space<vmem_shared>>
        tpu.wait_indirect_dma semaphore(%run_scoped3A_696 : memref<!tpu.dma_semaphore, #tpu.memory_space<semaphore_mem>>) src(%arg13 : memref<16xf32, #tpu.memory_space<vmem>>) dst(%dma_wait3A_700 : memref<10240xf32, #tpu.memory_space<vmem_shared>>)
        tpu.yield
      }) : () -> ()
      %mul3A_528 = arith.constant 16 : i32
      %mul3A_529 = arith.muli %arg0, %mul3A_528 : i32
      %add3A_530 = arith.constant 10 : i32
      %add3A_531 = arith.addi %mul3A_529, %add3A_530 : i32
      %run_scoped3A_532 = arith.constant 0 : i32
      "tpu.region"() ({
        %run_scoped3A_696 = tpu.sem_alloc : memref<!tpu.dma_semaphore, #tpu.memory_space<semaphore_mem>>
        %dma_start3A_697 = arith.constant 0 : i32
        %dma_start3A_698 = tpu.memref_slice %arg3[%add3A_531, %run_scoped3A_532, %dma_start3A_697] : memref<32x125x80xi32, #tpu.memory_space<hbm>> -> memref<1x1x16xi32, #tpu.memory_space<hbm>>
        %dma_start3A_699 = tpu.memref_squeeze %dma_start3A_698 : memref<1x1x16xi32, #tpu.memory_space<hbm>> -> memref<16xi32, #tpu.memory_space<hbm>>
        %dma_start3A_700 = arith.constant 0 : i32
        %dma_start3A_701 = tpu.memref_slice %arg3[%add3A_531, %run_scoped3A_532, %dma_start3A_700] : memref<32x125x80xi32, #tpu.memory_space<hbm>> -> memref<1x1x16xi32, #tpu.memory_space<hbm>>
        %dma_start3A_702 = tpu.memref_squeeze %dma_start3A_701 : memref<1x1x16xi32, #tpu.memory_space<hbm>> -> memref<16xi32, #tpu.memory_space<hbm>>
        tpu.enqueue_dma source(%dma_start3A_702 : memref<16xi32, #tpu.memory_space<hbm>>) target(%arg11 : memref<16xi32, #tpu.memory_space<vmem>>) target_semaphore(%run_scoped3A_696 : memref<!tpu.dma_semaphore, #tpu.memory_space<semaphore_mem>>)
        %dma_wait3A_703 = arith.constant 0 : i32
        %dma_wait3A_704 = tpu.memref_slice %arg3[%add3A_531, %run_scoped3A_532, %dma_wait3A_703] : memref<32x125x80xi32, #tpu.memory_space<hbm>> -> memref<1x1x16xi32, #tpu.memory_space<hbm>>
        %dma_wait3A_705 = tpu.memref_squeeze %dma_wait3A_704 : memref<1x1x16xi32, #tpu.memory_space<hbm>> -> memref<16xi32, #tpu.memory_space<hbm>>
        %dma_wait3A_706 = arith.constant 0 : i32
        %dma_wait3A_707 = tpu.memref_slice %arg3[%add3A_531, %run_scoped3A_532, %dma_wait3A_706] : memref<32x125x80xi32, #tpu.memory_space<hbm>> -> memref<1x1x16xi32, #tpu.memory_space<hbm>>
        %dma_wait3A_708 = tpu.memref_squeeze %dma_wait3A_707 : memref<1x1x16xi32, #tpu.memory_space<hbm>> -> memref<16xi32, #tpu.memory_space<hbm>>
        tpu.wait_dma2 semaphore(%run_scoped3A_696 : memref<!tpu.dma_semaphore, #tpu.memory_space<semaphore_mem>>) src(%dma_wait3A_708 : memref<16xi32, #tpu.memory_space<hbm>>) dst(%arg11 : memref<16xi32, #tpu.memory_space<vmem>>)
        tpu.yield
      }) : () -> ()
      %get3A_533 = arith.constant 0 : index
      %get3A_534 = tpu.vector_load %arg11[%get3A_533] {strides = array<i32>} : memref<16xi32, #tpu.memory_space<vmem>>, vector<16xi32>,
      %get3A_535 = vector.shape_cast %get3A_534 : vector<16xi32> to vector<16xi32>
      %slice3A_536 = vector.extract_strided_slice %get3A_535 {offsets = [0], sizes = [1], strides = [1]} : vector<16xi32> to vector<1xi32>
      %squeeze3A_537 = vector.extract %slice3A_536[0] : i32 from vector<1xi32>
      %run_scoped3A_538 = arith.constant 124 : i32
      "tpu.region"() ({
        %run_scoped3A_696 = tpu.sem_alloc : memref<!tpu.dma_semaphore, #tpu.memory_space<semaphore_mem>>
        %dma_start3A_697 = arith.constant 64 : i32
        %dma_start3A_698 = tpu.memref_slice %arg3[%add3A_531, %run_scoped3A_538, %dma_start3A_697] : memref<32x125x80xi32, #tpu.memory_space<hbm>> -> memref<1x1x16xi32, #tpu.memory_space<hbm>>
        %dma_start3A_699 = tpu.memref_squeeze %dma_start3A_698 : memref<1x1x16xi32, #tpu.memory_space<hbm>> -> memref<16xi32, #tpu.memory_space<hbm>>
        %dma_start3A_700 = arith.constant 64 : i32
        %dma_start3A_701 = tpu.memref_slice %arg3[%add3A_531, %run_scoped3A_538, %dma_start3A_700] : memref<32x125x80xi32, #tpu.memory_space<hbm>> -> memref<1x1x16xi32, #tpu.memory_space<hbm>>
        %dma_start3A_702 = tpu.memref_squeeze %dma_start3A_701 : memref<1x1x16xi32, #tpu.memory_space<hbm>> -> memref<16xi32, #tpu.memory_space<hbm>>
        tpu.enqueue_dma source(%dma_start3A_702 : memref<16xi32, #tpu.memory_space<hbm>>) target(%arg11 : memref<16xi32, #tpu.memory_space<vmem>>) target_semaphore(%run_scoped3A_696 : memref<!tpu.dma_semaphore, #tpu.memory_space<semaphore_mem>>)
        %dma_wait3A_703 = arith.constant 64 : i32
        %dma_wait3A_704 = tpu.memref_slice %arg3[%add3A_531, %run_scoped3A_538, %dma_wait3A_703] : memref<32x125x80xi32, #tpu.memory_space<hbm>> -> memref<1x1x16xi32, #tpu.memory_space<hbm>>
        %dma_wait3A_705 = tpu.memref_squeeze %dma_wait3A_704 : memref<1x1x16xi32, #tpu.memory_space<hbm>> -> memref<16xi32, #tpu.memory_space<hbm>>
        %dma_wait3A_706 = arith.constant 64 : i32
        %dma_wait3A_707 = tpu.memref_slice %arg3[%add3A_531, %run_scoped3A_538, %dma_wait3A_706] : memref<32x125x80xi32, #tpu.memory_space<hbm>> -> memref<1x1x16xi32, #tpu.memory_space<hbm>>
        %dma_wait3A_708 = tpu.memref_squeeze %dma_wait3A_707 : memref<1x1x16xi32, #tpu.memory_space<hbm>> -> memref<16xi32, #tpu.memory_space<hbm>>
        tpu.wait_dma2 semaphore(%run_scoped3A_696 : memref<!tpu.dma_semaphore, #tpu.memory_space<semaphore_mem>>) src(%dma_wait3A_708 : memref<16xi32, #tpu.memory_space<hbm>>) dst(%arg11 : memref<16xi32, #tpu.memory_space<vmem>>)
        tpu.yield
      }) : () -> ()
      %get3A_539 = arith.constant 0 : index
      %get3A_540 = tpu.vector_load %arg11[%get3A_539] {strides = array<i32>} : memref<16xi32, #tpu.memory_space<vmem>>, vector<16xi32>,
      %get3A_541 = vector.shape_cast %get3A_540 : vector<16xi32> to vector<16xi32>
      %slice3A_542 = vector.extract_strided_slice %get3A_541 {offsets = [15], sizes = [1], strides = [1]} : vector<16xi32> to vector<1xi32>
      %squeeze3A_543 = vector.extract %slice3A_542[0] : i32 from vector<1xi32>
      %eq3A_544 = arith.constant 0 : i32
      %eq3A_545 = vector.broadcast %eq3A_544 : i32 to vector<16xi32>
      %eq3A_546 = arith.cmpi eq, %iota3A, %eq3A_545 : vector<16xi32>
      %eq3A_547 = arith.constant 1 : i32
      %eq3A_548 = vector.broadcast %eq3A_547 : i32 to vector<16xi32>
      %eq3A_549 = arith.cmpi eq, %iota3A, %eq3A_548 : vector<16xi32>
      %jit3A_550 = arith.constant 10200 : i32
      %broadcast_in_dim3A_551 = vector.broadcast %squeeze3A_543 : i32 to vector<16xi32>
      %broadcast_in_dim3A_552 = vector.broadcast %jit3A_550 : i32 to vector<16xi32>
      %select_n3A_553 = arith.select %eq3A_549, %broadcast_in_dim3A_551, %broadcast_in_dim3A_552 : vector<16xi1>, vector<16xi32>
      %broadcast_in_dim3A_554 = vector.broadcast %squeeze3A_537 : i32 to vector<16xi32>
      %select_n3A_555 = arith.select %eq3A_546, %broadcast_in_dim3A_554, %select_n3A_553 : vector<16xi1>, vector<16xi32>
      "tpu.region"() ({
        %run_scoped3A_696 = tpu.sem_alloc : memref<!tpu.dma_semaphore, #tpu.memory_space<semaphore_mem>>
        %dma_start3A_697 = arith.constant 10080 : i32
        %dma_start3A_698 = arith.constant 0 : i32
        %dma_start3A_699 = tpu.memref_slice %arg17[%dma_start3A_697, %dma_start3A_698] : memref<10240x128xf32, #tpu.memory_space<vmem_shared>> -> memref<16x128xf32, #tpu.memory_space<vmem_shared>>
        %dma_start3A_700 = arith.constant 10080 : i32
        %dma_start3A_701 = arith.constant 0 : i32
        %dma_start3A_702 = tpu.memref_slice %arg17[%dma_start3A_700, %dma_start3A_701] : memref<10240x128xf32, #tpu.memory_space<vmem_shared>> -> memref<16x128xf32, #tpu.memory_space<vmem_shared>>
        tpu.enqueue_dma source(%dma_start3A_702 : memref<16x128xf32, #tpu.memory_space<vmem_shared>>) target(%arg12 : memref<16x128xf32, #tpu.memory_space<vmem>>) target_semaphore(%run_scoped3A_696 : memref<!tpu.dma_semaphore, #tpu.memory_space<semaphore_mem>>)
        %dma_wait3A_703 = arith.constant 10080 : i32
        %dma_wait3A_704 = arith.constant 0 : i32
        %dma_wait3A_705 = tpu.memref_slice %arg17[%dma_wait3A_703, %dma_wait3A_704] : memref<10240x128xf32, #tpu.memory_space<vmem_shared>> -> memref<16x128xf32, #tpu.memory_space<vmem_shared>>
        %dma_wait3A_706 = arith.constant 10080 : i32
        %dma_wait3A_707 = arith.constant 0 : i32
        %dma_wait3A_708 = tpu.memref_slice %arg17[%dma_wait3A_706, %dma_wait3A_707] : memref<10240x128xf32, #tpu.memory_space<vmem_shared>> -> memref<16x128xf32, #tpu.memory_space<vmem_shared>>
        tpu.wait_dma2 semaphore(%run_scoped3A_696 : memref<!tpu.dma_semaphore, #tpu.memory_space<semaphore_mem>>) src(%dma_wait3A_708 : memref<16x128xf32, #tpu.memory_space<vmem_shared>>) dst(%arg12 : memref<16x128xf32, #tpu.memory_space<vmem>>)
        tpu.yield
      }) : () -> ()
      "tpu.region"() ({
        %run_scoped3A_696 = tpu.sem_alloc : memref<!tpu.dma_semaphore, #tpu.memory_space<semaphore_mem>>
        %dma_start3A_697 = arith.constant 0 : i32
        %dma_start3A_698 = arith.constant 0 : i32
        %dma_start3A_699 = tpu.memref_slice %arg17[%dma_start3A_697, %dma_start3A_698] : memref<10240x128xf32, #tpu.memory_space<vmem_shared>> -> memref<10240x128xf32, #tpu.memory_space<vmem_shared>>
        tpu.enqueue_indirect_dma source(%arg12 : memref<16x128xf32, #tpu.memory_space<vmem>>) target(%dma_start3A_699 : memref<10240x128xf32, #tpu.memory_space<vmem_shared>>) offsets(%select_n3A_555 : vector<16xi32>) semaphore(%run_scoped3A_696 : memref<!tpu.dma_semaphore, #tpu.memory_space<semaphore_mem>>) {add = true}
        %dma_wait3A_700 = arith.constant 0 : i32
        %dma_wait3A_701 = arith.constant 0 : i32
        %dma_wait3A_702 = tpu.memref_slice %arg17[%dma_wait3A_700, %dma_wait3A_701] : memref<10240x128xf32, #tpu.memory_space<vmem_shared>> -> memref<10240x128xf32, #tpu.memory_space<vmem_shared>>
        tpu.wait_indirect_dma semaphore(%run_scoped3A_696 : memref<!tpu.dma_semaphore, #tpu.memory_space<semaphore_mem>>) src(%arg12 : memref<16x128xf32, #tpu.memory_space<vmem>>) dst(%dma_wait3A_702 : memref<10240x128xf32, #tpu.memory_space<vmem_shared>>)
        tpu.yield
      }) : () -> ()
      "tpu.region"() ({
        %run_scoped3A_696 = tpu.sem_alloc : memref<!tpu.dma_semaphore, #tpu.memory_space<semaphore_mem>>
        %dma_start3A_697 = arith.constant 10080 : i32
        %dma_start3A_698 = tpu.memref_slice %arg18[%dma_start3A_697] : memref<10240xf32, #tpu.memory_space<vmem_shared>> -> memref<16xf32, #tpu.memory_space<vmem_shared>>
        %dma_start3A_699 = arith.constant 10080 : i32
        %dma_start3A_700 = tpu.memref_slice %arg18[%dma_start3A_699] : memref<10240xf32, #tpu.memory_space<vmem_shared>> -> memref<16xf32, #tpu.memory_space<vmem_shared>>
        tpu.enqueue_dma source(%dma_start3A_700 : memref<16xf32, #tpu.memory_space<vmem_shared>>) target(%arg13 : memref<16xf32, #tpu.memory_space<vmem>>) target_semaphore(%run_scoped3A_696 : memref<!tpu.dma_semaphore, #tpu.memory_space<semaphore_mem>>)
        %dma_wait3A_701 = arith.constant 10080 : i32
        %dma_wait3A_702 = tpu.memref_slice %arg18[%dma_wait3A_701] : memref<10240xf32, #tpu.memory_space<vmem_shared>> -> memref<16xf32, #tpu.memory_space<vmem_shared>>
        %dma_wait3A_703 = arith.constant 10080 : i32
        %dma_wait3A_704 = tpu.memref_slice %arg18[%dma_wait3A_703] : memref<10240xf32, #tpu.memory_space<vmem_shared>> -> memref<16xf32, #tpu.memory_space<vmem_shared>>
        tpu.wait_dma2 semaphore(%run_scoped3A_696 : memref<!tpu.dma_semaphore, #tpu.memory_space<semaphore_mem>>) src(%dma_wait3A_704 : memref<16xf32, #tpu.memory_space<vmem_shared>>) dst(%arg13 : memref<16xf32, #tpu.memory_space<vmem>>)
        tpu.yield
      }) : () -> ()
      "tpu.region"() ({
        %run_scoped3A_696 = tpu.sem_alloc : memref<!tpu.dma_semaphore, #tpu.memory_space<semaphore_mem>>
        %dma_start3A_697 = arith.constant 0 : i32
        %dma_start3A_698 = tpu.memref_slice %arg18[%dma_start3A_697] : memref<10240xf32, #tpu.memory_space<vmem_shared>> -> memref<10240xf32, #tpu.memory_space<vmem_shared>>
        tpu.enqueue_indirect_dma source(%arg13 : memref<16xf32, #tpu.memory_space<vmem>>) target(%dma_start3A_698 : memref<10240xf32, #tpu.memory_space<vmem_shared>>) offsets(%select_n3A_555 : vector<16xi32>) semaphore(%run_scoped3A_696 : memref<!tpu.dma_semaphore, #tpu.memory_space<semaphore_mem>>) {add = true}
        %dma_wait3A_699 = arith.constant 0 : i32
        %dma_wait3A_700 = tpu.memref_slice %arg18[%dma_wait3A_699] : memref<10240xf32, #tpu.memory_space<vmem_shared>> -> memref<10240xf32, #tpu.memory_space<vmem_shared>>
        tpu.wait_indirect_dma semaphore(%run_scoped3A_696 : memref<!tpu.dma_semaphore, #tpu.memory_space<semaphore_mem>>) src(%arg13 : memref<16xf32, #tpu.memory_space<vmem>>) dst(%dma_wait3A_700 : memref<10240xf32, #tpu.memory_space<vmem_shared>>)
        tpu.yield
      }) : () -> ()
      %mul3A_556 = arith.constant 16 : i32
      %mul3A_557 = arith.muli %arg0, %mul3A_556 : i32
      %add3A_558 = arith.constant 11 : i32
      %add3A_559 = arith.addi %mul3A_557, %add3A_558 : i32
      %run_scoped3A_560 = arith.constant 0 : i32
      "tpu.region"() ({
        %run_scoped3A_696 = tpu.sem_alloc : memref<!tpu.dma_semaphore, #tpu.memory_space<semaphore_mem>>
        %dma_start3A_697 = arith.constant 0 : i32
        %dma_start3A_698 = tpu.memref_slice %arg3[%add3A_559, %run_scoped3A_560, %dma_start3A_697] : memref<32x125x80xi32, #tpu.memory_space<hbm>> -> memref<1x1x16xi32, #tpu.memory_space<hbm>>
        %dma_start3A_699 = tpu.memref_squeeze %dma_start3A_698 : memref<1x1x16xi32, #tpu.memory_space<hbm>> -> memref<16xi32, #tpu.memory_space<hbm>>
        %dma_start3A_700 = arith.constant 0 : i32
        %dma_start3A_701 = tpu.memref_slice %arg3[%add3A_559, %run_scoped3A_560, %dma_start3A_700] : memref<32x125x80xi32, #tpu.memory_space<hbm>> -> memref<1x1x16xi32, #tpu.memory_space<hbm>>
        %dma_start3A_702 = tpu.memref_squeeze %dma_start3A_701 : memref<1x1x16xi32, #tpu.memory_space<hbm>> -> memref<16xi32, #tpu.memory_space<hbm>>
        tpu.enqueue_dma source(%dma_start3A_702 : memref<16xi32, #tpu.memory_space<hbm>>) target(%arg11 : memref<16xi32, #tpu.memory_space<vmem>>) target_semaphore(%run_scoped3A_696 : memref<!tpu.dma_semaphore, #tpu.memory_space<semaphore_mem>>)
        %dma_wait3A_703 = arith.constant 0 : i32
        %dma_wait3A_704 = tpu.memref_slice %arg3[%add3A_559, %run_scoped3A_560, %dma_wait3A_703] : memref<32x125x80xi32, #tpu.memory_space<hbm>> -> memref<1x1x16xi32, #tpu.memory_space<hbm>>
        %dma_wait3A_705 = tpu.memref_squeeze %dma_wait3A_704 : memref<1x1x16xi32, #tpu.memory_space<hbm>> -> memref<16xi32, #tpu.memory_space<hbm>>
        %dma_wait3A_706 = arith.constant 0 : i32
        %dma_wait3A_707 = tpu.memref_slice %arg3[%add3A_559, %run_scoped3A_560, %dma_wait3A_706] : memref<32x125x80xi32, #tpu.memory_space<hbm>> -> memref<1x1x16xi32, #tpu.memory_space<hbm>>
        %dma_wait3A_708 = tpu.memref_squeeze %dma_wait3A_707 : memref<1x1x16xi32, #tpu.memory_space<hbm>> -> memref<16xi32, #tpu.memory_space<hbm>>
        tpu.wait_dma2 semaphore(%run_scoped3A_696 : memref<!tpu.dma_semaphore, #tpu.memory_space<semaphore_mem>>) src(%dma_wait3A_708 : memref<16xi32, #tpu.memory_space<hbm>>) dst(%arg11 : memref<16xi32, #tpu.memory_space<vmem>>)
        tpu.yield
      }) : () -> ()
      %get3A_561 = arith.constant 0 : index
      %get3A_562 = tpu.vector_load %arg11[%get3A_561] {strides = array<i32>} : memref<16xi32, #tpu.memory_space<vmem>>, vector<16xi32>,
      %get3A_563 = vector.shape_cast %get3A_562 : vector<16xi32> to vector<16xi32>
      %slice3A_564 = vector.extract_strided_slice %get3A_563 {offsets = [0], sizes = [1], strides = [1]} : vector<16xi32> to vector<1xi32>
      %squeeze3A_565 = vector.extract %slice3A_564[0] : i32 from vector<1xi32>
      %run_scoped3A_566 = arith.constant 124 : i32
      "tpu.region"() ({
        %run_scoped3A_696 = tpu.sem_alloc : memref<!tpu.dma_semaphore, #tpu.memory_space<semaphore_mem>>
        %dma_start3A_697 = arith.constant 64 : i32
        %dma_start3A_698 = tpu.memref_slice %arg3[%add3A_559, %run_scoped3A_566, %dma_start3A_697] : memref<32x125x80xi32, #tpu.memory_space<hbm>> -> memref<1x1x16xi32, #tpu.memory_space<hbm>>
        %dma_start3A_699 = tpu.memref_squeeze %dma_start3A_698 : memref<1x1x16xi32, #tpu.memory_space<hbm>> -> memref<16xi32, #tpu.memory_space<hbm>>
        %dma_start3A_700 = arith.constant 64 : i32
        %dma_start3A_701 = tpu.memref_slice %arg3[%add3A_559, %run_scoped3A_566, %dma_start3A_700] : memref<32x125x80xi32, #tpu.memory_space<hbm>> -> memref<1x1x16xi32, #tpu.memory_space<hbm>>
        %dma_start3A_702 = tpu.memref_squeeze %dma_start3A_701 : memref<1x1x16xi32, #tpu.memory_space<hbm>> -> memref<16xi32, #tpu.memory_space<hbm>>
        tpu.enqueue_dma source(%dma_start3A_702 : memref<16xi32, #tpu.memory_space<hbm>>) target(%arg11 : memref<16xi32, #tpu.memory_space<vmem>>) target_semaphore(%run_scoped3A_696 : memref<!tpu.dma_semaphore, #tpu.memory_space<semaphore_mem>>)
        %dma_wait3A_703 = arith.constant 64 : i32
        %dma_wait3A_704 = tpu.memref_slice %arg3[%add3A_559, %run_scoped3A_566, %dma_wait3A_703] : memref<32x125x80xi32, #tpu.memory_space<hbm>> -> memref<1x1x16xi32, #tpu.memory_space<hbm>>
        %dma_wait3A_705 = tpu.memref_squeeze %dma_wait3A_704 : memref<1x1x16xi32, #tpu.memory_space<hbm>> -> memref<16xi32, #tpu.memory_space<hbm>>
        %dma_wait3A_706 = arith.constant 64 : i32
        %dma_wait3A_707 = tpu.memref_slice %arg3[%add3A_559, %run_scoped3A_566, %dma_wait3A_706] : memref<32x125x80xi32, #tpu.memory_space<hbm>> -> memref<1x1x16xi32, #tpu.memory_space<hbm>>
        %dma_wait3A_708 = tpu.memref_squeeze %dma_wait3A_707 : memref<1x1x16xi32, #tpu.memory_space<hbm>> -> memref<16xi32, #tpu.memory_space<hbm>>
        tpu.wait_dma2 semaphore(%run_scoped3A_696 : memref<!tpu.dma_semaphore, #tpu.memory_space<semaphore_mem>>) src(%dma_wait3A_708 : memref<16xi32, #tpu.memory_space<hbm>>) dst(%arg11 : memref<16xi32, #tpu.memory_space<vmem>>)
        tpu.yield
      }) : () -> ()
      %get3A_567 = arith.constant 0 : index
      %get3A_568 = tpu.vector_load %arg11[%get3A_567] {strides = array<i32>} : memref<16xi32, #tpu.memory_space<vmem>>, vector<16xi32>,
      %get3A_569 = vector.shape_cast %get3A_568 : vector<16xi32> to vector<16xi32>
      %slice3A_570 = vector.extract_strided_slice %get3A_569 {offsets = [15], sizes = [1], strides = [1]} : vector<16xi32> to vector<1xi32>
      %squeeze3A_571 = vector.extract %slice3A_570[0] : i32 from vector<1xi32>
      %eq3A_572 = arith.constant 0 : i32
      %eq3A_573 = vector.broadcast %eq3A_572 : i32 to vector<16xi32>
      %eq3A_574 = arith.cmpi eq, %iota3A, %eq3A_573 : vector<16xi32>
      %eq3A_575 = arith.constant 1 : i32
      %eq3A_576 = vector.broadcast %eq3A_575 : i32 to vector<16xi32>
      %eq3A_577 = arith.cmpi eq, %iota3A, %eq3A_576 : vector<16xi32>
      %jit3A_578 = arith.constant 10200 : i32
      %broadcast_in_dim3A_579 = vector.broadcast %squeeze3A_571 : i32 to vector<16xi32>
      %broadcast_in_dim3A_580 = vector.broadcast %jit3A_578 : i32 to vector<16xi32>
      %select_n3A_581 = arith.select %eq3A_577, %broadcast_in_dim3A_579, %broadcast_in_dim3A_580 : vector<16xi1>, vector<16xi32>
      %broadcast_in_dim3A_582 = vector.broadcast %squeeze3A_565 : i32 to vector<16xi32>
      %select_n3A_583 = arith.select %eq3A_574, %broadcast_in_dim3A_582, %select_n3A_581 : vector<16xi1>, vector<16xi32>
      "tpu.region"() ({
        %run_scoped3A_696 = tpu.sem_alloc : memref<!tpu.dma_semaphore, #tpu.memory_space<semaphore_mem>>
        %dma_start3A_697 = arith.constant 10088 : i32
        %dma_start3A_698 = arith.constant 0 : i32
        %dma_start3A_699 = tpu.memref_slice %arg17[%dma_start3A_697, %dma_start3A_698] : memref<10240x128xf32, #tpu.memory_space<vmem_shared>> -> memref<16x128xf32, #tpu.memory_space<vmem_shared>>
        %dma_start3A_700 = arith.constant 10088 : i32
        %dma_start3A_701 = arith.constant 0 : i32
        %dma_start3A_702 = tpu.memref_slice %arg17[%dma_start3A_700, %dma_start3A_701] : memref<10240x128xf32, #tpu.memory_space<vmem_shared>> -> memref<16x128xf32, #tpu.memory_space<vmem_shared>>
        tpu.enqueue_dma source(%dma_start3A_702 : memref<16x128xf32, #tpu.memory_space<vmem_shared>>) target(%arg12 : memref<16x128xf32, #tpu.memory_space<vmem>>) target_semaphore(%run_scoped3A_696 : memref<!tpu.dma_semaphore, #tpu.memory_space<semaphore_mem>>)
        %dma_wait3A_703 = arith.constant 10088 : i32
        %dma_wait3A_704 = arith.constant 0 : i32
        %dma_wait3A_705 = tpu.memref_slice %arg17[%dma_wait3A_703, %dma_wait3A_704] : memref<10240x128xf32, #tpu.memory_space<vmem_shared>> -> memref<16x128xf32, #tpu.memory_space<vmem_shared>>
        %dma_wait3A_706 = arith.constant 10088 : i32
        %dma_wait3A_707 = arith.constant 0 : i32
        %dma_wait3A_708 = tpu.memref_slice %arg17[%dma_wait3A_706, %dma_wait3A_707] : memref<10240x128xf32, #tpu.memory_space<vmem_shared>> -> memref<16x128xf32, #tpu.memory_space<vmem_shared>>
        tpu.wait_dma2 semaphore(%run_scoped3A_696 : memref<!tpu.dma_semaphore, #tpu.memory_space<semaphore_mem>>) src(%dma_wait3A_708 : memref<16x128xf32, #tpu.memory_space<vmem_shared>>) dst(%arg12 : memref<16x128xf32, #tpu.memory_space<vmem>>)
        tpu.yield
      }) : () -> ()
      "tpu.region"() ({
        %run_scoped3A_696 = tpu.sem_alloc : memref<!tpu.dma_semaphore, #tpu.memory_space<semaphore_mem>>
        %dma_start3A_697 = arith.constant 0 : i32
        %dma_start3A_698 = arith.constant 0 : i32
        %dma_start3A_699 = tpu.memref_slice %arg17[%dma_start3A_697, %dma_start3A_698] : memref<10240x128xf32, #tpu.memory_space<vmem_shared>> -> memref<10240x128xf32, #tpu.memory_space<vmem_shared>>
        tpu.enqueue_indirect_dma source(%arg12 : memref<16x128xf32, #tpu.memory_space<vmem>>) target(%dma_start3A_699 : memref<10240x128xf32, #tpu.memory_space<vmem_shared>>) offsets(%select_n3A_583 : vector<16xi32>) semaphore(%run_scoped3A_696 : memref<!tpu.dma_semaphore, #tpu.memory_space<semaphore_mem>>) {add = true}
        %dma_wait3A_700 = arith.constant 0 : i32
        %dma_wait3A_701 = arith.constant 0 : i32
        %dma_wait3A_702 = tpu.memref_slice %arg17[%dma_wait3A_700, %dma_wait3A_701] : memref<10240x128xf32, #tpu.memory_space<vmem_shared>> -> memref<10240x128xf32, #tpu.memory_space<vmem_shared>>
        tpu.wait_indirect_dma semaphore(%run_scoped3A_696 : memref<!tpu.dma_semaphore, #tpu.memory_space<semaphore_mem>>) src(%arg12 : memref<16x128xf32, #tpu.memory_space<vmem>>) dst(%dma_wait3A_702 : memref<10240x128xf32, #tpu.memory_space<vmem_shared>>)
        tpu.yield
      }) : () -> ()
      "tpu.region"() ({
        %run_scoped3A_696 = tpu.sem_alloc : memref<!tpu.dma_semaphore, #tpu.memory_space<semaphore_mem>>
        %dma_start3A_697 = arith.constant 10088 : i32
        %dma_start3A_698 = tpu.memref_slice %arg18[%dma_start3A_697] : memref<10240xf32, #tpu.memory_space<vmem_shared>> -> memref<16xf32, #tpu.memory_space<vmem_shared>>
        %dma_start3A_699 = arith.constant 10088 : i32
        %dma_start3A_700 = tpu.memref_slice %arg18[%dma_start3A_699] : memref<10240xf32, #tpu.memory_space<vmem_shared>> -> memref<16xf32, #tpu.memory_space<vmem_shared>>
        tpu.enqueue_dma source(%dma_start3A_700 : memref<16xf32, #tpu.memory_space<vmem_shared>>) target(%arg13 : memref<16xf32, #tpu.memory_space<vmem>>) target_semaphore(%run_scoped3A_696 : memref<!tpu.dma_semaphore, #tpu.memory_space<semaphore_mem>>)
        %dma_wait3A_701 = arith.constant 10088 : i32
        %dma_wait3A_702 = tpu.memref_slice %arg18[%dma_wait3A_701] : memref<10240xf32, #tpu.memory_space<vmem_shared>> -> memref<16xf32, #tpu.memory_space<vmem_shared>>
        %dma_wait3A_703 = arith.constant 10088 : i32
        %dma_wait3A_704 = tpu.memref_slice %arg18[%dma_wait3A_703] : memref<10240xf32, #tpu.memory_space<vmem_shared>> -> memref<16xf32, #tpu.memory_space<vmem_shared>>
        tpu.wait_dma2 semaphore(%run_scoped3A_696 : memref<!tpu.dma_semaphore, #tpu.memory_space<semaphore_mem>>) src(%dma_wait3A_704 : memref<16xf32, #tpu.memory_space<vmem_shared>>) dst(%arg13 : memref<16xf32, #tpu.memory_space<vmem>>)
        tpu.yield
      }) : () -> ()
      "tpu.region"() ({
        %run_scoped3A_696 = tpu.sem_alloc : memref<!tpu.dma_semaphore, #tpu.memory_space<semaphore_mem>>
        %dma_start3A_697 = arith.constant 0 : i32
        %dma_start3A_698 = tpu.memref_slice %arg18[%dma_start3A_697] : memref<10240xf32, #tpu.memory_space<vmem_shared>> -> memref<10240xf32, #tpu.memory_space<vmem_shared>>
        tpu.enqueue_indirect_dma source(%arg13 : memref<16xf32, #tpu.memory_space<vmem>>) target(%dma_start3A_698 : memref<10240xf32, #tpu.memory_space<vmem_shared>>) offsets(%select_n3A_583 : vector<16xi32>) semaphore(%run_scoped3A_696 : memref<!tpu.dma_semaphore, #tpu.memory_space<semaphore_mem>>) {add = true}
        %dma_wait3A_699 = arith.constant 0 : i32
        %dma_wait3A_700 = tpu.memref_slice %arg18[%dma_wait3A_699] : memref<10240xf32, #tpu.memory_space<vmem_shared>> -> memref<10240xf32, #tpu.memory_space<vmem_shared>>
        tpu.wait_indirect_dma semaphore(%run_scoped3A_696 : memref<!tpu.dma_semaphore, #tpu.memory_space<semaphore_mem>>) src(%arg13 : memref<16xf32, #tpu.memory_space<vmem>>) dst(%dma_wait3A_700 : memref<10240xf32, #tpu.memory_space<vmem_shared>>)
        tpu.yield
      }) : () -> ()
      %mul3A_584 = arith.constant 16 : i32
      %mul3A_585 = arith.muli %arg0, %mul3A_584 : i32
      %add3A_586 = arith.constant 12 : i32
      %add3A_587 = arith.addi %mul3A_585, %add3A_586 : i32
      %run_scoped3A_588 = arith.constant 0 : i32
      "tpu.region"() ({
        %run_scoped3A_696 = tpu.sem_alloc : memref<!tpu.dma_semaphore, #tpu.memory_space<semaphore_mem>>
        %dma_start3A_697 = arith.constant 0 : i32
        %dma_start3A_698 = tpu.memref_slice %arg3[%add3A_587, %run_scoped3A_588, %dma_start3A_697] : memref<32x125x80xi32, #tpu.memory_space<hbm>> -> memref<1x1x16xi32, #tpu.memory_space<hbm>>
        %dma_start3A_699 = tpu.memref_squeeze %dma_start3A_698 : memref<1x1x16xi32, #tpu.memory_space<hbm>> -> memref<16xi32, #tpu.memory_space<hbm>>
        %dma_start3A_700 = arith.constant 0 : i32
        %dma_start3A_701 = tpu.memref_slice %arg3[%add3A_587, %run_scoped3A_588, %dma_start3A_700] : memref<32x125x80xi32, #tpu.memory_space<hbm>> -> memref<1x1x16xi32, #tpu.memory_space<hbm>>
        %dma_start3A_702 = tpu.memref_squeeze %dma_start3A_701 : memref<1x1x16xi32, #tpu.memory_space<hbm>> -> memref<16xi32, #tpu.memory_space<hbm>>
        tpu.enqueue_dma source(%dma_start3A_702 : memref<16xi32, #tpu.memory_space<hbm>>) target(%arg11 : memref<16xi32, #tpu.memory_space<vmem>>) target_semaphore(%run_scoped3A_696 : memref<!tpu.dma_semaphore, #tpu.memory_space<semaphore_mem>>)
        %dma_wait3A_703 = arith.constant 0 : i32
        %dma_wait3A_704 = tpu.memref_slice %arg3[%add3A_587, %run_scoped3A_588, %dma_wait3A_703] : memref<32x125x80xi32, #tpu.memory_space<hbm>> -> memref<1x1x16xi32, #tpu.memory_space<hbm>>
        %dma_wait3A_705 = tpu.memref_squeeze %dma_wait3A_704 : memref<1x1x16xi32, #tpu.memory_space<hbm>> -> memref<16xi32, #tpu.memory_space<hbm>>
        %dma_wait3A_706 = arith.constant 0 : i32
        %dma_wait3A_707 = tpu.memref_slice %arg3[%add3A_587, %run_scoped3A_588, %dma_wait3A_706] : memref<32x125x80xi32, #tpu.memory_space<hbm>> -> memref<1x1x16xi32, #tpu.memory_space<hbm>>
        %dma_wait3A_708 = tpu.memref_squeeze %dma_wait3A_707 : memref<1x1x16xi32, #tpu.memory_space<hbm>> -> memref<16xi32, #tpu.memory_space<hbm>>
        tpu.wait_dma2 semaphore(%run_scoped3A_696 : memref<!tpu.dma_semaphore, #tpu.memory_space<semaphore_mem>>) src(%dma_wait3A_708 : memref<16xi32, #tpu.memory_space<hbm>>) dst(%arg11 : memref<16xi32, #tpu.memory_space<vmem>>)
        tpu.yield
      }) : () -> ()
      %get3A_589 = arith.constant 0 : index
      %get3A_590 = tpu.vector_load %arg11[%get3A_589] {strides = array<i32>} : memref<16xi32, #tpu.memory_space<vmem>>, vector<16xi32>,
      %get3A_591 = vector.shape_cast %get3A_590 : vector<16xi32> to vector<16xi32>
      %slice3A_592 = vector.extract_strided_slice %get3A_591 {offsets = [0], sizes = [1], strides = [1]} : vector<16xi32> to vector<1xi32>
      %squeeze3A_593 = vector.extract %slice3A_592[0] : i32 from vector<1xi32>
      %run_scoped3A_594 = arith.constant 124 : i32
      "tpu.region"() ({
        %run_scoped3A_696 = tpu.sem_alloc : memref<!tpu.dma_semaphore, #tpu.memory_space<semaphore_mem>>
        %dma_start3A_697 = arith.constant 64 : i32
        %dma_start3A_698 = tpu.memref_slice %arg3[%add3A_587, %run_scoped3A_594, %dma_start3A_697] : memref<32x125x80xi32, #tpu.memory_space<hbm>> -> memref<1x1x16xi32, #tpu.memory_space<hbm>>
        %dma_start3A_699 = tpu.memref_squeeze %dma_start3A_698 : memref<1x1x16xi32, #tpu.memory_space<hbm>> -> memref<16xi32, #tpu.memory_space<hbm>>
        %dma_start3A_700 = arith.constant 64 : i32
        %dma_start3A_701 = tpu.memref_slice %arg3[%add3A_587, %run_scoped3A_594, %dma_start3A_700] : memref<32x125x80xi32, #tpu.memory_space<hbm>> -> memref<1x1x16xi32, #tpu.memory_space<hbm>>
        %dma_start3A_702 = tpu.memref_squeeze %dma_start3A_701 : memref<1x1x16xi32, #tpu.memory_space<hbm>> -> memref<16xi32, #tpu.memory_space<hbm>>
        tpu.enqueue_dma source(%dma_start3A_702 : memref<16xi32, #tpu.memory_space<hbm>>) target(%arg11 : memref<16xi32, #tpu.memory_space<vmem>>) target_semaphore(%run_scoped3A_696 : memref<!tpu.dma_semaphore, #tpu.memory_space<semaphore_mem>>)
        %dma_wait3A_703 = arith.constant 64 : i32
        %dma_wait3A_704 = tpu.memref_slice %arg3[%add3A_587, %run_scoped3A_594, %dma_wait3A_703] : memref<32x125x80xi32, #tpu.memory_space<hbm>> -> memref<1x1x16xi32, #tpu.memory_space<hbm>>
        %dma_wait3A_705 = tpu.memref_squeeze %dma_wait3A_704 : memref<1x1x16xi32, #tpu.memory_space<hbm>> -> memref<16xi32, #tpu.memory_space<hbm>>
        %dma_wait3A_706 = arith.constant 64 : i32
        %dma_wait3A_707 = tpu.memref_slice %arg3[%add3A_587, %run_scoped3A_594, %dma_wait3A_706] : memref<32x125x80xi32, #tpu.memory_space<hbm>> -> memref<1x1x16xi32, #tpu.memory_space<hbm>>
        %dma_wait3A_708 = tpu.memref_squeeze %dma_wait3A_707 : memref<1x1x16xi32, #tpu.memory_space<hbm>> -> memref<16xi32, #tpu.memory_space<hbm>>
        tpu.wait_dma2 semaphore(%run_scoped3A_696 : memref<!tpu.dma_semaphore, #tpu.memory_space<semaphore_mem>>) src(%dma_wait3A_708 : memref<16xi32, #tpu.memory_space<hbm>>) dst(%arg11 : memref<16xi32, #tpu.memory_space<vmem>>)
        tpu.yield
      }) : () -> ()
      %get3A_595 = arith.constant 0 : index
      %get3A_596 = tpu.vector_load %arg11[%get3A_595] {strides = array<i32>} : memref<16xi32, #tpu.memory_space<vmem>>, vector<16xi32>,
      %get3A_597 = vector.shape_cast %get3A_596 : vector<16xi32> to vector<16xi32>
      %slice3A_598 = vector.extract_strided_slice %get3A_597 {offsets = [15], sizes = [1], strides = [1]} : vector<16xi32> to vector<1xi32>
      %squeeze3A_599 = vector.extract %slice3A_598[0] : i32 from vector<1xi32>
      %eq3A_600 = arith.constant 0 : i32
      %eq3A_601 = vector.broadcast %eq3A_600 : i32 to vector<16xi32>
      %eq3A_602 = arith.cmpi eq, %iota3A, %eq3A_601 : vector<16xi32>
      %eq3A_603 = arith.constant 1 : i32
      %eq3A_604 = vector.broadcast %eq3A_603 : i32 to vector<16xi32>
      %eq3A_605 = arith.cmpi eq, %iota3A, %eq3A_604 : vector<16xi32>
      %jit3A_606 = arith.constant 10200 : i32
      %broadcast_in_dim3A_607 = vector.broadcast %squeeze3A_599 : i32 to vector<16xi32>
      %broadcast_in_dim3A_608 = vector.broadcast %jit3A_606 : i32 to vector<16xi32>
      %select_n3A_609 = arith.select %eq3A_605, %broadcast_in_dim3A_607, %broadcast_in_dim3A_608 : vector<16xi1>, vector<16xi32>
      %broadcast_in_dim3A_610 = vector.broadcast %squeeze3A_593 : i32 to vector<16xi32>
      %select_n3A_611 = arith.select %eq3A_602, %broadcast_in_dim3A_610, %select_n3A_609 : vector<16xi1>, vector<16xi32>
      "tpu.region"() ({
        %run_scoped3A_696 = tpu.sem_alloc : memref<!tpu.dma_semaphore, #tpu.memory_space<semaphore_mem>>
        %dma_start3A_697 = arith.constant 10096 : i32
        %dma_start3A_698 = arith.constant 0 : i32
        %dma_start3A_699 = tpu.memref_slice %arg17[%dma_start3A_697, %dma_start3A_698] : memref<10240x128xf32, #tpu.memory_space<vmem_shared>> -> memref<16x128xf32, #tpu.memory_space<vmem_shared>>
        %dma_start3A_700 = arith.constant 10096 : i32
        %dma_start3A_701 = arith.constant 0 : i32
        %dma_start3A_702 = tpu.memref_slice %arg17[%dma_start3A_700, %dma_start3A_701] : memref<10240x128xf32, #tpu.memory_space<vmem_shared>> -> memref<16x128xf32, #tpu.memory_space<vmem_shared>>
        tpu.enqueue_dma source(%dma_start3A_702 : memref<16x128xf32, #tpu.memory_space<vmem_shared>>) target(%arg12 : memref<16x128xf32, #tpu.memory_space<vmem>>) target_semaphore(%run_scoped3A_696 : memref<!tpu.dma_semaphore, #tpu.memory_space<semaphore_mem>>)
        %dma_wait3A_703 = arith.constant 10096 : i32
        %dma_wait3A_704 = arith.constant 0 : i32
        %dma_wait3A_705 = tpu.memref_slice %arg17[%dma_wait3A_703, %dma_wait3A_704] : memref<10240x128xf32, #tpu.memory_space<vmem_shared>> -> memref<16x128xf32, #tpu.memory_space<vmem_shared>>
        %dma_wait3A_706 = arith.constant 10096 : i32
        %dma_wait3A_707 = arith.constant 0 : i32
        %dma_wait3A_708 = tpu.memref_slice %arg17[%dma_wait3A_706, %dma_wait3A_707] : memref<10240x128xf32, #tpu.memory_space<vmem_shared>> -> memref<16x128xf32, #tpu.memory_space<vmem_shared>>
        tpu.wait_dma2 semaphore(%run_scoped3A_696 : memref<!tpu.dma_semaphore, #tpu.memory_space<semaphore_mem>>) src(%dma_wait3A_708 : memref<16x128xf32, #tpu.memory_space<vmem_shared>>) dst(%arg12 : memref<16x128xf32, #tpu.memory_space<vmem>>)
        tpu.yield
      }) : () -> ()
      "tpu.region"() ({
        %run_scoped3A_696 = tpu.sem_alloc : memref<!tpu.dma_semaphore, #tpu.memory_space<semaphore_mem>>
        %dma_start3A_697 = arith.constant 0 : i32
        %dma_start3A_698 = arith.constant 0 : i32
        %dma_start3A_699 = tpu.memref_slice %arg17[%dma_start3A_697, %dma_start3A_698] : memref<10240x128xf32, #tpu.memory_space<vmem_shared>> -> memref<10240x128xf32, #tpu.memory_space<vmem_shared>>
        tpu.enqueue_indirect_dma source(%arg12 : memref<16x128xf32, #tpu.memory_space<vmem>>) target(%dma_start3A_699 : memref<10240x128xf32, #tpu.memory_space<vmem_shared>>) offsets(%select_n3A_611 : vector<16xi32>) semaphore(%run_scoped3A_696 : memref<!tpu.dma_semaphore, #tpu.memory_space<semaphore_mem>>) {add = true}
        %dma_wait3A_700 = arith.constant 0 : i32
        %dma_wait3A_701 = arith.constant 0 : i32
        %dma_wait3A_702 = tpu.memref_slice %arg17[%dma_wait3A_700, %dma_wait3A_701] : memref<10240x128xf32, #tpu.memory_space<vmem_shared>> -> memref<10240x128xf32, #tpu.memory_space<vmem_shared>>
        tpu.wait_indirect_dma semaphore(%run_scoped3A_696 : memref<!tpu.dma_semaphore, #tpu.memory_space<semaphore_mem>>) src(%arg12 : memref<16x128xf32, #tpu.memory_space<vmem>>) dst(%dma_wait3A_702 : memref<10240x128xf32, #tpu.memory_space<vmem_shared>>)
        tpu.yield
      }) : () -> ()
      "tpu.region"() ({
        %run_scoped3A_696 = tpu.sem_alloc : memref<!tpu.dma_semaphore, #tpu.memory_space<semaphore_mem>>
        %dma_start3A_697 = arith.constant 10096 : i32
        %dma_start3A_698 = tpu.memref_slice %arg18[%dma_start3A_697] : memref<10240xf32, #tpu.memory_space<vmem_shared>> -> memref<16xf32, #tpu.memory_space<vmem_shared>>
        %dma_start3A_699 = arith.constant 10096 : i32
        %dma_start3A_700 = tpu.memref_slice %arg18[%dma_start3A_699] : memref<10240xf32, #tpu.memory_space<vmem_shared>> -> memref<16xf32, #tpu.memory_space<vmem_shared>>
        tpu.enqueue_dma source(%dma_start3A_700 : memref<16xf32, #tpu.memory_space<vmem_shared>>) target(%arg13 : memref<16xf32, #tpu.memory_space<vmem>>) target_semaphore(%run_scoped3A_696 : memref<!tpu.dma_semaphore, #tpu.memory_space<semaphore_mem>>)
        %dma_wait3A_701 = arith.constant 10096 : i32
        %dma_wait3A_702 = tpu.memref_slice %arg18[%dma_wait3A_701] : memref<10240xf32, #tpu.memory_space<vmem_shared>> -> memref<16xf32, #tpu.memory_space<vmem_shared>>
        %dma_wait3A_703 = arith.constant 10096 : i32
        %dma_wait3A_704 = tpu.memref_slice %arg18[%dma_wait3A_703] : memref<10240xf32, #tpu.memory_space<vmem_shared>> -> memref<16xf32, #tpu.memory_space<vmem_shared>>
        tpu.wait_dma2 semaphore(%run_scoped3A_696 : memref<!tpu.dma_semaphore, #tpu.memory_space<semaphore_mem>>) src(%dma_wait3A_704 : memref<16xf32, #tpu.memory_space<vmem_shared>>) dst(%arg13 : memref<16xf32, #tpu.memory_space<vmem>>)
        tpu.yield
      }) : () -> ()
      "tpu.region"() ({
        %run_scoped3A_696 = tpu.sem_alloc : memref<!tpu.dma_semaphore, #tpu.memory_space<semaphore_mem>>
        %dma_start3A_697 = arith.constant 0 : i32
        %dma_start3A_698 = tpu.memref_slice %arg18[%dma_start3A_697] : memref<10240xf32, #tpu.memory_space<vmem_shared>> -> memref<10240xf32, #tpu.memory_space<vmem_shared>>
        tpu.enqueue_indirect_dma source(%arg13 : memref<16xf32, #tpu.memory_space<vmem>>) target(%dma_start3A_698 : memref<10240xf32, #tpu.memory_space<vmem_shared>>) offsets(%select_n3A_611 : vector<16xi32>) semaphore(%run_scoped3A_696 : memref<!tpu.dma_semaphore, #tpu.memory_space<semaphore_mem>>) {add = true}
        %dma_wait3A_699 = arith.constant 0 : i32
        %dma_wait3A_700 = tpu.memref_slice %arg18[%dma_wait3A_699] : memref<10240xf32, #tpu.memory_space<vmem_shared>> -> memref<10240xf32, #tpu.memory_space<vmem_shared>>
        tpu.wait_indirect_dma semaphore(%run_scoped3A_696 : memref<!tpu.dma_semaphore, #tpu.memory_space<semaphore_mem>>) src(%arg13 : memref<16xf32, #tpu.memory_space<vmem>>) dst(%dma_wait3A_700 : memref<10240xf32, #tpu.memory_space<vmem_shared>>)
        tpu.yield
      }) : () -> ()
      %mul3A_612 = arith.constant 16 : i32
      %mul3A_613 = arith.muli %arg0, %mul3A_612 : i32
      %add3A_614 = arith.constant 13 : i32
      %add3A_615 = arith.addi %mul3A_613, %add3A_614 : i32
      %run_scoped3A_616 = arith.constant 0 : i32
      "tpu.region"() ({
        %run_scoped3A_696 = tpu.sem_alloc : memref<!tpu.dma_semaphore, #tpu.memory_space<semaphore_mem>>
        %dma_start3A_697 = arith.constant 0 : i32
        %dma_start3A_698 = tpu.memref_slice %arg3[%add3A_615, %run_scoped3A_616, %dma_start3A_697] : memref<32x125x80xi32, #tpu.memory_space<hbm>> -> memref<1x1x16xi32, #tpu.memory_space<hbm>>
        %dma_start3A_699 = tpu.memref_squeeze %dma_start3A_698 : memref<1x1x16xi32, #tpu.memory_space<hbm>> -> memref<16xi32, #tpu.memory_space<hbm>>
        %dma_start3A_700 = arith.constant 0 : i32
        %dma_start3A_701 = tpu.memref_slice %arg3[%add3A_615, %run_scoped3A_616, %dma_start3A_700] : memref<32x125x80xi32, #tpu.memory_space<hbm>> -> memref<1x1x16xi32, #tpu.memory_space<hbm>>
        %dma_start3A_702 = tpu.memref_squeeze %dma_start3A_701 : memref<1x1x16xi32, #tpu.memory_space<hbm>> -> memref<16xi32, #tpu.memory_space<hbm>>
        tpu.enqueue_dma source(%dma_start3A_702 : memref<16xi32, #tpu.memory_space<hbm>>) target(%arg11 : memref<16xi32, #tpu.memory_space<vmem>>) target_semaphore(%run_scoped3A_696 : memref<!tpu.dma_semaphore, #tpu.memory_space<semaphore_mem>>)
        %dma_wait3A_703 = arith.constant 0 : i32
        %dma_wait3A_704 = tpu.memref_slice %arg3[%add3A_615, %run_scoped3A_616, %dma_wait3A_703] : memref<32x125x80xi32, #tpu.memory_space<hbm>> -> memref<1x1x16xi32, #tpu.memory_space<hbm>>
        %dma_wait3A_705 = tpu.memref_squeeze %dma_wait3A_704 : memref<1x1x16xi32, #tpu.memory_space<hbm>> -> memref<16xi32, #tpu.memory_space<hbm>>
        %dma_wait3A_706 = arith.constant 0 : i32
        %dma_wait3A_707 = tpu.memref_slice %arg3[%add3A_615, %run_scoped3A_616, %dma_wait3A_706] : memref<32x125x80xi32, #tpu.memory_space<hbm>> -> memref<1x1x16xi32, #tpu.memory_space<hbm>>
        %dma_wait3A_708 = tpu.memref_squeeze %dma_wait3A_707 : memref<1x1x16xi32, #tpu.memory_space<hbm>> -> memref<16xi32, #tpu.memory_space<hbm>>
        tpu.wait_dma2 semaphore(%run_scoped3A_696 : memref<!tpu.dma_semaphore, #tpu.memory_space<semaphore_mem>>) src(%dma_wait3A_708 : memref<16xi32, #tpu.memory_space<hbm>>) dst(%arg11 : memref<16xi32, #tpu.memory_space<vmem>>)
        tpu.yield
      }) : () -> ()
      %get3A_617 = arith.constant 0 : index
      %get3A_618 = tpu.vector_load %arg11[%get3A_617] {strides = array<i32>} : memref<16xi32, #tpu.memory_space<vmem>>, vector<16xi32>,
      %get3A_619 = vector.shape_cast %get3A_618 : vector<16xi32> to vector<16xi32>
      %slice3A_620 = vector.extract_strided_slice %get3A_619 {offsets = [0], sizes = [1], strides = [1]} : vector<16xi32> to vector<1xi32>
      %squeeze3A_621 = vector.extract %slice3A_620[0] : i32 from vector<1xi32>
      %run_scoped3A_622 = arith.constant 124 : i32
      "tpu.region"() ({
        %run_scoped3A_696 = tpu.sem_alloc : memref<!tpu.dma_semaphore, #tpu.memory_space<semaphore_mem>>
        %dma_start3A_697 = arith.constant 64 : i32
        %dma_start3A_698 = tpu.memref_slice %arg3[%add3A_615, %run_scoped3A_622, %dma_start3A_697] : memref<32x125x80xi32, #tpu.memory_space<hbm>> -> memref<1x1x16xi32, #tpu.memory_space<hbm>>
        %dma_start3A_699 = tpu.memref_squeeze %dma_start3A_698 : memref<1x1x16xi32, #tpu.memory_space<hbm>> -> memref<16xi32, #tpu.memory_space<hbm>>
        %dma_start3A_700 = arith.constant 64 : i32
        %dma_start3A_701 = tpu.memref_slice %arg3[%add3A_615, %run_scoped3A_622, %dma_start3A_700] : memref<32x125x80xi32, #tpu.memory_space<hbm>> -> memref<1x1x16xi32, #tpu.memory_space<hbm>>
        %dma_start3A_702 = tpu.memref_squeeze %dma_start3A_701 : memref<1x1x16xi32, #tpu.memory_space<hbm>> -> memref<16xi32, #tpu.memory_space<hbm>>
        tpu.enqueue_dma source(%dma_start3A_702 : memref<16xi32, #tpu.memory_space<hbm>>) target(%arg11 : memref<16xi32, #tpu.memory_space<vmem>>) target_semaphore(%run_scoped3A_696 : memref<!tpu.dma_semaphore, #tpu.memory_space<semaphore_mem>>)
        %dma_wait3A_703 = arith.constant 64 : i32
        %dma_wait3A_704 = tpu.memref_slice %arg3[%add3A_615, %run_scoped3A_622, %dma_wait3A_703] : memref<32x125x80xi32, #tpu.memory_space<hbm>> -> memref<1x1x16xi32, #tpu.memory_space<hbm>>
        %dma_wait3A_705 = tpu.memref_squeeze %dma_wait3A_704 : memref<1x1x16xi32, #tpu.memory_space<hbm>> -> memref<16xi32, #tpu.memory_space<hbm>>
        %dma_wait3A_706 = arith.constant 64 : i32
        %dma_wait3A_707 = tpu.memref_slice %arg3[%add3A_615, %run_scoped3A_622, %dma_wait3A_706] : memref<32x125x80xi32, #tpu.memory_space<hbm>> -> memref<1x1x16xi32, #tpu.memory_space<hbm>>
        %dma_wait3A_708 = tpu.memref_squeeze %dma_wait3A_707 : memref<1x1x16xi32, #tpu.memory_space<hbm>> -> memref<16xi32, #tpu.memory_space<hbm>>
        tpu.wait_dma2 semaphore(%run_scoped3A_696 : memref<!tpu.dma_semaphore, #tpu.memory_space<semaphore_mem>>) src(%dma_wait3A_708 : memref<16xi32, #tpu.memory_space<hbm>>) dst(%arg11 : memref<16xi32, #tpu.memory_space<vmem>>)
        tpu.yield
      }) : () -> ()
      %get3A_623 = arith.constant 0 : index
      %get3A_624 = tpu.vector_load %arg11[%get3A_623] {strides = array<i32>} : memref<16xi32, #tpu.memory_space<vmem>>, vector<16xi32>,
      %get3A_625 = vector.shape_cast %get3A_624 : vector<16xi32> to vector<16xi32>
      %slice3A_626 = vector.extract_strided_slice %get3A_625 {offsets = [15], sizes = [1], strides = [1]} : vector<16xi32> to vector<1xi32>
      %squeeze3A_627 = vector.extract %slice3A_626[0] : i32 from vector<1xi32>
      %eq3A_628 = arith.constant 0 : i32
      %eq3A_629 = vector.broadcast %eq3A_628 : i32 to vector<16xi32>
      %eq3A_630 = arith.cmpi eq, %iota3A, %eq3A_629 : vector<16xi32>
      %eq3A_631 = arith.constant 1 : i32
      %eq3A_632 = vector.broadcast %eq3A_631 : i32 to vector<16xi32>
      %eq3A_633 = arith.cmpi eq, %iota3A, %eq3A_632 : vector<16xi32>
      %jit3A_634 = arith.constant 10200 : i32
      %broadcast_in_dim3A_635 = vector.broadcast %squeeze3A_627 : i32 to vector<16xi32>
      %broadcast_in_dim3A_636 = vector.broadcast %jit3A_634 : i32 to vector<16xi32>
      %select_n3A_637 = arith.select %eq3A_633, %broadcast_in_dim3A_635, %broadcast_in_dim3A_636 : vector<16xi1>, vector<16xi32>
      %broadcast_in_dim3A_638 = vector.broadcast %squeeze3A_621 : i32 to vector<16xi32>
      %select_n3A_639 = arith.select %eq3A_630, %broadcast_in_dim3A_638, %select_n3A_637 : vector<16xi1>, vector<16xi32>
      "tpu.region"() ({
        %run_scoped3A_696 = tpu.sem_alloc : memref<!tpu.dma_semaphore, #tpu.memory_space<semaphore_mem>>
        %dma_start3A_697 = arith.constant 10104 : i32
        %dma_start3A_698 = arith.constant 0 : i32
        %dma_start3A_699 = tpu.memref_slice %arg17[%dma_start3A_697, %dma_start3A_698] : memref<10240x128xf32, #tpu.memory_space<vmem_shared>> -> memref<16x128xf32, #tpu.memory_space<vmem_shared>>
        %dma_start3A_700 = arith.constant 10104 : i32
        %dma_start3A_701 = arith.constant 0 : i32
        %dma_start3A_702 = tpu.memref_slice %arg17[%dma_start3A_700, %dma_start3A_701] : memref<10240x128xf32, #tpu.memory_space<vmem_shared>> -> memref<16x128xf32, #tpu.memory_space<vmem_shared>>
        tpu.enqueue_dma source(%dma_start3A_702 : memref<16x128xf32, #tpu.memory_space<vmem_shared>>) target(%arg12 : memref<16x128xf32, #tpu.memory_space<vmem>>) target_semaphore(%run_scoped3A_696 : memref<!tpu.dma_semaphore, #tpu.memory_space<semaphore_mem>>)
        %dma_wait3A_703 = arith.constant 10104 : i32
        %dma_wait3A_704 = arith.constant 0 : i32
        %dma_wait3A_705 = tpu.memref_slice %arg17[%dma_wait3A_703, %dma_wait3A_704] : memref<10240x128xf32, #tpu.memory_space<vmem_shared>> -> memref<16x128xf32, #tpu.memory_space<vmem_shared>>
        %dma_wait3A_706 = arith.constant 10104 : i32
        %dma_wait3A_707 = arith.constant 0 : i32
        %dma_wait3A_708 = tpu.memref_slice %arg17[%dma_wait3A_706, %dma_wait3A_707] : memref<10240x128xf32, #tpu.memory_space<vmem_shared>> -> memref<16x128xf32, #tpu.memory_space<vmem_shared>>
        tpu.wait_dma2 semaphore(%run_scoped3A_696 : memref<!tpu.dma_semaphore, #tpu.memory_space<semaphore_mem>>) src(%dma_wait3A_708 : memref<16x128xf32, #tpu.memory_space<vmem_shared>>) dst(%arg12 : memref<16x128xf32, #tpu.memory_space<vmem>>)
        tpu.yield
      }) : () -> ()
      "tpu.region"() ({
        %run_scoped3A_696 = tpu.sem_alloc : memref<!tpu.dma_semaphore, #tpu.memory_space<semaphore_mem>>
        %dma_start3A_697 = arith.constant 0 : i32
        %dma_start3A_698 = arith.constant 0 : i32
        %dma_start3A_699 = tpu.memref_slice %arg17[%dma_start3A_697, %dma_start3A_698] : memref<10240x128xf32, #tpu.memory_space<vmem_shared>> -> memref<10240x128xf32, #tpu.memory_space<vmem_shared>>
        tpu.enqueue_indirect_dma source(%arg12 : memref<16x128xf32, #tpu.memory_space<vmem>>) target(%dma_start3A_699 : memref<10240x128xf32, #tpu.memory_space<vmem_shared>>) offsets(%select_n3A_639 : vector<16xi32>) semaphore(%run_scoped3A_696 : memref<!tpu.dma_semaphore, #tpu.memory_space<semaphore_mem>>) {add = true}
        %dma_wait3A_700 = arith.constant 0 : i32
        %dma_wait3A_701 = arith.constant 0 : i32
        %dma_wait3A_702 = tpu.memref_slice %arg17[%dma_wait3A_700, %dma_wait3A_701] : memref<10240x128xf32, #tpu.memory_space<vmem_shared>> -> memref<10240x128xf32, #tpu.memory_space<vmem_shared>>
        tpu.wait_indirect_dma semaphore(%run_scoped3A_696 : memref<!tpu.dma_semaphore, #tpu.memory_space<semaphore_mem>>) src(%arg12 : memref<16x128xf32, #tpu.memory_space<vmem>>) dst(%dma_wait3A_702 : memref<10240x128xf32, #tpu.memory_space<vmem_shared>>)
        tpu.yield
      }) : () -> ()
      "tpu.region"() ({
        %run_scoped3A_696 = tpu.sem_alloc : memref<!tpu.dma_semaphore, #tpu.memory_space<semaphore_mem>>
        %dma_start3A_697 = arith.constant 10104 : i32
        %dma_start3A_698 = tpu.memref_slice %arg18[%dma_start3A_697] : memref<10240xf32, #tpu.memory_space<vmem_shared>> -> memref<16xf32, #tpu.memory_space<vmem_shared>>
        %dma_start3A_699 = arith.constant 10104 : i32
        %dma_start3A_700 = tpu.memref_slice %arg18[%dma_start3A_699] : memref<10240xf32, #tpu.memory_space<vmem_shared>> -> memref<16xf32, #tpu.memory_space<vmem_shared>>
        tpu.enqueue_dma source(%dma_start3A_700 : memref<16xf32, #tpu.memory_space<vmem_shared>>) target(%arg13 : memref<16xf32, #tpu.memory_space<vmem>>) target_semaphore(%run_scoped3A_696 : memref<!tpu.dma_semaphore, #tpu.memory_space<semaphore_mem>>)
        %dma_wait3A_701 = arith.constant 10104 : i32
        %dma_wait3A_702 = tpu.memref_slice %arg18[%dma_wait3A_701] : memref<10240xf32, #tpu.memory_space<vmem_shared>> -> memref<16xf32, #tpu.memory_space<vmem_shared>>
        %dma_wait3A_703 = arith.constant 10104 : i32
        %dma_wait3A_704 = tpu.memref_slice %arg18[%dma_wait3A_703] : memref<10240xf32, #tpu.memory_space<vmem_shared>> -> memref<16xf32, #tpu.memory_space<vmem_shared>>
        tpu.wait_dma2 semaphore(%run_scoped3A_696 : memref<!tpu.dma_semaphore, #tpu.memory_space<semaphore_mem>>) src(%dma_wait3A_704 : memref<16xf32, #tpu.memory_space<vmem_shared>>) dst(%arg13 : memref<16xf32, #tpu.memory_space<vmem>>)
        tpu.yield
      }) : () -> ()
      "tpu.region"() ({
        %run_scoped3A_696 = tpu.sem_alloc : memref<!tpu.dma_semaphore, #tpu.memory_space<semaphore_mem>>
        %dma_start3A_697 = arith.constant 0 : i32
        %dma_start3A_698 = tpu.memref_slice %arg18[%dma_start3A_697] : memref<10240xf32, #tpu.memory_space<vmem_shared>> -> memref<10240xf32, #tpu.memory_space<vmem_shared>>
        tpu.enqueue_indirect_dma source(%arg13 : memref<16xf32, #tpu.memory_space<vmem>>) target(%dma_start3A_698 : memref<10240xf32, #tpu.memory_space<vmem_shared>>) offsets(%select_n3A_639 : vector<16xi32>) semaphore(%run_scoped3A_696 : memref<!tpu.dma_semaphore, #tpu.memory_space<semaphore_mem>>) {add = true}
        %dma_wait3A_699 = arith.constant 0 : i32
        %dma_wait3A_700 = tpu.memref_slice %arg18[%dma_wait3A_699] : memref<10240xf32, #tpu.memory_space<vmem_shared>> -> memref<10240xf32, #tpu.memory_space<vmem_shared>>
        tpu.wait_indirect_dma semaphore(%run_scoped3A_696 : memref<!tpu.dma_semaphore, #tpu.memory_space<semaphore_mem>>) src(%arg13 : memref<16xf32, #tpu.memory_space<vmem>>) dst(%dma_wait3A_700 : memref<10240xf32, #tpu.memory_space<vmem_shared>>)
        tpu.yield
      }) : () -> ()
      %mul3A_640 = arith.constant 16 : i32
      %mul3A_641 = arith.muli %arg0, %mul3A_640 : i32
      %add3A_642 = arith.constant 14 : i32
      %add3A_643 = arith.addi %mul3A_641, %add3A_642 : i32
      %run_scoped3A_644 = arith.constant 0 : i32
      "tpu.region"() ({
        %run_scoped3A_696 = tpu.sem_alloc : memref<!tpu.dma_semaphore, #tpu.memory_space<semaphore_mem>>
        %dma_start3A_697 = arith.constant 0 : i32
        %dma_start3A_698 = tpu.memref_slice %arg3[%add3A_643, %run_scoped3A_644, %dma_start3A_697] : memref<32x125x80xi32, #tpu.memory_space<hbm>> -> memref<1x1x16xi32, #tpu.memory_space<hbm>>
        %dma_start3A_699 = tpu.memref_squeeze %dma_start3A_698 : memref<1x1x16xi32, #tpu.memory_space<hbm>> -> memref<16xi32, #tpu.memory_space<hbm>>
        %dma_start3A_700 = arith.constant 0 : i32
        %dma_start3A_701 = tpu.memref_slice %arg3[%add3A_643, %run_scoped3A_644, %dma_start3A_700] : memref<32x125x80xi32, #tpu.memory_space<hbm>> -> memref<1x1x16xi32, #tpu.memory_space<hbm>>
        %dma_start3A_702 = tpu.memref_squeeze %dma_start3A_701 : memref<1x1x16xi32, #tpu.memory_space<hbm>> -> memref<16xi32, #tpu.memory_space<hbm>>
        tpu.enqueue_dma source(%dma_start3A_702 : memref<16xi32, #tpu.memory_space<hbm>>) target(%arg11 : memref<16xi32, #tpu.memory_space<vmem>>) target_semaphore(%run_scoped3A_696 : memref<!tpu.dma_semaphore, #tpu.memory_space<semaphore_mem>>)
        %dma_wait3A_703 = arith.constant 0 : i32
        %dma_wait3A_704 = tpu.memref_slice %arg3[%add3A_643, %run_scoped3A_644, %dma_wait3A_703] : memref<32x125x80xi32, #tpu.memory_space<hbm>> -> memref<1x1x16xi32, #tpu.memory_space<hbm>>
        %dma_wait3A_705 = tpu.memref_squeeze %dma_wait3A_704 : memref<1x1x16xi32, #tpu.memory_space<hbm>> -> memref<16xi32, #tpu.memory_space<hbm>>
        %dma_wait3A_706 = arith.constant 0 : i32
        %dma_wait3A_707 = tpu.memref_slice %arg3[%add3A_643, %run_scoped3A_644, %dma_wait3A_706] : memref<32x125x80xi32, #tpu.memory_space<hbm>> -> memref<1x1x16xi32, #tpu.memory_space<hbm>>
        %dma_wait3A_708 = tpu.memref_squeeze %dma_wait3A_707 : memref<1x1x16xi32, #tpu.memory_space<hbm>> -> memref<16xi32, #tpu.memory_space<hbm>>
        tpu.wait_dma2 semaphore(%run_scoped3A_696 : memref<!tpu.dma_semaphore, #tpu.memory_space<semaphore_mem>>) src(%dma_wait3A_708 : memref<16xi32, #tpu.memory_space<hbm>>) dst(%arg11 : memref<16xi32, #tpu.memory_space<vmem>>)
        tpu.yield
      }) : () -> ()
      %get3A_645 = arith.constant 0 : index
      %get3A_646 = tpu.vector_load %arg11[%get3A_645] {strides = array<i32>} : memref<16xi32, #tpu.memory_space<vmem>>, vector<16xi32>,
      %get3A_647 = vector.shape_cast %get3A_646 : vector<16xi32> to vector<16xi32>
      %slice3A_648 = vector.extract_strided_slice %get3A_647 {offsets = [0], sizes = [1], strides = [1]} : vector<16xi32> to vector<1xi32>
      %squeeze3A_649 = vector.extract %slice3A_648[0] : i32 from vector<1xi32>
      %run_scoped3A_650 = arith.constant 124 : i32
      "tpu.region"() ({
        %run_scoped3A_696 = tpu.sem_alloc : memref<!tpu.dma_semaphore, #tpu.memory_space<semaphore_mem>>
        %dma_start3A_697 = arith.constant 64 : i32
        %dma_start3A_698 = tpu.memref_slice %arg3[%add3A_643, %run_scoped3A_650, %dma_start3A_697] : memref<32x125x80xi32, #tpu.memory_space<hbm>> -> memref<1x1x16xi32, #tpu.memory_space<hbm>>
        %dma_start3A_699 = tpu.memref_squeeze %dma_start3A_698 : memref<1x1x16xi32, #tpu.memory_space<hbm>> -> memref<16xi32, #tpu.memory_space<hbm>>
        %dma_start3A_700 = arith.constant 64 : i32
        %dma_start3A_701 = tpu.memref_slice %arg3[%add3A_643, %run_scoped3A_650, %dma_start3A_700] : memref<32x125x80xi32, #tpu.memory_space<hbm>> -> memref<1x1x16xi32, #tpu.memory_space<hbm>>
        %dma_start3A_702 = tpu.memref_squeeze %dma_start3A_701 : memref<1x1x16xi32, #tpu.memory_space<hbm>> -> memref<16xi32, #tpu.memory_space<hbm>>
        tpu.enqueue_dma source(%dma_start3A_702 : memref<16xi32, #tpu.memory_space<hbm>>) target(%arg11 : memref<16xi32, #tpu.memory_space<vmem>>) target_semaphore(%run_scoped3A_696 : memref<!tpu.dma_semaphore, #tpu.memory_space<semaphore_mem>>)
        %dma_wait3A_703 = arith.constant 64 : i32
        %dma_wait3A_704 = tpu.memref_slice %arg3[%add3A_643, %run_scoped3A_650, %dma_wait3A_703] : memref<32x125x80xi32, #tpu.memory_space<hbm>> -> memref<1x1x16xi32, #tpu.memory_space<hbm>>
        %dma_wait3A_705 = tpu.memref_squeeze %dma_wait3A_704 : memref<1x1x16xi32, #tpu.memory_space<hbm>> -> memref<16xi32, #tpu.memory_space<hbm>>
        %dma_wait3A_706 = arith.constant 64 : i32
        %dma_wait3A_707 = tpu.memref_slice %arg3[%add3A_643, %run_scoped3A_650, %dma_wait3A_706] : memref<32x125x80xi32, #tpu.memory_space<hbm>> -> memref<1x1x16xi32, #tpu.memory_space<hbm>>
        %dma_wait3A_708 = tpu.memref_squeeze %dma_wait3A_707 : memref<1x1x16xi32, #tpu.memory_space<hbm>> -> memref<16xi32, #tpu.memory_space<hbm>>
        tpu.wait_dma2 semaphore(%run_scoped3A_696 : memref<!tpu.dma_semaphore, #tpu.memory_space<semaphore_mem>>) src(%dma_wait3A_708 : memref<16xi32, #tpu.memory_space<hbm>>) dst(%arg11 : memref<16xi32, #tpu.memory_space<vmem>>)
        tpu.yield
      }) : () -> ()
      %get3A_651 = arith.constant 0 : index
      %get3A_652 = tpu.vector_load %arg11[%get3A_651] {strides = array<i32>} : memref<16xi32, #tpu.memory_space<vmem>>, vector<16xi32>,
      %get3A_653 = vector.shape_cast %get3A_652 : vector<16xi32> to vector<16xi32>
      %slice3A_654 = vector.extract_strided_slice %get3A_653 {offsets = [15], sizes = [1], strides = [1]} : vector<16xi32> to vector<1xi32>
      %squeeze3A_655 = vector.extract %slice3A_654[0] : i32 from vector<1xi32>
      %eq3A_656 = arith.constant 0 : i32
      %eq3A_657 = vector.broadcast %eq3A_656 : i32 to vector<16xi32>
      %eq3A_658 = arith.cmpi eq, %iota3A, %eq3A_657 : vector<16xi32>
      %eq3A_659 = arith.constant 1 : i32
      %eq3A_660 = vector.broadcast %eq3A_659 : i32 to vector<16xi32>
      %eq3A_661 = arith.cmpi eq, %iota3A, %eq3A_660 : vector<16xi32>
      %jit3A_662 = arith.constant 10200 : i32
      %broadcast_in_dim3A_663 = vector.broadcast %squeeze3A_655 : i32 to vector<16xi32>
      %broadcast_in_dim3A_664 = vector.broadcast %jit3A_662 : i32 to vector<16xi32>
      %select_n3A_665 = arith.select %eq3A_661, %broadcast_in_dim3A_663, %broadcast_in_dim3A_664 : vector<16xi1>, vector<16xi32>
      %broadcast_in_dim3A_666 = vector.broadcast %squeeze3A_649 : i32 to vector<16xi32>
      %select_n3A_667 = arith.select %eq3A_658, %broadcast_in_dim3A_666, %select_n3A_665 : vector<16xi1>, vector<16xi32>
      "tpu.region"() ({
        %run_scoped3A_696 = tpu.sem_alloc : memref<!tpu.dma_semaphore, #tpu.memory_space<semaphore_mem>>
        %dma_start3A_697 = arith.constant 10112 : i32
        %dma_start3A_698 = arith.constant 0 : i32
        %dma_start3A_699 = tpu.memref_slice %arg17[%dma_start3A_697, %dma_start3A_698] : memref<10240x128xf32, #tpu.memory_space<vmem_shared>> -> memref<16x128xf32, #tpu.memory_space<vmem_shared>>
        %dma_start3A_700 = arith.constant 10112 : i32
        %dma_start3A_701 = arith.constant 0 : i32
        %dma_start3A_702 = tpu.memref_slice %arg17[%dma_start3A_700, %dma_start3A_701] : memref<10240x128xf32, #tpu.memory_space<vmem_shared>> -> memref<16x128xf32, #tpu.memory_space<vmem_shared>>
        tpu.enqueue_dma source(%dma_start3A_702 : memref<16x128xf32, #tpu.memory_space<vmem_shared>>) target(%arg12 : memref<16x128xf32, #tpu.memory_space<vmem>>) target_semaphore(%run_scoped3A_696 : memref<!tpu.dma_semaphore, #tpu.memory_space<semaphore_mem>>)
        %dma_wait3A_703 = arith.constant 10112 : i32
        %dma_wait3A_704 = arith.constant 0 : i32
        %dma_wait3A_705 = tpu.memref_slice %arg17[%dma_wait3A_703, %dma_wait3A_704] : memref<10240x128xf32, #tpu.memory_space<vmem_shared>> -> memref<16x128xf32, #tpu.memory_space<vmem_shared>>
        %dma_wait3A_706 = arith.constant 10112 : i32
        %dma_wait3A_707 = arith.constant 0 : i32
        %dma_wait3A_708 = tpu.memref_slice %arg17[%dma_wait3A_706, %dma_wait3A_707] : memref<10240x128xf32, #tpu.memory_space<vmem_shared>> -> memref<16x128xf32, #tpu.memory_space<vmem_shared>>
        tpu.wait_dma2 semaphore(%run_scoped3A_696 : memref<!tpu.dma_semaphore, #tpu.memory_space<semaphore_mem>>) src(%dma_wait3A_708 : memref<16x128xf32, #tpu.memory_space<vmem_shared>>) dst(%arg12 : memref<16x128xf32, #tpu.memory_space<vmem>>)
        tpu.yield
      }) : () -> ()
      "tpu.region"() ({
        %run_scoped3A_696 = tpu.sem_alloc : memref<!tpu.dma_semaphore, #tpu.memory_space<semaphore_mem>>
        %dma_start3A_697 = arith.constant 0 : i32
        %dma_start3A_698 = arith.constant 0 : i32
        %dma_start3A_699 = tpu.memref_slice %arg17[%dma_start3A_697, %dma_start3A_698] : memref<10240x128xf32, #tpu.memory_space<vmem_shared>> -> memref<10240x128xf32, #tpu.memory_space<vmem_shared>>
        tpu.enqueue_indirect_dma source(%arg12 : memref<16x128xf32, #tpu.memory_space<vmem>>) target(%dma_start3A_699 : memref<10240x128xf32, #tpu.memory_space<vmem_shared>>) offsets(%select_n3A_667 : vector<16xi32>) semaphore(%run_scoped3A_696 : memref<!tpu.dma_semaphore, #tpu.memory_space<semaphore_mem>>) {add = true}
        %dma_wait3A_700 = arith.constant 0 : i32
        %dma_wait3A_701 = arith.constant 0 : i32
        %dma_wait3A_702 = tpu.memref_slice %arg17[%dma_wait3A_700, %dma_wait3A_701] : memref<10240x128xf32, #tpu.memory_space<vmem_shared>> -> memref<10240x128xf32, #tpu.memory_space<vmem_shared>>
        tpu.wait_indirect_dma semaphore(%run_scoped3A_696 : memref<!tpu.dma_semaphore, #tpu.memory_space<semaphore_mem>>) src(%arg12 : memref<16x128xf32, #tpu.memory_space<vmem>>) dst(%dma_wait3A_702 : memref<10240x128xf32, #tpu.memory_space<vmem_shared>>)
        tpu.yield
      }) : () -> ()
      "tpu.region"() ({
        %run_scoped3A_696 = tpu.sem_alloc : memref<!tpu.dma_semaphore, #tpu.memory_space<semaphore_mem>>
        %dma_start3A_697 = arith.constant 10112 : i32
        %dma_start3A_698 = tpu.memref_slice %arg18[%dma_start3A_697] : memref<10240xf32, #tpu.memory_space<vmem_shared>> -> memref<16xf32, #tpu.memory_space<vmem_shared>>
        %dma_start3A_699 = arith.constant 10112 : i32
        %dma_start3A_700 = tpu.memref_slice %arg18[%dma_start3A_699] : memref<10240xf32, #tpu.memory_space<vmem_shared>> -> memref<16xf32, #tpu.memory_space<vmem_shared>>
        tpu.enqueue_dma source(%dma_start3A_700 : memref<16xf32, #tpu.memory_space<vmem_shared>>) target(%arg13 : memref<16xf32, #tpu.memory_space<vmem>>) target_semaphore(%run_scoped3A_696 : memref<!tpu.dma_semaphore, #tpu.memory_space<semaphore_mem>>)
        %dma_wait3A_701 = arith.constant 10112 : i32
        %dma_wait3A_702 = tpu.memref_slice %arg18[%dma_wait3A_701] : memref<10240xf32, #tpu.memory_space<vmem_shared>> -> memref<16xf32, #tpu.memory_space<vmem_shared>>
        %dma_wait3A_703 = arith.constant 10112 : i32
        %dma_wait3A_704 = tpu.memref_slice %arg18[%dma_wait3A_703] : memref<10240xf32, #tpu.memory_space<vmem_shared>> -> memref<16xf32, #tpu.memory_space<vmem_shared>>
        tpu.wait_dma2 semaphore(%run_scoped3A_696 : memref<!tpu.dma_semaphore, #tpu.memory_space<semaphore_mem>>) src(%dma_wait3A_704 : memref<16xf32, #tpu.memory_space<vmem_shared>>) dst(%arg13 : memref<16xf32, #tpu.memory_space<vmem>>)
        tpu.yield
      }) : () -> ()
      "tpu.region"() ({
        %run_scoped3A_696 = tpu.sem_alloc : memref<!tpu.dma_semaphore, #tpu.memory_space<semaphore_mem>>
        %dma_start3A_697 = arith.constant 0 : i32
        %dma_start3A_698 = tpu.memref_slice %arg18[%dma_start3A_697] : memref<10240xf32, #tpu.memory_space<vmem_shared>> -> memref<10240xf32, #tpu.memory_space<vmem_shared>>
        tpu.enqueue_indirect_dma source(%arg13 : memref<16xf32, #tpu.memory_space<vmem>>) target(%dma_start3A_698 : memref<10240xf32, #tpu.memory_space<vmem_shared>>) offsets(%select_n3A_667 : vector<16xi32>) semaphore(%run_scoped3A_696 : memref<!tpu.dma_semaphore, #tpu.memory_space<semaphore_mem>>) {add = true}
        %dma_wait3A_699 = arith.constant 0 : i32
        %dma_wait3A_700 = tpu.memref_slice %arg18[%dma_wait3A_699] : memref<10240xf32, #tpu.memory_space<vmem_shared>> -> memref<10240xf32, #tpu.memory_space<vmem_shared>>
        tpu.wait_indirect_dma semaphore(%run_scoped3A_696 : memref<!tpu.dma_semaphore, #tpu.memory_space<semaphore_mem>>) src(%arg13 : memref<16xf32, #tpu.memory_space<vmem>>) dst(%dma_wait3A_700 : memref<10240xf32, #tpu.memory_space<vmem_shared>>)
        tpu.yield
      }) : () -> ()
      %mul3A_668 = arith.constant 16 : i32
      %mul3A_669 = arith.muli %arg0, %mul3A_668 : i32
      %add3A_670 = arith.constant 15 : i32
      %add3A_671 = arith.addi %mul3A_669, %add3A_670 : i32
      %run_scoped3A_672 = arith.constant 0 : i32
      "tpu.region"() ({
        %run_scoped3A_696 = tpu.sem_alloc : memref<!tpu.dma_semaphore, #tpu.memory_space<semaphore_mem>>
        %dma_start3A_697 = arith.constant 0 : i32
        %dma_start3A_698 = tpu.memref_slice %arg3[%add3A_671, %run_scoped3A_672, %dma_start3A_697] : memref<32x125x80xi32, #tpu.memory_space<hbm>> -> memref<1x1x16xi32, #tpu.memory_space<hbm>>
        %dma_start3A_699 = tpu.memref_squeeze %dma_start3A_698 : memref<1x1x16xi32, #tpu.memory_space<hbm>> -> memref<16xi32, #tpu.memory_space<hbm>>
        %dma_start3A_700 = arith.constant 0 : i32
        %dma_start3A_701 = tpu.memref_slice %arg3[%add3A_671, %run_scoped3A_672, %dma_start3A_700] : memref<32x125x80xi32, #tpu.memory_space<hbm>> -> memref<1x1x16xi32, #tpu.memory_space<hbm>>
        %dma_start3A_702 = tpu.memref_squeeze %dma_start3A_701 : memref<1x1x16xi32, #tpu.memory_space<hbm>> -> memref<16xi32, #tpu.memory_space<hbm>>
        tpu.enqueue_dma source(%dma_start3A_702 : memref<16xi32, #tpu.memory_space<hbm>>) target(%arg11 : memref<16xi32, #tpu.memory_space<vmem>>) target_semaphore(%run_scoped3A_696 : memref<!tpu.dma_semaphore, #tpu.memory_space<semaphore_mem>>)
        %dma_wait3A_703 = arith.constant 0 : i32
        %dma_wait3A_704 = tpu.memref_slice %arg3[%add3A_671, %run_scoped3A_672, %dma_wait3A_703] : memref<32x125x80xi32, #tpu.memory_space<hbm>> -> memref<1x1x16xi32, #tpu.memory_space<hbm>>
        %dma_wait3A_705 = tpu.memref_squeeze %dma_wait3A_704 : memref<1x1x16xi32, #tpu.memory_space<hbm>> -> memref<16xi32, #tpu.memory_space<hbm>>
        %dma_wait3A_706 = arith.constant 0 : i32
        %dma_wait3A_707 = tpu.memref_slice %arg3[%add3A_671, %run_scoped3A_672, %dma_wait3A_706] : memref<32x125x80xi32, #tpu.memory_space<hbm>> -> memref<1x1x16xi32, #tpu.memory_space<hbm>>
        %dma_wait3A_708 = tpu.memref_squeeze %dma_wait3A_707 : memref<1x1x16xi32, #tpu.memory_space<hbm>> -> memref<16xi32, #tpu.memory_space<hbm>>
        tpu.wait_dma2 semaphore(%run_scoped3A_696 : memref<!tpu.dma_semaphore, #tpu.memory_space<semaphore_mem>>) src(%dma_wait3A_708 : memref<16xi32, #tpu.memory_space<hbm>>) dst(%arg11 : memref<16xi32, #tpu.memory_space<vmem>>)
        tpu.yield
      }) : () -> ()
      %get3A_673 = arith.constant 0 : index
      %get3A_674 = tpu.vector_load %arg11[%get3A_673] {strides = array<i32>} : memref<16xi32, #tpu.memory_space<vmem>>, vector<16xi32>,
      %get3A_675 = vector.shape_cast %get3A_674 : vector<16xi32> to vector<16xi32>
      %slice3A_676 = vector.extract_strided_slice %get3A_675 {offsets = [0], sizes = [1], strides = [1]} : vector<16xi32> to vector<1xi32>
      %squeeze3A_677 = vector.extract %slice3A_676[0] : i32 from vector<1xi32>
      %run_scoped3A_678 = arith.constant 124 : i32
      "tpu.region"() ({
        %run_scoped3A_696 = tpu.sem_alloc : memref<!tpu.dma_semaphore, #tpu.memory_space<semaphore_mem>>
        %dma_start3A_697 = arith.constant 64 : i32
        %dma_start3A_698 = tpu.memref_slice %arg3[%add3A_671, %run_scoped3A_678, %dma_start3A_697] : memref<32x125x80xi32, #tpu.memory_space<hbm>> -> memref<1x1x16xi32, #tpu.memory_space<hbm>>
        %dma_start3A_699 = tpu.memref_squeeze %dma_start3A_698 : memref<1x1x16xi32, #tpu.memory_space<hbm>> -> memref<16xi32, #tpu.memory_space<hbm>>
        %dma_start3A_700 = arith.constant 64 : i32
        %dma_start3A_701 = tpu.memref_slice %arg3[%add3A_671, %run_scoped3A_678, %dma_start3A_700] : memref<32x125x80xi32, #tpu.memory_space<hbm>> -> memref<1x1x16xi32, #tpu.memory_space<hbm>>
        %dma_start3A_702 = tpu.memref_squeeze %dma_start3A_701 : memref<1x1x16xi32, #tpu.memory_space<hbm>> -> memref<16xi32, #tpu.memory_space<hbm>>
        tpu.enqueue_dma source(%dma_start3A_702 : memref<16xi32, #tpu.memory_space<hbm>>) target(%arg11 : memref<16xi32, #tpu.memory_space<vmem>>) target_semaphore(%run_scoped3A_696 : memref<!tpu.dma_semaphore, #tpu.memory_space<semaphore_mem>>)
        %dma_wait3A_703 = arith.constant 64 : i32
        %dma_wait3A_704 = tpu.memref_slice %arg3[%add3A_671, %run_scoped3A_678, %dma_wait3A_703] : memref<32x125x80xi32, #tpu.memory_space<hbm>> -> memref<1x1x16xi32, #tpu.memory_space<hbm>>
        %dma_wait3A_705 = tpu.memref_squeeze %dma_wait3A_704 : memref<1x1x16xi32, #tpu.memory_space<hbm>> -> memref<16xi32, #tpu.memory_space<hbm>>
        %dma_wait3A_706 = arith.constant 64 : i32
        %dma_wait3A_707 = tpu.memref_slice %arg3[%add3A_671, %run_scoped3A_678, %dma_wait3A_706] : memref<32x125x80xi32, #tpu.memory_space<hbm>> -> memref<1x1x16xi32, #tpu.memory_space<hbm>>
        %dma_wait3A_708 = tpu.memref_squeeze %dma_wait3A_707 : memref<1x1x16xi32, #tpu.memory_space<hbm>> -> memref<16xi32, #tpu.memory_space<hbm>>
        tpu.wait_dma2 semaphore(%run_scoped3A_696 : memref<!tpu.dma_semaphore, #tpu.memory_space<semaphore_mem>>) src(%dma_wait3A_708 : memref<16xi32, #tpu.memory_space<hbm>>) dst(%arg11 : memref<16xi32, #tpu.memory_space<vmem>>)
        tpu.yield
      }) : () -> ()
      %get3A_679 = arith.constant 0 : index
      %get3A_680 = tpu.vector_load %arg11[%get3A_679] {strides = array<i32>} : memref<16xi32, #tpu.memory_space<vmem>>, vector<16xi32>,
      %get3A_681 = vector.shape_cast %get3A_680 : vector<16xi32> to vector<16xi32>
      %slice3A_682 = vector.extract_strided_slice %get3A_681 {offsets = [15], sizes = [1], strides = [1]} : vector<16xi32> to vector<1xi32>
      %squeeze3A_683 = vector.extract %slice3A_682[0] : i32 from vector<1xi32>
      %eq3A_684 = arith.constant 0 : i32
      %eq3A_685 = vector.broadcast %eq3A_684 : i32 to vector<16xi32>
      %eq3A_686 = arith.cmpi eq, %iota3A, %eq3A_685 : vector<16xi32>
      %eq3A_687 = arith.constant 1 : i32
      %eq3A_688 = vector.broadcast %eq3A_687 : i32 to vector<16xi32>
      %eq3A_689 = arith.cmpi eq, %iota3A, %eq3A_688 : vector<16xi32>
      %jit3A_690 = arith.constant 10200 : i32
      %broadcast_in_dim3A_691 = vector.broadcast %squeeze3A_683 : i32 to vector<16xi32>
      %broadcast_in_dim3A_692 = vector.broadcast %jit3A_690 : i32 to vector<16xi32>
      %select_n3A_693 = arith.select %eq3A_689, %broadcast_in_dim3A_691, %broadcast_in_dim3A_692 : vector<16xi1>, vector<16xi32>
      %broadcast_in_dim3A_694 = vector.broadcast %squeeze3A_677 : i32 to vector<16xi32>
      %select_n3A_695 = arith.select %eq3A_686, %broadcast_in_dim3A_694, %select_n3A_693 : vector<16xi1>, vector<16xi32>
      "tpu.region"() ({
        %run_scoped3A_696 = tpu.sem_alloc : memref<!tpu.dma_semaphore, #tpu.memory_space<semaphore_mem>>
        %dma_start3A_697 = arith.constant 10120 : i32
        %dma_start3A_698 = arith.constant 0 : i32
        %dma_start3A_699 = tpu.memref_slice %arg17[%dma_start3A_697, %dma_start3A_698] : memref<10240x128xf32, #tpu.memory_space<vmem_shared>> -> memref<16x128xf32, #tpu.memory_space<vmem_shared>>
        %dma_start3A_700 = arith.constant 10120 : i32
        %dma_start3A_701 = arith.constant 0 : i32
        %dma_start3A_702 = tpu.memref_slice %arg17[%dma_start3A_700, %dma_start3A_701] : memref<10240x128xf32, #tpu.memory_space<vmem_shared>> -> memref<16x128xf32, #tpu.memory_space<vmem_shared>>
        tpu.enqueue_dma source(%dma_start3A_702 : memref<16x128xf32, #tpu.memory_space<vmem_shared>>) target(%arg12 : memref<16x128xf32, #tpu.memory_space<vmem>>) target_semaphore(%run_scoped3A_696 : memref<!tpu.dma_semaphore, #tpu.memory_space<semaphore_mem>>)
        %dma_wait3A_703 = arith.constant 10120 : i32
        %dma_wait3A_704 = arith.constant 0 : i32
        %dma_wait3A_705 = tpu.memref_slice %arg17[%dma_wait3A_703, %dma_wait3A_704] : memref<10240x128xf32, #tpu.memory_space<vmem_shared>> -> memref<16x128xf32, #tpu.memory_space<vmem_shared>>
        %dma_wait3A_706 = arith.constant 10120 : i32
        %dma_wait3A_707 = arith.constant 0 : i32
        %dma_wait3A_708 = tpu.memref_slice %arg17[%dma_wait3A_706, %dma_wait3A_707] : memref<10240x128xf32, #tpu.memory_space<vmem_shared>> -> memref<16x128xf32, #tpu.memory_space<vmem_shared>>
        tpu.wait_dma2 semaphore(%run_scoped3A_696 : memref<!tpu.dma_semaphore, #tpu.memory_space<semaphore_mem>>) src(%dma_wait3A_708 : memref<16x128xf32, #tpu.memory_space<vmem_shared>>) dst(%arg12 : memref<16x128xf32, #tpu.memory_space<vmem>>)
        tpu.yield
      }) : () -> ()
      "tpu.region"() ({
        %run_scoped3A_696 = tpu.sem_alloc : memref<!tpu.dma_semaphore, #tpu.memory_space<semaphore_mem>>
        %dma_start3A_697 = arith.constant 0 : i32
        %dma_start3A_698 = arith.constant 0 : i32
        %dma_start3A_699 = tpu.memref_slice %arg17[%dma_start3A_697, %dma_start3A_698] : memref<10240x128xf32, #tpu.memory_space<vmem_shared>> -> memref<10240x128xf32, #tpu.memory_space<vmem_shared>>
        tpu.enqueue_indirect_dma source(%arg12 : memref<16x128xf32, #tpu.memory_space<vmem>>) target(%dma_start3A_699 : memref<10240x128xf32, #tpu.memory_space<vmem_shared>>) offsets(%select_n3A_695 : vector<16xi32>) semaphore(%run_scoped3A_696 : memref<!tpu.dma_semaphore, #tpu.memory_space<semaphore_mem>>) {add = true}
        %dma_wait3A_700 = arith.constant 0 : i32
        %dma_wait3A_701 = arith.constant 0 : i32
        %dma_wait3A_702 = tpu.memref_slice %arg17[%dma_wait3A_700, %dma_wait3A_701] : memref<10240x128xf32, #tpu.memory_space<vmem_shared>> -> memref<10240x128xf32, #tpu.memory_space<vmem_shared>>
        tpu.wait_indirect_dma semaphore(%run_scoped3A_696 : memref<!tpu.dma_semaphore, #tpu.memory_space<semaphore_mem>>) src(%arg12 : memref<16x128xf32, #tpu.memory_space<vmem>>) dst(%dma_wait3A_702 : memref<10240x128xf32, #tpu.memory_space<vmem_shared>>)
        tpu.yield
      }) : () -> ()
      "tpu.region"() ({
        %run_scoped3A_696 = tpu.sem_alloc : memref<!tpu.dma_semaphore, #tpu.memory_space<semaphore_mem>>
        %dma_start3A_697 = arith.constant 10120 : i32
        %dma_start3A_698 = tpu.memref_slice %arg18[%dma_start3A_697] : memref<10240xf32, #tpu.memory_space<vmem_shared>> -> memref<16xf32, #tpu.memory_space<vmem_shared>>
        %dma_start3A_699 = arith.constant 10120 : i32
        %dma_start3A_700 = tpu.memref_slice %arg18[%dma_start3A_699] : memref<10240xf32, #tpu.memory_space<vmem_shared>> -> memref<16xf32, #tpu.memory_space<vmem_shared>>
        tpu.enqueue_dma source(%dma_start3A_700 : memref<16xf32, #tpu.memory_space<vmem_shared>>) target(%arg13 : memref<16xf32, #tpu.memory_space<vmem>>) target_semaphore(%run_scoped3A_696 : memref<!tpu.dma_semaphore, #tpu.memory_space<semaphore_mem>>)
        %dma_wait3A_701 = arith.constant 10120 : i32
        %dma_wait3A_702 = tpu.memref_slice %arg18[%dma_wait3A_701] : memref<10240xf32, #tpu.memory_space<vmem_shared>> -> memref<16xf32, #tpu.memory_space<vmem_shared>>
        %dma_wait3A_703 = arith.constant 10120 : i32
        %dma_wait3A_704 = tpu.memref_slice %arg18[%dma_wait3A_703] : memref<10240xf32, #tpu.memory_space<vmem_shared>> -> memref<16xf32, #tpu.memory_space<vmem_shared>>
        tpu.wait_dma2 semaphore(%run_scoped3A_696 : memref<!tpu.dma_semaphore, #tpu.memory_space<semaphore_mem>>) src(%dma_wait3A_704 : memref<16xf32, #tpu.memory_space<vmem_shared>>) dst(%arg13 : memref<16xf32, #tpu.memory_space<vmem>>)
        tpu.yield
      }) : () -> ()
      "tpu.region"() ({
        %run_scoped3A_696 = tpu.sem_alloc : memref<!tpu.dma_semaphore, #tpu.memory_space<semaphore_mem>>
        %dma_start3A_697 = arith.constant 0 : i32
        %dma_start3A_698 = tpu.memref_slice %arg18[%dma_start3A_697] : memref<10240xf32, #tpu.memory_space<vmem_shared>> -> memref<10240xf32, #tpu.memory_space<vmem_shared>>
        tpu.enqueue_indirect_dma source(%arg13 : memref<16xf32, #tpu.memory_space<vmem>>) target(%dma_start3A_698 : memref<10240xf32, #tpu.memory_space<vmem_shared>>) offsets(%select_n3A_695 : vector<16xi32>) semaphore(%run_scoped3A_696 : memref<!tpu.dma_semaphore, #tpu.memory_space<semaphore_mem>>) {add = true}
        %dma_wait3A_699 = arith.constant 0 : i32
        %dma_wait3A_700 = tpu.memref_slice %arg18[%dma_wait3A_699] : memref<10240xf32, #tpu.memory_space<vmem_shared>> -> memref<10240xf32, #tpu.memory_space<vmem_shared>>
        tpu.wait_indirect_dma semaphore(%run_scoped3A_696 : memref<!tpu.dma_semaphore, #tpu.memory_space<semaphore_mem>>) src(%arg13 : memref<16xf32, #tpu.memory_space<vmem>>) dst(%dma_wait3A_700 : memref<10240xf32, #tpu.memory_space<vmem_shared>>)
        tpu.yield
      }) : () -> ()
    } else {
    }
    %barrier3A_210 = arith.constant 0 : index
    tpu.barrier barrier_id(%barrier3A_210)
    %mul3A_211 = arith.constant 640 : i32
    %mul3A_212 = arith.muli %arg1, %mul3A_211 : i32
    %add3A_213 = arith.constant 0 : i32
    %add3A_214 = arith.addi %mul3A_212, %add3A_213 : i32
    "tpu.region"() ({
      %run_scoped3A = tpu.sem_alloc : memref<!tpu.dma_semaphore, #tpu.memory_space<semaphore_mem>>
      %dma_start3A_250 = arith.constant 0 : i32
      %dma_start3A_251 = tpu.memref_slice %arg17[%add3A_214, %dma_start3A_250] : memref<10240x128xf32, #tpu.memory_space<vmem_shared>> -> memref<80x128xf32, #tpu.memory_space<vmem_shared>>
      %dma_start3A_252 = arith.constant 0 : i32
      %dma_start3A_253 = tpu.memref_slice %arg17[%add3A_214, %dma_start3A_252] : memref<10240x128xf32, #tpu.memory_space<vmem_shared>> -> memref<80x128xf32, #tpu.memory_space<vmem_shared>>
      tpu.enqueue_dma source(%dma_start3A_253 : memref<80x128xf32, #tpu.memory_space<vmem_shared>>) target(%arg8 : memref<80x128xf32, #tpu.memory_space<vmem>>) target_semaphore(%run_scoped3A : memref<!tpu.dma_semaphore, #tpu.memory_space<semaphore_mem>>)
      %dma_wait3A_254 = arith.constant 0 : i32
      %dma_wait3A_255 = tpu.memref_slice %arg17[%add3A_214, %dma_wait3A_254] : memref<10240x128xf32, #tpu.memory_space<vmem_shared>> -> memref<80x128xf32, #tpu.memory_space<vmem_shared>>
      %dma_wait3A_256 = arith.constant 0 : i32
      %dma_wait3A_257 = tpu.memref_slice %arg17[%add3A_214, %dma_wait3A_256] : memref<10240x128xf32, #tpu.memory_space<vmem_shared>> -> memref<80x128xf32, #tpu.memory_space<vmem_shared>>
      tpu.wait_dma2 semaphore(%run_scoped3A : memref<!tpu.dma_semaphore, #tpu.memory_space<semaphore_mem>>) src(%dma_wait3A_257 : memref<80x128xf32, #tpu.memory_space<vmem_shared>>) dst(%arg8 : memref<80x128xf32, #tpu.memory_space<vmem>>)
      tpu.yield
    }) : () -> ()
    "tpu.region"() ({
      %run_scoped3A = tpu.sem_alloc : memref<!tpu.dma_semaphore, #tpu.memory_space<semaphore_mem>>
      %dma_start3A_250 = arith.constant 0 : i32
      %dma_start3A_251 = tpu.memref_slice %arg4[%arg0, %add3A_214, %dma_start3A_250] : memref<2x10240x128xf32, #tpu.memory_space<hbm>> -> memref<1x80x128xf32, #tpu.memory_space<hbm>>
      %dma_start3A_252 = tpu.memref_squeeze %dma_start3A_251 : memref<1x80x128xf32, #tpu.memory_space<hbm>> -> memref<80x128xf32, #tpu.memory_space<hbm>>
      %dma_start3A_253 = arith.constant 0 : i32
      %dma_start3A_254 = tpu.memref_slice %arg4[%arg0, %add3A_214, %dma_start3A_253] : memref<2x10240x128xf32, #tpu.memory_space<hbm>> -> memref<1x80x128xf32, #tpu.memory_space<hbm>>
      %dma_start3A_255 = tpu.memref_squeeze %dma_start3A_254 : memref<1x80x128xf32, #tpu.memory_space<hbm>> -> memref<80x128xf32, #tpu.memory_space<hbm>>
      tpu.enqueue_dma source(%arg8 : memref<80x128xf32, #tpu.memory_space<vmem>>) target(%dma_start3A_255 : memref<80x128xf32, #tpu.memory_space<hbm>>) target_semaphore(%run_scoped3A : memref<!tpu.dma_semaphore, #tpu.memory_space<semaphore_mem>>)
      %dma_wait3A_256 = arith.constant 0 : i32
      %dma_wait3A_257 = tpu.memref_slice %arg4[%arg0, %add3A_214, %dma_wait3A_256] : memref<2x10240x128xf32, #tpu.memory_space<hbm>> -> memref<1x80x128xf32, #tpu.memory_space<hbm>>
      %dma_wait3A_258 = tpu.memref_squeeze %dma_wait3A_257 : memref<1x80x128xf32, #tpu.memory_space<hbm>> -> memref<80x128xf32, #tpu.memory_space<hbm>>
      %dma_wait3A_259 = arith.constant 0 : i32
      %dma_wait3A_260 = tpu.memref_slice %arg4[%arg0, %add3A_214, %dma_wait3A_259] : memref<2x10240x128xf32, #tpu.memory_space<hbm>> -> memref<1x80x128xf32, #tpu.memory_space<hbm>>
      %dma_wait3A_261 = tpu.memref_squeeze %dma_wait3A_260 : memref<1x80x128xf32, #tpu.memory_space<hbm>> -> memref<80x128xf32, #tpu.memory_space<hbm>>
      tpu.wait_dma2 semaphore(%run_scoped3A : memref<!tpu.dma_semaphore, #tpu.memory_space<semaphore_mem>>) src(%arg8 : memref<80x128xf32, #tpu.memory_space<vmem>>) dst(%dma_wait3A_261 : memref<80x128xf32, #tpu.memory_space<hbm>>)
      tpu.yield
    }) : () -> ()
    %mul3A_215 = arith.constant 640 : i32
    %mul3A_216 = arith.muli %arg1, %mul3A_215 : i32
    %add3A_217 = arith.constant 80 : i32
    %add3A_218 = arith.addi %mul3A_216, %add3A_217 : i32
    "tpu.region"() ({
      %run_scoped3A = tpu.sem_alloc : memref<!tpu.dma_semaphore, #tpu.memory_space<semaphore_mem>>
      %dma_start3A_250 = arith.constant 0 : i32
      %dma_start3A_251 = tpu.memref_slice %arg17[%add3A_218, %dma_start3A_250] : memref<10240x128xf32, #tpu.memory_space<vmem_shared>> -> memref<80x128xf32, #tpu.memory_space<vmem_shared>>
      %dma_start3A_252 = arith.constant 0 : i32
      %dma_start3A_253 = tpu.memref_slice %arg17[%add3A_218, %dma_start3A_252] : memref<10240x128xf32, #tpu.memory_space<vmem_shared>> -> memref<80x128xf32, #tpu.memory_space<vmem_shared>>
      tpu.enqueue_dma source(%dma_start3A_253 : memref<80x128xf32, #tpu.memory_space<vmem_shared>>) target(%arg8 : memref<80x128xf32, #tpu.memory_space<vmem>>) target_semaphore(%run_scoped3A : memref<!tpu.dma_semaphore, #tpu.memory_space<semaphore_mem>>)
      %dma_wait3A_254 = arith.constant 0 : i32
      %dma_wait3A_255 = tpu.memref_slice %arg17[%add3A_218, %dma_wait3A_254] : memref<10240x128xf32, #tpu.memory_space<vmem_shared>> -> memref<80x128xf32, #tpu.memory_space<vmem_shared>>
      %dma_wait3A_256 = arith.constant 0 : i32
      %dma_wait3A_257 = tpu.memref_slice %arg17[%add3A_218, %dma_wait3A_256] : memref<10240x128xf32, #tpu.memory_space<vmem_shared>> -> memref<80x128xf32, #tpu.memory_space<vmem_shared>>
      tpu.wait_dma2 semaphore(%run_scoped3A : memref<!tpu.dma_semaphore, #tpu.memory_space<semaphore_mem>>) src(%dma_wait3A_257 : memref<80x128xf32, #tpu.memory_space<vmem_shared>>) dst(%arg8 : memref<80x128xf32, #tpu.memory_space<vmem>>)
      tpu.yield
    }) : () -> ()
    "tpu.region"() ({
      %run_scoped3A = tpu.sem_alloc : memref<!tpu.dma_semaphore, #tpu.memory_space<semaphore_mem>>
      %dma_start3A_250 = arith.constant 0 : i32
      %dma_start3A_251 = tpu.memref_slice %arg4[%arg0, %add3A_218, %dma_start3A_250] : memref<2x10240x128xf32, #tpu.memory_space<hbm>> -> memref<1x80x128xf32, #tpu.memory_space<hbm>>
      %dma_start3A_252 = tpu.memref_squeeze %dma_start3A_251 : memref<1x80x128xf32, #tpu.memory_space<hbm>> -> memref<80x128xf32, #tpu.memory_space<hbm>>
      %dma_start3A_253 = arith.constant 0 : i32
      %dma_start3A_254 = tpu.memref_slice %arg4[%arg0, %add3A_218, %dma_start3A_253] : memref<2x10240x128xf32, #tpu.memory_space<hbm>> -> memref<1x80x128xf32, #tpu.memory_space<hbm>>
      %dma_start3A_255 = tpu.memref_squeeze %dma_start3A_254 : memref<1x80x128xf32, #tpu.memory_space<hbm>> -> memref<80x128xf32, #tpu.memory_space<hbm>>
      tpu.enqueue_dma source(%arg8 : memref<80x128xf32, #tpu.memory_space<vmem>>) target(%dma_start3A_255 : memref<80x128xf32, #tpu.memory_space<hbm>>) target_semaphore(%run_scoped3A : memref<!tpu.dma_semaphore, #tpu.memory_space<semaphore_mem>>)
      %dma_wait3A_256 = arith.constant 0 : i32
      %dma_wait3A_257 = tpu.memref_slice %arg4[%arg0, %add3A_218, %dma_wait3A_256] : memref<2x10240x128xf32, #tpu.memory_space<hbm>> -> memref<1x80x128xf32, #tpu.memory_space<hbm>>
      %dma_wait3A_258 = tpu.memref_squeeze %dma_wait3A_257 : memref<1x80x128xf32, #tpu.memory_space<hbm>> -> memref<80x128xf32, #tpu.memory_space<hbm>>
      %dma_wait3A_259 = arith.constant 0 : i32
      %dma_wait3A_260 = tpu.memref_slice %arg4[%arg0, %add3A_218, %dma_wait3A_259] : memref<2x10240x128xf32, #tpu.memory_space<hbm>> -> memref<1x80x128xf32, #tpu.memory_space<hbm>>
      %dma_wait3A_261 = tpu.memref_squeeze %dma_wait3A_260 : memref<1x80x128xf32, #tpu.memory_space<hbm>> -> memref<80x128xf32, #tpu.memory_space<hbm>>
      tpu.wait_dma2 semaphore(%run_scoped3A : memref<!tpu.dma_semaphore, #tpu.memory_space<semaphore_mem>>) src(%arg8 : memref<80x128xf32, #tpu.memory_space<vmem>>) dst(%dma_wait3A_261 : memref<80x128xf32, #tpu.memory_space<hbm>>)
      tpu.yield
    }) : () -> ()
    %mul3A_219 = arith.constant 640 : i32
    %mul3A_220 = arith.muli %arg1, %mul3A_219 : i32
    %add3A_221 = arith.constant 160 : i32
    %add3A_222 = arith.addi %mul3A_220, %add3A_221 : i32
    "tpu.region"() ({
      %run_scoped3A = tpu.sem_alloc : memref<!tpu.dma_semaphore, #tpu.memory_space<semaphore_mem>>
      %dma_start3A_250 = arith.constant 0 : i32
      %dma_start3A_251 = tpu.memref_slice %arg17[%add3A_222, %dma_start3A_250] : memref<10240x128xf32, #tpu.memory_space<vmem_shared>> -> memref<80x128xf32, #tpu.memory_space<vmem_shared>>
      %dma_start3A_252 = arith.constant 0 : i32
      %dma_start3A_253 = tpu.memref_slice %arg17[%add3A_222, %dma_start3A_252] : memref<10240x128xf32, #tpu.memory_space<vmem_shared>> -> memref<80x128xf32, #tpu.memory_space<vmem_shared>>
      tpu.enqueue_dma source(%dma_start3A_253 : memref<80x128xf32, #tpu.memory_space<vmem_shared>>) target(%arg8 : memref<80x128xf32, #tpu.memory_space<vmem>>) target_semaphore(%run_scoped3A : memref<!tpu.dma_semaphore, #tpu.memory_space<semaphore_mem>>)
      %dma_wait3A_254 = arith.constant 0 : i32
      %dma_wait3A_255 = tpu.memref_slice %arg17[%add3A_222, %dma_wait3A_254] : memref<10240x128xf32, #tpu.memory_space<vmem_shared>> -> memref<80x128xf32, #tpu.memory_space<vmem_shared>>
      %dma_wait3A_256 = arith.constant 0 : i32
      %dma_wait3A_257 = tpu.memref_slice %arg17[%add3A_222, %dma_wait3A_256] : memref<10240x128xf32, #tpu.memory_space<vmem_shared>> -> memref<80x128xf32, #tpu.memory_space<vmem_shared>>
      tpu.wait_dma2 semaphore(%run_scoped3A : memref<!tpu.dma_semaphore, #tpu.memory_space<semaphore_mem>>) src(%dma_wait3A_257 : memref<80x128xf32, #tpu.memory_space<vmem_shared>>) dst(%arg8 : memref<80x128xf32, #tpu.memory_space<vmem>>)
      tpu.yield
    }) : () -> ()
    "tpu.region"() ({
      %run_scoped3A = tpu.sem_alloc : memref<!tpu.dma_semaphore, #tpu.memory_space<semaphore_mem>>
      %dma_start3A_250 = arith.constant 0 : i32
      %dma_start3A_251 = tpu.memref_slice %arg4[%arg0, %add3A_222, %dma_start3A_250] : memref<2x10240x128xf32, #tpu.memory_space<hbm>> -> memref<1x80x128xf32, #tpu.memory_space<hbm>>
      %dma_start3A_252 = tpu.memref_squeeze %dma_start3A_251 : memref<1x80x128xf32, #tpu.memory_space<hbm>> -> memref<80x128xf32, #tpu.memory_space<hbm>>
      %dma_start3A_253 = arith.constant 0 : i32
      %dma_start3A_254 = tpu.memref_slice %arg4[%arg0, %add3A_222, %dma_start3A_253] : memref<2x10240x128xf32, #tpu.memory_space<hbm>> -> memref<1x80x128xf32, #tpu.memory_space<hbm>>
      %dma_start3A_255 = tpu.memref_squeeze %dma_start3A_254 : memref<1x80x128xf32, #tpu.memory_space<hbm>> -> memref<80x128xf32, #tpu.memory_space<hbm>>
      tpu.enqueue_dma source(%arg8 : memref<80x128xf32, #tpu.memory_space<vmem>>) target(%dma_start3A_255 : memref<80x128xf32, #tpu.memory_space<hbm>>) target_semaphore(%run_scoped3A : memref<!tpu.dma_semaphore, #tpu.memory_space<semaphore_mem>>)
      %dma_wait3A_256 = arith.constant 0 : i32
      %dma_wait3A_257 = tpu.memref_slice %arg4[%arg0, %add3A_222, %dma_wait3A_256] : memref<2x10240x128xf32, #tpu.memory_space<hbm>> -> memref<1x80x128xf32, #tpu.memory_space<hbm>>
      %dma_wait3A_258 = tpu.memref_squeeze %dma_wait3A_257 : memref<1x80x128xf32, #tpu.memory_space<hbm>> -> memref<80x128xf32, #tpu.memory_space<hbm>>
      %dma_wait3A_259 = arith.constant 0 : i32
      %dma_wait3A_260 = tpu.memref_slice %arg4[%arg0, %add3A_222, %dma_wait3A_259] : memref<2x10240x128xf32, #tpu.memory_space<hbm>> -> memref<1x80x128xf32, #tpu.memory_space<hbm>>
      %dma_wait3A_261 = tpu.memref_squeeze %dma_wait3A_260 : memref<1x80x128xf32, #tpu.memory_space<hbm>> -> memref<80x128xf32, #tpu.memory_space<hbm>>
      tpu.wait_dma2 semaphore(%run_scoped3A : memref<!tpu.dma_semaphore, #tpu.memory_space<semaphore_mem>>) src(%arg8 : memref<80x128xf32, #tpu.memory_space<vmem>>) dst(%dma_wait3A_261 : memref<80x128xf32, #tpu.memory_space<hbm>>)
      tpu.yield
    }) : () -> ()
    %mul3A_223 = arith.constant 640 : i32
    %mul3A_224 = arith.muli %arg1, %mul3A_223 : i32
    %add3A_225 = arith.constant 240 : i32
    %add3A_226 = arith.addi %mul3A_224, %add3A_225 : i32
    "tpu.region"() ({
      %run_scoped3A = tpu.sem_alloc : memref<!tpu.dma_semaphore, #tpu.memory_space<semaphore_mem>>
      %dma_start3A_250 = arith.constant 0 : i32
      %dma_start3A_251 = tpu.memref_slice %arg17[%add3A_226, %dma_start3A_250] : memref<10240x128xf32, #tpu.memory_space<vmem_shared>> -> memref<80x128xf32, #tpu.memory_space<vmem_shared>>
      %dma_start3A_252 = arith.constant 0 : i32
      %dma_start3A_253 = tpu.memref_slice %arg17[%add3A_226, %dma_start3A_252] : memref<10240x128xf32, #tpu.memory_space<vmem_shared>> -> memref<80x128xf32, #tpu.memory_space<vmem_shared>>
      tpu.enqueue_dma source(%dma_start3A_253 : memref<80x128xf32, #tpu.memory_space<vmem_shared>>) target(%arg8 : memref<80x128xf32, #tpu.memory_space<vmem>>) target_semaphore(%run_scoped3A : memref<!tpu.dma_semaphore, #tpu.memory_space<semaphore_mem>>)
      %dma_wait3A_254 = arith.constant 0 : i32
      %dma_wait3A_255 = tpu.memref_slice %arg17[%add3A_226, %dma_wait3A_254] : memref<10240x128xf32, #tpu.memory_space<vmem_shared>> -> memref<80x128xf32, #tpu.memory_space<vmem_shared>>
      %dma_wait3A_256 = arith.constant 0 : i32
      %dma_wait3A_257 = tpu.memref_slice %arg17[%add3A_226, %dma_wait3A_256] : memref<10240x128xf32, #tpu.memory_space<vmem_shared>> -> memref<80x128xf32, #tpu.memory_space<vmem_shared>>
      tpu.wait_dma2 semaphore(%run_scoped3A : memref<!tpu.dma_semaphore, #tpu.memory_space<semaphore_mem>>) src(%dma_wait3A_257 : memref<80x128xf32, #tpu.memory_space<vmem_shared>>) dst(%arg8 : memref<80x128xf32, #tpu.memory_space<vmem>>)
      tpu.yield
    }) : () -> ()
    "tpu.region"() ({
      %run_scoped3A = tpu.sem_alloc : memref<!tpu.dma_semaphore, #tpu.memory_space<semaphore_mem>>
      %dma_start3A_250 = arith.constant 0 : i32
      %dma_start3A_251 = tpu.memref_slice %arg4[%arg0, %add3A_226, %dma_start3A_250] : memref<2x10240x128xf32, #tpu.memory_space<hbm>> -> memref<1x80x128xf32, #tpu.memory_space<hbm>>
      %dma_start3A_252 = tpu.memref_squeeze %dma_start3A_251 : memref<1x80x128xf32, #tpu.memory_space<hbm>> -> memref<80x128xf32, #tpu.memory_space<hbm>>
      %dma_start3A_253 = arith.constant 0 : i32
      %dma_start3A_254 = tpu.memref_slice %arg4[%arg0, %add3A_226, %dma_start3A_253] : memref<2x10240x128xf32, #tpu.memory_space<hbm>> -> memref<1x80x128xf32, #tpu.memory_space<hbm>>
      %dma_start3A_255 = tpu.memref_squeeze %dma_start3A_254 : memref<1x80x128xf32, #tpu.memory_space<hbm>> -> memref<80x128xf32, #tpu.memory_space<hbm>>
      tpu.enqueue_dma source(%arg8 : memref<80x128xf32, #tpu.memory_space<vmem>>) target(%dma_start3A_255 : memref<80x128xf32, #tpu.memory_space<hbm>>) target_semaphore(%run_scoped3A : memref<!tpu.dma_semaphore, #tpu.memory_space<semaphore_mem>>)
      %dma_wait3A_256 = arith.constant 0 : i32
      %dma_wait3A_257 = tpu.memref_slice %arg4[%arg0, %add3A_226, %dma_wait3A_256] : memref<2x10240x128xf32, #tpu.memory_space<hbm>> -> memref<1x80x128xf32, #tpu.memory_space<hbm>>
      %dma_wait3A_258 = tpu.memref_squeeze %dma_wait3A_257 : memref<1x80x128xf32, #tpu.memory_space<hbm>> -> memref<80x128xf32, #tpu.memory_space<hbm>>
      %dma_wait3A_259 = arith.constant 0 : i32
      %dma_wait3A_260 = tpu.memref_slice %arg4[%arg0, %add3A_226, %dma_wait3A_259] : memref<2x10240x128xf32, #tpu.memory_space<hbm>> -> memref<1x80x128xf32, #tpu.memory_space<hbm>>
      %dma_wait3A_261 = tpu.memref_squeeze %dma_wait3A_260 : memref<1x80x128xf32, #tpu.memory_space<hbm>> -> memref<80x128xf32, #tpu.memory_space<hbm>>
      tpu.wait_dma2 semaphore(%run_scoped3A : memref<!tpu.dma_semaphore, #tpu.memory_space<semaphore_mem>>) src(%arg8 : memref<80x128xf32, #tpu.memory_space<vmem>>) dst(%dma_wait3A_261 : memref<80x128xf32, #tpu.memory_space<hbm>>)
      tpu.yield
    }) : () -> ()
    %mul3A_227 = arith.constant 640 : i32
    %mul3A_228 = arith.muli %arg1, %mul3A_227 : i32
    %add3A_229 = arith.constant 320 : i32
    %add3A_230 = arith.addi %mul3A_228, %add3A_229 : i32
    "tpu.region"() ({
      %run_scoped3A = tpu.sem_alloc : memref<!tpu.dma_semaphore, #tpu.memory_space<semaphore_mem>>
      %dma_start3A_250 = arith.constant 0 : i32
      %dma_start3A_251 = tpu.memref_slice %arg17[%add3A_230, %dma_start3A_250] : memref<10240x128xf32, #tpu.memory_space<vmem_shared>> -> memref<80x128xf32, #tpu.memory_space<vmem_shared>>
      %dma_start3A_252 = arith.constant 0 : i32
      %dma_start3A_253 = tpu.memref_slice %arg17[%add3A_230, %dma_start3A_252] : memref<10240x128xf32, #tpu.memory_space<vmem_shared>> -> memref<80x128xf32, #tpu.memory_space<vmem_shared>>
      tpu.enqueue_dma source(%dma_start3A_253 : memref<80x128xf32, #tpu.memory_space<vmem_shared>>) target(%arg8 : memref<80x128xf32, #tpu.memory_space<vmem>>) target_semaphore(%run_scoped3A : memref<!tpu.dma_semaphore, #tpu.memory_space<semaphore_mem>>)
      %dma_wait3A_254 = arith.constant 0 : i32
      %dma_wait3A_255 = tpu.memref_slice %arg17[%add3A_230, %dma_wait3A_254] : memref<10240x128xf32, #tpu.memory_space<vmem_shared>> -> memref<80x128xf32, #tpu.memory_space<vmem_shared>>
      %dma_wait3A_256 = arith.constant 0 : i32
      %dma_wait3A_257 = tpu.memref_slice %arg17[%add3A_230, %dma_wait3A_256] : memref<10240x128xf32, #tpu.memory_space<vmem_shared>> -> memref<80x128xf32, #tpu.memory_space<vmem_shared>>
      tpu.wait_dma2 semaphore(%run_scoped3A : memref<!tpu.dma_semaphore, #tpu.memory_space<semaphore_mem>>) src(%dma_wait3A_257 : memref<80x128xf32, #tpu.memory_space<vmem_shared>>) dst(%arg8 : memref<80x128xf32, #tpu.memory_space<vmem>>)
      tpu.yield
    }) : () -> ()
    "tpu.region"() ({
      %run_scoped3A = tpu.sem_alloc : memref<!tpu.dma_semaphore, #tpu.memory_space<semaphore_mem>>
      %dma_start3A_250 = arith.constant 0 : i32
      %dma_start3A_251 = tpu.memref_slice %arg4[%arg0, %add3A_230, %dma_start3A_250] : memref<2x10240x128xf32, #tpu.memory_space<hbm>> -> memref<1x80x128xf32, #tpu.memory_space<hbm>>
      %dma_start3A_252 = tpu.memref_squeeze %dma_start3A_251 : memref<1x80x128xf32, #tpu.memory_space<hbm>> -> memref<80x128xf32, #tpu.memory_space<hbm>>
      %dma_start3A_253 = arith.constant 0 : i32
      %dma_start3A_254 = tpu.memref_slice %arg4[%arg0, %add3A_230, %dma_start3A_253] : memref<2x10240x128xf32, #tpu.memory_space<hbm>> -> memref<1x80x128xf32, #tpu.memory_space<hbm>>
      %dma_start3A_255 = tpu.memref_squeeze %dma_start3A_254 : memref<1x80x128xf32, #tpu.memory_space<hbm>> -> memref<80x128xf32, #tpu.memory_space<hbm>>
      tpu.enqueue_dma source(%arg8 : memref<80x128xf32, #tpu.memory_space<vmem>>) target(%dma_start3A_255 : memref<80x128xf32, #tpu.memory_space<hbm>>) target_semaphore(%run_scoped3A : memref<!tpu.dma_semaphore, #tpu.memory_space<semaphore_mem>>)
      %dma_wait3A_256 = arith.constant 0 : i32
      %dma_wait3A_257 = tpu.memref_slice %arg4[%arg0, %add3A_230, %dma_wait3A_256] : memref<2x10240x128xf32, #tpu.memory_space<hbm>> -> memref<1x80x128xf32, #tpu.memory_space<hbm>>
      %dma_wait3A_258 = tpu.memref_squeeze %dma_wait3A_257 : memref<1x80x128xf32, #tpu.memory_space<hbm>> -> memref<80x128xf32, #tpu.memory_space<hbm>>
      %dma_wait3A_259 = arith.constant 0 : i32
      %dma_wait3A_260 = tpu.memref_slice %arg4[%arg0, %add3A_230, %dma_wait3A_259] : memref<2x10240x128xf32, #tpu.memory_space<hbm>> -> memref<1x80x128xf32, #tpu.memory_space<hbm>>
      %dma_wait3A_261 = tpu.memref_squeeze %dma_wait3A_260 : memref<1x80x128xf32, #tpu.memory_space<hbm>> -> memref<80x128xf32, #tpu.memory_space<hbm>>
      tpu.wait_dma2 semaphore(%run_scoped3A : memref<!tpu.dma_semaphore, #tpu.memory_space<semaphore_mem>>) src(%arg8 : memref<80x128xf32, #tpu.memory_space<vmem>>) dst(%dma_wait3A_261 : memref<80x128xf32, #tpu.memory_space<hbm>>)
      tpu.yield
    }) : () -> ()
    %mul3A_231 = arith.constant 640 : i32
    %mul3A_232 = arith.muli %arg1, %mul3A_231 : i32
    %add3A_233 = arith.constant 400 : i32
    %add3A_234 = arith.addi %mul3A_232, %add3A_233 : i32
    "tpu.region"() ({
      %run_scoped3A = tpu.sem_alloc : memref<!tpu.dma_semaphore, #tpu.memory_space<semaphore_mem>>
      %dma_start3A_250 = arith.constant 0 : i32
      %dma_start3A_251 = tpu.memref_slice %arg17[%add3A_234, %dma_start3A_250] : memref<10240x128xf32, #tpu.memory_space<vmem_shared>> -> memref<80x128xf32, #tpu.memory_space<vmem_shared>>
      %dma_start3A_252 = arith.constant 0 : i32
      %dma_start3A_253 = tpu.memref_slice %arg17[%add3A_234, %dma_start3A_252] : memref<10240x128xf32, #tpu.memory_space<vmem_shared>> -> memref<80x128xf32, #tpu.memory_space<vmem_shared>>
      tpu.enqueue_dma source(%dma_start3A_253 : memref<80x128xf32, #tpu.memory_space<vmem_shared>>) target(%arg8 : memref<80x128xf32, #tpu.memory_space<vmem>>) target_semaphore(%run_scoped3A : memref<!tpu.dma_semaphore, #tpu.memory_space<semaphore_mem>>)
      %dma_wait3A_254 = arith.constant 0 : i32
      %dma_wait3A_255 = tpu.memref_slice %arg17[%add3A_234, %dma_wait3A_254] : memref<10240x128xf32, #tpu.memory_space<vmem_shared>> -> memref<80x128xf32, #tpu.memory_space<vmem_shared>>
      %dma_wait3A_256 = arith.constant 0 : i32
      %dma_wait3A_257 = tpu.memref_slice %arg17[%add3A_234, %dma_wait3A_256] : memref<10240x128xf32, #tpu.memory_space<vmem_shared>> -> memref<80x128xf32, #tpu.memory_space<vmem_shared>>
      tpu.wait_dma2 semaphore(%run_scoped3A : memref<!tpu.dma_semaphore, #tpu.memory_space<semaphore_mem>>) src(%dma_wait3A_257 : memref<80x128xf32, #tpu.memory_space<vmem_shared>>) dst(%arg8 : memref<80x128xf32, #tpu.memory_space<vmem>>)
      tpu.yield
    }) : () -> ()
    "tpu.region"() ({
      %run_scoped3A = tpu.sem_alloc : memref<!tpu.dma_semaphore, #tpu.memory_space<semaphore_mem>>
      %dma_start3A_250 = arith.constant 0 : i32
      %dma_start3A_251 = tpu.memref_slice %arg4[%arg0, %add3A_234, %dma_start3A_250] : memref<2x10240x128xf32, #tpu.memory_space<hbm>> -> memref<1x80x128xf32, #tpu.memory_space<hbm>>
      %dma_start3A_252 = tpu.memref_squeeze %dma_start3A_251 : memref<1x80x128xf32, #tpu.memory_space<hbm>> -> memref<80x128xf32, #tpu.memory_space<hbm>>
      %dma_start3A_253 = arith.constant 0 : i32
      %dma_start3A_254 = tpu.memref_slice %arg4[%arg0, %add3A_234, %dma_start3A_253] : memref<2x10240x128xf32, #tpu.memory_space<hbm>> -> memref<1x80x128xf32, #tpu.memory_space<hbm>>
      %dma_start3A_255 = tpu.memref_squeeze %dma_start3A_254 : memref<1x80x128xf32, #tpu.memory_space<hbm>> -> memref<80x128xf32, #tpu.memory_space<hbm>>
      tpu.enqueue_dma source(%arg8 : memref<80x128xf32, #tpu.memory_space<vmem>>) target(%dma_start3A_255 : memref<80x128xf32, #tpu.memory_space<hbm>>) target_semaphore(%run_scoped3A : memref<!tpu.dma_semaphore, #tpu.memory_space<semaphore_mem>>)
      %dma_wait3A_256 = arith.constant 0 : i32
      %dma_wait3A_257 = tpu.memref_slice %arg4[%arg0, %add3A_234, %dma_wait3A_256] : memref<2x10240x128xf32, #tpu.memory_space<hbm>> -> memref<1x80x128xf32, #tpu.memory_space<hbm>>
      %dma_wait3A_258 = tpu.memref_squeeze %dma_wait3A_257 : memref<1x80x128xf32, #tpu.memory_space<hbm>> -> memref<80x128xf32, #tpu.memory_space<hbm>>
      %dma_wait3A_259 = arith.constant 0 : i32
      %dma_wait3A_260 = tpu.memref_slice %arg4[%arg0, %add3A_234, %dma_wait3A_259] : memref<2x10240x128xf32, #tpu.memory_space<hbm>> -> memref<1x80x128xf32, #tpu.memory_space<hbm>>
      %dma_wait3A_261 = tpu.memref_squeeze %dma_wait3A_260 : memref<1x80x128xf32, #tpu.memory_space<hbm>> -> memref<80x128xf32, #tpu.memory_space<hbm>>
      tpu.wait_dma2 semaphore(%run_scoped3A : memref<!tpu.dma_semaphore, #tpu.memory_space<semaphore_mem>>) src(%arg8 : memref<80x128xf32, #tpu.memory_space<vmem>>) dst(%dma_wait3A_261 : memref<80x128xf32, #tpu.memory_space<hbm>>)
      tpu.yield
    }) : () -> ()
    %mul3A_235 = arith.constant 640 : i32
    %mul3A_236 = arith.muli %arg1, %mul3A_235 : i32
    %add3A_237 = arith.constant 480 : i32
    %add3A_238 = arith.addi %mul3A_236, %add3A_237 : i32
    "tpu.region"() ({
      %run_scoped3A = tpu.sem_alloc : memref<!tpu.dma_semaphore, #tpu.memory_space<semaphore_mem>>
      %dma_start3A_250 = arith.constant 0 : i32
      %dma_start3A_251 = tpu.memref_slice %arg17[%add3A_238, %dma_start3A_250] : memref<10240x128xf32, #tpu.memory_space<vmem_shared>> -> memref<80x128xf32, #tpu.memory_space<vmem_shared>>
      %dma_start3A_252 = arith.constant 0 : i32
      %dma_start3A_253 = tpu.memref_slice %arg17[%add3A_238, %dma_start3A_252] : memref<10240x128xf32, #tpu.memory_space<vmem_shared>> -> memref<80x128xf32, #tpu.memory_space<vmem_shared>>
      tpu.enqueue_dma source(%dma_start3A_253 : memref<80x128xf32, #tpu.memory_space<vmem_shared>>) target(%arg8 : memref<80x128xf32, #tpu.memory_space<vmem>>) target_semaphore(%run_scoped3A : memref<!tpu.dma_semaphore, #tpu.memory_space<semaphore_mem>>)
      %dma_wait3A_254 = arith.constant 0 : i32
      %dma_wait3A_255 = tpu.memref_slice %arg17[%add3A_238, %dma_wait3A_254] : memref<10240x128xf32, #tpu.memory_space<vmem_shared>> -> memref<80x128xf32, #tpu.memory_space<vmem_shared>>
      %dma_wait3A_256 = arith.constant 0 : i32
      %dma_wait3A_257 = tpu.memref_slice %arg17[%add3A_238, %dma_wait3A_256] : memref<10240x128xf32, #tpu.memory_space<vmem_shared>> -> memref<80x128xf32, #tpu.memory_space<vmem_shared>>
      tpu.wait_dma2 semaphore(%run_scoped3A : memref<!tpu.dma_semaphore, #tpu.memory_space<semaphore_mem>>) src(%dma_wait3A_257 : memref<80x128xf32, #tpu.memory_space<vmem_shared>>) dst(%arg8 : memref<80x128xf32, #tpu.memory_space<vmem>>)
      tpu.yield
    }) : () -> ()
    "tpu.region"() ({
      %run_scoped3A = tpu.sem_alloc : memref<!tpu.dma_semaphore, #tpu.memory_space<semaphore_mem>>
      %dma_start3A_250 = arith.constant 0 : i32
      %dma_start3A_251 = tpu.memref_slice %arg4[%arg0, %add3A_238, %dma_start3A_250] : memref<2x10240x128xf32, #tpu.memory_space<hbm>> -> memref<1x80x128xf32, #tpu.memory_space<hbm>>
      %dma_start3A_252 = tpu.memref_squeeze %dma_start3A_251 : memref<1x80x128xf32, #tpu.memory_space<hbm>> -> memref<80x128xf32, #tpu.memory_space<hbm>>
      %dma_start3A_253 = arith.constant 0 : i32
      %dma_start3A_254 = tpu.memref_slice %arg4[%arg0, %add3A_238, %dma_start3A_253] : memref<2x10240x128xf32, #tpu.memory_space<hbm>> -> memref<1x80x128xf32, #tpu.memory_space<hbm>>
      %dma_start3A_255 = tpu.memref_squeeze %dma_start3A_254 : memref<1x80x128xf32, #tpu.memory_space<hbm>> -> memref<80x128xf32, #tpu.memory_space<hbm>>
      tpu.enqueue_dma source(%arg8 : memref<80x128xf32, #tpu.memory_space<vmem>>) target(%dma_start3A_255 : memref<80x128xf32, #tpu.memory_space<hbm>>) target_semaphore(%run_scoped3A : memref<!tpu.dma_semaphore, #tpu.memory_space<semaphore_mem>>)
      %dma_wait3A_256 = arith.constant 0 : i32
      %dma_wait3A_257 = tpu.memref_slice %arg4[%arg0, %add3A_238, %dma_wait3A_256] : memref<2x10240x128xf32, #tpu.memory_space<hbm>> -> memref<1x80x128xf32, #tpu.memory_space<hbm>>
      %dma_wait3A_258 = tpu.memref_squeeze %dma_wait3A_257 : memref<1x80x128xf32, #tpu.memory_space<hbm>> -> memref<80x128xf32, #tpu.memory_space<hbm>>
      %dma_wait3A_259 = arith.constant 0 : i32
      %dma_wait3A_260 = tpu.memref_slice %arg4[%arg0, %add3A_238, %dma_wait3A_259] : memref<2x10240x128xf32, #tpu.memory_space<hbm>> -> memref<1x80x128xf32, #tpu.memory_space<hbm>>
      %dma_wait3A_261 = tpu.memref_squeeze %dma_wait3A_260 : memref<1x80x128xf32, #tpu.memory_space<hbm>> -> memref<80x128xf32, #tpu.memory_space<hbm>>
      tpu.wait_dma2 semaphore(%run_scoped3A : memref<!tpu.dma_semaphore, #tpu.memory_space<semaphore_mem>>) src(%arg8 : memref<80x128xf32, #tpu.memory_space<vmem>>) dst(%dma_wait3A_261 : memref<80x128xf32, #tpu.memory_space<hbm>>)
      tpu.yield
    }) : () -> ()
    %mul3A_239 = arith.constant 640 : i32
    %mul3A_240 = arith.muli %arg1, %mul3A_239 : i32
    %add3A_241 = arith.constant 560 : i32
    %add3A_242 = arith.addi %mul3A_240, %add3A_241 : i32
    "tpu.region"() ({
      %run_scoped3A = tpu.sem_alloc : memref<!tpu.dma_semaphore, #tpu.memory_space<semaphore_mem>>
      %dma_start3A_250 = arith.constant 0 : i32
      %dma_start3A_251 = tpu.memref_slice %arg17[%add3A_242, %dma_start3A_250] : memref<10240x128xf32, #tpu.memory_space<vmem_shared>> -> memref<80x128xf32, #tpu.memory_space<vmem_shared>>
      %dma_start3A_252 = arith.constant 0 : i32
      %dma_start3A_253 = tpu.memref_slice %arg17[%add3A_242, %dma_start3A_252] : memref<10240x128xf32, #tpu.memory_space<vmem_shared>> -> memref<80x128xf32, #tpu.memory_space<vmem_shared>>
      tpu.enqueue_dma source(%dma_start3A_253 : memref<80x128xf32, #tpu.memory_space<vmem_shared>>) target(%arg8 : memref<80x128xf32, #tpu.memory_space<vmem>>) target_semaphore(%run_scoped3A : memref<!tpu.dma_semaphore, #tpu.memory_space<semaphore_mem>>)
      %dma_wait3A_254 = arith.constant 0 : i32
      %dma_wait3A_255 = tpu.memref_slice %arg17[%add3A_242, %dma_wait3A_254] : memref<10240x128xf32, #tpu.memory_space<vmem_shared>> -> memref<80x128xf32, #tpu.memory_space<vmem_shared>>
      %dma_wait3A_256 = arith.constant 0 : i32
      %dma_wait3A_257 = tpu.memref_slice %arg17[%add3A_242, %dma_wait3A_256] : memref<10240x128xf32, #tpu.memory_space<vmem_shared>> -> memref<80x128xf32, #tpu.memory_space<vmem_shared>>
      tpu.wait_dma2 semaphore(%run_scoped3A : memref<!tpu.dma_semaphore, #tpu.memory_space<semaphore_mem>>) src(%dma_wait3A_257 : memref<80x128xf32, #tpu.memory_space<vmem_shared>>) dst(%arg8 : memref<80x128xf32, #tpu.memory_space<vmem>>)
      tpu.yield
    }) : () -> ()
    "tpu.region"() ({
      %run_scoped3A = tpu.sem_alloc : memref<!tpu.dma_semaphore, #tpu.memory_space<semaphore_mem>>
      %dma_start3A_250 = arith.constant 0 : i32
      %dma_start3A_251 = tpu.memref_slice %arg4[%arg0, %add3A_242, %dma_start3A_250] : memref<2x10240x128xf32, #tpu.memory_space<hbm>> -> memref<1x80x128xf32, #tpu.memory_space<hbm>>
      %dma_start3A_252 = tpu.memref_squeeze %dma_start3A_251 : memref<1x80x128xf32, #tpu.memory_space<hbm>> -> memref<80x128xf32, #tpu.memory_space<hbm>>
      %dma_start3A_253 = arith.constant 0 : i32
      %dma_start3A_254 = tpu.memref_slice %arg4[%arg0, %add3A_242, %dma_start3A_253] : memref<2x10240x128xf32, #tpu.memory_space<hbm>> -> memref<1x80x128xf32, #tpu.memory_space<hbm>>
      %dma_start3A_255 = tpu.memref_squeeze %dma_start3A_254 : memref<1x80x128xf32, #tpu.memory_space<hbm>> -> memref<80x128xf32, #tpu.memory_space<hbm>>
      tpu.enqueue_dma source(%arg8 : memref<80x128xf32, #tpu.memory_space<vmem>>) target(%dma_start3A_255 : memref<80x128xf32, #tpu.memory_space<hbm>>) target_semaphore(%run_scoped3A : memref<!tpu.dma_semaphore, #tpu.memory_space<semaphore_mem>>)
      %dma_wait3A_256 = arith.constant 0 : i32
      %dma_wait3A_257 = tpu.memref_slice %arg4[%arg0, %add3A_242, %dma_wait3A_256] : memref<2x10240x128xf32, #tpu.memory_space<hbm>> -> memref<1x80x128xf32, #tpu.memory_space<hbm>>
      %dma_wait3A_258 = tpu.memref_squeeze %dma_wait3A_257 : memref<1x80x128xf32, #tpu.memory_space<hbm>> -> memref<80x128xf32, #tpu.memory_space<hbm>>
      %dma_wait3A_259 = arith.constant 0 : i32
      %dma_wait3A_260 = tpu.memref_slice %arg4[%arg0, %add3A_242, %dma_wait3A_259] : memref<2x10240x128xf32, #tpu.memory_space<hbm>> -> memref<1x80x128xf32, #tpu.memory_space<hbm>>
      %dma_wait3A_261 = tpu.memref_squeeze %dma_wait3A_260 : memref<1x80x128xf32, #tpu.memory_space<hbm>> -> memref<80x128xf32, #tpu.memory_space<hbm>>
      tpu.wait_dma2 semaphore(%run_scoped3A : memref<!tpu.dma_semaphore, #tpu.memory_space<semaphore_mem>>) src(%arg8 : memref<80x128xf32, #tpu.memory_space<vmem>>) dst(%dma_wait3A_261 : memref<80x128xf32, #tpu.memory_space<hbm>>)
      tpu.yield
    }) : () -> ()
    %mul3A_243 = arith.constant 640 : i32
    %mul3A_244 = arith.muli %arg1, %mul3A_243 : i32
    "tpu.region"() ({
      %run_scoped3A = tpu.sem_alloc : memref<!tpu.dma_semaphore, #tpu.memory_space<semaphore_mem>>
      %dma_start3A_250 = tpu.memref_slice %arg18[%mul3A_244] : memref<10240xf32, #tpu.memory_space<vmem_shared>> -> memref<640xf32, #tpu.memory_space<vmem_shared>>
      %dma_start3A_251 = tpu.memref_slice %arg18[%mul3A_244] : memref<10240xf32, #tpu.memory_space<vmem_shared>> -> memref<640xf32, #tpu.memory_space<vmem_shared>>
      tpu.enqueue_dma source(%dma_start3A_251 : memref<640xf32, #tpu.memory_space<vmem_shared>>) target(%arg10 : memref<640xf32, #tpu.memory_space<vmem>>) target_semaphore(%run_scoped3A : memref<!tpu.dma_semaphore, #tpu.memory_space<semaphore_mem>>)
      %dma_wait3A_252 = tpu.memref_slice %arg18[%mul3A_244] : memref<10240xf32, #tpu.memory_space<vmem_shared>> -> memref<640xf32, #tpu.memory_space<vmem_shared>>
      %dma_wait3A_253 = tpu.memref_slice %arg18[%mul3A_244] : memref<10240xf32, #tpu.memory_space<vmem_shared>> -> memref<640xf32, #tpu.memory_space<vmem_shared>>
      tpu.wait_dma2 semaphore(%run_scoped3A : memref<!tpu.dma_semaphore, #tpu.memory_space<semaphore_mem>>) src(%dma_wait3A_253 : memref<640xf32, #tpu.memory_space<vmem_shared>>) dst(%arg10 : memref<640xf32, #tpu.memory_space<vmem>>)
      tpu.yield
    }) : () -> ()
    %mul3A_245 = arith.constant 10240 : i32
    %mul3A_246 = arith.muli %arg0, %mul3A_245 : i32
    %mul3A_247 = arith.constant 640 : i32
    %mul3A_248 = arith.muli %arg1, %mul3A_247 : i32
    %add3A_249 = arith.addi %mul3A_246, %mul3A_248 : i32
    "tpu.region"() ({
      %run_scoped3A = tpu.sem_alloc : memref<!tpu.dma_semaphore, #tpu.memory_space<semaphore_mem>>
      %dma_start3A_250 = tpu.memref_slice %arg5[%add3A_249] : memref<20480xf32, #tpu.memory_space<hbm>> -> memref<640xf32, #tpu.memory_space<hbm>>
      %dma_start3A_251 = tpu.memref_slice %arg5[%add3A_249] : memref<20480xf32, #tpu.memory_space<hbm>> -> memref<640xf32, #tpu.memory_space<hbm>>
      tpu.enqueue_dma source(%arg10 : memref<640xf32, #tpu.memory_space<vmem>>) target(%dma_start3A_251 : memref<640xf32, #tpu.memory_space<hbm>>) target_semaphore(%run_scoped3A : memref<!tpu.dma_semaphore, #tpu.memory_space<semaphore_mem>>)
      %dma_wait3A_252 = tpu.memref_slice %arg5[%add3A_249] : memref<20480xf32, #tpu.memory_space<hbm>> -> memref<640xf32, #tpu.memory_space<hbm>>
      %dma_wait3A_253 = tpu.memref_slice %arg5[%add3A_249] : memref<20480xf32, #tpu.memory_space<hbm>> -> memref<640xf32, #tpu.memory_space<hbm>>
      tpu.wait_dma2 semaphore(%run_scoped3A : memref<!tpu.dma_semaphore, #tpu.memory_space<semaphore_mem>>) src(%arg10 : memref<640xf32, #tpu.memory_space<vmem>>) dst(%dma_wait3A_253 : memref<640xf32, #tpu.memory_space<hbm>>)
      tpu.yield
    }) : () -> ()
    return
  }
}

module attributes {stable_mosaic.version = 14 : i64} {
  func.func @_finish_body(%arg0: memref<2x10240x128xf32, #tpu.memory_space<vmem>>, %arg1: memref<2x10000x1xf32, #tpu.memory_space<vmem>>, %arg2: memref<10000x128xf32, #tpu.memory_space<vmem>>) attributes {dimension_semantics = [], scalar_prefetch = 0 : i64, scratch_operands = 0 : i64, tpu.core_type = #tpu.core_type<tc>} {
    %get3A = arith.constant 0 : index
    %get3A_0 = arith.constant 0 : index
    %get3A_1 = arith.constant 0 : index
    %get3A_2 = vector.load %arg0[%get3A, %get3A_0, %get3A_1] : memref<2x10240x128xf32, #tpu.memory_space<vmem>>, vector<1x10000x128xf32>
    %get3A_3 = vector.shape_cast %get3A_2 : vector<1x10000x128xf32> to vector<10000x128xf32>
    %get3A_4 = arith.constant 1 : index
    %get3A_5 = arith.constant 0 : index
    %get3A_6 = arith.constant 0 : index
    %get3A_7 = vector.load %arg0[%get3A_4, %get3A_5, %get3A_6] : memref<2x10240x128xf32, #tpu.memory_space<vmem>>, vector<1x10000x128xf32>
    %get3A_8 = vector.shape_cast %get3A_7 : vector<1x10000x128xf32> to vector<10000x128xf32>
    %add3A = arith.addf %get3A_3, %get3A_8 : vector<10000x128xf32>
    %get3A_9 = arith.constant 0 : index
    %get3A_10 = arith.constant 0 : index
    %get3A_11 = arith.constant 0 : index
    %get3A_12 = vector.load %arg1[%get3A_9, %get3A_10, %get3A_11] : memref<2x10000x1xf32, #tpu.memory_space<vmem>>, vector<1x10000x1xf32>
    %get3A_13 = vector.shape_cast %get3A_12 : vector<1x10000x1xf32> to vector<10000x1xf32>
    %get3A_14 = arith.constant 1 : index
    %get3A_15 = arith.constant 0 : index
    %get3A_16 = arith.constant 0 : index
    %get3A_17 = vector.load %arg1[%get3A_14, %get3A_15, %get3A_16] : memref<2x10000x1xf32, #tpu.memory_space<vmem>>, vector<1x10000x1xf32>
    %get3A_18 = vector.shape_cast %get3A_17 : vector<1x10000x1xf32> to vector<10000x1xf32>
    %add3A_19 = arith.addf %get3A_13, %get3A_18 : vector<10000x1xf32>
    %max3A = arith.constant 1.000000e+00 : f32
    %max3A_20 = vector.broadcast %max3A : f32 to vector<10000x1xf32>
    %max3A_21 = arith.maximumf %add3A_19, %max3A_20 : vector<10000x1xf32>
    %div3A = vector.broadcast %max3A_21 : vector<10000x1xf32> to vector<10000x128xf32>
    %div3A_22 = arith.divf %add3A, %div3A : vector<10000x128xf32>
    %ne3A = arith.cmpf one, %div3A_22, %div3A_22 : vector<10000x128xf32>
    %jit3A = arith.constant 0.000000e+00 : f32
    %jit3A_23 = arith.constant 1.000000e+00 : f32
    %broadcast_in_dim3A = vector.broadcast %jit3A : f32 to vector<10000x128xf32>
    %broadcast_in_dim3A_24 = vector.broadcast %jit3A_23 : f32 to vector<10000x128xf32>
    %select_n3A = arith.select %ne3A, %broadcast_in_dim3A, %broadcast_in_dim3A_24 : vector<10000x128xi1>, vector<10000x128xf32>
    %reduce_sum3A = vector.shape_cast %select_n3A : vector<10000x128xf32> to vector<1x10000x128xf32>
    %reduce_sum3A_25 = arith.constant dense<0.000000e+00> : vector<1xf32>
    %reduce_sum3A_26 = vector.multi_reduction <add>, %reduce_sum3A, %reduce_sum3A_25 [1, 2] : vector<1x10000x128xf32> to vector<1xf32>
    %reduce_sum3A_27 = vector.shape_cast %reduce_sum3A_26 : vector<1xf32> to vector<1x1x1xf32>
    %reduce_sum3A_28 = vector.extract %reduce_sum3A_27[0, 0, 0] : f32 from vector<1x1x1xf32>
    %jit3A_29 = arith.constant 0.000000e+00 : f32
    %broadcast_in_dim3A_30 = vector.broadcast %jit3A_29 : f32 to vector<10000x128xf32>
    %select_n3A_31 = arith.select %ne3A, %broadcast_in_dim3A_30, %div3A_22 : vector<10000x128xi1>, vector<10000x128xf32>
    %reduce_sum3A_32 = vector.shape_cast %select_n3A_31 : vector<10000x128xf32> to vector<1x10000x128xf32>
    %reduce_sum3A_33 = arith.constant dense<0.000000e+00> : vector<1xf32>
    %reduce_sum3A_34 = vector.multi_reduction <add>, %reduce_sum3A_32, %reduce_sum3A_33 [1, 2] : vector<1x10000x128xf32> to vector<1xf32>
    %reduce_sum3A_35 = vector.shape_cast %reduce_sum3A_34 : vector<1xf32> to vector<1x1x1xf32>
    %reduce_sum3A_36 = vector.extract %reduce_sum3A_35[0, 0, 0] : f32 from vector<1x1x1xf32>
    %div3A_37 = arith.divf %reduce_sum3A_36, %reduce_sum3A_28 : f32
    %broadcast_in_dim3A_38 = vector.broadcast %div3A_37 : f32 to vector<10000x128xf32>
    %select_n3A_39 = arith.select %ne3A, %broadcast_in_dim3A_38, %div3A_22 : vector<10000x128xi1>, vector<10000x128xf32>
    %swap3A = arith.constant 0 : index
    %swap3A_40 = arith.constant 0 : index
    %swap3A_41 = vector.load %arg2[%swap3A, %swap3A_40] : memref<10000x128xf32, #tpu.memory_space<vmem>>, vector<10000x128xf32>
    tpu.vector_store %arg2[%swap3A, %swap3A_40], %select_n3A_39 {strides = array<i32>} : memref<10000x128xf32, #tpu.memory_space<vmem>>, vector<10000x128xf32>,
    return
  }
}

</mosaic_0001>

<sc_bundles>
// kernel: kernel.4.cloned.1.call-start
scs
__scs_entry_jumppad:
0x0: {  	(pc) =	sbr.rel $0x88, $3  }
0x1: {  	(tag) =	ssettag $0x0;
	lr =	simm.s32 $0x1  }
0x2: {  	[smem:$0x3F9F] =	sst lr;
	_ =	strace $0xD0000000  }
0x3: {  	_ = 	snop  }
0x4: {  	_ = 	snop  }
0x5: {  	_ = 	snop  }
0x6: {  	_ = 	snop  }
0x7: {  	_ = 	snop  }
__scs_overlays_trampoline_lowered:
0x8: {  	[smem:$0x3FAE] =	sst s0  }
0x9: {  	[smem:$0x3FAF] =	sst s1  }
0xa: {  	[smem:$0x3FB0] =	sst s2  }
0xb: {  	[smem:$0x3FB1] =	sst s3  }
0xc: {  	[smem:$0x3FB2] =	sst s4  }
0xd: {  	[smem:$0x3FB3] =	sst s5  }
0xe: {  	[smem:$0x3FB4] =	sst s6  }
0xf: {  	[smem:$0x3FB5] =	sst s7  }
0x10: {  	[smem:$0x3FB6] =	sst s8  }
0x11: {  	[smem:$0x3FB7] =	sst s9;
	s0 =	simm.s32 @!p0 $0x0  }
0x12: {  	s1 =	sld [smem:$0x3F9D];
	s0 =	simm.s32 @p0 $0x1  }
0x13: {  	[smem:$0x3FB8] =	sst s0;
	s0 =	simm.s32 @!p1 $0x0  }
0x14: {  	s2 =	sld [smem:$0x3F9C];
	s0 =	simm.s32 @p1 $0x1  }
0x15: {  	[smem:$0x3FB9] =	sst s0;
	s0 =	simm.s32 @!p2 $0x0  }
0x16: {  	s3 =	sld [smem:$0x3FDB];
	s0 =	simm.s32 @p2 $0x1  }
0x17: {  	s4 =	simm.s32 $0x1BF5;
	[smem:$0x3FBB] =	sst s0  }
0x18: {  	s0 =	sld [smem:$0x3F9E];
	_ =	swait.ge [sflag:s4], $0x0  }
0x19: {  	s7 =	sld [smem:$0x3F9F]  }
0x1a: {  	s8 =	sadd.s32 $0xFFFFE003, lr  }
0x1b: {  	s9 =	sadd.s32 $0xFFFFFEF7, lr;
	s5 =	simm.s32 $0xFFFFFFFF;
	p2 =	slt.u32 s8, $0xFFFFF086  }
0x1c: {  	p1 =	slt.u32 s9, $0xF7A;
	s5 =	simm.s32 @!p2 $0x0  }
0x1d: {  	s5 =	simm.s32 @p1 $0x1;
	p0 =	seq.s32 s7, s2  }
0x1e: {  	s7 =	smul.u32 @!p0 $0xF7A, s2;
	p2 =	seq.s32 @!p0 s5, $0x0  }
0x1f: {  	s9 =	smul.u32 $0xF7A, s1;
	s8 =	simm.s32 @!p0 $0x1BF5;
	p2 =	por !p2, p0  }
0x20: {  	[sflag:s8] =	ssyncset.s32 @!p0 $0xFFFFF086;
	s6 =	sadd.s32 @!p0 s3, s7;
	s7 =	simm.s32 @!p0 $0x108  }
0x21: {  	s3 =	sadd.s32 s3, s9;
	s6 =	sadd.s32 @!p0 $0x88, s6;
	s7 =	simm.s32 @p2 $0x1082  }
0x22: {  	[simem:s7], [sflag:s8] =	dma.local @!p0 [hbm:s6], $0xF7A  }
0x23: {  	s9 =	sor.u32 $0xD0000000, s2;
	s6 =	simm.s32 $0x108;
	_ =	swait.ge @!p0 [sflag:s8], $0x0  }
0x24: {  	s3 =	sadd.s32 $0x88, s3;
	s6 =	simm.s32 @!p1 $0x1082;
	[sflag:s4] =	ssyncset.s32 $0xFFFFF086  }
0x25: {  	[simem:s6], [sflag:s4] =	dma.local [hbm:s3], $0xF7A  }
0x26: {  	[smem:$0x3F9F] =	sst s1;
	(tag) =	ssettag s2;
	_ =	strace s9  }
0x27: {  	s1 =	sld [smem:$0x3FAF]  }
0x28: {  	s2 =	sld [smem:$0x3FB0]  }
0x29: {  	s4 =	sld [smem:$0x3FB2]  }
0x2a: {  	p0 =	seq.s32 s5, $0x0;
	s5 =	sld [smem:$0x3FB3]  }
0x2b: {  	s6 =	sld [smem:$0x3FB4]  }
0x2c: {  	s7 =	sld [smem:$0x3FB5]  }
0x2d: {  	s3 =	simm.s32 $0x108;
	s8 =	sld [smem:$0x3FB6]  }
0x2e: {  	s3 =	simm.s32 @!p0 $0x1082;
	s9 =	sld [smem:$0x3FB7]  }
0x2f: {  	lr =	sadd.s32 s0, s3;
	s0 =	sld [smem:$0x3FAE]  }
0x30: {  	s3 =	sld [smem:$0x3FB1]  }
0x31: {  	[smem:$0x3FBA] =	sst s10  }
0x32: {  	s10 =	sld [smem:$0x3FB8];
	_ =	sdelay $0x3  }
0x33: {  	p0 =	seq.s32 s10, $0x1;
	s10 =	sld [smem:$0x3FBA];
	_ =	sdelay $0x3  }
0x34: {  	[smem:$0x3FBA] =	sst s10  }
0x35: {  	s10 =	sld [smem:$0x3FB9];
	_ =	sdelay $0x3  }
0x36: {  	p1 =	seq.s32 s10, $0x1;
	s10 =	sld [smem:$0x3FBA];
	_ =	sdelay $0x3  }
0x37: {  	[smem:$0x3FBA] =	sst s10  }
0x38: {  	s10 =	sld [smem:$0x3FBB]  }
0x39: {  	_ = 	snop;
	(pc) =	sbr.ind lr, $3  }
0x3a: {  	_ = 	snop  }
0x3b: {  	_ = 	snop  }
0x3c: {  	p2 =	seq.s32 s10, $0x1;
	s10 =	sld [smem:$0x3FBA]  }
0x3d: {  	_ =	shalt  }
0x3e: {  	_ =	shalt  }
0x3f: {  	_ =	shalt  }
0x40: {  	_ =	shalt  }
0x41: {  	_ =	shalt  }
0x42: {  	_ =	shalt  }
0x43: {  	_ =	shalt  }
0x44: {  	_ =	shalt  }
0x45: {  	_ =	shalt  }
0x46: {  	_ =	shalt  }
0x47: {  	_ =	shalt  }
0x48: {  	_ =	shalt  }
0x49: {  	_ =	shalt  }
0x4a: {  	_ =	shalt  }
0x4b: {  	_ =	shalt  }
0x4c: {  	_ =	shalt  }
0x4d: {  	_ =	shalt  }
0x4e: {  	_ =	shalt  }
0x4f: {  	_ =	shalt  }
0x50: {  	_ =	shalt  }
0x51: {  	_ =	shalt  }
0x52: {  	_ =	shalt  }
0x53: {  	_ =	shalt  }
0x54: {  	_ =	shalt  }
0x55: {  	_ =	shalt  }
0x56: {  	_ =	shalt  }
0x57: {  	_ =	shalt  }
0x58: {  	_ =	shalt  }
0x59: {  	_ =	shalt  }
0x5a: {  	_ =	shalt  }
0x5b: {  	_ =	shalt  }
0x5c: {  	_ =	shalt  }
0x5d: {  	_ =	shalt  }
0x5e: {  	_ =	shalt  }
0x5f: {  	_ =	shalt  }
0x60: {  	_ =	shalt  }
0x61: {  	_ =	shalt  }
0x62: {  	_ =	shalt  }
0x63: {  	_ =	shalt  }
0x64: {  	_ =	shalt  }
0x65: {  	_ =	shalt  }
0x66: {  	_ =	shalt  }
0x67: {  	_ =	shalt  }
0x68: {  	_ =	shalt  }
0x69: {  	_ =	shalt  }
0x6a: {  	_ =	shalt  }
0x6b: {  	_ =	shalt  }
0x6c: {  	_ =	shalt  }
0x6d: {  	_ =	shalt  }
0x6e: {  	_ =	shalt  }
0x6f: {  	_ =	shalt  }
0x70: {  	_ =	shalt  }
0x71: {  	_ =	shalt  }
0x72: {  	_ =	shalt  }
0x73: {  	_ =	shalt  }
0x74: {  	_ =	shalt  }
0x75: {  	_ =	shalt  }
0x76: {  	_ =	shalt  }
0x77: {  	_ =	shalt  }
0x78: {  	_ =	shalt  }
0x79: {  	_ =	shalt  }
0x7a: {  	_ =	shalt  }
0x7b: {  	_ =	shalt  }
0x7c: {  	_ =	shalt  }
0x7d: {  	_ =	shalt  }
0x7e: {  	_ =	shalt  }
0x7f: {  	_ =	shalt  }
0x80: {  	_ =	shalt  }
0x81: {  	_ =	shalt  }
0x82: {  	_ =	shalt  }
0x83: {  	_ =	shalt  }
0x84: {  	_ =	shalt  }
0x85: {  	_ =	shalt  }
0x86: {  	_ =	shalt  }
0x87: {  	_ =	shalt  }
.Lfunc_end0:
.L_simem_size_0:
called_computation_lowered:
.L_overlay_start_0:
0x88: {  	s2 =	sld [smem:$0x3FD9]  }
0x89: {  	s3 =	sld [smem:$0x3FFE];
	_ =	sdelay $0x1  }
0x8a: {  	s1 =	srdreg.scid  }
0x8b: {  	s0 =	sand.u32 $0x1, s1  }
0x8c: {  	s17 =	sshll.u32 s0, $0xA;
	s2 =	sadd.s32 s3, s2  }
0x8d: {  	s2 =	sadd.s32 s2, s17  }
0x8e: {  	[smem:$0x3FC6] =	sst s2  }
0x8f: {  	_ = 	snop  }
0x90: {  	s2 =	sld [smem:$0x3FC9]  }
0x91: {  	s18 =	sld [smem:$0x3FD0];
	(tm) =	ssettm $0x1  }
0x92: {  	s4 =	sld [smem:$0x3FFB];
	_ =	sdelay $0x3  }
0x93: {  	_ =	strace s4  }
0x94: {  	s4 =	sld [smem:$0x3FFC];
	_ =	sdelay $0x3  }
0x95: {  	_ =	strace s4  }
0x96: {  	s4 =	sld [smem:$0x3FFD];
	_ =	sdelay $0x3  }
0x97: {  	_ =	strace s4  }
0x98: {  	_ =	strace $0x8FFFFFFF  }
0x99: {  	s19 =	sld [smem:$0x3FDB];
	_ =	sdelay $0x1  }
0x9a: {  	s5 =	simm.s32 $_scs_section_size  }
0x9b: {  	s6 =	simm.s32 $_size__tile_overlayer_lowered;
	s7 =	simm.s32 $_tile_overlayer_lowered  }
0x9c: {  	s22 =	simm.s32 $0x1BFF;
	s21 =	sshll.u32 s7, $0x1;
	s4 =	sadd.s32 s5, s19  }
0x9d: {  	s8 =	simm.s32 $0x0;
	s20 =	sshll.u32 s6, $0x1;
	s6 =	sadd.s32 s21, s4  }
0x9e: {  	[timem:s8], [sflag:s22] =	dma.local [hbm:s6], s20  }
0x9f: {  	_ =	swait.ge [sflag:s22], s20  }
0xa0: {  	s5 =	ssub.s32 $0x0, s20;
	[sflag:s22] =	ssyncset.done $0x0  }
0xa1: {  	[sflag:s22] =	ssyncadd.s32 s5;
	_ =	sdelay $0x1  }
0xa2: {  	s23 =	simm.s32 $0x1B8B  }
0xa3: {  	_ =	swait.ge [sflag:s23], $0x1  }
0xa4: {  	[sflag:s23] =	ssyncset.done $0x0  }
0xa5: {  	s25 =	simm.s32 $0x1B8E;
	s24 =	sld [smem:$0x3FFE];
	[sflag:s23] =	ssyncadd.s32 $0xFFFFFFFF  }
0xa6: {  	s26 =	simm.s32 $execute0_lowered;
	[smem:$0x3FD2] =	sst s25  }
0xa7: {  	s6 =	sshll.u32 s26, $0x1;
	_ =	strace $0x80000046;
	[dreg:$0x1] =	wrdreg $0xFFFFFFFF  }
0xa8: {  	s28 =	simm.s32 $_size_execute0_lowered;
	s4 =	sadd.s32 s4, s6;
	[dreg:$0x0] =	wrdreg $0x0  }
0xa9: {  	s6 =	sshll.u32 s28, $0x1;
	[dreg:$0x2] =	wrdreg s4  }
0xaa: {  	[dreg:$0x3] =	wrdreg s6  }
0xab: {  	[dreg:$0x4] =	wrdreg $0xC0  }
0xac: {  	_ =	task [dreg:s8], $0x5FFFF  }
0xad: {  	[dreg:$0x1] =	wrdreg $0xFFFFFFFF  }
0xae: {  	[dreg:$0x0] =	wrdreg $0x60  }
0xaf: {  	[dreg:$0x2] =	wrdreg s2  }
0xb0: {  	[dreg:$0x3] =	wrdreg s18  }
0xb1: {  	[dreg:$0x4] =	wrdreg s24  }
0xb2: {  	[dreg:$0x5] =	wrdreg $0x9C800  }
0xb3: {  	[dreg:$0x6] =	wrdreg $0x1DC800  }
0xb4: {  	[dreg:$0x7] =	wrdreg $0x9  }
0xb5: {  	_ =	task.clear_ibuf [dreg:s8], $0x8FFFF;
	_ =	strace $0x90000046  }
0xb6: {  	s29 =	simm.s32 $0x9;
	_ =	strace $0x80000048  }
0xb7: {  	_ =	swait.ge [sflag:s29], $0x1  }
0xb8: {  	[sflag:s29] =	ssyncadd.s32 $0xFFFFFFFF  }
0xb9: {  	_ =	strace $0x90000048  }
0xba: {  	_ =	sfence  }
0xbb: {  	s30 =	sld [smem:$0x0];
	_ =	sdelay $0x2  }
0xbc: {  	s31 =	sshll.u32 s1, $0xD;
	s1 =	sshrl.u32 s1, $0x2  }
0xbd: {  	s3 =	sand.u32 $0x4000, s31;
	s1 =	sadd.s32 s1, s30  }
0xbe: {  	s0 =	sor.u32 s3, s0;
	s1 =	sshll.u32 s1, $0x11  }
0xbf: {  	s0 =	sor.u32 s1, s0  }
0xc0: {  	s0 =	sadd.s32 $0x8F2B, s0  }
0xc1: {  	[sflag:s0] =	ssyncadd.remote.s32 $0x1  }
0xc2: {  	_ =	sfence.sel $0xFFFF  }
0xc3: {  	[dreg:$0x0] =	wrdreg $0xFFFFFFFF;
	(pc) =	sbr.abs _section_cstart, $3  }
0xc4: {  	[dreg:$0x1] =	wrdreg $0xFFFFFFFF  }
0xc5: {  	_ =	task.clear_ibuf [dreg:s8], $0x2FFFF;
	_ =	strace $0x9FFFFFFF  }
0xc6: {  	(tm) =	ssettm $0x7FFFFFFF  }
0xc7: {  	_ =	shalt  }
tec
execute0_lowered:
.L_overlay_start_1:
0x0: {  	(tag) =	ssettag $0x1  }
0x1: {  	s1 =	srdreg.scid;
	s0 =	rddreg [dreg:$0x0]  }
0x2: {  	s2 =	stileid.u32;
	s7 =	rddreg [dreg:$0x1]  }
0x3: {  	s5 =	rddreg [dreg:$0x2];
	s3 =	smul.u32 $0x280, s2  }
0x4: {  	s6 =	sand.u32 $0x1, s1;
	s1 =	simm.s32 $0x0;
	s14 =	smul.u32 $0x14000, s2  }
0x5: {  	s8 =	sadd.s32 $0x1400, s5;
	p0 =	sne.s32 s2, $0x0;
	s4 =	smul.u32 $0x2800, s6  }
0x6: {  	[smem:$0x7FF] =	sst s1;
	s9 =	ssub.s32 $0x2, s6;
	s10 =	sshll.u32 s6, $0x4  }
0x7: {  	s11 =	smul.u32 $0x140000, s6;
	s15 =	sshrl.u32 s9, $0x1;
	s16 =	sshll.u32 s3, $0x7  }
0x8: {  	s4 =	sadd.s32 s3, s4;
	s12 =	sor.u32 $0x2800, s16;
	s13 =	sadd.s32 $0x5000, s16  }
0x9: {  	s18 =	sadd.s32 $0x7800, s16;
	s19 =	sadd.s32 $0xA000, s16;
	s20 =	sadd.s32 $0xC800, s16  }
0xa: {  	s21 =	sadd.s32 $0xF000, s16;
	s14 =	sadd.s32 s14, s11;
	s4 =	sshrl.u32 s4, $0x3  }
0xb: {  	s17 =	sshrl.u32 s14, $0x3;
	s22 =	sadd.s32 s11, s12;
	s23 =	sadd.s32 s11, s13  }
0xc: {  	s25 =	sadd.s32 s11, s18;
	s4 =	sadd.s32 s4, s5;
	s5 =	ssub.s32 s9, s15  }
0xd: {  	s9 =	sor.u32 s2, s10;
	s10 =	sadd.s32 $0x11800, s16;
	s16 =	sshll.u32 s6, $0xF  }
0xe: {  	s14 =	sshrl.u32 s23, $0x3;
	s29 =	sshrl.u32 s25, $0x3;
	s6 =	smul.u32 $0x271000, s6  }
0xf: {  	s25 =	smul.u32 $0x50000, s2;
	s15 =	sshll.u32 s9, $0xB;
	s24 =	sadd.s32 s7, s16  }
0x10: {  	s26 =	sadd.s32 s8, s14;
	s14 =	sadd.s32 s11, s19;
	s16 =	sadd.s32 s11, s21  }
0x11: {  	s23 =	sadd.s32 s11, s10;
	s15 =	sadd.s32 s7, s15;
	[dreg:$0xa] =	wrdreg s26  }
0x12: {  	s4 =	sadd.s32 $0xA00, s4;
	s7 =	sadd.s32 s8, s17;
	[dreg:$0x6] =	wrdreg s15  }
0x13: {  	s26 =	smul.u32 $0x27100, s2;
	s6 =	sadd.s32 s6, s0;
	[dreg:$0x8] =	wrdreg s7  }
0x14: {  	s7 =	sshrl.u32 s22, $0x3;
	s15 =	sadd.s32 s11, s20;
	s22 =	sshrl.u32 s16, $0x3  }
0x15: {  	s11 =	rddreg [dreg:$0x3];
	s7 =	sadd.s32 s8, s7;
	s6 =	sadd.s32 s26, s6  }
0x16: {  	s16 =	sadd.s32 s12, s11;
	s26 =	smul.u32 $0x27100, s9;
	[dreg:$0x9] =	wrdreg s7  }
0x17: {  	s7 =	sadd.s32 s8, s29;
	s29 =	sshrl.u32 s25, $0x2;
	s25 =	sshll.u32 s2, $0x3  }
0x18: {  	[dreg:$0xb] =	wrdreg s7;
	s7 =	sshrl.u32 s14, $0x3;
	s14 =	sshrl.u32 s15, $0x3  }
0x19: {  	s7 =	sadd.s32 s8, s7;
	s17 =	sadd.s32 s8, s14;
	s14 =	rddreg [dreg:$0x4]  }
0x1a: {  	s15 =	sadd.s32 s29, s11;
	[dreg:$0xc] =	wrdreg s7;
	s7 =	sadd.s32 s8, s22  }
0x1b: {  	s2 =	sadd.s32 $0x2710, s25;
	[dreg:$0xe] =	wrdreg s7;
	s7 =	sshrl.u32 s23, $0x3  }
0x1c: {  	[dreg:$0xd] =	wrdreg s17;
	s17 =	sadd.s32 s13, s11;
	s7 =	sadd.s32 s8, s7  }
0x1d: {  	s13 =	smul.u32 $0x138800, s9;
	s8 =	sadd.s32 s0, s26;
	[dreg:$0xf] =	wrdreg s7  }
0x1e: {  	s23 =	sadd.s32 s3, s14;
	_ =	strace $0x80000047;
	[dreg:$0x10] =	wrdreg s8  }
0x1f: {  	s29 =	sshrl.u32 s13, $0x3;
	s13 =	smax.u32 s5, $0x1;
	[dreg:$0x12] =	wrdreg s4  }
0x20: {  	s3 =	sadd.s32 $0x2711, s25;
	s25 =	sadd.s32 $0x7C8, s24;
	[dreg:$0x13] =	wrdreg s13  }
0x21: {  	s12 =	sadd.s32 s0, s29;
	s29 =	sadd.s32 $0x138800, s11;
	[dreg:$0x14] =	wrdreg s25  }
0x22: {  	s9 =	smul.u32 $0x2710, s9;
	s5 =	sadd.s32 $0x2710, s14;
	[dreg:$0x15] =	wrdreg s29  }
0x23: {  	s30 =	sadd.s32 $0xA00, s6;
	s6 =	sadd.s32 $0x800, s24;
	[dreg:$0x16] =	wrdreg s5  }
0x24: {  	s26 =	sadd.s32 $0xF0, s9;
	s9 =	sadd.s32 $0x2718, s14;
	[dreg:$0x17] =	wrdreg s6  }
0x25: {  	s22 =	sadd.s32 s10, s11;
	s10 =	sadd.s32 $0x1000, s24;
	[dreg:$0x1a] =	wrdreg s9  }
0x26: {  	[dreg:$0x1b] =	wrdreg s10  }
0x27: {  	s7 =	sadd.s32 $0x500, s12;
	[dreg:$0x7] =	wrdreg s24  }
0x28: {  	s8 =	sadd.s32 $0x138C00, s11;
	[dreg:$0x11] =	wrdreg s7  }
0x29: {  	s12 =	sadd.s32 $0x17C8, s24;
	[dreg:$0x19] =	wrdreg s8  }
0x2a: {  	s13 =	sadd.s32 $0x139000, s11;
	[dreg:$0x1c] =	wrdreg s12  }
0x2b: {  	s25 =	sadd.s32 $0x2720, s14;
	[dreg:$0x1d] =	wrdreg s13  }
0x2c: {  	s29 =	sadd.s32 $0x1800, s24;
	[dreg:$0x1e] =	wrdreg s25  }
0x2d: {  	s5 =	sadd.s32 $0x1FC8, s24;
	[dreg:$0x1f] =	wrdreg s29  }
0x2e: {  	s6 =	sadd.s32 $0x139400, s11;
	[smem:$0x7CB] =	sst s5  }
0x2f: {  	s9 =	sadd.s32 $0x27C8, s24;
	[smem:$0x7CC] =	sst s6  }
0x30: {  	s10 =	sadd.s32 $0x139800, s11;
	[smem:$0x7CF] =	sst s9  }
0x31: {  	s7 =	sadd.s32 $0xFC8, s24;
	[smem:$0x7D0] =	sst s10  }
0x32: {  	s8 =	sadd.s32 $0x2000, s24;
	[dreg:$0x18] =	wrdreg s7  }
0x33: {  	s12 =	sadd.s32 $0x2730, s14;
	[smem:$0x7CE] =	sst s8  }
0x34: {  	s13 =	sadd.s32 $0x2800, s24;
	[smem:$0x7D1] =	sst s12  }
0x35: {  	s25 =	sadd.s32 $0x2FC8, s24;
	[smem:$0x7D2] =	sst s13  }
0x36: {  	s29 =	sadd.s32 $0x139C00, s11;
	[smem:$0x7D3] =	sst s25  }
0x37: {  	s5 =	sadd.s32 $0x2738, s14;
	[smem:$0x7D4] =	sst s29  }
0x38: {  	s6 =	sadd.s32 $0x3000, s24;
	[smem:$0x7D5] =	sst s5  }
0x39: {  	s9 =	sadd.s32 $0x2740, s14;
	[smem:$0x7D6] =	sst s6  }
0x3a: {  	s10 =	sadd.s32 $0x3800, s24;
	[smem:$0x7D9] =	sst s9  }
0x3b: {  	s7 =	sadd.s32 $0x2728, s14;
	[smem:$0x7DA] =	sst s10  }
0x3c: {  	s8 =	sadd.s32 $0x13A000, s11;
	[smem:$0x7CD] =	sst s7  }
0x3d: {  	s12 =	sadd.s32 $0x3FC8, s24;
	[smem:$0x7D8] =	sst s8  }
0x3e: {  	s13 =	sadd.s32 $0x13A400, s11;
	[smem:$0x7DB] =	sst s12  }
0x3f: {  	s25 =	sadd.s32 $0x2748, s14;
	[smem:$0x7DC] =	sst s13  }
0x40: {  	s29 =	sadd.s32 $0x4000, s24;
	[smem:$0x7DD] =	sst s25  }
0x41: {  	s5 =	sadd.s32 $0x47C8, s24;
	[smem:$0x7DE] =	sst s29  }
0x42: {  	s6 =	sadd.s32 $0x13A800, s11;
	[smem:$0x7DF] =	sst s5  }
0x43: {  	s9 =	sadd.s32 $0x4FC8, s24;
	[smem:$0x7E0] =	sst s6  }
0x44: {  	s10 =	sadd.s32 $0x13AC00, s11;
	[smem:$0x7E3] =	sst s9  }
0x45: {  	s7 =	sadd.s32 $0x37C8, s24;
	[smem:$0x7E4] =	sst s10  }
0x46: {  	s8 =	sadd.s32 $0x4800, s24;
	[smem:$0x7D7] =	sst s7  }
0x47: {  	s12 =	sadd.s32 $0x2758, s14;
	[smem:$0x7E2] =	sst s8  }
0x48: {  	s13 =	sadd.s32 $0x5000, s24;
	[smem:$0x7E5] =	sst s12  }
0x49: {  	s25 =	sadd.s32 $0x57C8, s24;
	[smem:$0x7E6] =	sst s13  }
0x4a: {  	s29 =	sadd.s32 $0x13B000, s11;
	[smem:$0x7E7] =	sst s25  }
0x4b: {  	s5 =	sadd.s32 $0x2760, s14;
	[smem:$0x7E8] =	sst s29  }
0x4c: {  	s6 =	sadd.s32 $0x5800, s24;
	[smem:$0x7E9] =	sst s5  }
0x4d: {  	s9 =	sadd.s32 $0x2768, s14;
	[smem:$0x7EA] =	sst s6  }
0x4e: {  	s10 =	sadd.s32 $0x6000, s24;
	[smem:$0x7ED] =	sst s9  }
0x4f: {  	s7 =	sadd.s32 $0x2750, s14;
	[smem:$0x7EE] =	sst s10  }
0x50: {  	s8 =	sadd.s32 $0x13B400, s11;
	[smem:$0x7E1] =	sst s7  }
0x51: {  	s12 =	sadd.s32 $0x67C8, s24;
	[smem:$0x7EC] =	sst s8  }
0x52: {  	s13 =	sadd.s32 $0x13B800, s11;
	[smem:$0x7EF] =	sst s12  }
0x53: {  	s25 =	sadd.s32 $0x2770, s14;
	[smem:$0x7F0] =	sst s13  }
0x54: {  	s31 =	simm.s32 $0x3;
	s29 =	sadd.s32 $0x6800, s24;
	[smem:$0x7F1] =	sst s25  }
0x55: {  	s28 =	simm.s32 $0x9080;
	s5 =	sadd.s32 $0x6FC8, s24;
	[smem:$0x7F2] =	sst s29  }
0x56: {  	s18 =	sadd.s32 s18, s11;
	s6 =	sadd.s32 $0x13BC00, s11;
	[smem:$0x7F3] =	sst s5  }
0x57: {  	s19 =	sadd.s32 s19, s11;
	s9 =	sadd.s32 $0x77C8, s24;
	[smem:$0x7F4] =	sst s6  }
0x58: {  	s20 =	sadd.s32 s20, s11;
	s10 =	sadd.s32 $0x13C000, s11;
	[smem:$0x7F7] =	sst s9  }
0x59: {  	s21 =	sadd.s32 s21, s11;
	s7 =	sadd.s32 $0x5FC8, s24;
	[smem:$0x7F8] =	sst s10  }
0x5a: {  	s4 =	simm.s32 $0x6800;
	s8 =	sadd.s32 $0x7000, s24;
	[smem:$0x7EB] =	sst s7  }
0x5b: {  	s12 =	sadd.s32 $0x2780, s14;
	s13 =	sadd.s32 $0x7800, s24;
	[smem:$0x7F6] =	sst s8  }
0x5c: {  	s24 =	sadd.s32 $0x7FC8, s24;
	s25 =	sadd.s32 $0x13C400, s11;
	[smem:$0x7F9] =	sst s12  }
0x5d: {  	s29 =	sadd.s32 $0x2788, s14;
	s5 =	simm.s32 $0x1;
	[smem:$0x7FA] =	sst s13  }
.Ltmp0:
0x5e: {  	s6 =	simm.s32 $0x50;
	[smem:$0x7FB] =	sst s24;
	(pc) =	sbr.rel .LBB2_1-.Ltmp0, $4  }
0x5f: {  	s9 =	simm.s32 $0x2;
	s10 =	simm.s32 $0x9300;
	[smem:$0x7FC] =	sst s25  }
0x60: {  	v2 =	vimm.f32 $1.000000000e+00;
	s7 =	sadd.s32 $0x2778, s14;
	[smem:$0x7FD] =	sst s29;
	s12 =	simm.s32 $0x4000  }
0x61: {  	v3 =	vimm.f32 $0.0e+00;
	vm0 =	vcmask $0x704;
	vm1 =	vmmov $0x1;
	s8 =	simm.s32 $0x9000;
	s13 =	simm.s32 $0x9380;
	s24 =	simm.s32 $0x9B80  }
0x62: {  	vm2 =	vmmov $0xffff;
	v1 =	vmov s2;
	v0 =	vmov s3;
	s25 =	simm.s32 $0x0;
	[smem:$0x7F5] =	sst s7;
	s7 =	simm.s32 $0x9C00  }
.LBB2_7:
0x63: {  	[bflag:$0x0] =	sbarrier.arrive $0xFFFF  }
0x64: {  	[tilespmem:s4], [sflag:$0x3] =	stream.linear.gather [spmem:s15], $0x2800, $0x38;
	[tilespmem:$0x1DF00] =	vst v63  }
0x65: {  	_ =	swait.ge [sflag:s31], $0x2800  }
0x66: {  	[sflag:s31] =	ssyncset.done $0x0  }
0x67: {  	s2 =	rddreg [dreg:$0x8];
	[sflag:s31] =	ssyncadd.s32 $0xFFFFD800  }
0x68: {  	[hbm4b:s2+s1] =	stream.linear.scatter [tilespmem:s4], [sflag:$0x3], $0x2800, $0x38;
	[tilespmem:$0x1DF00] =	vst v63  }
0x69: {  	_ =	swait.ge [sflag:s31], $0x2800  }
0x6a: {  	[sflag:s31] =	ssyncset.done $0x0  }
0x6b: {  	[sflag:s31] =	ssyncadd.s32 $0xFFFFD800  }
0x6c: {  	[tilespmem:s4], [sflag:$0x3] =	stream.linear.gather [spmem:s16], $0x2800, $0x38;
	[tilespmem:$0x1DF00] =	vst v63  }
0x6d: {  	_ =	swait.ge [sflag:s31], $0x2800  }
0x6e: {  	[sflag:s31] =	ssyncset.done $0x0  }
0x6f: {  	s29 =	rddreg [dreg:$0x9];
	[sflag:s31] =	ssyncadd.s32 $0xFFFFD800  }
0x70: {  	[hbm4b:s29+s1] =	stream.linear.scatter [tilespmem:s4], [sflag:$0x3], $0x2800, $0x38;
	[tilespmem:$0x1DF00] =	vst v63  }
0x71: {  	_ =	swait.ge [sflag:s31], $0x2800  }
0x72: {  	[sflag:s31] =	ssyncset.done $0x0  }
0x73: {  	[sflag:s31] =	ssyncadd.s32 $0xFFFFD800  }
0x74: {  	[tilespmem:s4], [sflag:$0x3] =	stream.linear.gather [spmem:s17], $0x2800, $0x38;
	[tilespmem:$0x1DF00] =	vst v63  }
0x75: {  	_ =	swait.ge [sflag:s31], $0x2800  }
0x76: {  	[sflag:s31] =	ssyncset.done $0x0  }
0x77: {  	s3 =	rddreg [dreg:$0xa];
	[sflag:s31] =	ssyncadd.s32 $0xFFFFD800  }
0x78: {  	[hbm4b:s3+s1] =	stream.linear.scatter [tilespmem:s4], [sflag:$0x3], $0x2800, $0x38;
	[tilespmem:$0x1DF00] =	vst v63  }
0x79: {  	_ =	swait.ge [sflag:s31], $0x2800  }
0x7a: {  	[sflag:s31] =	ssyncset.done $0x0  }
0x7b: {  	[sflag:s31] =	ssyncadd.s32 $0xFFFFD800  }
0x7c: {  	[tilespmem:s4], [sflag:$0x3] =	stream.linear.gather [spmem:s18], $0x2800, $0x38;
	[tilespmem:$0x1DF00] =	vst v63  }
0x7d: {  	_ =	swait.ge [sflag:s31], $0x2800  }
0x7e: {  	[sflag:s31] =	ssyncset.done $0x0  }
0x7f: {  	s29 =	rddreg [dreg:$0xb];
	[sflag:s31] =	ssyncadd.s32 $0xFFFFD800  }
0x80: {  	[hbm4b:s29+s1] =	stream.linear.scatter [tilespmem:s4], [sflag:$0x3], $0x2800, $0x38;
	[tilespmem:$0x1DF00] =	vst v63  }
0x81: {  	_ =	swait.ge [sflag:s31], $0x2800  }
0x82: {  	[sflag:s31] =	ssyncset.done $0x0  }
0x83: {  	[sflag:s31] =	ssyncadd.s32 $0xFFFFD800  }
0x84: {  	[tilespmem:s4], [sflag:$0x3] =	stream.linear.gather [spmem:s19], $0x2800, $0x38;
	[tilespmem:$0x1DF00] =	vst v63  }
0x85: {  	_ =	swait.ge [sflag:s31], $0x2800  }
0x86: {  	[sflag:s31] =	ssyncset.done $0x0  }
0x87: {  	s3 =	rddreg [dreg:$0xc];
	[sflag:s31] =	ssyncadd.s32 $0xFFFFD800  }
0x88: {  	[hbm4b:s3+s1] =	stream.linear.scatter [tilespmem:s4], [sflag:$0x3], $0x2800, $0x38;
	[tilespmem:$0x1DF00] =	vst v63  }
0x89: {  	_ =	swait.ge [sflag:s31], $0x2800  }
0x8a: {  	[sflag:s31] =	ssyncset.done $0x0  }
0x8b: {  	[sflag:s31] =	ssyncadd.s32 $0xFFFFD800  }
0x8c: {  	[tilespmem:s4], [sflag:$0x3] =	stream.linear.gather [spmem:s20], $0x2800, $0x38;
	[tilespmem:$0x1DF00] =	vst v63  }
0x8d: {  	_ =	swait.ge [sflag:s31], $0x2800  }
0x8e: {  	[sflag:s31] =	ssyncset.done $0x0  }
0x8f: {  	s29 =	rddreg [dreg:$0xd];
	[sflag:s31] =	ssyncadd.s32 $0xFFFFD800  }
0x90: {  	[hbm4b:s29+s1] =	stream.linear.scatter [tilespmem:s4], [sflag:$0x3], $0x2800, $0x38;
	[tilespmem:$0x1DF00] =	vst v63  }
0x91: {  	_ =	swait.ge [sflag:s31], $0x2800  }
0x92: {  	[sflag:s31] =	ssyncset.done $0x0  }
0x93: {  	[sflag:s31] =	ssyncadd.s32 $0xFFFFD800  }
0x94: {  	[tilespmem:s4], [sflag:$0x3] =	stream.linear.gather [spmem:s21], $0x2800, $0x38;
	[tilespmem:$0x1DF00] =	vst v63  }
0x95: {  	_ =	swait.ge [sflag:s31], $0x2800  }
0x96: {  	[sflag:s31] =	ssyncset.done $0x0  }
0x97: {  	s3 =	rddreg [dreg:$0xe];
	[sflag:s31] =	ssyncadd.s32 $0xFFFFD800  }
0x98: {  	[hbm4b:s3+s1] =	stream.linear.scatter [tilespmem:s4], [sflag:$0x3], $0x2800, $0x38;
	[tilespmem:$0x1DF00] =	vst v63  }
0x99: {  	_ =	swait.ge [sflag:s31], $0x2800  }
0x9a: {  	[sflag:s31] =	ssyncset.done $0x0  }
0x9b: {  	[sflag:s31] =	ssyncadd.s32 $0xFFFFD800  }
0x9c: {  	[tilespmem:s4], [sflag:$0x3] =	stream.linear.gather [spmem:s22], $0x2800, $0x38;
	[tilespmem:$0x1DF00] =	vst v63  }
0x9d: {  	_ =	swait.ge [sflag:s31], $0x2800  }
0x9e: {  	[sflag:s31] =	ssyncset.done $0x0  }
0x9f: {  	s29 =	rddreg [dreg:$0xf];
	[sflag:s31] =	ssyncadd.s32 $0xFFFFD800  }
0xa0: {  	[hbm4b:s29+s1] =	stream.linear.scatter [tilespmem:s4], [sflag:$0x3], $0x2800, $0x38;
	[tilespmem:$0x1DF00] =	vst v63  }
0xa1: {  	_ =	swait.ge [sflag:s31], $0x2800  }
0xa2: {  	[sflag:s31] =	ssyncset.done $0x0  }
0xa3: {  	s28 =	simm.s32 $0x9080;
	[sflag:s31] =	ssyncadd.s32 $0xFFFFD800  }
0xa4: {  	[tilespmem:s28], [sflag:$0x3] =	stream.linear.gather [spmem:s23], $0x280, $0x38;
	[tilespmem:$0x1DF00] =	vst v63  }
0xa5: {  	_ =	swait.ge [sflag:s31], $0x280  }
0xa6: {  	[sflag:s31] =	ssyncset.done $0x0  }
0xa7: {  	s3 =	rddreg [dreg:$0x12];
	[sflag:s31] =	ssyncadd.s32 $0xFFFFFD80  }
0xa8: {  	[hbm4b:s3+s1] =	stream.linear.scatter [tilespmem:s28], [sflag:$0x3], $0x280, $0x38;
	[tilespmem:$0x1DF00] =	vst v63  }
0xa9: {  	_ =	swait.ge [sflag:s31], $0x280  }
0xaa: {  	s25 =	sadd.s32 $0x1, s25;
	s29 =	rddreg [dreg:$0x13]  }
0xab: {  	p1 =	sne.s32 s25, s29  }
.Ltmp1:
0xac: {  	_ = 	snop;
	(pc) =	sbr.rel @!p1 .LBB2_8-.Ltmp1, $3  }
0xad: {  	_ =	sdelay $0x1  }
0xae: {  	[sflag:s31] =	ssyncset.done $0x0  }
0xaf: {  	[sflag:s31] =	ssyncadd.s32 $0xFFFFFD80  }
.LBB2_1:
0xb0: {  	[tilespmem:$0x9000] =	vst v2  }
0xb1: {  	[tilespmem:$0x9010] =	vst v2  }
0xb2: {  	[tilespmem:$0x9020] =	vst v2  }
0xb3: {  	[tilespmem:$0x9030] =	vst v2  }
0xb4: {  	[tilespmem:$0x9040] =	vst v2;
	s2 =	simm.s32 $0x0;
	s3 =	simm.s32 $0x200  }
.LBB2_2:
0xb5: {  	p1 =	sne.s32 s3, $0x9E00;
	[tilespmem:s2+$0x4070] =	vst v3  }
0xb6: {  	[tilespmem:s2+$0x4000] =	vst v3  }
0xb7: {  	[tilespmem:s2+$0x4010] =	vst v3  }
.Ltmp2:
0xb8: {  	[tilespmem:s2+$0x4020] =	vst v3;
	(pc) =	sbr.rel @p1 .LBB2_2-.Ltmp2, $4  }
0xb9: {  	[tilespmem:s2+$0x4030] =	vst v3  }
0xba: {  	[tilespmem:s2+$0x4040] =	vst v3  }
0xbb: {  	[tilespmem:s2+$0x4050] =	vst v3  }
0xbc: {  	[tilespmem:s2+$0x4060] =	vst v3;
	s2 =	sshra.s32 s3, $0x2;
	s3 =	sadd.s32 $0x200, s3  }
0xbd: {  	[tilespmem:s2+$0x4070] =	vst v3  }
0xbe: {  	[tilespmem:s2+$0x4000] =	vst v3  }
0xbf: {  	[tilespmem:s2+$0x4010] =	vst v3  }
0xc0: {  	[tilespmem:s2+$0x4020] =	vst v3  }
0xc1: {  	[tilespmem:s2+$0x4030] =	vst v3  }
0xc2: {  	[tilespmem:s2+$0x4040] =	vst v3  }
0xc3: {  	[tilespmem:s2+$0x4050] =	vst v3  }
0xc4: {  	[tilespmem:s2+$0x4060] =	vst v3  }
0xc5: {  	[tilespmem:$0x9080] =	vst v3  }
0xc6: {  	[tilespmem:$0x9090] =	vst v3  }
0xc7: {  	[tilespmem:$0x90A0] =	vst v3  }
0xc8: {  	[tilespmem:$0x90B0] =	vst v3  }
0xc9: {  	[tilespmem:$0x90C0] =	vst v3  }
0xca: {  	[tilespmem:$0x90D0] =	vst v3  }
0xcb: {  	[tilespmem:$0x90E0] =	vst v3  }
0xcc: {  	[tilespmem:$0x90F0] =	vst v3  }
0xcd: {  	[tilespmem:$0x9100] =	vst v3  }
0xce: {  	[tilespmem:$0x9110] =	vst v3  }
0xcf: {  	[tilespmem:$0x9120] =	vst v3  }
0xd0: {  	[tilespmem:$0x9130] =	vst v3  }
0xd1: {  	[tilespmem:$0x9140] =	vst v3  }
0xd2: {  	[tilespmem:$0x9150] =	vst v3  }
0xd3: {  	[tilespmem:$0x9160] =	vst v3  }
0xd4: {  	[tilespmem:$0x9170] =	vst v3  }
0xd5: {  	[tilespmem:$0x9180] =	vst v3  }
0xd6: {  	[tilespmem:$0x9190] =	vst v3  }
0xd7: {  	[tilespmem:$0x91A0] =	vst v3  }
0xd8: {  	[tilespmem:$0x91B0] =	vst v3  }
0xd9: {  	[tilespmem:$0x91C0] =	vst v3  }
0xda: {  	[tilespmem:$0x91D0] =	vst v3  }
0xdb: {  	[tilespmem:$0x91E0] =	vst v3  }
0xdc: {  	[tilespmem:$0x91F0] =	vst v3  }
0xdd: {  	[tilespmem:$0x9200] =	vst v3  }
0xde: {  	[tilespmem:$0x9210] =	vst v3  }
0xdf: {  	[tilespmem:$0x9220] =	vst v3  }
0xe0: {  	[tilespmem:$0x9230] =	vst v3  }
0xe1: {  	[tilespmem:$0x9240] =	vst v3  }
0xe2: {  	[tilespmem:$0x9250] =	vst v3  }
0xe3: {  	[tilespmem:$0x9260] =	vst v3  }
0xe4: {  	[tilespmem:$0x9270] =	vst v3  }
0xe5: {  	[tilespmem:$0x9280] =	vst v3  }
0xe6: {  	[tilespmem:$0x9290] =	vst v3  }
0xe7: {  	[tilespmem:$0x92A0] =	vst v3  }
0xe8: {  	[tilespmem:$0x92B0] =	vst v3  }
0xe9: {  	[tilespmem:$0x92C0] =	vst v3  }
0xea: {  	[tilespmem:$0x92D0] =	vst v3  }
0xeb: {  	[tilespmem:$0x92E0] =	vst v3  }
0xec: {  	[tilespmem:$0x92F0] =	vst v3  }
0xed: {  	[spmem:s15] =	stream.linear.scatter [tilespmem:s12], [sflag:$0x3], $0x2800, $0x38;
	[tilespmem:$0x1DF00] =	vst v63  }
0xee: {  	_ =	swait.ge [sflag:s31], $0x2800  }
0xef: {  	[sflag:s31] =	ssyncset.done $0x0  }
0xf0: {  	[sflag:s31] =	ssyncadd.s32 $0xFFFFD800  }
0xf1: {  	[spmem:s16] =	stream.linear.scatter [tilespmem:s12], [sflag:$0x3], $0x2800, $0x38;
	[tilespmem:$0x1DF00] =	vst v63  }
0xf2: {  	_ =	swait.ge [sflag:s31], $0x2800  }
0xf3: {  	[sflag:s31] =	ssyncset.done $0x0  }
0xf4: {  	[sflag:s31] =	ssyncadd.s32 $0xFFFFD800  }
0xf5: {  	[spmem:s17] =	stream.linear.scatter [tilespmem:s12], [sflag:$0x3], $0x2800, $0x38;
	[tilespmem:$0x1DF00] =	vst v63  }
0xf6: {  	_ =	swait.ge [sflag:s31], $0x2800  }
0xf7: {  	[sflag:s31] =	ssyncset.done $0x0  }
0xf8: {  	[sflag:s31] =	ssyncadd.s32 $0xFFFFD800  }
0xf9: {  	[spmem:s18] =	stream.linear.scatter [tilespmem:s12], [sflag:$0x3], $0x2800, $0x38;
	[tilespmem:$0x1DF00] =	vst v63  }
0xfa: {  	_ =	swait.ge [sflag:s31], $0x2800  }
0xfb: {  	[sflag:s31] =	ssyncset.done $0x0  }
0xfc: {  	[sflag:s31] =	ssyncadd.s32 $0xFFFFD800  }
0xfd: {  	[spmem:s19] =	stream.linear.scatter [tilespmem:s12], [sflag:$0x3], $0x2800, $0x38;
	[tilespmem:$0x1DF00] =	vst v63  }
0xfe: {  	_ =	swait.ge [sflag:s31], $0x2800  }
0xff: {  	[sflag:s31] =	ssyncset.done $0x0  }
0x100: {  	[sflag:s31] =	ssyncadd.s32 $0xFFFFD800  }
0x101: {  	[spmem:s20] =	stream.linear.scatter [tilespmem:s12], [sflag:$0x3], $0x2800, $0x38;
	[tilespmem:$0x1DF00] =	vst v63  }
0x102: {  	_ =	swait.ge [sflag:s31], $0x2800  }
0x103: {  	[sflag:s31] =	ssyncset.done $0x0  }
0x104: {  	[sflag:s31] =	ssyncadd.s32 $0xFFFFD800  }
0x105: {  	[spmem:s21] =	stream.linear.scatter [tilespmem:s12], [sflag:$0x3], $0x2800, $0x38;
	[tilespmem:$0x1DF00] =	vst v63  }
0x106: {  	_ =	swait.ge [sflag:s31], $0x2800  }
0x107: {  	[sflag:s31] =	ssyncset.done $0x0  }
0x108: {  	[sflag:s31] =	ssyncadd.s32 $0xFFFFD800  }
0x109: {  	[spmem:s22] =	stream.linear.scatter [tilespmem:s12], [sflag:$0x3], $0x2800, $0x38;
	[tilespmem:$0x1DF00] =	vst v63  }
0x10a: {  	_ =	swait.ge [sflag:s31], $0x2800  }
0x10b: {  	[sflag:s31] =	ssyncset.done $0x0  }
0x10c: {  	[sflag:s31] =	ssyncadd.s32 $0xFFFFD800  }
0x10d: {  	[spmem:s23] =	stream.linear.scatter [tilespmem:s28], [sflag:$0x3], $0x280, $0x38;
	[tilespmem:$0x1DF00] =	vst v63  }
0x10e: {  	_ =	swait.ge [sflag:s31], $0x280  }
0x10f: {  	[sflag:s31] =	ssyncset.done $0x0  }
0x110: {  	[sflag:s31] =	ssyncadd.s32 $0xFFFFFD80  }
0x111: {  	[bflag:$0x0] =	sbarrier.arrive $0xFFFF  }
0x112: {  	s2 =	simm.s32 $0x0;
	s3 =	rddreg [dreg:$0x6]  }
0x113: {  	[tilespmem:s2], [sflag:$0x3] =	stream.linear.gather [hbm4b:s3+s2], $0x3E80, $0x38;
	[tilespmem:$0x1DF00] =	vst v63  }
0x114: {  	_ =	swait.ge [sflag:s31], $0x3E80  }
0x115: {  	[sflag:s31] =	ssyncset.done $0x0  }
0x116: {  	[sflag:s31] =	ssyncadd.s32 $0xFFFFC180  }
0x117: {  	s3 =	rddreg [dreg:$0x10];
	v5 =	vld [tilespmem:$0x3E40]  }
0x118: {  	v4 =	vld.msk [tilespmem:$0x0 ss:$0x0], $0xffff;
	[tilespmem:s12], [sflag:$0x1] =	stream.linear.gather [hbm4b:s3+s2], $0x2800, $0x38  }
0x119: {  	s3 =	rddreg [dreg:$0x11]  }
0x11a: {  	[tilespmem:s4], [sflag:$0x2] =	stream.linear.gather [hbm4b:s3+s2], $0x2800, $0x38;
	[tilespmem:$0x1DF00] =	vst v63  }
0x11b: {  	_ =	swait.ge [sflag:s5], $0x2800  }
0x11c: {  	[sflag:s5] =	ssyncset.done $0x0  }
0x11d: {  	s3 =	simm.s32 $0x80;
	[sflag:s5] =	ssyncadd.s32 $0xFFFFD800  }
0x11e: {  	v6 =	vld [tilespmem:s3+$0xFFFFFF80];
	_ =	sdelay $0x2  }
0x11f: {  	v5 =	vbroadcast v5, $0xF;
	_ =	sdelay $0x1  }
0x120: {  	vm3 =	veq.s32 v6, v5  }
0x121: {  	vm4 =	veq.s32 v6, v4;
	v6 =	vsel vm3, v0, v6  }
0x122: {  	v6 =	vsel vm4, v1, v6  }
0x123: {  	[tilespmem:$0x9C00] =	vst v6  }
0x124: {  	v6 =	vld [tilespmem:s3+$0xFFFFFF90];
	_ =	sdelay $0x4  }
0x125: {  	vm3 =	veq.s32 v6, v5  }
0x126: {  	vm15 =	veq.s32 v6, v4;
	v6 =	vsel vm3, v0, v6  }
0x127: {  	v6 =	vsel vm15, v1, v6  }
0x128: {  	[tilespmem:$0x9C10] =	vst v6  }
0x129: {  	v6 =	vld [tilespmem:s3+$0xFFFFFFA0];
	_ =	sdelay $0x4  }
0x12a: {  	vm3 =	veq.s32 v6, v5  }
0x12b: {  	vm8 =	veq.s32 v6, v4;
	v6 =	vsel vm3, v0, v6  }
0x12c: {  	v6 =	vsel vm8, v1, v6  }
0x12d: {  	[tilespmem:$0x9C20] =	vst v6  }
0x12e: {  	v6 =	vld [tilespmem:s3+$0xFFFFFFB0];
	_ =	sdelay $0x4  }
0x12f: {  	vm3 =	veq.s32 v6, v5  }
0x130: {  	vm9 =	veq.s32 v6, v4;
	v6 =	vsel vm3, v0, v6  }
0x131: {  	v6 =	vsel vm9, v1, v6  }
0x132: {  	[tilespmem:$0x9C30] =	vst v6  }
0x133: {  	v6 =	vld [tilespmem:s3+$0xFFFFFFC0];
	_ =	sdelay $0x4  }
0x134: {  	vm3 =	veq.s32 v6, v5  }
0x135: {  	vm10 =	veq.s32 v6, v4;
	v6 =	vsel vm3, v0, v6  }
0x136: {  	v6 =	vsel vm10, v1, v6  }
0x137: {  	[tilespmem:$0x9C40] =	vst v6  }
0x138: {  	[spmem:s11] =	stream.indirect.scatter.add.f32 [tilespmem:s12], [sflag:$0x3], $0x80, s7, s6, $0xb8;
	[tilespmem:$0x1DF00] =	vst v63  }
0x139: {  	_ =	swait.ge [sflag:s31], $0x2800  }
0x13a: {  	[sflag:s31] =	ssyncset.done $0x0  }
0x13b: {  	[sflag:s31] =	ssyncadd.s32 $0xFFFFD800  }
0x13c: {  	[spmem:s14] =	stream.indirect.scatter.add.f32 [tilespmem:s8], [sflag:$0x3], $0x1, s7, s6, $0xb8;
	[tilespmem:$0x1DF00] =	vst v63  }
0x13d: {  	_ =	swait.ge [sflag:s31], $0x50  }
0x13e: {  	[sflag:s31] =	ssyncset.done $0x0  }
0x13f: {  	[sflag:s31] =	ssyncadd.s32 $0xFFFFFFB0  }
0x140: {  	[tilespmem:s12], [sflag:$0x1] =	stream.linear.gather [hbm4b:s30+s1], $0x2800, $0x38;
	[tilespmem:$0x1DF00] =	vst v63  }
0x141: {  	_ =	swait.ge [sflag:s9], $0x2800  }
0x142: {  	[sflag:s9] =	ssyncset.done $0x0  }
0x143: {  	[sflag:s9] =	ssyncadd.s32 $0xFFFFD800  }
0x144: {  	v6 =	vld [tilespmem:s3+$0x0];
	_ =	sdelay $0x4  }
0x145: {  	vm3 =	veq.s32 v6, v5  }
0x146: {  	vm11 =	veq.s32 v6, v4;
	v6 =	vsel vm3, v0, v6  }
0x147: {  	v6 =	vsel vm11, v1, v6  }
0x148: {  	[tilespmem:$0x9C00] =	vst v6  }
0x149: {  	v6 =	vld [tilespmem:s3+$0x10];
	_ =	sdelay $0x4  }
0x14a: {  	vm3 =	veq.s32 v6, v5  }
0x14b: {  	vm12 =	veq.s32 v6, v4;
	v6 =	vsel vm3, v0, v6  }
0x14c: {  	v6 =	vsel vm12, v1, v6  }
0x14d: {  	[tilespmem:$0x9C10] =	vst v6  }
0x14e: {  	v6 =	vld [tilespmem:s3+$0x20];
	_ =	sdelay $0x4  }
0x14f: {  	vm3 =	veq.s32 v6, v5  }
0x150: {  	vm13 =	veq.s32 v6, v4;
	v6 =	vsel vm3, v0, v6  }
0x151: {  	v6 =	vsel vm13, v1, v6  }
0x152: {  	[tilespmem:$0x9C20] =	vst v6  }
0x153: {  	v6 =	vld [tilespmem:s3+$0x30];
	_ =	sdelay $0x4  }
0x154: {  	vm3 =	veq.s32 v6, v5  }
0x155: {  	vm14 =	veq.s32 v6, v4;
	v6 =	vsel vm3, v0, v6  }
0x156: {  	v6 =	vsel vm14, v1, v6  }
0x157: {  	[tilespmem:$0x9C30] =	vst v6  }
0x158: {  	v6 =	vld [tilespmem:s3+$0x40];
	_ =	sdelay $0x4  }
0x159: {  	vm3 =	veq.s32 v6, v5  }
0x15a: {  	vm15 =	veq.s32 v6, v4;
	v6 =	vsel vm3, v0, v6  }
0x15b: {  	v6 =	vsel vm15, v1, v6  }
0x15c: {  	[tilespmem:$0x9C40] =	vst v6  }
0x15d: {  	[spmem:s11] =	stream.indirect.scatter.add.f32 [tilespmem:s4], [sflag:$0x3], $0x80, s7, s6, $0xb8;
	[tilespmem:$0x1DF00] =	vst v63  }
0x15e: {  	_ =	swait.ge [sflag:s31], $0x2800  }
0x15f: {  	s2 =	smin.u32 s2, $0x79;
	[sflag:s31] =	ssyncset.done $0x0  }
0x160: {  	s2 =	smul.u32 $0x50, s2;
	[sflag:s31] =	ssyncadd.s32 $0xFFFFD800  }
0x161: {  	[spmem:s14] =	stream.indirect.scatter.add.f32 [tilespmem:s8], [sflag:$0x3], $0x1, s7, s6, $0xb8;
	[tilespmem:$0x1DF00] =	vst v63  }
0x162: {  	s29 =	simm.s32 $0x180;
	s2 =	sadd.s32 s2, s26;
	_ =	swait.ge [sflag:s31], $0x50  }
0x163: {  	s28 =	simm.s32 $0x2;
	s2 =	sshll.u32 s2, $0x4;
	[sflag:s31] =	ssyncset.done $0x0  }
0x164: {  	s2 =	sadd.s32 s0, s2;
	s3 =	sadd.s32 $0xA00, s30;
	[sflag:s31] =	ssyncadd.s32 $0xFFFFFFB0  }
.LBB2_4:
0x165: {  	[tilespmem:s4], [sflag:$0x2] =	stream.linear.gather [hbm4b:s2+s1], $0x2800, $0x38;
	[tilespmem:$0x1DF00] =	vst v63  }
0x166: {  	p1 =	sne.s32 s28, $0x7A;
	s2 =	smov.u32 s28;
	s28 =	sadd.s32 $0x2, s28  }
0x167: {  	_ =	swait.ge [sflag:s5], $0x2800  }
0x168: {  	[sflag:s5] =	ssyncset.done $0x0  }
0x169: {  	[sflag:s5] =	ssyncadd.s32 $0xFFFFD800  }
0x16a: {  	v6 =	vld [tilespmem:s29+$0xFFFFFF80];
	_ =	sdelay $0x4  }
0x16b: {  	vm3 =	veq.s32 v6, v5  }
0x16c: {  	vm4 =	veq.s32 v6, v4;
	v6 =	vsel vm3, v0, v6  }
0x16d: {  	v6 =	vsel vm4, v1, v6  }
0x16e: {  	[tilespmem:$0x9C00] =	vst v6  }
0x16f: {  	v6 =	vld [tilespmem:s29+$0xFFFFFF90];
	_ =	sdelay $0x4  }
0x170: {  	vm3 =	veq.s32 v6, v5  }
0x171: {  	vm4 =	veq.s32 v6, v4;
	v6 =	vsel vm3, v0, v6  }
0x172: {  	v6 =	vsel vm4, v1, v6  }
0x173: {  	[tilespmem:$0x9C10] =	vst v6  }
0x174: {  	v6 =	vld [tilespmem:s29+$0xFFFFFFA0];
	_ =	sdelay $0x4  }
0x175: {  	vm3 =	veq.s32 v6, v5  }
0x176: {  	vm4 =	veq.s32 v6, v4;
	v6 =	vsel vm3, v0, v6  }
0x177: {  	v6 =	vsel vm4, v1, v6  }
0x178: {  	[tilespmem:$0x9C20] =	vst v6  }
0x179: {  	v6 =	vld [tilespmem:s29+$0xFFFFFFB0];
	_ =	sdelay $0x4  }
0x17a: {  	vm3 =	veq.s32 v6, v5  }
0x17b: {  	vm4 =	veq.s32 v6, v4;
	v6 =	vsel vm3, v0, v6  }
0x17c: {  	v6 =	vsel vm4, v1, v6  }
0x17d: {  	[tilespmem:$0x9C30] =	vst v6  }
0x17e: {  	v6 =	vld [tilespmem:s29+$0xFFFFFFC0];
	_ =	sdelay $0x4  }
0x17f: {  	vm3 =	veq.s32 v6, v5  }
0x180: {  	vm4 =	veq.s32 v6, v4;
	v6 =	vsel vm3, v0, v6  }
0x181: {  	v6 =	vsel vm4, v1, v6  }
0x182: {  	[tilespmem:$0x9C40] =	vst v6  }
0x183: {  	[spmem:s11] =	stream.indirect.scatter.add.f32 [tilespmem:s12], [sflag:$0x3], $0x80, s7, s6, $0xb8;
	[tilespmem:$0x1DF00] =	vst v63  }
0x184: {  	_ =	swait.ge [sflag:s31], $0x2800  }
0x185: {  	[sflag:s31] =	ssyncset.done $0x0  }
0x186: {  	[sflag:s31] =	ssyncadd.s32 $0xFFFFD800  }
0x187: {  	[spmem:s14] =	stream.indirect.scatter.add.f32 [tilespmem:s8], [sflag:$0x3], $0x1, s7, s6, $0xb8;
	[tilespmem:$0x1DF00] =	vst v63  }
0x188: {  	_ =	swait.ge [sflag:s31], $0x50  }
0x189: {  	[sflag:s31] =	ssyncset.done $0x0  }
0x18a: {  	[sflag:s31] =	ssyncadd.s32 $0xFFFFFFB0  }
0x18b: {  	[tilespmem:s12], [sflag:$0x1] =	stream.linear.gather [hbm4b:s3+s1], $0x2800, $0x38;
	[tilespmem:$0x1DF00] =	vst v63  }
0x18c: {  	_ =	swait.ge [sflag:s9], $0x2800  }
0x18d: {  	[sflag:s9] =	ssyncset.done $0x0  }
0x18e: {  	[sflag:s9] =	ssyncadd.s32 $0xFFFFD800  }
0x18f: {  	v6 =	vld [tilespmem:s29+$0x0];
	_ =	sdelay $0x4  }
0x190: {  	vm3 =	veq.s32 v6, v5  }
0x191: {  	vm4 =	veq.s32 v6, v4;
	v6 =	vsel vm3, v0, v6  }
0x192: {  	v6 =	vsel vm4, v1, v6  }
0x193: {  	[tilespmem:$0x9C00] =	vst v6  }
0x194: {  	v6 =	vld [tilespmem:s29+$0x10];
	_ =	sdelay $0x4  }
0x195: {  	vm3 =	veq.s32 v6, v5  }
0x196: {  	vm4 =	veq.s32 v6, v4;
	v6 =	vsel vm3, v0, v6  }
0x197: {  	v6 =	vsel vm4, v1, v6  }
0x198: {  	[tilespmem:$0x9C10] =	vst v6  }
0x199: {  	v6 =	vld [tilespmem:s29+$0x20];
	_ =	sdelay $0x4  }
0x19a: {  	vm3 =	veq.s32 v6, v5  }
0x19b: {  	vm4 =	veq.s32 v6, v4;
	v6 =	vsel vm3, v0, v6  }
0x19c: {  	v6 =	vsel vm4, v1, v6  }
0x19d: {  	[tilespmem:$0x9C20] =	vst v6  }
0x19e: {  	v6 =	vld [tilespmem:s29+$0x30];
	_ =	sdelay $0x4  }
0x19f: {  	vm3 =	veq.s32 v6, v5  }
0x1a0: {  	vm4 =	veq.s32 v6, v4;
	v6 =	vsel vm3, v0, v6  }
0x1a1: {  	v6 =	vsel vm4, v1, v6  }
0x1a2: {  	[tilespmem:$0x9C30] =	vst v6  }
0x1a3: {  	v6 =	vld [tilespmem:s29+$0x40];
	_ =	sdelay $0x4  }
0x1a4: {  	vm3 =	veq.s32 v6, v5  }
0x1a5: {  	vm4 =	veq.s32 v6, v4;
	v6 =	vsel vm3, v0, v6  }
0x1a6: {  	v6 =	vsel vm4, v1, v6  }
0x1a7: {  	[tilespmem:$0x9C40] =	vst v6  }
0x1a8: {  	[spmem:s11] =	stream.indirect.scatter.add.f32 [tilespmem:s4], [sflag:$0x3], $0x80, s7, s6, $0xb8;
	[tilespmem:$0x1DF00] =	vst v63  }
0x1a9: {  	s2 =	smin.u32 s2, $0x79;
	_ =	swait.ge [sflag:s31], $0x2800  }
0x1aa: {  	s2 =	smul.u32 $0x50, s2;
	[sflag:s31] =	ssyncset.done $0x0  }
.Ltmp3:
0x1ab: {  	[sflag:s31] =	ssyncadd.s32 $0xFFFFD800;
	(pc) =	sbr.rel @p1 .LBB2_4-.Ltmp3, $4  }
0x1ac: {  	[spmem:s14] =	stream.indirect.scatter.add.f32 [tilespmem:s8], [sflag:$0x3], $0x1, s7, s6, $0xb8;
	[tilespmem:$0x1DF00] =	vst v63  }
0x1ad: {  	s2 =	sadd.s32 s2, s26;
	_ =	swait.ge [sflag:s31], $0x50  }
0x1ae: {  	s2 =	sshll.u32 s2, $0x4;
	s29 =	sadd.s32 $0x100, s29;
	[sflag:s31] =	ssyncset.done $0x0  }
0x1af: {  	s2 =	sadd.s32 s0, s2;
	s3 =	sadd.s32 $0xA00, s3;
	[sflag:s31] =	ssyncadd.s32 $0xFFFFFFB0  }
0x1b0: {  	[tilespmem:s4], [sflag:$0x2] =	stream.linear.gather [hbm4b:s2+s1], $0x2800, $0x38;
	[tilespmem:$0x1DF00] =	vst v63  }
0x1b1: {  	_ =	swait.ge [sflag:s5], $0x2800  }
0x1b2: {  	[sflag:s5] =	ssyncset.done $0x0  }
0x1b3: {  	[sflag:s5] =	ssyncadd.s32 $0xFFFFD800  }
0x1b4: {  	v6 =	vld [tilespmem:$0x3E00]  }
0x1b5: {  	v7 =	vld [tilespmem:$0x3E10]  }
0x1b6: {  	v8 =	vld [tilespmem:$0x3E20];
	_ =	sdelay $0x1  }
0x1b7: {  	v9 =	vld [tilespmem:$0x3E30]  }
0x1b8: {  	v10 =	vld [tilespmem:$0x3E40];
	vm3 =	veq.s32 v6, v5  }
0x1b9: {  	vm4 =	veq.s32 v6, v4;
	v6 =	vsel vm3, v0, v6;
	vm3 =	veq.s32 v7, v5  }
0x1ba: {  	vm13 =	veq.s32 v7, v4;
	v11 =	vsel vm3, v0, v7;
	vm3 =	veq.s32 v8, v5  }
0x1bb: {  	v6 =	vsel vm4, v1, v6;
	v61 =	vsel vm3, v0, v8;
	vm3 =	veq.s32 v8, v4  }
0x1bc: {  	[tilespmem:$0x9C00] =	vst v6;
	v62 =	vsel vm13, v1, v11;
	v7 =	vsel vm3, v1, v61;
	vm3 =	veq.s32 v9, v5  }
0x1bd: {  	vm14 =	veq.s32 v9, v4;
	[tilespmem:$0x9C10] =	vst v62;
	v63 =	vsel vm3, v0, v9;
	vm3 =	veq.s32 v10, v5  }
0x1be: {  	vm15 =	veq.s32 v10, v4;
	[tilespmem:$0x9C20] =	vst v7;
	v5 =	vsel vm14, v1, v63;
	v4 =	vsel vm3, v0, v10  }
0x1bf: {  	[tilespmem:$0x9C30] =	vst v5;
	v4 =	vsel vm15, v1, v4  }
0x1c0: {  	[tilespmem:$0x9C40] =	vst v4  }
0x1c1: {  	[spmem:s11] =	stream.indirect.scatter.add.f32 [tilespmem:s12], [sflag:$0x3], $0x80, s7, s6, $0xb8;
	[tilespmem:$0x1DF00] =	vst v63  }
0x1c2: {  	_ =	swait.ge [sflag:s31], $0x2800  }
0x1c3: {  	[sflag:s31] =	ssyncset.done $0x0  }
0x1c4: {  	[sflag:s31] =	ssyncadd.s32 $0xFFFFD800  }
0x1c5: {  	[spmem:s14] =	stream.indirect.scatter.add.f32 [tilespmem:s8], [sflag:$0x3], $0x1, s7, s6, $0xb8;
	[tilespmem:$0x1DF00] =	vst v63  }
0x1c6: {  	_ =	swait.ge [sflag:s31], $0x50  }
0x1c7: {  	[sflag:s31] =	ssyncset.done $0x0  }
0x1c8: {  	[sflag:s31] =	ssyncadd.s32 $0xFFFFFFB0  }
.Ltmp4:
0x1c9: {  	_ =	swait.ge [sflag:s9], $0x2800;
	(pc) =	sbr.rel @p0 .LBB2_7-.Ltmp4, $3  }
0x1ca: {  	[sflag:s9] =	ssyncset.done $0x0  }
0x1cb: {  	[sflag:s9] =	ssyncadd.s32 $0xFFFFD800  }
0x1cc: {  	[bflag:$0x0] =	sbarrier.arrive $0xFFFF;
	_ =	sdelay $0x1  }
0x1cd: {  	s2 =	rddreg [dreg:$0x7]  }
0x1ce: {  	[tilespmem:s10], [sflag:$0x3] =	stream.linear.gather [hbm4b:s2+s1], $0x10, $0x38;
	[tilespmem:$0x1DF00] =	vst v63  }
0x1cf: {  	_ =	swait.ge [sflag:s31], $0x10  }
0x1d0: {  	[sflag:s31] =	ssyncset.done $0x0  }
0x1d1: {  	s3 =	rddreg [dreg:$0x14];
	[sflag:s31] =	ssyncadd.s32 $0xFFFFFFF0  }
0x1d2: {  	v4 =	vld [tilespmem:$0x9300];
	[tilespmem:s10], [sflag:$0x3] =	stream.linear.gather [hbm4b:s3+s1], $0x40, $0x38  }
0x1d3: {  	_ =	swait.ge [sflag:s31], $0x40  }
0x1d4: {  	[sflag:s31] =	ssyncset.done $0x0  }
0x1d5: {  	[sflag:s31] =	ssyncadd.s32 $0xFFFFFFC0  }
0x1d6: {  	v5 =	vld [tilespmem:$0x9300];
	_ =	sdelay $0x4  }
0x1d7: {  	v5 =	vbroadcast v5, $0xF;
	_ =	sdelay $0x1  }
0x1d8: {  	v5 =	vnsel vm0, $0x27D8, v5  }
0x1d9: {  	s28 =	rddreg [dreg:$0x15];
	v4 =	vsel vm1, v4, v5  }
0x1da: {  	[tilespmem:s13], [sflag:$0x3] =	stream.linear.gather [spmem:s28], $0x800, $0x38;
	[tilespmem:$0x1DF00] =	vst v63  }
0x1db: {  	_ =	swait.ge [sflag:s31], $0x800  }
0x1dc: {  	[sflag:s31] =	ssyncset.done $0x0  }
0x1dd: {  	[sflag:s31] =	ssyncadd.s32 $0xFFFFF800  }
0x1de: {  	[spmem:s11] =	stream.indirect_vreg.scatter.add.f32 [tilespmem:s13], [sflag:$0x3], $0x80, v4, vm2, $0xb8;
	[tilespmem:$0x1DF00] =	vst v63  }
0x1df: {  	_ =	swait.ge [sflag:s31], $0x800  }
0x1e0: {  	[sflag:s31] =	ssyncset.done $0x0  }
0x1e1: {  	s29 =	rddreg [dreg:$0x16];
	[sflag:s31] =	ssyncadd.s32 $0xFFFFF800  }
0x1e2: {  	[tilespmem:s24], [sflag:$0x3] =	stream.linear.gather [spmem:s29], $0x10, $0x38;
	[tilespmem:$0x1DF00] =	vst v63  }
0x1e3: {  	_ =	swait.ge [sflag:s31], $0x10  }
0x1e4: {  	[sflag:s31] =	ssyncset.done $0x0  }
0x1e5: {  	[sflag:s31] =	ssyncadd.s32 $0xFFFFFFF0  }
0x1e6: {  	[spmem:s14] =	stream.indirect_vreg.scatter.add.f32 [tilespmem:s24], [sflag:$0x3], $0x1, v4, vm2, $0xb8;
	[tilespmem:$0x1DF00] =	vst v63  }
0x1e7: {  	_ =	swait.ge [sflag:s31], $0x10  }
0x1e8: {  	[sflag:s31] =	ssyncset.done $0x0  }
0x1e9: {  	s3 =	rddreg [dreg:$0x17];
	[sflag:s31] =	ssyncadd.s32 $0xFFFFFFF0  }
0x1ea: {  	[tilespmem:s10], [sflag:$0x3] =	stream.linear.gather [hbm4b:s3+s1], $0x10, $0x38;
	[tilespmem:$0x1DF00] =	vst v63  }
0x1eb: {  	_ =	swait.ge [sflag:s31], $0x10  }
0x1ec: {  	[sflag:s31] =	ssyncset.done $0x0  }
0x1ed: {  	s28 =	rddreg [dreg:$0x18];
	[sflag:s31] =	ssyncadd.s32 $0xFFFFFFF0  }
0x1ee: {  	v4 =	vld [tilespmem:$0x9300];
	[tilespmem:s10], [sflag:$0x3] =	stream.linear.gather [hbm4b:s28+s1], $0x40, $0x38  }
0x1ef: {  	_ =	swait.ge [sflag:s31], $0x40  }
0x1f0: {  	[sflag:s31] =	ssyncset.done $0x0  }
0x1f1: {  	[sflag:s31] =	ssyncadd.s32 $0xFFFFFFC0  }
0x1f2: {  	v5 =	vld [tilespmem:$0x9300];
	_ =	sdelay $0x4  }
0x1f3: {  	v5 =	vbroadcast v5, $0xF;
	_ =	sdelay $0x1  }
0x1f4: {  	v5 =	vnsel vm0, $0x27D8, v5  }
0x1f5: {  	s29 =	rddreg [dreg:$0x19];
	v4 =	vsel vm1, v4, v5  }
0x1f6: {  	[tilespmem:s13], [sflag:$0x3] =	stream.linear.gather [spmem:s29], $0x800, $0x38;
	[tilespmem:$0x1DF00] =	vst v63  }
0x1f7: {  	_ =	swait.ge [sflag:s31], $0x800  }
0x1f8: {  	[sflag:s31] =	ssyncset.done $0x0  }
0x1f9: {  	[sflag:s31] =	ssyncadd.s32 $0xFFFFF800  }
0x1fa: {  	[spmem:s11] =	stream.indirect_vreg.scatter.add.f32 [tilespmem:s13], [sflag:$0x3], $0x80, v4, vm2, $0xb8;
	[tilespmem:$0x1DF00] =	vst v63  }
0x1fb: {  	_ =	swait.ge [sflag:s31], $0x800  }
0x1fc: {  	[sflag:s31] =	ssyncset.done $0x0  }
0x1fd: {  	s3 =	rddreg [dreg:$0x1a];
	[sflag:s31] =	ssyncadd.s32 $0xFFFFF800  }
0x1fe: {  	[tilespmem:s24], [sflag:$0x3] =	stream.linear.gather [spmem:s3], $0x10, $0x38;
	[tilespmem:$0x1DF00] =	vst v63  }
0x1ff: {  	_ =	swait.ge [sflag:s31], $0x10  }
0x200: {  	[sflag:s31] =	ssyncset.done $0x0  }
0x201: {  	[sflag:s31] =	ssyncadd.s32 $0xFFFFFFF0  }
0x202: {  	[spmem:s14] =	stream.indirect_vreg.scatter.add.f32 [tilespmem:s24], [sflag:$0x3], $0x1, v4, vm2, $0xb8;
	[tilespmem:$0x1DF00] =	vst v63  }
0x203: {  	_ =	swait.ge [sflag:s31], $0x10  }
0x204: {  	[sflag:s31] =	ssyncset.done $0x0  }
0x205: {  	s28 =	rddreg [dreg:$0x1b];
	[sflag:s31] =	ssyncadd.s32 $0xFFFFFFF0  }
0x206: {  	[tilespmem:s10], [sflag:$0x3] =	stream.linear.gather [hbm4b:s28+s1], $0x10, $0x38;
	[tilespmem:$0x1DF00] =	vst v63  }
0x207: {  	_ =	swait.ge [sflag:s31], $0x10  }
0x208: {  	[sflag:s31] =	ssyncset.done $0x0  }
0x209: {  	s29 =	rddreg [dreg:$0x1c];
	[sflag:s31] =	ssyncadd.s32 $0xFFFFFFF0  }
0x20a: {  	v4 =	vld [tilespmem:$0x9300];
	[tilespmem:s10], [sflag:$0x3] =	stream.linear.gather [hbm4b:s29+s1], $0x40, $0x38  }
0x20b: {  	_ =	swait.ge [sflag:s31], $0x40  }
0x20c: {  	[sflag:s31] =	ssyncset.done $0x0  }
0x20d: {  	[sflag:s31] =	ssyncadd.s32 $0xFFFFFFC0  }
0x20e: {  	v5 =	vld [tilespmem:$0x9300];
	_ =	sdelay $0x4  }
0x20f: {  	v5 =	vbroadcast v5, $0xF;
	_ =	sdelay $0x1  }
0x210: {  	v5 =	vnsel vm0, $0x27D8, v5  }
0x211: {  	s3 =	rddreg [dreg:$0x1d];
	v4 =	vsel vm1, v4, v5  }
0x212: {  	[tilespmem:s13], [sflag:$0x3] =	stream.linear.gather [spmem:s3], $0x800, $0x38;
	[tilespmem:$0x1DF00] =	vst v63  }
0x213: {  	_ =	swait.ge [sflag:s31], $0x800  }
0x214: {  	[sflag:s31] =	ssyncset.done $0x0  }
0x215: {  	[sflag:s31] =	ssyncadd.s32 $0xFFFFF800  }
0x216: {  	[spmem:s11] =	stream.indirect_vreg.scatter.add.f32 [tilespmem:s13], [sflag:$0x3], $0x80, v4, vm2, $0xb8;
	[tilespmem:$0x1DF00] =	vst v63  }
0x217: {  	_ =	swait.ge [sflag:s31], $0x800  }
0x218: {  	[sflag:s31] =	ssyncset.done $0x0  }
0x219: {  	s28 =	rddreg [dreg:$0x1e];
	[sflag:s31] =	ssyncadd.s32 $0xFFFFF800  }
0x21a: {  	[tilespmem:s24], [sflag:$0x3] =	stream.linear.gather [spmem:s28], $0x10, $0x38;
	[tilespmem:$0x1DF00] =	vst v63  }
0x21b: {  	_ =	swait.ge [sflag:s31], $0x10  }
0x21c: {  	[sflag:s31] =	ssyncset.done $0x0  }
0x21d: {  	[sflag:s31] =	ssyncadd.s32 $0xFFFFFFF0  }
0x21e: {  	[spmem:s14] =	stream.indirect_vreg.scatter.add.f32 [tilespmem:s24], [sflag:$0x3], $0x1, v4, vm2, $0xb8;
	[tilespmem:$0x1DF00] =	vst v63  }
0x21f: {  	_ =	swait.ge [sflag:s31], $0x10  }
0x220: {  	[sflag:s31] =	ssyncset.done $0x0  }
0x221: {  	s29 =	rddreg [dreg:$0x1f];
	[sflag:s31] =	ssyncadd.s32 $0xFFFFFFF0  }
0x222: {  	[tilespmem:s10], [sflag:$0x3] =	stream.linear.gather [hbm4b:s29+s1], $0x10, $0x38;
	[tilespmem:$0x1DF00] =	vst v63  }
0x223: {  	_ =	swait.ge [sflag:s31], $0x10  }
0x224: {  	s3 =	sld [smem:$0x7CB]  }
0x225: {  	[sflag:s31] =	ssyncset.done $0x0  }
0x226: {  	[sflag:s31] =	ssyncadd.s32 $0xFFFFFFF0  }
0x227: {  	v4 =	vld [tilespmem:$0x9300];
	[tilespmem:s10], [sflag:$0x3] =	stream.linear.gather [hbm4b:s3+s1], $0x40, $0x38  }
0x228: {  	_ =	swait.ge [sflag:s31], $0x40  }
0x229: {  	[sflag:s31] =	ssyncset.done $0x0  }
0x22a: {  	[sflag:s31] =	ssyncadd.s32 $0xFFFFFFC0  }
0x22b: {  	v5 =	vld [tilespmem:$0x9300];
	_ =	sdelay $0x4  }
0x22c: {  	v5 =	vbroadcast v5, $0xF  }
0x22d: {  	s28 =	sld [smem:$0x7CC]  }
0x22e: {  	v5 =	vnsel vm0, $0x27D8, v5  }
0x22f: {  	v4 =	vsel vm1, v4, v5  }
0x230: {  	[tilespmem:s13], [sflag:$0x3] =	stream.linear.gather [spmem:s28], $0x800, $0x38;
	[tilespmem:$0x1DF00] =	vst v63  }
0x231: {  	_ =	swait.ge [sflag:s31], $0x800  }
0x232: {  	[sflag:s31] =	ssyncset.done $0x0  }
0x233: {  	[sflag:s31] =	ssyncadd.s32 $0xFFFFF800  }
0x234: {  	[spmem:s11] =	stream.indirect_vreg.scatter.add.f32 [tilespmem:s13], [sflag:$0x3], $0x80, v4, vm2, $0xb8;
	[tilespmem:$0x1DF00] =	vst v63  }
0x235: {  	_ =	swait.ge [sflag:s31], $0x800  }
0x236: {  	s29 =	sld [smem:$0x7CD]  }
0x237: {  	[sflag:s31] =	ssyncset.done $0x0  }
0x238: {  	[sflag:s31] =	ssyncadd.s32 $0xFFFFF800  }
0x239: {  	[tilespmem:s24], [sflag:$0x3] =	stream.linear.gather [spmem:s29], $0x10, $0x38;
	[tilespmem:$0x1DF00] =	vst v63  }
0x23a: {  	_ =	swait.ge [sflag:s31], $0x10  }
0x23b: {  	[sflag:s31] =	ssyncset.done $0x0  }
0x23c: {  	[sflag:s31] =	ssyncadd.s32 $0xFFFFFFF0  }
0x23d: {  	[spmem:s14] =	stream.indirect_vreg.scatter.add.f32 [tilespmem:s24], [sflag:$0x3], $0x1, v4, vm2, $0xb8;
	[tilespmem:$0x1DF00] =	vst v63  }
0x23e: {  	_ =	swait.ge [sflag:s31], $0x10  }
0x23f: {  	s3 =	sld [smem:$0x7CE]  }
0x240: {  	[sflag:s31] =	ssyncset.done $0x0  }
0x241: {  	[sflag:s31] =	ssyncadd.s32 $0xFFFFFFF0  }
0x242: {  	[tilespmem:s10], [sflag:$0x3] =	stream.linear.gather [hbm4b:s3+s1], $0x10, $0x38;
	[tilespmem:$0x1DF00] =	vst v63  }
0x243: {  	_ =	swait.ge [sflag:s31], $0x10  }
0x244: {  	s28 =	sld [smem:$0x7CF]  }
0x245: {  	[sflag:s31] =	ssyncset.done $0x0  }
0x246: {  	[sflag:s31] =	ssyncadd.s32 $0xFFFFFFF0  }
0x247: {  	v4 =	vld [tilespmem:$0x9300];
	[tilespmem:s10], [sflag:$0x3] =	stream.linear.gather [hbm4b:s28+s1], $0x40, $0x38  }
0x248: {  	_ =	swait.ge [sflag:s31], $0x40  }
0x249: {  	[sflag:s31] =	ssyncset.done $0x0  }
0x24a: {  	[sflag:s31] =	ssyncadd.s32 $0xFFFFFFC0  }
0x24b: {  	v5 =	vld [tilespmem:$0x9300];
	_ =	sdelay $0x4  }
0x24c: {  	v5 =	vbroadcast v5, $0xF  }
0x24d: {  	s29 =	sld [smem:$0x7D0]  }
0x24e: {  	v5 =	vnsel vm0, $0x27D8, v5  }
0x24f: {  	v4 =	vsel vm1, v4, v5  }
0x250: {  	[tilespmem:s13], [sflag:$0x3] =	stream.linear.gather [spmem:s29], $0x800, $0x38;
	[tilespmem:$0x1DF00] =	vst v63  }
0x251: {  	_ =	swait.ge [sflag:s31], $0x800  }
0x252: {  	[sflag:s31] =	ssyncset.done $0x0  }
0x253: {  	[sflag:s31] =	ssyncadd.s32 $0xFFFFF800  }
0x254: {  	[spmem:s11] =	stream.indirect_vreg.scatter.add.f32 [tilespmem:s13], [sflag:$0x3], $0x80, v4, vm2, $0xb8;
	[tilespmem:$0x1DF00] =	vst v63  }
0x255: {  	_ =	swait.ge [sflag:s31], $0x800  }
0x256: {  	s3 =	sld [smem:$0x7D1]  }
0x257: {  	[sflag:s31] =	ssyncset.done $0x0  }
0x258: {  	[sflag:s31] =	ssyncadd.s32 $0xFFFFF800  }
0x259: {  	[tilespmem:s24], [sflag:$0x3] =	stream.linear.gather [spmem:s3], $0x10, $0x38;
	[tilespmem:$0x1DF00] =	vst v63  }
0x25a: {  	_ =	swait.ge [sflag:s31], $0x10  }
0x25b: {  	[sflag:s31] =	ssyncset.done $0x0  }
0x25c: {  	[sflag:s31] =	ssyncadd.s32 $0xFFFFFFF0  }
0x25d: {  	[spmem:s14] =	stream.indirect_vreg.scatter.add.f32 [tilespmem:s24], [sflag:$0x3], $0x1, v4, vm2, $0xb8;
	[tilespmem:$0x1DF00] =	vst v63  }
0x25e: {  	_ =	swait.ge [sflag:s31], $0x10  }
0x25f: {  	s28 =	sld [smem:$0x7D2]  }
0x260: {  	[sflag:s31] =	ssyncset.done $0x0  }
0x261: {  	[sflag:s31] =	ssyncadd.s32 $0xFFFFFFF0  }
0x262: {  	[tilespmem:s10], [sflag:$0x3] =	stream.linear.gather [hbm4b:s28+s1], $0x10, $0x38;
	[tilespmem:$0x1DF00] =	vst v63  }
0x263: {  	_ =	swait.ge [sflag:s31], $0x10  }
0x264: {  	s29 =	sld [smem:$0x7D3]  }
0x265: {  	[sflag:s31] =	ssyncset.done $0x0  }
0x266: {  	[sflag:s31] =	ssyncadd.s32 $0xFFFFFFF0  }
0x267: {  	v4 =	vld [tilespmem:$0x9300];
	[tilespmem:s10], [sflag:$0x3] =	stream.linear.gather [hbm4b:s29+s1], $0x40, $0x38  }
0x268: {  	_ =	swait.ge [sflag:s31], $0x40  }
0x269: {  	[sflag:s31] =	ssyncset.done $0x0  }
0x26a: {  	[sflag:s31] =	ssyncadd.s32 $0xFFFFFFC0  }
0x26b: {  	v5 =	vld [tilespmem:$0x9300];
	_ =	sdelay $0x4  }
0x26c: {  	v5 =	vbroadcast v5, $0xF  }
0x26d: {  	s3 =	sld [smem:$0x7D4]  }
0x26e: {  	v5 =	vnsel vm0, $0x27D8, v5  }
0x26f: {  	v4 =	vsel vm1, v4, v5  }
0x270: {  	[tilespmem:s13], [sflag:$0x3] =	stream.linear.gather [spmem:s3], $0x800, $0x38;
	[tilespmem:$0x1DF00] =	vst v63  }
0x271: {  	_ =	swait.ge [sflag:s31], $0x800  }
0x272: {  	[sflag:s31] =	ssyncset.done $0x0  }
0x273: {  	[sflag:s31] =	ssyncadd.s32 $0xFFFFF800  }
0x274: {  	[spmem:s11] =	stream.indirect_vreg.scatter.add.f32 [tilespmem:s13], [sflag:$0x3], $0x80, v4, vm2, $0xb8;
	[tilespmem:$0x1DF00] =	vst v63  }
0x275: {  	_ =	swait.ge [sflag:s31], $0x800  }
0x276: {  	s28 =	sld [smem:$0x7D5]  }
0x277: {  	[sflag:s31] =	ssyncset.done $0x0  }
0x278: {  	[sflag:s31] =	ssyncadd.s32 $0xFFFFF800  }
0x279: {  	[tilespmem:s24], [sflag:$0x3] =	stream.linear.gather [spmem:s28], $0x10, $0x38;
	[tilespmem:$0x1DF00] =	vst v63  }
0x27a: {  	_ =	swait.ge [sflag:s31], $0x10  }
0x27b: {  	[sflag:s31] =	ssyncset.done $0x0  }
0x27c: {  	[sflag:s31] =	ssyncadd.s32 $0xFFFFFFF0  }
0x27d: {  	[spmem:s14] =	stream.indirect_vreg.scatter.add.f32 [tilespmem:s24], [sflag:$0x3], $0x1, v4, vm2, $0xb8;
	[tilespmem:$0x1DF00] =	vst v63  }
0x27e: {  	_ =	swait.ge [sflag:s31], $0x10  }
0x27f: {  	s29 =	sld [smem:$0x7D6]  }
0x280: {  	[sflag:s31] =	ssyncset.done $0x0  }
0x281: {  	[sflag:s31] =	ssyncadd.s32 $0xFFFFFFF0  }
0x282: {  	[tilespmem:s10], [sflag:$0x3] =	stream.linear.gather [hbm4b:s29+s1], $0x10, $0x38;
	[tilespmem:$0x1DF00] =	vst v63  }
0x283: {  	_ =	swait.ge [sflag:s31], $0x10  }
0x284: {  	s3 =	sld [smem:$0x7D7]  }
0x285: {  	[sflag:s31] =	ssyncset.done $0x0  }
0x286: {  	[sflag:s31] =	ssyncadd.s32 $0xFFFFFFF0  }
0x287: {  	v4 =	vld [tilespmem:$0x9300];
	[tilespmem:s10], [sflag:$0x3] =	stream.linear.gather [hbm4b:s3+s1], $0x40, $0x38  }
0x288: {  	_ =	swait.ge [sflag:s31], $0x40  }
0x289: {  	[sflag:s31] =	ssyncset.done $0x0  }
0x28a: {  	[sflag:s31] =	ssyncadd.s32 $0xFFFFFFC0  }
0x28b: {  	v5 =	vld [tilespmem:$0x9300];
	_ =	sdelay $0x4  }
0x28c: {  	v5 =	vbroadcast v5, $0xF  }
0x28d: {  	s28 =	sld [smem:$0x7D8]  }
0x28e: {  	v5 =	vnsel vm0, $0x27D8, v5  }
0x28f: {  	v4 =	vsel vm1, v4, v5  }
0x290: {  	[tilespmem:s13], [sflag:$0x3] =	stream.linear.gather [spmem:s28], $0x800, $0x38;
	[tilespmem:$0x1DF00] =	vst v63  }
0x291: {  	_ =	swait.ge [sflag:s31], $0x800  }
0x292: {  	[sflag:s31] =	ssyncset.done $0x0  }
0x293: {  	[sflag:s31] =	ssyncadd.s32 $0xFFFFF800  }
0x294: {  	[spmem:s11] =	stream.indirect_vreg.scatter.add.f32 [tilespmem:s13], [sflag:$0x3], $0x80, v4, vm2, $0xb8;
	[tilespmem:$0x1DF00] =	vst v63  }
0x295: {  	_ =	swait.ge [sflag:s31], $0x800  }
0x296: {  	s29 =	sld [smem:$0x7D9]  }
0x297: {  	[sflag:s31] =	ssyncset.done $0x0  }
0x298: {  	[sflag:s31] =	ssyncadd.s32 $0xFFFFF800  }
0x299: {  	[tilespmem:s24], [sflag:$0x3] =	stream.linear.gather [spmem:s29], $0x10, $0x38;
	[tilespmem:$0x1DF00] =	vst v63  }
0x29a: {  	_ =	swait.ge [sflag:s31], $0x10  }
0x29b: {  	[sflag:s31] =	ssyncset.done $0x0  }
0x29c: {  	[sflag:s31] =	ssyncadd.s32 $0xFFFFFFF0  }
0x29d: {  	[spmem:s14] =	stream.indirect_vreg.scatter.add.f32 [tilespmem:s24], [sflag:$0x3], $0x1, v4, vm2, $0xb8;
	[tilespmem:$0x1DF00] =	vst v63  }
0x29e: {  	_ =	swait.ge [sflag:s31], $0x10  }
0x29f: {  	s3 =	sld [smem:$0x7DA]  }
0x2a0: {  	[sflag:s31] =	ssyncset.done $0x0  }
0x2a1: {  	[sflag:s31] =	ssyncadd.s32 $0xFFFFFFF0  }
0x2a2: {  	[tilespmem:s10], [sflag:$0x3] =	stream.linear.gather [hbm4b:s3+s1], $0x10, $0x38;
	[tilespmem:$0x1DF00] =	vst v63  }
0x2a3: {  	_ =	swait.ge [sflag:s31], $0x10  }
0x2a4: {  	s28 =	sld [smem:$0x7DB]  }
0x2a5: {  	[sflag:s31] =	ssyncset.done $0x0  }
0x2a6: {  	[sflag:s31] =	ssyncadd.s32 $0xFFFFFFF0  }
0x2a7: {  	v4 =	vld [tilespmem:$0x9300];
	[tilespmem:s10], [sflag:$0x3] =	stream.linear.gather [hbm4b:s28+s1], $0x40, $0x38  }
0x2a8: {  	_ =	swait.ge [sflag:s31], $0x40  }
0x2a9: {  	[sflag:s31] =	ssyncset.done $0x0  }
0x2aa: {  	[sflag:s31] =	ssyncadd.s32 $0xFFFFFFC0  }
0x2ab: {  	v5 =	vld [tilespmem:$0x9300];
	_ =	sdelay $0x4  }
0x2ac: {  	v5 =	vbroadcast v5, $0xF  }
0x2ad: {  	s29 =	sld [smem:$0x7DC]  }
0x2ae: {  	v5 =	vnsel vm0, $0x27D8, v5  }
0x2af: {  	v4 =	vsel vm1, v4, v5  }
0x2b0: {  	[tilespmem:s13], [sflag:$0x3] =	stream.linear.gather [spmem:s29], $0x800, $0x38;
	[tilespmem:$0x1DF00] =	vst v63  }
0x2b1: {  	_ =	swait.ge [sflag:s31], $0x800  }
0x2b2: {  	[sflag:s31] =	ssyncset.done $0x0  }
0x2b3: {  	[sflag:s31] =	ssyncadd.s32 $0xFFFFF800  }
0x2b4: {  	[spmem:s11] =	stream.indirect_vreg.scatter.add.f32 [tilespmem:s13], [sflag:$0x3], $0x80, v4, vm2, $0xb8;
	[tilespmem:$0x1DF00] =	vst v63  }
0x2b5: {  	_ =	swait.ge [sflag:s31], $0x800  }
0x2b6: {  	s3 =	sld [smem:$0x7DD]  }
0x2b7: {  	[sflag:s31] =	ssyncset.done $0x0  }
0x2b8: {  	[sflag:s31] =	ssyncadd.s32 $0xFFFFF800  }
0x2b9: {  	[tilespmem:s24], [sflag:$0x3] =	stream.linear.gather [spmem:s3], $0x10, $0x38;
	[tilespmem:$0x1DF00] =	vst v63  }
0x2ba: {  	_ =	swait.ge [sflag:s31], $0x10  }
0x2bb: {  	[sflag:s31] =	ssyncset.done $0x0  }
0x2bc: {  	[sflag:s31] =	ssyncadd.s32 $0xFFFFFFF0  }
0x2bd: {  	[spmem:s14] =	stream.indirect_vreg.scatter.add.f32 [tilespmem:s24], [sflag:$0x3], $0x1, v4, vm2, $0xb8;
	[tilespmem:$0x1DF00] =	vst v63  }
0x2be: {  	_ =	swait.ge [sflag:s31], $0x10  }
0x2bf: {  	s28 =	sld [smem:$0x7DE]  }
0x2c0: {  	[sflag:s31] =	ssyncset.done $0x0  }
0x2c1: {  	[sflag:s31] =	ssyncadd.s32 $0xFFFFFFF0  }
0x2c2: {  	[tilespmem:s10], [sflag:$0x3] =	stream.linear.gather [hbm4b:s28+s1], $0x10, $0x38;
	[tilespmem:$0x1DF00] =	vst v63  }
0x2c3: {  	_ =	swait.ge [sflag:s31], $0x10  }
0x2c4: {  	s29 =	sld [smem:$0x7DF]  }
0x2c5: {  	[sflag:s31] =	ssyncset.done $0x0  }
0x2c6: {  	[sflag:s31] =	ssyncadd.s32 $0xFFFFFFF0  }
0x2c7: {  	v4 =	vld [tilespmem:$0x9300];
	[tilespmem:s10], [sflag:$0x3] =	stream.linear.gather [hbm4b:s29+s1], $0x40, $0x38  }
0x2c8: {  	_ =	swait.ge [sflag:s31], $0x40  }
0x2c9: {  	[sflag:s31] =	ssyncset.done $0x0  }
0x2ca: {  	[sflag:s31] =	ssyncadd.s32 $0xFFFFFFC0  }
0x2cb: {  	v5 =	vld [tilespmem:$0x9300];
	_ =	sdelay $0x4  }
0x2cc: {  	v5 =	vbroadcast v5, $0xF  }
0x2cd: {  	s3 =	sld [smem:$0x7E0]  }
0x2ce: {  	v5 =	vnsel vm0, $0x27D8, v5  }
0x2cf: {  	v4 =	vsel vm1, v4, v5  }
0x2d0: {  	[tilespmem:s13], [sflag:$0x3] =	stream.linear.gather [spmem:s3], $0x800, $0x38;
	[tilespmem:$0x1DF00] =	vst v63  }
0x2d1: {  	_ =	swait.ge [sflag:s31], $0x800  }
0x2d2: {  	[sflag:s31] =	ssyncset.done $0x0  }
0x2d3: {  	[sflag:s31] =	ssyncadd.s32 $0xFFFFF800  }
0x2d4: {  	[spmem:s11] =	stream.indirect_vreg.scatter.add.f32 [tilespmem:s13], [sflag:$0x3], $0x80, v4, vm2, $0xb8;
	[tilespmem:$0x1DF00] =	vst v63  }
0x2d5: {  	_ =	swait.ge [sflag:s31], $0x800  }
0x2d6: {  	s28 =	sld [smem:$0x7E1]  }
0x2d7: {  	[sflag:s31] =	ssyncset.done $0x0  }
0x2d8: {  	[sflag:s31] =	ssyncadd.s32 $0xFFFFF800  }
0x2d9: {  	[tilespmem:s24], [sflag:$0x3] =	stream.linear.gather [spmem:s28], $0x10, $0x38;
	[tilespmem:$0x1DF00] =	vst v63  }
0x2da: {  	_ =	swait.ge [sflag:s31], $0x10  }
0x2db: {  	[sflag:s31] =	ssyncset.done $0x0  }
0x2dc: {  	[sflag:s31] =	ssyncadd.s32 $0xFFFFFFF0  }
0x2dd: {  	[spmem:s14] =	stream.indirect_vreg.scatter.add.f32 [tilespmem:s24], [sflag:$0x3], $0x1, v4, vm2, $0xb8;
	[tilespmem:$0x1DF00] =	vst v63  }
0x2de: {  	_ =	swait.ge [sflag:s31], $0x10  }
0x2df: {  	s29 =	sld [smem:$0x7E2]  }
0x2e0: {  	[sflag:s31] =	ssyncset.done $0x0  }
0x2e1: {  	[sflag:s31] =	ssyncadd.s32 $0xFFFFFFF0  }
0x2e2: {  	[tilespmem:s10], [sflag:$0x3] =	stream.linear.gather [hbm4b:s29+s1], $0x10, $0x38;
	[tilespmem:$0x1DF00] =	vst v63  }
0x2e3: {  	_ =	swait.ge [sflag:s31], $0x10  }
0x2e4: {  	s3 =	sld [smem:$0x7E3]  }
0x2e5: {  	[sflag:s31] =	ssyncset.done $0x0  }
0x2e6: {  	[sflag:s31] =	ssyncadd.s32 $0xFFFFFFF0  }
0x2e7: {  	v4 =	vld [tilespmem:$0x9300];
	[tilespmem:s10], [sflag:$0x3] =	stream.linear.gather [hbm4b:s3+s1], $0x40, $0x38  }
0x2e8: {  	_ =	swait.ge [sflag:s31], $0x40  }
0x2e9: {  	[sflag:s31] =	ssyncset.done $0x0  }
0x2ea: {  	[sflag:s31] =	ssyncadd.s32 $0xFFFFFFC0  }
0x2eb: {  	v5 =	vld [tilespmem:$0x9300];
	_ =	sdelay $0x4  }
0x2ec: {  	v5 =	vbroadcast v5, $0xF  }
0x2ed: {  	s28 =	sld [smem:$0x7E4]  }
0x2ee: {  	v5 =	vnsel vm0, $0x27D8, v5  }
0x2ef: {  	v4 =	vsel vm1, v4, v5  }
0x2f0: {  	[tilespmem:s13], [sflag:$0x3] =	stream.linear.gather [spmem:s28], $0x800, $0x38;
	[tilespmem:$0x1DF00] =	vst v63  }
0x2f1: {  	_ =	swait.ge [sflag:s31], $0x800  }
0x2f2: {  	[sflag:s31] =	ssyncset.done $0x0  }
0x2f3: {  	[sflag:s31] =	ssyncadd.s32 $0xFFFFF800  }
0x2f4: {  	[spmem:s11] =	stream.indirect_vreg.scatter.add.f32 [tilespmem:s13], [sflag:$0x3], $0x80, v4, vm2, $0xb8;
	[tilespmem:$0x1DF00] =	vst v63  }
0x2f5: {  	_ =	swait.ge [sflag:s31], $0x800  }
0x2f6: {  	s29 =	sld [smem:$0x7E5]  }
0x2f7: {  	[sflag:s31] =	ssyncset.done $0x0  }
0x2f8: {  	[sflag:s31] =	ssyncadd.s32 $0xFFFFF800  }
0x2f9: {  	[tilespmem:s24], [sflag:$0x3] =	stream.linear.gather [spmem:s29], $0x10, $0x38;
	[tilespmem:$0x1DF00] =	vst v63  }
0x2fa: {  	_ =	swait.ge [sflag:s31], $0x10  }
0x2fb: {  	[sflag:s31] =	ssyncset.done $0x0  }
0x2fc: {  	[sflag:s31] =	ssyncadd.s32 $0xFFFFFFF0  }
0x2fd: {  	[spmem:s14] =	stream.indirect_vreg.scatter.add.f32 [tilespmem:s24], [sflag:$0x3], $0x1, v4, vm2, $0xb8;
	[tilespmem:$0x1DF00] =	vst v63  }
0x2fe: {  	_ =	swait.ge [sflag:s31], $0x10  }
0x2ff: {  	s3 =	sld [smem:$0x7E6]  }
0x300: {  	[sflag:s31] =	ssyncset.done $0x0  }
0x301: {  	[sflag:s31] =	ssyncadd.s32 $0xFFFFFFF0  }
0x302: {  	[tilespmem:s10], [sflag:$0x3] =	stream.linear.gather [hbm4b:s3+s1], $0x10, $0x38;
	[tilespmem:$0x1DF00] =	vst v63  }
0x303: {  	_ =	swait.ge [sflag:s31], $0x10  }
0x304: {  	s28 =	sld [smem:$0x7E7]  }
0x305: {  	[sflag:s31] =	ssyncset.done $0x0  }
0x306: {  	[sflag:s31] =	ssyncadd.s32 $0xFFFFFFF0  }
0x307: {  	v4 =	vld [tilespmem:$0x9300];
	[tilespmem:s10], [sflag:$0x3] =	stream.linear.gather [hbm4b:s28+s1], $0x40, $0x38  }
0x308: {  	_ =	swait.ge [sflag:s31], $0x40  }
0x309: {  	[sflag:s31] =	ssyncset.done $0x0  }
0x30a: {  	[sflag:s31] =	ssyncadd.s32 $0xFFFFFFC0  }
0x30b: {  	v5 =	vld [tilespmem:$0x9300];
	_ =	sdelay $0x4  }
0x30c: {  	v5 =	vbroadcast v5, $0xF  }
0x30d: {  	s29 =	sld [smem:$0x7E8]  }
0x30e: {  	v5 =	vnsel vm0, $0x27D8, v5  }
0x30f: {  	v4 =	vsel vm1, v4, v5  }
0x310: {  	[tilespmem:s13], [sflag:$0x3] =	stream.linear.gather [spmem:s29], $0x800, $0x38;
	[tilespmem:$0x1DF00] =	vst v63  }
0x311: {  	_ =	swait.ge [sflag:s31], $0x800  }
0x312: {  	[sflag:s31] =	ssyncset.done $0x0  }
0x313: {  	[sflag:s31] =	ssyncadd.s32 $0xFFFFF800  }
0x314: {  	[spmem:s11] =	stream.indirect_vreg.scatter.add.f32 [tilespmem:s13], [sflag:$0x3], $0x80, v4, vm2, $0xb8;
	[tilespmem:$0x1DF00] =	vst v63  }
0x315: {  	_ =	swait.ge [sflag:s31], $0x800  }
0x316: {  	s3 =	sld [smem:$0x7E9]  }
0x317: {  	[sflag:s31] =	ssyncset.done $0x0  }
0x318: {  	[sflag:s31] =	ssyncadd.s32 $0xFFFFF800  }
0x319: {  	[tilespmem:s24], [sflag:$0x3] =	stream.linear.gather [spmem:s3], $0x10, $0x38;
	[tilespmem:$0x1DF00] =	vst v63  }
0x31a: {  	_ =	swait.ge [sflag:s31], $0x10  }
0x31b: {  	[sflag:s31] =	ssyncset.done $0x0  }
0x31c: {  	[sflag:s31] =	ssyncadd.s32 $0xFFFFFFF0  }
0x31d: {  	[spmem:s14] =	stream.indirect_vreg.scatter.add.f32 [tilespmem:s24], [sflag:$0x3], $0x1, v4, vm2, $0xb8;
	[tilespmem:$0x1DF00] =	vst v63  }
0x31e: {  	_ =	swait.ge [sflag:s31], $0x10  }
0x31f: {  	s28 =	sld [smem:$0x7EA]  }
0x320: {  	[sflag:s31] =	ssyncset.done $0x0  }
0x321: {  	[sflag:s31] =	ssyncadd.s32 $0xFFFFFFF0  }
0x322: {  	[tilespmem:s10], [sflag:$0x3] =	stream.linear.gather [hbm4b:s28+s1], $0x10, $0x38;
	[tilespmem:$0x1DF00] =	vst v63  }
0x323: {  	_ =	swait.ge [sflag:s31], $0x10  }
0x324: {  	s29 =	sld [smem:$0x7EB]  }
0x325: {  	[sflag:s31] =	ssyncset.done $0x0  }
0x326: {  	[sflag:s31] =	ssyncadd.s32 $0xFFFFFFF0  }
0x327: {  	v4 =	vld [tilespmem:$0x9300];
	[tilespmem:s10], [sflag:$0x3] =	stream.linear.gather [hbm4b:s29+s1], $0x40, $0x38  }
0x328: {  	_ =	swait.ge [sflag:s31], $0x40  }
0x329: {  	[sflag:s31] =	ssyncset.done $0x0  }
0x32a: {  	[sflag:s31] =	ssyncadd.s32 $0xFFFFFFC0  }
0x32b: {  	v5 =	vld [tilespmem:$0x9300];
	_ =	sdelay $0x4  }
0x32c: {  	v5 =	vbroadcast v5, $0xF  }
0x32d: {  	s3 =	sld [smem:$0x7EC]  }
0x32e: {  	v5 =	vnsel vm0, $0x27D8, v5  }
0x32f: {  	v4 =	vsel vm1, v4, v5  }
0x330: {  	[tilespmem:s13], [sflag:$0x3] =	stream.linear.gather [spmem:s3], $0x800, $0x38;
	[tilespmem:$0x1DF00] =	vst v63  }
0x331: {  	_ =	swait.ge [sflag:s31], $0x800  }
0x332: {  	[sflag:s31] =	ssyncset.done $0x0  }
0x333: {  	[sflag:s31] =	ssyncadd.s32 $0xFFFFF800  }
0x334: {  	[spmem:s11] =	stream.indirect_vreg.scatter.add.f32 [tilespmem:s13], [sflag:$0x3], $0x80, v4, vm2, $0xb8;
	[tilespmem:$0x1DF00] =	vst v63  }
0x335: {  	_ =	swait.ge [sflag:s31], $0x800  }
0x336: {  	s28 =	sld [smem:$0x7ED]  }
0x337: {  	[sflag:s31] =	ssyncset.done $0x0  }
0x338: {  	[sflag:s31] =	ssyncadd.s32 $0xFFFFF800  }
0x339: {  	[tilespmem:s24], [sflag:$0x3] =	stream.linear.gather [spmem:s28], $0x10, $0x38;
	[tilespmem:$0x1DF00] =	vst v63  }
0x33a: {  	_ =	swait.ge [sflag:s31], $0x10  }
0x33b: {  	[sflag:s31] =	ssyncset.done $0x0  }
0x33c: {  	[sflag:s31] =	ssyncadd.s32 $0xFFFFFFF0  }
0x33d: {  	[spmem:s14] =	stream.indirect_vreg.scatter.add.f32 [tilespmem:s24], [sflag:$0x3], $0x1, v4, vm2, $0xb8;
	[tilespmem:$0x1DF00] =	vst v63  }
0x33e: {  	_ =	swait.ge [sflag:s31], $0x10  }
0x33f: {  	s29 =	sld [smem:$0x7EE]  }
0x340: {  	[sflag:s31] =	ssyncset.done $0x0  }
0x341: {  	[sflag:s31] =	ssyncadd.s32 $0xFFFFFFF0  }
0x342: {  	[tilespmem:s10], [sflag:$0x3] =	stream.linear.gather [hbm4b:s29+s1], $0x10, $0x38;
	[tilespmem:$0x1DF00] =	vst v63  }
0x343: {  	_ =	swait.ge [sflag:s31], $0x10  }
0x344: {  	s3 =	sld [smem:$0x7EF]  }
0x345: {  	[sflag:s31] =	ssyncset.done $0x0  }
0x346: {  	[sflag:s31] =	ssyncadd.s32 $0xFFFFFFF0  }
0x347: {  	v4 =	vld [tilespmem:$0x9300];
	[tilespmem:s10], [sflag:$0x3] =	stream.linear.gather [hbm4b:s3+s1], $0x40, $0x38  }
0x348: {  	_ =	swait.ge [sflag:s31], $0x40  }
0x349: {  	[sflag:s31] =	ssyncset.done $0x0  }
0x34a: {  	[sflag:s31] =	ssyncadd.s32 $0xFFFFFFC0  }
0x34b: {  	v5 =	vld [tilespmem:$0x9300];
	_ =	sdelay $0x4  }
0x34c: {  	v5 =	vbroadcast v5, $0xF  }
0x34d: {  	s28 =	sld [smem:$0x7F0]  }
0x34e: {  	v5 =	vnsel vm0, $0x27D8, v5  }
0x34f: {  	v4 =	vsel vm1, v4, v5  }
0x350: {  	[tilespmem:s13], [sflag:$0x3] =	stream.linear.gather [spmem:s28], $0x800, $0x38;
	[tilespmem:$0x1DF00] =	vst v63  }
0x351: {  	_ =	swait.ge [sflag:s31], $0x800  }
0x352: {  	[sflag:s31] =	ssyncset.done $0x0  }
0x353: {  	[sflag:s31] =	ssyncadd.s32 $0xFFFFF800  }
0x354: {  	[spmem:s11] =	stream.indirect_vreg.scatter.add.f32 [tilespmem:s13], [sflag:$0x3], $0x80, v4, vm2, $0xb8;
	[tilespmem:$0x1DF00] =	vst v63  }
0x355: {  	_ =	swait.ge [sflag:s31], $0x800  }
0x356: {  	s29 =	sld [smem:$0x7F1]  }
0x357: {  	[sflag:s31] =	ssyncset.done $0x0  }
0x358: {  	[sflag:s31] =	ssyncadd.s32 $0xFFFFF800  }
0x359: {  	[tilespmem:s24], [sflag:$0x3] =	stream.linear.gather [spmem:s29], $0x10, $0x38;
	[tilespmem:$0x1DF00] =	vst v63  }
0x35a: {  	_ =	swait.ge [sflag:s31], $0x10  }
0x35b: {  	[sflag:s31] =	ssyncset.done $0x0  }
0x35c: {  	[sflag:s31] =	ssyncadd.s32 $0xFFFFFFF0  }
0x35d: {  	[spmem:s14] =	stream.indirect_vreg.scatter.add.f32 [tilespmem:s24], [sflag:$0x3], $0x1, v4, vm2, $0xb8;
	[tilespmem:$0x1DF00] =	vst v63  }
0x35e: {  	_ =	swait.ge [sflag:s31], $0x10  }
0x35f: {  	s3 =	sld [smem:$0x7F2]  }
0x360: {  	[sflag:s31] =	ssyncset.done $0x0  }
0x361: {  	[sflag:s31] =	ssyncadd.s32 $0xFFFFFFF0  }
0x362: {  	[tilespmem:s10], [sflag:$0x3] =	stream.linear.gather [hbm4b:s3+s1], $0x10, $0x38;
	[tilespmem:$0x1DF00] =	vst v63  }
0x363: {  	_ =	swait.ge [sflag:s31], $0x10  }
0x364: {  	s28 =	sld [smem:$0x7F3]  }
0x365: {  	[sflag:s31] =	ssyncset.done $0x0  }
0x366: {  	[sflag:s31] =	ssyncadd.s32 $0xFFFFFFF0  }
0x367: {  	v4 =	vld [tilespmem:$0x9300];
	[tilespmem:s10], [sflag:$0x3] =	stream.linear.gather [hbm4b:s28+s1], $0x40, $0x38  }
0x368: {  	_ =	swait.ge [sflag:s31], $0x40  }
0x369: {  	[sflag:s31] =	ssyncset.done $0x0  }
0x36a: {  	[sflag:s31] =	ssyncadd.s32 $0xFFFFFFC0  }
0x36b: {  	v5 =	vld [tilespmem:$0x9300];
	_ =	sdelay $0x4  }
0x36c: {  	v5 =	vbroadcast v5, $0xF  }
0x36d: {  	s29 =	sld [smem:$0x7F4]  }
0x36e: {  	v5 =	vnsel vm0, $0x27D8, v5  }
0x36f: {  	v4 =	vsel vm1, v4, v5  }
0x370: {  	[tilespmem:s13], [sflag:$0x3] =	stream.linear.gather [spmem:s29], $0x800, $0x38;
	[tilespmem:$0x1DF00] =	vst v63  }
0x371: {  	_ =	swait.ge [sflag:s31], $0x800  }
0x372: {  	[sflag:s31] =	ssyncset.done $0x0  }
0x373: {  	[sflag:s31] =	ssyncadd.s32 $0xFFFFF800  }
0x374: {  	[spmem:s11] =	stream.indirect_vreg.scatter.add.f32 [tilespmem:s13], [sflag:$0x3], $0x80, v4, vm2, $0xb8;
	[tilespmem:$0x1DF00] =	vst v63  }
0x375: {  	_ =	swait.ge [sflag:s31], $0x800  }
0x376: {  	s3 =	sld [smem:$0x7F5]  }
0x377: {  	[sflag:s31] =	ssyncset.done $0x0  }
0x378: {  	[sflag:s31] =	ssyncadd.s32 $0xFFFFF800  }
0x379: {  	[tilespmem:s24], [sflag:$0x3] =	stream.linear.gather [spmem:s3], $0x10, $0x38;
	[tilespmem:$0x1DF00] =	vst v63  }
0x37a: {  	_ =	swait.ge [sflag:s31], $0x10  }
0x37b: {  	[sflag:s31] =	ssyncset.done $0x0  }
0x37c: {  	[sflag:s31] =	ssyncadd.s32 $0xFFFFFFF0  }
0x37d: {  	[spmem:s14] =	stream.indirect_vreg.scatter.add.f32 [tilespmem:s24], [sflag:$0x3], $0x1, v4, vm2, $0xb8;
	[tilespmem:$0x1DF00] =	vst v63  }
0x37e: {  	_ =	swait.ge [sflag:s31], $0x10  }
0x37f: {  	s28 =	sld [smem:$0x7F6]  }
0x380: {  	[sflag:s31] =	ssyncset.done $0x0  }
0x381: {  	[sflag:s31] =	ssyncadd.s32 $0xFFFFFFF0  }
0x382: {  	[tilespmem:s10], [sflag:$0x3] =	stream.linear.gather [hbm4b:s28+s1], $0x10, $0x38;
	[tilespmem:$0x1DF00] =	vst v63  }
0x383: {  	_ =	swait.ge [sflag:s31], $0x10  }
0x384: {  	s29 =	sld [smem:$0x7F7]  }
0x385: {  	[sflag:s31] =	ssyncset.done $0x0  }
0x386: {  	[sflag:s31] =	ssyncadd.s32 $0xFFFFFFF0  }
0x387: {  	v4 =	vld [tilespmem:$0x9300];
	[tilespmem:s10], [sflag:$0x3] =	stream.linear.gather [hbm4b:s29+s1], $0x40, $0x38  }
0x388: {  	_ =	swait.ge [sflag:s31], $0x40  }
0x389: {  	[sflag:s31] =	ssyncset.done $0x0  }
0x38a: {  	[sflag:s31] =	ssyncadd.s32 $0xFFFFFFC0  }
0x38b: {  	v5 =	vld [tilespmem:$0x9300];
	_ =	sdelay $0x4  }
0x38c: {  	v5 =	vbroadcast v5, $0xF  }
0x38d: {  	s3 =	sld [smem:$0x7F8]  }
0x38e: {  	v5 =	vnsel vm0, $0x27D8, v5  }
0x38f: {  	v4 =	vsel vm1, v4, v5  }
0x390: {  	[tilespmem:s13], [sflag:$0x3] =	stream.linear.gather [spmem:s3], $0x800, $0x38;
	[tilespmem:$0x1DF00] =	vst v63  }
0x391: {  	_ =	swait.ge [sflag:s31], $0x800  }
0x392: {  	[sflag:s31] =	ssyncset.done $0x0  }
0x393: {  	[sflag:s31] =	ssyncadd.s32 $0xFFFFF800  }
0x394: {  	[spmem:s11] =	stream.indirect_vreg.scatter.add.f32 [tilespmem:s13], [sflag:$0x3], $0x80, v4, vm2, $0xb8;
	[tilespmem:$0x1DF00] =	vst v63  }
0x395: {  	_ =	swait.ge [sflag:s31], $0x800  }
0x396: {  	s28 =	sld [smem:$0x7F9]  }
0x397: {  	[sflag:s31] =	ssyncset.done $0x0  }
0x398: {  	[sflag:s31] =	ssyncadd.s32 $0xFFFFF800  }
0x399: {  	[tilespmem:s24], [sflag:$0x3] =	stream.linear.gather [spmem:s28], $0x10, $0x38;
	[tilespmem:$0x1DF00] =	vst v63  }
0x39a: {  	_ =	swait.ge [sflag:s31], $0x10  }
0x39b: {  	[sflag:s31] =	ssyncset.done $0x0  }
0x39c: {  	[sflag:s31] =	ssyncadd.s32 $0xFFFFFFF0  }
0x39d: {  	[spmem:s14] =	stream.indirect_vreg.scatter.add.f32 [tilespmem:s24], [sflag:$0x3], $0x1, v4, vm2, $0xb8;
	[tilespmem:$0x1DF00] =	vst v63  }
0x39e: {  	_ =	swait.ge [sflag:s31], $0x10  }
0x39f: {  	s29 =	sld [smem:$0x7FA]  }
0x3a0: {  	[sflag:s31] =	ssyncset.done $0x0  }
0x3a1: {  	[sflag:s31] =	ssyncadd.s32 $0xFFFFFFF0  }
0x3a2: {  	[tilespmem:s10], [sflag:$0x3] =	stream.linear.gather [hbm4b:s29+s1], $0x10, $0x38;
	[tilespmem:$0x1DF00] =	vst v63  }
0x3a3: {  	_ =	swait.ge [sflag:s31], $0x10  }
0x3a4: {  	s3 =	sld [smem:$0x7FB]  }
0x3a5: {  	[sflag:s31] =	ssyncset.done $0x0  }
0x3a6: {  	[sflag:s31] =	ssyncadd.s32 $0xFFFFFFF0  }
0x3a7: {  	v4 =	vld [tilespmem:$0x9300];
	[tilespmem:s10], [sflag:$0x3] =	stream.linear.gather [hbm4b:s3+s1], $0x40, $0x38  }
0x3a8: {  	_ =	swait.ge [sflag:s31], $0x40  }
0x3a9: {  	[sflag:s31] =	ssyncset.done $0x0  }
0x3aa: {  	[sflag:s31] =	ssyncadd.s32 $0xFFFFFFC0  }
0x3ab: {  	v5 =	vld [tilespmem:$0x9300];
	_ =	sdelay $0x4  }
0x3ac: {  	v5 =	vbroadcast v5, $0xF  }
0x3ad: {  	s28 =	sld [smem:$0x7FC]  }
0x3ae: {  	v5 =	vnsel vm0, $0x27D8, v5  }
0x3af: {  	v4 =	vsel vm1, v4, v5  }
0x3b0: {  	[tilespmem:s13], [sflag:$0x3] =	stream.linear.gather [spmem:s28], $0x800, $0x38;
	[tilespmem:$0x1DF00] =	vst v63  }
0x3b1: {  	_ =	swait.ge [sflag:s31], $0x800  }
0x3b2: {  	[sflag:s31] =	ssyncset.done $0x0  }
0x3b3: {  	[sflag:s31] =	ssyncadd.s32 $0xFFFFF800  }
0x3b4: {  	[spmem:s11] =	stream.indirect_vreg.scatter.add.f32 [tilespmem:s13], [sflag:$0x3], $0x80, v4, vm2, $0xb8;
	[tilespmem:$0x1DF00] =	vst v63  }
0x3b5: {  	_ =	swait.ge [sflag:s31], $0x800  }
0x3b6: {  	s29 =	sld [smem:$0x7FD]  }
0x3b7: {  	[sflag:s31] =	ssyncset.done $0x0  }
0x3b8: {  	[sflag:s31] =	ssyncadd.s32 $0xFFFFF800  }
0x3b9: {  	[tilespmem:s24], [sflag:$0x3] =	stream.linear.gather [spmem:s29], $0x10, $0x38;
	[tilespmem:$0x1DF00] =	vst v63  }
0x3ba: {  	_ =	swait.ge [sflag:s31], $0x10  }
0x3bb: {  	[sflag:s31] =	ssyncset.done $0x0  }
.Ltmp5:
0x3bc: {  	[sflag:s31] =	ssyncadd.s32 $0xFFFFFFF0;
	(pc) =	sbr.rel .LBB2_7-.Ltmp5, $4  }
0x3bd: {  	[spmem:s14] =	stream.indirect_vreg.scatter.add.f32 [tilespmem:s24], [sflag:$0x3], $0x1, v4, vm2, $0xb8;
	[tilespmem:$0x1DF00] =	vst v63  }
0x3be: {  	_ =	swait.ge [sflag:s31], $0x10  }
0x3bf: {  	[sflag:s31] =	ssyncset.done $0x0  }
0x3c0: {  	[sflag:s31] =	ssyncadd.s32 $0xFFFFFFF0  }
.LBB2_8:
0x3c1: {  	_ =	sfence.sel $0x180000  }
0x3c2: {  	[bflag:$0x0] =	sbarrier.arrive $0xFFFF  }
0x3c3: {  	_ =	strace $0x90000047  }
0x3c4: {  	[bflag:$0x2] =	sbarrier.arrive $0xFFFF  }
0x3c5: {  	s0 =	rddreg [dreg:$0x5]  }
0x3c6: {  	s0 =	sadd.s32 @!p0 $0x100000, s0  }
0x3c7: {  	[sflag:s0] =	ssyncadd.tile.s32 @!p0 $0x1;
	_ =	shalt  }
.Lfunc_end2:
_tile_overlayer_lowered:
.L_overlay_start_2:
0x3c8: {  	(tag) =	ssettag $0x2  }
0x3c9: {  	s0 =	rddreg [dreg:$0x0];
	s2 =	stileid.u32  }
0x3ca: {  	s1 =	rddreg [dreg:$0x1];
	p0 =	sne.s32 s2, $0x0  }
0x3cb: {  	s3 =	rddreg [dreg:$0x2];
	[bflag:$0x3] =	sbarrier.arrive $0xFFFF;
	s2 =	simm.s32 @!p0 $0x1C03  }
0x3cc: {  	[timem:s3], [sflag:s2] =	dma.local @!p0 [hbm:s0], s1  }
0x3cd: {  	s0 =	simm.s32 @!p0 $0x3  }
0x3ce: {  	_ =	swait.ge @!p0 [sflag:s0], s1  }
0x3cf: {  	s1 =	ssub.s32 @!p0 $0x0, s1;
	[sflag:s0] =	ssyncset.done @!p0 $0x0  }
0x3d0: {  	[sflag:s0] =	ssyncadd.s32 @!p0 s1  }
0x3d1: {  	[bflag:$0x3] =	sbarrier.arrive $0xFFFF  }
0x3d2: {  	_ =	shalt  }

</sc_bundles>
